<compile_context>
chip_gen: v7x
topology: tpu7x:2x2x1
jax: 0.10.2.dev20260603
libtpu: 0.0.44.dev20260713+nightly
codegen_flags: <defaults>
</compile_context>

<pallas_src>
import functools

import jax
import jax.numpy as jnp
from jax import lax
from jax.experimental import pallas as pl
from jax.experimental.pallas import tpu as pltpu
from jax.experimental.pallas import tpu_sc as plsc

N = 10000
NP = 10240
E = 320000
EROWS = 2560
EROWS_A = 2688
EP = EROWS_A * 128
ROWS_PER = EROWS // 32

G = 256
D1 = 32
D2 = 64
DW = 8
NB = 4


@functools.cache
def _get_deg_kernel():
    mesh = plsc.VectorSubcoreMesh(core_axis_name="c", subcore_axis_name="s")
    return functools.partial(
        pl.kernel,
        out_type=jax.ShapeDtypeStruct((2, NP, DW), jnp.float32),
        mesh=mesh,
        scratch_types=[
            pltpu.VMEM((ROWS_PER, 128), jnp.int32),
            pltpu.VMEM((640, DW), jnp.float32),
            pltpu.VMEM_SHARED((NP, DW), jnp.float32),
        ],
        compiler_params=pltpu.CompilerParams(use_tc_tiling_on_sc=False),
    )(_deg_body)


def _deg_body(dst_hbm, degp_hbm, dst_v, ones_v, deg_sh):
    cid = lax.axis_index("c")
    sid = lax.axis_index("s")
    w = cid * 16 + sid

    def fill(val):
        def body(i, carry):
            ones_v[i, pl.ds(0, 16)] = jnp.full((16,), val, jnp.float32)
            return carry
        return body

    lax.fori_loop(0, 640, fill(0.0), 0)
    pltpu.sync_copy(ones_v, deg_sh.at[pl.ds(sid * 640, 640), :])
    plsc.subcore_barrier()

    lax.fori_loop(0, 128, fill(1.0), 0)
    pltpu.sync_copy(dst_hbm.at[pl.ds(w * ROWS_PER, ROWS_PER)], dst_v)

    def row_body(k, carry):
        pltpu.sync_copy(ones_v.at[pl.ds(0, 128), :],
                        deg_sh.at[dst_v.at[k]], add=True)
        return carry

    lax.fori_loop(0, ROWS_PER, row_body, 0)
    plsc.subcore_barrier()

    pltpu.sync_copy(deg_sh.at[pl.ds(sid * 640, 640), :], ones_v)
    pltpu.sync_copy(ones_v, degp_hbm.at[cid, pl.ds(sid * 640, 640), :])


HK = 40


@functools.cache
def _make_scatter(D):
    mesh = plsc.VectorSubcoreMesh(core_axis_name="c", subcore_axis_name="s")

    scratch = [
        pltpu.VMEM((HK, 128), jnp.int32),
        pltpu.VMEM((HK, 128), jnp.int32),
        [pltpu.VMEM((128, D), jnp.float32) for _ in range(NB)],
        pltpu.VMEM_SHARED((NP, D), jnp.float32),
        pltpu.VMEM_SHARED((NP, D), jnp.float32),
        [pltpu.SemaphoreType.DMA for _ in range(NB)],
        [pltpu.SemaphoreType.DMA for _ in range(NB)],
    ]

    @functools.partial(
        pl.kernel,
        out_type=jax.ShapeDtypeStruct((2, NP, D), jnp.float32),
        mesh=mesh,
        scratch_types=scratch,
        compiler_params=pltpu.CompilerParams(use_tc_tiling_on_sc=False),
    )
    def scat(src_hbm, dst_hbm, g_hbm, accp_hbm,
             src_v, dst_v, bufs, acc_sh, g_sh, sems, ssems):
        cid = lax.axis_index("c")
        sid = lax.axis_index("s")
        w = cid * 16 + sid
        g_src = g_sh

        def zrow(i, carry):
            for j in range(D // 16):
                bufs[0][i, pl.ds(j * 16, 16)] = jnp.zeros((16,), jnp.float32)
            return carry

        lax.fori_loop(0, 128, zrow, 0)
        for t in range(5):
            r0 = sid * 640 + t * 128
            pltpu.sync_copy(bufs[0], acc_sh.at[pl.ds(r0, 128), :])
            pltpu.sync_copy(g_hbm.at[pl.ds(r0, 128), :], g_sh.at[pl.ds(r0, 128), :])
        plsc.subcore_barrier()

        H = NB // 2

        def gather_start(k, b):
            pltpu.async_copy(g_src.at[src_v.at[k]], bufs[b], sems[b])

        def gather_wait(b):
            pltpu.make_async_copy(g_src.at[src_v.at[0]], bufs[b], sems[b]).wait()

        def scatter_start(k, b):
            pltpu.async_copy(bufs[b], acc_sh.at[dst_v.at[k]], ssems[b], add=True)

        def scatter_wait(b):
            pltpu.make_async_copy(bufs[b], acc_sh.at[dst_v.at[0]],
                                  ssems[b]).wait()

        def pipeline(base):
            pltpu.sync_copy(src_hbm.at[pl.ds(base, HK)], src_v)
            pltpu.sync_copy(dst_hbm.at[pl.ds(base, HK)], dst_v)
            for b in range(H):
                gather_start(b, b)
            for b in range(NB):
                bh = (b + H) % NB
                if b >= NB - H:
                    scatter_wait(bh)
                gather_start(b + H, bh)
                gather_wait(b)
                scatter_start(b, b)

            def group(g, carry):
                for b in range(NB):
                    k = g * NB + b
                    bh = (b + H) % NB
                    scatter_wait(bh)
                    gather_start(k + H, bh)
                    gather_wait(b)
                    scatter_start(k, b)
                return carry

            lax.fori_loop(1, HK // NB - 1, group, 0)

            for b in range(NB):
                k = HK - NB + b
                if b < H:
                    bh = (b + H) % NB
                    scatter_wait(bh)
                    gather_start(k + H, bh)
                gather_wait(b)
                scatter_start(k, b)
            for b in range(NB):
                scatter_wait(b)

        for half in range(ROWS_PER // HK):
            pipeline(w * ROWS_PER + half * HK)
        plsc.subcore_barrier()

        for t in range(5):
            r0 = sid * 640 + t * 128
            pltpu.sync_copy(acc_sh.at[pl.ds(r0, 128), :], bufs[0])
            pltpu.sync_copy(bufs[0], accp_hbm.at[cid, pl.ds(r0, 128), :])

    return scat


def _tc1_body(x_ref, w1_ref, degp_ref, g1_ref, dinv_ref):
    deg = degp_ref[0, :N, 0] + degp_ref[1, :N, 0] + 1.0
    dinv = lax.rsqrt(deg).reshape(N, 1)
    h = jnp.dot(x_ref[...], w1_ref[...], preferred_element_type=jnp.float32)
    g1_ref[...] = h * dinv
    dinv_ref[...] = dinv


def _tc1(x, W1, degp):
    return pl.pallas_call(
        _tc1_body,
        out_shape=[
            jax.ShapeDtypeStruct((N, D1), jnp.float32),
            jax.ShapeDtypeStruct((N, 1), jnp.float32),
        ],
    )(x, W1, degp)


def _tc2_body(g1_ref, accp_ref, dinv_ref, b1_ref, w2_ref, g2_ref):
    acc = (accp_ref[0, :N, :] + accp_ref[1, :N, :] + g1_ref[...])
    dinv = dinv_ref[...]
    o = jnp.maximum(acc * dinv + b1_ref[...][None, :], 0.0)
    h2 = jnp.dot(o, w2_ref[...], preferred_element_type=jnp.float32)
    g2_ref[...] = h2 * dinv


def _tc2(g1, accp1, dinv, b1, W2):
    return pl.pallas_call(
        _tc2_body,
        out_shape=jax.ShapeDtypeStruct((N, D2), jnp.float32),
    )(g1, accp1, dinv, b1, W2)


def _tc3_body(g2_ref, accp_ref, dinv_ref, b2_ref, bi_ref, out_ref):
    acc = accp_ref[0, :N, :] + accp_ref[1, :N, :] + g2_ref[...]
    pre = acc * dinv_ref[...] + b2_ref[...][None, :]
    sp = jnp.maximum(pre, 0.0) + jnp.log1p(jnp.exp(-jnp.abs(pre)))
    m = pre * jnp.tanh(sp)
    gid = lax.broadcasted_iota(jnp.int32, (1, G), 1)
    onehot = (bi_ref[...] == gid).astype(jnp.float32)
    sums = lax.dot_general(
        onehot, m, dimension_numbers=(((0,), (0,)), ((), ())),
        preferred_element_type=jnp.float32,
    )
    cnt = jnp.sum(onehot, axis=0)
    out_ref[...] = sums / jnp.maximum(cnt, 1.0)[:, None]


def _tc3(g2, accp2, dinv, b2, bi2d):
    return pl.pallas_call(
        _tc3_body,
        out_shape=jax.ShapeDtypeStruct((G, D2), jnp.float32),
    )(g2, accp2, dinv, b2, bi2d)


def kernel(x, edge_index, batch_index, W1, b1, W2, b2):
    src = edge_index[0]
    dst = edge_index[1]
    pad = EP - E
    srcp = jnp.concatenate(
        [src, jnp.zeros((pad,), jnp.int32)]).reshape(EROWS_A, 128)
    dstp = jnp.concatenate(
        [dst, jnp.full((pad,), N, jnp.int32)]).reshape(EROWS_A, 128)
    bip = batch_index.reshape(N, 1)

    degp = _get_deg_kernel()(dstp)
    g1, dinv = _tc1(x, W1, degp)
    accp1 = _make_scatter(D1)(srcp, dstp, g1)
    g2 = _tc2(g1, accp1, dinv, b1, W2)
    accp2 = _make_scatter(D2)(srcp, dstp, g2)
    return _tc3(g2, accp2, dinv, b2, bip)

# --- scband reference (transcript-rebuilt; emitter-appended) ---
"""Pipeline reference for scband-molecule-encoder-gcn-82016695485245 (READ-ONLY COPY).

The authoritative reference and input builder live on the scoring server;
editing this copy changes nothing except your own understanding.
"""

import jax, jax.numpy as jnp
import numpy as np

N = 10000
E = 320000
DIN = 128
DH = 32
DOUT = 64
G = 256


def setup_inputs(seed: int = 0) -> dict:
    key = jax.random.key(seed)
    ks = jax.random.split(key, 8)
    x = jax.random.normal(ks[0], (N, DIN), dtype=jnp.float32)
    edge_index = jax.random.randint(ks[1], (2, E), 0, N, dtype=jnp.int32)
    batch_index = jnp.sort(jax.random.randint(ks[2], (N,), 0, G, dtype=jnp.int32))
    W1 = jax.random.normal(ks[3], (DIN, DH), dtype=jnp.float32) * 0.05
    b1 = jnp.zeros((DH,), dtype=jnp.float32)
    W2 = jax.random.normal(ks[4], (DH, DOUT), dtype=jnp.float32) * 0.05
    b2 = jnp.zeros((DOUT,), dtype=jnp.float32)
    return {"x": x, "edge_index": edge_index, "batch_index": batch_index,
            "W1": W1, "b1": b1, "W2": W2, "b2": b2}


def _gcn_conv(x, edge_index, W, b):
    # GCNConv with symmetric normalization and self-loops:
    # out = D^{-1/2} (A + I) D^{-1/2} X W + b
    n = x.shape[0]
    h = x @ W
    loop = jnp.arange(n, dtype=edge_index.dtype)
    src = jnp.concatenate([edge_index[0], loop])
    dst = jnp.concatenate([edge_index[1], loop])
    ones = jnp.ones(src.shape[0], dtype=h.dtype)
    deg = jax.ops.segment_sum(ones, dst, num_segments=n)
    deg_inv_sqrt = jnp.where(deg > 0, jax.lax.rsqrt(jnp.maximum(deg, 1.0)), 0.0)
    norm = deg_inv_sqrt[src] * deg_inv_sqrt[dst]
    msg = h[src] * norm[:, None]
    out = jax.ops.segment_sum(msg, dst, num_segments=n)
    return out + b


def _mish(x):
    return x * jnp.tanh(jax.nn.softplus(x))


def reference(x, edge_index, batch_index, W1, b1, W2, b2):
    # GCN with num_layers=2: conv -> relu (PyG inter-layer act) -> conv
    h = _gcn_conv(x, edge_index, W1, b1)
    h = jax.nn.relu(h)
    h = _gcn_conv(h, edge_index, W2, b2)
    # outer activation: Mish
    h = _mish(h)
    # global_mean_pool over batch_index
    sums = jax.ops.segment_sum(h, batch_index, num_segments=G)
    cnt = jax.ops.segment_sum(jnp.ones((h.shape[0],), dtype=h.dtype), batch_index, num_segments=G)
    return sums / jnp.maximum(cnt, 1.0)[:, None]

if __name__ == "__main__":
    import jax
    _d = setup_inputs()
    print(jax.jit(kernel)(*tuple(_d.values())))

</pallas_src>

<mosaic_0001>
#map = affine_map<(d0, d1) -> (0, 0)>
#map1 = affine_map<(d0, d1) -> (0, 0, 0)>
module attributes {stable_mosaic.version = 14 : i64} {
  func.func @scat(%arg0: i32, %arg1: i32, %arg2: memref<2688x128xi32, #tpu.memory_space<hbm>>, %arg3: memref<2688x128xi32, #tpu.memory_space<hbm>>, %arg4: memref<10000x32xf32, #tpu.memory_space<hbm>>, %arg5: memref<2x10240x32xf32, #tpu.memory_space<hbm>>, %arg6: memref<40x128xi32, #tpu.memory_space<vmem>>, %arg7: memref<40x128xi32, #tpu.memory_space<vmem>>, %arg8: memref<128x32xf32, #tpu.memory_space<vmem>>, %arg9: memref<128x32xf32, #tpu.memory_space<vmem>>, %arg10: memref<128x32xf32, #tpu.memory_space<vmem>>, %arg11: memref<128x32xf32, #tpu.memory_space<vmem>>, %arg12: memref<10240x32xf32, #tpu.memory_space<vmem_shared>>, %arg13: memref<10240x32xf32, #tpu.memory_space<vmem_shared>>, %arg14: memref<!tpu.dma_semaphore, #tpu.memory_space<semaphore_mem>>, %arg15: memref<!tpu.dma_semaphore, #tpu.memory_space<semaphore_mem>>, %arg16: memref<!tpu.dma_semaphore, #tpu.memory_space<semaphore_mem>>, %arg17: memref<!tpu.dma_semaphore, #tpu.memory_space<semaphore_mem>>, %arg18: memref<!tpu.dma_semaphore, #tpu.memory_space<semaphore_mem>>, %arg19: memref<!tpu.dma_semaphore, #tpu.memory_space<semaphore_mem>>, %arg20: memref<!tpu.dma_semaphore, #tpu.memory_space<semaphore_mem>>, %arg21: memref<!tpu.dma_semaphore, #tpu.memory_space<semaphore_mem>>) attributes {dimension_semantics = [#tpu.dimension_semantics<core_parallel>, #tpu.dimension_semantics<subcore_parallel>], iteration_bounds = array<i64: 2, 16>, scalar_prefetch = 0 : i64, scratch_operands = 16 : i64, tpu.core_type = #tpu.core_type<sc_vector_subcore>, window_params = [{transform_indices = #map}, {transform_indices = #map}, {transform_indices = #map}, {transform_indices = #map1}]} {
    %mul3A = arith.constant 16 : i32
    %mul3A_0 = arith.muli %arg0, %mul3A : i32
    %add3A = arith.addi %mul3A_0, %arg1 : i32
    %scan3A = arith.constant 0 : i32
    %scan3A_1 = arith.constant 0 : i32
    %scan3A_2 = arith.constant 128 : i32
    %scan3A_3 = arith.addi %scan3A_1, %scan3A_2 : i32
    %scan3A_4 = arith.constant 1 : i32
    scf.for %scan3A_513 = %scan3A_1 to %scan3A_3 step %scan3A_4  : i32 {
      %broadcast_in_dim3A = arith.constant 0.000000e+00 : f32
      %broadcast_in_dim3A_514 = vector.broadcast %broadcast_in_dim3A : f32 to vector<16xf32>
      %swap3A = arith.index_cast %scan3A_513 : i32 to index
      %swap3A_515 = arith.constant 0 : index
      %swap3A_516 = tpu.vector_load %arg8[%swap3A, %swap3A_515] {strides = array<i32>} : memref<128x32xf32, #tpu.memory_space<vmem>>, vector<1x16xf32>,
      %swap3A_517 = vector.shape_cast %swap3A_516 : vector<1x16xf32> to vector<16xf32>
      %swap3A_518 = vector.shape_cast %broadcast_in_dim3A_514 : vector<16xf32> to vector<1x16xf32>
      tpu.vector_store %arg8[%swap3A, %swap3A_515], %swap3A_518 {strides = array<i32>} : memref<128x32xf32, #tpu.memory_space<vmem>>, vector<1x16xf32>,
      %broadcast_in_dim3A_519 = arith.constant 0.000000e+00 : f32
      %broadcast_in_dim3A_520 = vector.broadcast %broadcast_in_dim3A_519 : f32 to vector<16xf32>
      %swap3A_521 = arith.index_cast %scan3A_513 : i32 to index
      %swap3A_522 = arith.constant 16 : index
      %swap3A_523 = tpu.vector_load %arg8[%swap3A_521, %swap3A_522] {strides = array<i32>} : memref<128x32xf32, #tpu.memory_space<vmem>>, vector<1x16xf32>,
      %swap3A_524 = vector.shape_cast %swap3A_523 : vector<1x16xf32> to vector<16xf32>
      %swap3A_525 = vector.shape_cast %broadcast_in_dim3A_520 : vector<16xf32> to vector<1x16xf32>
      tpu.vector_store %arg8[%swap3A_521, %swap3A_522], %swap3A_525 {strides = array<i32>} : memref<128x32xf32, #tpu.memory_space<vmem>>, vector<1x16xf32>,
    }
    %scan3A_5 = arith.constant 128 : i32
    %mul3A_6 = arith.constant 640 : i32
    %mul3A_7 = arith.muli %arg1, %mul3A_6 : i32
    %add3A_8 = arith.constant 0 : i32
    %add3A_9 = arith.addi %mul3A_7, %add3A_8 : i32
    "tpu.region"() ({
      %run_scoped3A = tpu.sem_alloc : memref<!tpu.dma_semaphore, #tpu.memory_space<semaphore_mem>>
      %dma_start3A_513 = arith.constant 0 : i32
      %dma_start3A_514 = tpu.memref_slice %arg12[%add3A_9, %dma_start3A_513] : memref<10240x32xf32, #tpu.memory_space<vmem_shared>> -> memref<128x32xf32, #tpu.memory_space<vmem_shared>>
      %dma_start3A_515 = arith.constant 0 : i32
      %dma_start3A_516 = tpu.memref_slice %arg12[%add3A_9, %dma_start3A_515] : memref<10240x32xf32, #tpu.memory_space<vmem_shared>> -> memref<128x32xf32, #tpu.memory_space<vmem_shared>>
      tpu.enqueue_dma source(%arg8 : memref<128x32xf32, #tpu.memory_space<vmem>>) target(%dma_start3A_516 : memref<128x32xf32, #tpu.memory_space<vmem_shared>>) target_semaphore(%run_scoped3A : memref<!tpu.dma_semaphore, #tpu.memory_space<semaphore_mem>>)
      %dma_wait3A_517 = arith.constant 0 : i32
      %dma_wait3A_518 = tpu.memref_slice %arg12[%add3A_9, %dma_wait3A_517] : memref<10240x32xf32, #tpu.memory_space<vmem_shared>> -> memref<128x32xf32, #tpu.memory_space<vmem_shared>>
      %dma_wait3A_519 = arith.constant 0 : i32
      %dma_wait3A_520 = tpu.memref_slice %arg12[%add3A_9, %dma_wait3A_519] : memref<10240x32xf32, #tpu.memory_space<vmem_shared>> -> memref<128x32xf32, #tpu.memory_space<vmem_shared>>
      tpu.wait_dma2 semaphore(%run_scoped3A : memref<!tpu.dma_semaphore, #tpu.memory_space<semaphore_mem>>) src(%arg8 : memref<128x32xf32, #tpu.memory_space<vmem>>) dst(%dma_wait3A_520 : memref<128x32xf32, #tpu.memory_space<vmem_shared>>)
      tpu.yield
    }) : () -> ()
    "tpu.region"() ({
      %run_scoped3A = tpu.sem_alloc : memref<!tpu.dma_semaphore, #tpu.memory_space<semaphore_mem>>
      %dma_start3A_513 = arith.constant 0 : i32
      %dma_start3A_514 = tpu.memref_slice %arg13[%add3A_9, %dma_start3A_513] : memref<10240x32xf32, #tpu.memory_space<vmem_shared>> -> memref<128x32xf32, #tpu.memory_space<vmem_shared>>
      %dma_start3A_515 = arith.constant 0 : i32
      %dma_start3A_516 = tpu.memref_slice %arg4[%add3A_9, %dma_start3A_515] : memref<10000x32xf32, #tpu.memory_space<hbm>> -> memref<128x32xf32, #tpu.memory_space<hbm>>
      tpu.enqueue_dma source(%dma_start3A_516 : memref<128x32xf32, #tpu.memory_space<hbm>>) target(%dma_start3A_514 : memref<128x32xf32, #tpu.memory_space<vmem_shared>>) target_semaphore(%run_scoped3A : memref<!tpu.dma_semaphore, #tpu.memory_space<semaphore_mem>>)
      %dma_wait3A_517 = arith.constant 0 : i32
      %dma_wait3A_518 = tpu.memref_slice %arg13[%add3A_9, %dma_wait3A_517] : memref<10240x32xf32, #tpu.memory_space<vmem_shared>> -> memref<128x32xf32, #tpu.memory_space<vmem_shared>>
      %dma_wait3A_519 = arith.constant 0 : i32
      %dma_wait3A_520 = tpu.memref_slice %arg4[%add3A_9, %dma_wait3A_519] : memref<10000x32xf32, #tpu.memory_space<hbm>> -> memref<128x32xf32, #tpu.memory_space<hbm>>
      tpu.wait_dma2 semaphore(%run_scoped3A : memref<!tpu.dma_semaphore, #tpu.memory_space<semaphore_mem>>) src(%dma_wait3A_520 : memref<128x32xf32, #tpu.memory_space<hbm>>) dst(%dma_wait3A_518 : memref<128x32xf32, #tpu.memory_space<vmem_shared>>)
      tpu.yield
    }) : () -> ()
    %mul3A_10 = arith.constant 640 : i32
    %mul3A_11 = arith.muli %arg1, %mul3A_10 : i32
    %add3A_12 = arith.constant 128 : i32
    %add3A_13 = arith.addi %mul3A_11, %add3A_12 : i32
    "tpu.region"() ({
      %run_scoped3A = tpu.sem_alloc : memref<!tpu.dma_semaphore, #tpu.memory_space<semaphore_mem>>
      %dma_start3A_513 = arith.constant 0 : i32
      %dma_start3A_514 = tpu.memref_slice %arg12[%add3A_13, %dma_start3A_513] : memref<10240x32xf32, #tpu.memory_space<vmem_shared>> -> memref<128x32xf32, #tpu.memory_space<vmem_shared>>
      %dma_start3A_515 = arith.constant 0 : i32
      %dma_start3A_516 = tpu.memref_slice %arg12[%add3A_13, %dma_start3A_515] : memref<10240x32xf32, #tpu.memory_space<vmem_shared>> -> memref<128x32xf32, #tpu.memory_space<vmem_shared>>
      tpu.enqueue_dma source(%arg8 : memref<128x32xf32, #tpu.memory_space<vmem>>) target(%dma_start3A_516 : memref<128x32xf32, #tpu.memory_space<vmem_shared>>) target_semaphore(%run_scoped3A : memref<!tpu.dma_semaphore, #tpu.memory_space<semaphore_mem>>)
      %dma_wait3A_517 = arith.constant 0 : i32
      %dma_wait3A_518 = tpu.memref_slice %arg12[%add3A_13, %dma_wait3A_517] : memref<10240x32xf32, #tpu.memory_space<vmem_shared>> -> memref<128x32xf32, #tpu.memory_space<vmem_shared>>
      %dma_wait3A_519 = arith.constant 0 : i32
      %dma_wait3A_520 = tpu.memref_slice %arg12[%add3A_13, %dma_wait3A_519] : memref<10240x32xf32, #tpu.memory_space<vmem_shared>> -> memref<128x32xf32, #tpu.memory_space<vmem_shared>>
      tpu.wait_dma2 semaphore(%run_scoped3A : memref<!tpu.dma_semaphore, #tpu.memory_space<semaphore_mem>>) src(%arg8 : memref<128x32xf32, #tpu.memory_space<vmem>>) dst(%dma_wait3A_520 : memref<128x32xf32, #tpu.memory_space<vmem_shared>>)
      tpu.yield
    }) : () -> ()
    "tpu.region"() ({
      %run_scoped3A = tpu.sem_alloc : memref<!tpu.dma_semaphore, #tpu.memory_space<semaphore_mem>>
      %dma_start3A_513 = arith.constant 0 : i32
      %dma_start3A_514 = tpu.memref_slice %arg13[%add3A_13, %dma_start3A_513] : memref<10240x32xf32, #tpu.memory_space<vmem_shared>> -> memref<128x32xf32, #tpu.memory_space<vmem_shared>>
      %dma_start3A_515 = arith.constant 0 : i32
      %dma_start3A_516 = tpu.memref_slice %arg4[%add3A_13, %dma_start3A_515] : memref<10000x32xf32, #tpu.memory_space<hbm>> -> memref<128x32xf32, #tpu.memory_space<hbm>>
      tpu.enqueue_dma source(%dma_start3A_516 : memref<128x32xf32, #tpu.memory_space<hbm>>) target(%dma_start3A_514 : memref<128x32xf32, #tpu.memory_space<vmem_shared>>) target_semaphore(%run_scoped3A : memref<!tpu.dma_semaphore, #tpu.memory_space<semaphore_mem>>)
      %dma_wait3A_517 = arith.constant 0 : i32
      %dma_wait3A_518 = tpu.memref_slice %arg13[%add3A_13, %dma_wait3A_517] : memref<10240x32xf32, #tpu.memory_space<vmem_shared>> -> memref<128x32xf32, #tpu.memory_space<vmem_shared>>
      %dma_wait3A_519 = arith.constant 0 : i32
      %dma_wait3A_520 = tpu.memref_slice %arg4[%add3A_13, %dma_wait3A_519] : memref<10000x32xf32, #tpu.memory_space<hbm>> -> memref<128x32xf32, #tpu.memory_space<hbm>>
      tpu.wait_dma2 semaphore(%run_scoped3A : memref<!tpu.dma_semaphore, #tpu.memory_space<semaphore_mem>>) src(%dma_wait3A_520 : memref<128x32xf32, #tpu.memory_space<hbm>>) dst(%dma_wait3A_518 : memref<128x32xf32, #tpu.memory_space<vmem_shared>>)
      tpu.yield
    }) : () -> ()
    %mul3A_14 = arith.constant 640 : i32
    %mul3A_15 = arith.muli %arg1, %mul3A_14 : i32
    %add3A_16 = arith.constant 256 : i32
    %add3A_17 = arith.addi %mul3A_15, %add3A_16 : i32
    "tpu.region"() ({
      %run_scoped3A = tpu.sem_alloc : memref<!tpu.dma_semaphore, #tpu.memory_space<semaphore_mem>>
      %dma_start3A_513 = arith.constant 0 : i32
      %dma_start3A_514 = tpu.memref_slice %arg12[%add3A_17, %dma_start3A_513] : memref<10240x32xf32, #tpu.memory_space<vmem_shared>> -> memref<128x32xf32, #tpu.memory_space<vmem_shared>>
      %dma_start3A_515 = arith.constant 0 : i32
      %dma_start3A_516 = tpu.memref_slice %arg12[%add3A_17, %dma_start3A_515] : memref<10240x32xf32, #tpu.memory_space<vmem_shared>> -> memref<128x32xf32, #tpu.memory_space<vmem_shared>>
      tpu.enqueue_dma source(%arg8 : memref<128x32xf32, #tpu.memory_space<vmem>>) target(%dma_start3A_516 : memref<128x32xf32, #tpu.memory_space<vmem_shared>>) target_semaphore(%run_scoped3A : memref<!tpu.dma_semaphore, #tpu.memory_space<semaphore_mem>>)
      %dma_wait3A_517 = arith.constant 0 : i32
      %dma_wait3A_518 = tpu.memref_slice %arg12[%add3A_17, %dma_wait3A_517] : memref<10240x32xf32, #tpu.memory_space<vmem_shared>> -> memref<128x32xf32, #tpu.memory_space<vmem_shared>>
      %dma_wait3A_519 = arith.constant 0 : i32
      %dma_wait3A_520 = tpu.memref_slice %arg12[%add3A_17, %dma_wait3A_519] : memref<10240x32xf32, #tpu.memory_space<vmem_shared>> -> memref<128x32xf32, #tpu.memory_space<vmem_shared>>
      tpu.wait_dma2 semaphore(%run_scoped3A : memref<!tpu.dma_semaphore, #tpu.memory_space<semaphore_mem>>) src(%arg8 : memref<128x32xf32, #tpu.memory_space<vmem>>) dst(%dma_wait3A_520 : memref<128x32xf32, #tpu.memory_space<vmem_shared>>)
      tpu.yield
    }) : () -> ()
    "tpu.region"() ({
      %run_scoped3A = tpu.sem_alloc : memref<!tpu.dma_semaphore, #tpu.memory_space<semaphore_mem>>
      %dma_start3A_513 = arith.constant 0 : i32
      %dma_start3A_514 = tpu.memref_slice %arg13[%add3A_17, %dma_start3A_513] : memref<10240x32xf32, #tpu.memory_space<vmem_shared>> -> memref<128x32xf32, #tpu.memory_space<vmem_shared>>
      %dma_start3A_515 = arith.constant 0 : i32
      %dma_start3A_516 = tpu.memref_slice %arg4[%add3A_17, %dma_start3A_515] : memref<10000x32xf32, #tpu.memory_space<hbm>> -> memref<128x32xf32, #tpu.memory_space<hbm>>
      tpu.enqueue_dma source(%dma_start3A_516 : memref<128x32xf32, #tpu.memory_space<hbm>>) target(%dma_start3A_514 : memref<128x32xf32, #tpu.memory_space<vmem_shared>>) target_semaphore(%run_scoped3A : memref<!tpu.dma_semaphore, #tpu.memory_space<semaphore_mem>>)
      %dma_wait3A_517 = arith.constant 0 : i32
      %dma_wait3A_518 = tpu.memref_slice %arg13[%add3A_17, %dma_wait3A_517] : memref<10240x32xf32, #tpu.memory_space<vmem_shared>> -> memref<128x32xf32, #tpu.memory_space<vmem_shared>>
      %dma_wait3A_519 = arith.constant 0 : i32
      %dma_wait3A_520 = tpu.memref_slice %arg4[%add3A_17, %dma_wait3A_519] : memref<10000x32xf32, #tpu.memory_space<hbm>> -> memref<128x32xf32, #tpu.memory_space<hbm>>
      tpu.wait_dma2 semaphore(%run_scoped3A : memref<!tpu.dma_semaphore, #tpu.memory_space<semaphore_mem>>) src(%dma_wait3A_520 : memref<128x32xf32, #tpu.memory_space<hbm>>) dst(%dma_wait3A_518 : memref<128x32xf32, #tpu.memory_space<vmem_shared>>)
      tpu.yield
    }) : () -> ()
    %mul3A_18 = arith.constant 640 : i32
    %mul3A_19 = arith.muli %arg1, %mul3A_18 : i32
    %add3A_20 = arith.constant 384 : i32
    %add3A_21 = arith.addi %mul3A_19, %add3A_20 : i32
    "tpu.region"() ({
      %run_scoped3A = tpu.sem_alloc : memref<!tpu.dma_semaphore, #tpu.memory_space<semaphore_mem>>
      %dma_start3A_513 = arith.constant 0 : i32
      %dma_start3A_514 = tpu.memref_slice %arg12[%add3A_21, %dma_start3A_513] : memref<10240x32xf32, #tpu.memory_space<vmem_shared>> -> memref<128x32xf32, #tpu.memory_space<vmem_shared>>
      %dma_start3A_515 = arith.constant 0 : i32
      %dma_start3A_516 = tpu.memref_slice %arg12[%add3A_21, %dma_start3A_515] : memref<10240x32xf32, #tpu.memory_space<vmem_shared>> -> memref<128x32xf32, #tpu.memory_space<vmem_shared>>
      tpu.enqueue_dma source(%arg8 : memref<128x32xf32, #tpu.memory_space<vmem>>) target(%dma_start3A_516 : memref<128x32xf32, #tpu.memory_space<vmem_shared>>) target_semaphore(%run_scoped3A : memref<!tpu.dma_semaphore, #tpu.memory_space<semaphore_mem>>)
      %dma_wait3A_517 = arith.constant 0 : i32
      %dma_wait3A_518 = tpu.memref_slice %arg12[%add3A_21, %dma_wait3A_517] : memref<10240x32xf32, #tpu.memory_space<vmem_shared>> -> memref<128x32xf32, #tpu.memory_space<vmem_shared>>
      %dma_wait3A_519 = arith.constant 0 : i32
      %dma_wait3A_520 = tpu.memref_slice %arg12[%add3A_21, %dma_wait3A_519] : memref<10240x32xf32, #tpu.memory_space<vmem_shared>> -> memref<128x32xf32, #tpu.memory_space<vmem_shared>>
      tpu.wait_dma2 semaphore(%run_scoped3A : memref<!tpu.dma_semaphore, #tpu.memory_space<semaphore_mem>>) src(%arg8 : memref<128x32xf32, #tpu.memory_space<vmem>>) dst(%dma_wait3A_520 : memref<128x32xf32, #tpu.memory_space<vmem_shared>>)
      tpu.yield
    }) : () -> ()
    "tpu.region"() ({
      %run_scoped3A = tpu.sem_alloc : memref<!tpu.dma_semaphore, #tpu.memory_space<semaphore_mem>>
      %dma_start3A_513 = arith.constant 0 : i32
      %dma_start3A_514 = tpu.memref_slice %arg13[%add3A_21, %dma_start3A_513] : memref<10240x32xf32, #tpu.memory_space<vmem_shared>> -> memref<128x32xf32, #tpu.memory_space<vmem_shared>>
      %dma_start3A_515 = arith.constant 0 : i32
      %dma_start3A_516 = tpu.memref_slice %arg4[%add3A_21, %dma_start3A_515] : memref<10000x32xf32, #tpu.memory_space<hbm>> -> memref<128x32xf32, #tpu.memory_space<hbm>>
      tpu.enqueue_dma source(%dma_start3A_516 : memref<128x32xf32, #tpu.memory_space<hbm>>) target(%dma_start3A_514 : memref<128x32xf32, #tpu.memory_space<vmem_shared>>) target_semaphore(%run_scoped3A : memref<!tpu.dma_semaphore, #tpu.memory_space<semaphore_mem>>)
      %dma_wait3A_517 = arith.constant 0 : i32
      %dma_wait3A_518 = tpu.memref_slice %arg13[%add3A_21, %dma_wait3A_517] : memref<10240x32xf32, #tpu.memory_space<vmem_shared>> -> memref<128x32xf32, #tpu.memory_space<vmem_shared>>
      %dma_wait3A_519 = arith.constant 0 : i32
      %dma_wait3A_520 = tpu.memref_slice %arg4[%add3A_21, %dma_wait3A_519] : memref<10000x32xf32, #tpu.memory_space<hbm>> -> memref<128x32xf32, #tpu.memory_space<hbm>>
      tpu.wait_dma2 semaphore(%run_scoped3A : memref<!tpu.dma_semaphore, #tpu.memory_space<semaphore_mem>>) src(%dma_wait3A_520 : memref<128x32xf32, #tpu.memory_space<hbm>>) dst(%dma_wait3A_518 : memref<128x32xf32, #tpu.memory_space<vmem_shared>>)
      tpu.yield
    }) : () -> ()
    %mul3A_22 = arith.constant 640 : i32
    %mul3A_23 = arith.muli %arg1, %mul3A_22 : i32
    %add3A_24 = arith.constant 512 : i32
    %add3A_25 = arith.addi %mul3A_23, %add3A_24 : i32
    "tpu.region"() ({
      %run_scoped3A = tpu.sem_alloc : memref<!tpu.dma_semaphore, #tpu.memory_space<semaphore_mem>>
      %dma_start3A_513 = arith.constant 0 : i32
      %dma_start3A_514 = tpu.memref_slice %arg12[%add3A_25, %dma_start3A_513] : memref<10240x32xf32, #tpu.memory_space<vmem_shared>> -> memref<128x32xf32, #tpu.memory_space<vmem_shared>>
      %dma_start3A_515 = arith.constant 0 : i32
      %dma_start3A_516 = tpu.memref_slice %arg12[%add3A_25, %dma_start3A_515] : memref<10240x32xf32, #tpu.memory_space<vmem_shared>> -> memref<128x32xf32, #tpu.memory_space<vmem_shared>>
      tpu.enqueue_dma source(%arg8 : memref<128x32xf32, #tpu.memory_space<vmem>>) target(%dma_start3A_516 : memref<128x32xf32, #tpu.memory_space<vmem_shared>>) target_semaphore(%run_scoped3A : memref<!tpu.dma_semaphore, #tpu.memory_space<semaphore_mem>>)
      %dma_wait3A_517 = arith.constant 0 : i32
      %dma_wait3A_518 = tpu.memref_slice %arg12[%add3A_25, %dma_wait3A_517] : memref<10240x32xf32, #tpu.memory_space<vmem_shared>> -> memref<128x32xf32, #tpu.memory_space<vmem_shared>>
      %dma_wait3A_519 = arith.constant 0 : i32
      %dma_wait3A_520 = tpu.memref_slice %arg12[%add3A_25, %dma_wait3A_519] : memref<10240x32xf32, #tpu.memory_space<vmem_shared>> -> memref<128x32xf32, #tpu.memory_space<vmem_shared>>
      tpu.wait_dma2 semaphore(%run_scoped3A : memref<!tpu.dma_semaphore, #tpu.memory_space<semaphore_mem>>) src(%arg8 : memref<128x32xf32, #tpu.memory_space<vmem>>) dst(%dma_wait3A_520 : memref<128x32xf32, #tpu.memory_space<vmem_shared>>)
      tpu.yield
    }) : () -> ()
    "tpu.region"() ({
      %run_scoped3A = tpu.sem_alloc : memref<!tpu.dma_semaphore, #tpu.memory_space<semaphore_mem>>
      %dma_start3A_513 = arith.constant 0 : i32
      %dma_start3A_514 = tpu.memref_slice %arg13[%add3A_25, %dma_start3A_513] : memref<10240x32xf32, #tpu.memory_space<vmem_shared>> -> memref<128x32xf32, #tpu.memory_space<vmem_shared>>
      %dma_start3A_515 = arith.constant 0 : i32
      %dma_start3A_516 = tpu.memref_slice %arg4[%add3A_25, %dma_start3A_515] : memref<10000x32xf32, #tpu.memory_space<hbm>> -> memref<128x32xf32, #tpu.memory_space<hbm>>
      tpu.enqueue_dma source(%dma_start3A_516 : memref<128x32xf32, #tpu.memory_space<hbm>>) target(%dma_start3A_514 : memref<128x32xf32, #tpu.memory_space<vmem_shared>>) target_semaphore(%run_scoped3A : memref<!tpu.dma_semaphore, #tpu.memory_space<semaphore_mem>>)
      %dma_wait3A_517 = arith.constant 0 : i32
      %dma_wait3A_518 = tpu.memref_slice %arg13[%add3A_25, %dma_wait3A_517] : memref<10240x32xf32, #tpu.memory_space<vmem_shared>> -> memref<128x32xf32, #tpu.memory_space<vmem_shared>>
      %dma_wait3A_519 = arith.constant 0 : i32
      %dma_wait3A_520 = tpu.memref_slice %arg4[%add3A_25, %dma_wait3A_519] : memref<10000x32xf32, #tpu.memory_space<hbm>> -> memref<128x32xf32, #tpu.memory_space<hbm>>
      tpu.wait_dma2 semaphore(%run_scoped3A : memref<!tpu.dma_semaphore, #tpu.memory_space<semaphore_mem>>) src(%dma_wait3A_520 : memref<128x32xf32, #tpu.memory_space<hbm>>) dst(%dma_wait3A_518 : memref<128x32xf32, #tpu.memory_space<vmem_shared>>)
      tpu.yield
    }) : () -> ()
    %barrier3A = arith.constant 0 : index
    tpu.barrier barrier_id(%barrier3A)
    %mul3A_26 = arith.constant 80 : i32
    %mul3A_27 = arith.muli %add3A, %mul3A_26 : i32
    %add3A_28 = arith.constant 0 : i32
    %add3A_29 = arith.addi %mul3A_27, %add3A_28 : i32
    "tpu.region"() ({
      %run_scoped3A = tpu.sem_alloc : memref<!tpu.dma_semaphore, #tpu.memory_space<semaphore_mem>>
      %dma_start3A_513 = arith.constant 0 : i32
      %dma_start3A_514 = tpu.memref_slice %arg2[%add3A_29, %dma_start3A_513] : memref<2688x128xi32, #tpu.memory_space<hbm>> -> memref<40x128xi32, #tpu.memory_space<hbm>>
      %dma_start3A_515 = arith.constant 0 : i32
      %dma_start3A_516 = tpu.memref_slice %arg2[%add3A_29, %dma_start3A_515] : memref<2688x128xi32, #tpu.memory_space<hbm>> -> memref<40x128xi32, #tpu.memory_space<hbm>>
      tpu.enqueue_dma source(%dma_start3A_516 : memref<40x128xi32, #tpu.memory_space<hbm>>) target(%arg6 : memref<40x128xi32, #tpu.memory_space<vmem>>) target_semaphore(%run_scoped3A : memref<!tpu.dma_semaphore, #tpu.memory_space<semaphore_mem>>)
      %dma_wait3A_517 = arith.constant 0 : i32
      %dma_wait3A_518 = tpu.memref_slice %arg2[%add3A_29, %dma_wait3A_517] : memref<2688x128xi32, #tpu.memory_space<hbm>> -> memref<40x128xi32, #tpu.memory_space<hbm>>
      %dma_wait3A_519 = arith.constant 0 : i32
      %dma_wait3A_520 = tpu.memref_slice %arg2[%add3A_29, %dma_wait3A_519] : memref<2688x128xi32, #tpu.memory_space<hbm>> -> memref<40x128xi32, #tpu.memory_space<hbm>>
      tpu.wait_dma2 semaphore(%run_scoped3A : memref<!tpu.dma_semaphore, #tpu.memory_space<semaphore_mem>>) src(%dma_wait3A_520 : memref<40x128xi32, #tpu.memory_space<hbm>>) dst(%arg6 : memref<40x128xi32, #tpu.memory_space<vmem>>)
      tpu.yield
    }) : () -> ()
    "tpu.region"() ({
      %run_scoped3A = tpu.sem_alloc : memref<!tpu.dma_semaphore, #tpu.memory_space<semaphore_mem>>
      %dma_start3A_513 = arith.constant 0 : i32
      %dma_start3A_514 = tpu.memref_slice %arg3[%add3A_29, %dma_start3A_513] : memref<2688x128xi32, #tpu.memory_space<hbm>> -> memref<40x128xi32, #tpu.memory_space<hbm>>
      %dma_start3A_515 = arith.constant 0 : i32
      %dma_start3A_516 = tpu.memref_slice %arg3[%add3A_29, %dma_start3A_515] : memref<2688x128xi32, #tpu.memory_space<hbm>> -> memref<40x128xi32, #tpu.memory_space<hbm>>
      tpu.enqueue_dma source(%dma_start3A_516 : memref<40x128xi32, #tpu.memory_space<hbm>>) target(%arg7 : memref<40x128xi32, #tpu.memory_space<vmem>>) target_semaphore(%run_scoped3A : memref<!tpu.dma_semaphore, #tpu.memory_space<semaphore_mem>>)
      %dma_wait3A_517 = arith.constant 0 : i32
      %dma_wait3A_518 = tpu.memref_slice %arg3[%add3A_29, %dma_wait3A_517] : memref<2688x128xi32, #tpu.memory_space<hbm>> -> memref<40x128xi32, #tpu.memory_space<hbm>>
      %dma_wait3A_519 = arith.constant 0 : i32
      %dma_wait3A_520 = tpu.memref_slice %arg3[%add3A_29, %dma_wait3A_519] : memref<2688x128xi32, #tpu.memory_space<hbm>> -> memref<40x128xi32, #tpu.memory_space<hbm>>
      tpu.wait_dma2 semaphore(%run_scoped3A : memref<!tpu.dma_semaphore, #tpu.memory_space<semaphore_mem>>) src(%dma_wait3A_520 : memref<40x128xi32, #tpu.memory_space<hbm>>) dst(%arg7 : memref<40x128xi32, #tpu.memory_space<vmem>>)
      tpu.yield
    }) : () -> ()
    %dma_start3A = arith.constant 0 : i32
    %dma_start3A_30 = arith.constant 0 : i32
    %dma_start3A_31 = tpu.memref_slice %arg6[%dma_start3A, %dma_start3A_30] : memref<40x128xi32, #tpu.memory_space<vmem>> -> memref<1x128xi32, #tpu.memory_space<vmem>>
    %dma_start3A_32 = tpu.memref_squeeze %dma_start3A_31 : memref<1x128xi32, #tpu.memory_space<vmem>> -> memref<128xi32, #tpu.memory_space<vmem>>
    %dma_start3A_33 = arith.constant 0 : i32
    %dma_start3A_34 = arith.constant 0 : i32
    %dma_start3A_35 = tpu.memref_slice %arg13[%dma_start3A_33, %dma_start3A_34] : memref<10240x32xf32, #tpu.memory_space<vmem_shared>> -> memref<10240x32xf32, #tpu.memory_space<vmem_shared>>
    tpu.enqueue_indirect_dma source(%dma_start3A_35 : memref<10240x32xf32, #tpu.memory_space<vmem_shared>>) target(%arg8 : memref<128x32xf32, #tpu.memory_space<vmem>>) offsets(%dma_start3A_32 : memref<128xi32, #tpu.memory_space<vmem>>) semaphore(%arg14 : memref<!tpu.dma_semaphore, #tpu.memory_space<semaphore_mem>>)
    %dma_start3A_36 = arith.constant 1 : i32
    %dma_start3A_37 = arith.constant 0 : i32
    %dma_start3A_38 = tpu.memref_slice %arg6[%dma_start3A_36, %dma_start3A_37] : memref<40x128xi32, #tpu.memory_space<vmem>> -> memref<1x128xi32, #tpu.memory_space<vmem>>
    %dma_start3A_39 = tpu.memref_squeeze %dma_start3A_38 : memref<1x128xi32, #tpu.memory_space<vmem>> -> memref<128xi32, #tpu.memory_space<vmem>>
    %dma_start3A_40 = arith.constant 0 : i32
    %dma_start3A_41 = arith.constant 0 : i32
    %dma_start3A_42 = tpu.memref_slice %arg13[%dma_start3A_40, %dma_start3A_41] : memref<10240x32xf32, #tpu.memory_space<vmem_shared>> -> memref<10240x32xf32, #tpu.memory_space<vmem_shared>>
    tpu.enqueue_indirect_dma source(%dma_start3A_42 : memref<10240x32xf32, #tpu.memory_space<vmem_shared>>) target(%arg9 : memref<128x32xf32, #tpu.memory_space<vmem>>) offsets(%dma_start3A_39 : memref<128xi32, #tpu.memory_space<vmem>>) semaphore(%arg15 : memref<!tpu.dma_semaphore, #tpu.memory_space<semaphore_mem>>)
    %dma_start3A_43 = arith.constant 2 : i32
    %dma_start3A_44 = arith.constant 0 : i32
    %dma_start3A_45 = tpu.memref_slice %arg6[%dma_start3A_43, %dma_start3A_44] : memref<40x128xi32, #tpu.memory_space<vmem>> -> memref<1x128xi32, #tpu.memory_space<vmem>>
    %dma_start3A_46 = tpu.memref_squeeze %dma_start3A_45 : memref<1x128xi32, #tpu.memory_space<vmem>> -> memref<128xi32, #tpu.memory_space<vmem>>
    %dma_start3A_47 = arith.constant 0 : i32
    %dma_start3A_48 = arith.constant 0 : i32
    %dma_start3A_49 = tpu.memref_slice %arg13[%dma_start3A_47, %dma_start3A_48] : memref<10240x32xf32, #tpu.memory_space<vmem_shared>> -> memref<10240x32xf32, #tpu.memory_space<vmem_shared>>
    tpu.enqueue_indirect_dma source(%dma_start3A_49 : memref<10240x32xf32, #tpu.memory_space<vmem_shared>>) target(%arg10 : memref<128x32xf32, #tpu.memory_space<vmem>>) offsets(%dma_start3A_46 : memref<128xi32, #tpu.memory_space<vmem>>) semaphore(%arg16 : memref<!tpu.dma_semaphore, #tpu.memory_space<semaphore_mem>>)
    %dma_wait3A = arith.constant 0 : i32
    %dma_wait3A_50 = arith.constant 0 : i32
    %dma_wait3A_51 = tpu.memref_slice %arg6[%dma_wait3A, %dma_wait3A_50] : memref<40x128xi32, #tpu.memory_space<vmem>> -> memref<1x128xi32, #tpu.memory_space<vmem>>
    %dma_wait3A_52 = tpu.memref_squeeze %dma_wait3A_51 : memref<1x128xi32, #tpu.memory_space<vmem>> -> memref<128xi32, #tpu.memory_space<vmem>>
    %dma_wait3A_53 = arith.constant 0 : i32
    %dma_wait3A_54 = arith.constant 0 : i32
    %dma_wait3A_55 = tpu.memref_slice %arg13[%dma_wait3A_53, %dma_wait3A_54] : memref<10240x32xf32, #tpu.memory_space<vmem_shared>> -> memref<10240x32xf32, #tpu.memory_space<vmem_shared>>
    tpu.wait_indirect_dma semaphore(%arg14 : memref<!tpu.dma_semaphore, #tpu.memory_space<semaphore_mem>>) src(%dma_wait3A_55 : memref<10240x32xf32, #tpu.memory_space<vmem_shared>>) dst(%arg8 : memref<128x32xf32, #tpu.memory_space<vmem>>)
    %dma_start3A_56 = arith.constant 0 : i32
    %dma_start3A_57 = arith.constant 0 : i32
    %dma_start3A_58 = tpu.memref_slice %arg7[%dma_start3A_56, %dma_start3A_57] : memref<40x128xi32, #tpu.memory_space<vmem>> -> memref<1x128xi32, #tpu.memory_space<vmem>>
    %dma_start3A_59 = tpu.memref_squeeze %dma_start3A_58 : memref<1x128xi32, #tpu.memory_space<vmem>> -> memref<128xi32, #tpu.memory_space<vmem>>
    %dma_start3A_60 = arith.constant 0 : i32
    %dma_start3A_61 = arith.constant 0 : i32
    %dma_start3A_62 = tpu.memref_slice %arg12[%dma_start3A_60, %dma_start3A_61] : memref<10240x32xf32, #tpu.memory_space<vmem_shared>> -> memref<10240x32xf32, #tpu.memory_space<vmem_shared>>
    tpu.enqueue_indirect_dma source(%arg8 : memref<128x32xf32, #tpu.memory_space<vmem>>) target(%dma_start3A_62 : memref<10240x32xf32, #tpu.memory_space<vmem_shared>>) offsets(%dma_start3A_59 : memref<128xi32, #tpu.memory_space<vmem>>) semaphore(%arg18 : memref<!tpu.dma_semaphore, #tpu.memory_space<semaphore_mem>>) {add = true}
    %dma_start3A_63 = arith.constant 3 : i32
    %dma_start3A_64 = arith.constant 0 : i32
    %dma_start3A_65 = tpu.memref_slice %arg6[%dma_start3A_63, %dma_start3A_64] : memref<40x128xi32, #tpu.memory_space<vmem>> -> memref<1x128xi32, #tpu.memory_space<vmem>>
    %dma_start3A_66 = tpu.memref_squeeze %dma_start3A_65 : memref<1x128xi32, #tpu.memory_space<vmem>> -> memref<128xi32, #tpu.memory_space<vmem>>
    %dma_start3A_67 = arith.constant 0 : i32
    %dma_start3A_68 = arith.constant 0 : i32
    %dma_start3A_69 = tpu.memref_slice %arg13[%dma_start3A_67, %dma_start3A_68] : memref<10240x32xf32, #tpu.memory_space<vmem_shared>> -> memref<10240x32xf32, #tpu.memory_space<vmem_shared>>
    tpu.enqueue_indirect_dma source(%dma_start3A_69 : memref<10240x32xf32, #tpu.memory_space<vmem_shared>>) target(%arg11 : memref<128x32xf32, #tpu.memory_space<vmem>>) offsets(%dma_start3A_66 : memref<128xi32, #tpu.memory_space<vmem>>) semaphore(%arg17 : memref<!tpu.dma_semaphore, #tpu.memory_space<semaphore_mem>>)
    %dma_wait3A_70 = arith.constant 0 : i32
    %dma_wait3A_71 = arith.constant 0 : i32
    %dma_wait3A_72 = tpu.memref_slice %arg6[%dma_wait3A_70, %dma_wait3A_71] : memref<40x128xi32, #tpu.memory_space<vmem>> -> memref<1x128xi32, #tpu.memory_space<vmem>>
    %dma_wait3A_73 = tpu.memref_squeeze %dma_wait3A_72 : memref<1x128xi32, #tpu.memory_space<vmem>> -> memref<128xi32, #tpu.memory_space<vmem>>
    %dma_wait3A_74 = arith.constant 0 : i32
    %dma_wait3A_75 = arith.constant 0 : i32
    %dma_wait3A_76 = tpu.memref_slice %arg13[%dma_wait3A_74, %dma_wait3A_75] : memref<10240x32xf32, #tpu.memory_space<vmem_shared>> -> memref<10240x32xf32, #tpu.memory_space<vmem_shared>>
    tpu.wait_indirect_dma semaphore(%arg15 : memref<!tpu.dma_semaphore, #tpu.memory_space<semaphore_mem>>) src(%dma_wait3A_76 : memref<10240x32xf32, #tpu.memory_space<vmem_shared>>) dst(%arg9 : memref<128x32xf32, #tpu.memory_space<vmem>>)
    %dma_start3A_77 = arith.constant 1 : i32
    %dma_start3A_78 = arith.constant 0 : i32
    %dma_start3A_79 = tpu.memref_slice %arg7[%dma_start3A_77, %dma_start3A_78] : memref<40x128xi32, #tpu.memory_space<vmem>> -> memref<1x128xi32, #tpu.memory_space<vmem>>
    %dma_start3A_80 = tpu.memref_squeeze %dma_start3A_79 : memref<1x128xi32, #tpu.memory_space<vmem>> -> memref<128xi32, #tpu.memory_space<vmem>>
    %dma_start3A_81 = arith.constant 0 : i32
    %dma_start3A_82 = arith.constant 0 : i32
    %dma_start3A_83 = tpu.memref_slice %arg12[%dma_start3A_81, %dma_start3A_82] : memref<10240x32xf32, #tpu.memory_space<vmem_shared>> -> memref<10240x32xf32, #tpu.memory_space<vmem_shared>>
    tpu.enqueue_indirect_dma source(%arg9 : memref<128x32xf32, #tpu.memory_space<vmem>>) target(%dma_start3A_83 : memref<10240x32xf32, #tpu.memory_space<vmem_shared>>) offsets(%dma_start3A_80 : memref<128xi32, #tpu.memory_space<vmem>>) semaphore(%arg19 : memref<!tpu.dma_semaphore, #tpu.memory_space<semaphore_mem>>) {add = true}
    %dma_wait3A_84 = arith.constant 0 : i32
    %dma_wait3A_85 = arith.constant 0 : i32
    %dma_wait3A_86 = tpu.memref_slice %arg7[%dma_wait3A_84, %dma_wait3A_85] : memref<40x128xi32, #tpu.memory_space<vmem>> -> memref<1x128xi32, #tpu.memory_space<vmem>>
    %dma_wait3A_87 = tpu.memref_squeeze %dma_wait3A_86 : memref<1x128xi32, #tpu.memory_space<vmem>> -> memref<128xi32, #tpu.memory_space<vmem>>
    %dma_wait3A_88 = arith.constant 0 : i32
    %dma_wait3A_89 = arith.constant 0 : i32
    %dma_wait3A_90 = tpu.memref_slice %arg12[%dma_wait3A_88, %dma_wait3A_89] : memref<10240x32xf32, #tpu.memory_space<vmem_shared>> -> memref<10240x32xf32, #tpu.memory_space<vmem_shared>>
    tpu.wait_indirect_dma semaphore(%arg18 : memref<!tpu.dma_semaphore, #tpu.memory_space<semaphore_mem>>) src(%arg8 : memref<128x32xf32, #tpu.memory_space<vmem>>) dst(%dma_wait3A_90 : memref<10240x32xf32, #tpu.memory_space<vmem_shared>>)
    %dma_start3A_91 = arith.constant 4 : i32
    %dma_start3A_92 = arith.constant 0 : i32
    %dma_start3A_93 = tpu.memref_slice %arg6[%dma_start3A_91, %dma_start3A_92] : memref<40x128xi32, #tpu.memory_space<vmem>> -> memref<1x128xi32, #tpu.memory_space<vmem>>
    %dma_start3A_94 = tpu.memref_squeeze %dma_start3A_93 : memref<1x128xi32, #tpu.memory_space<vmem>> -> memref<128xi32, #tpu.memory_space<vmem>>
    %dma_start3A_95 = arith.constant 0 : i32
    %dma_start3A_96 = arith.constant 0 : i32
    %dma_start3A_97 = tpu.memref_slice %arg13[%dma_start3A_95, %dma_start3A_96] : memref<10240x32xf32, #tpu.memory_space<vmem_shared>> -> memref<10240x32xf32, #tpu.memory_space<vmem_shared>>
    tpu.enqueue_indirect_dma source(%dma_start3A_97 : memref<10240x32xf32, #tpu.memory_space<vmem_shared>>) target(%arg8 : memref<128x32xf32, #tpu.memory_space<vmem>>) offsets(%dma_start3A_94 : memref<128xi32, #tpu.memory_space<vmem>>) semaphore(%arg14 : memref<!tpu.dma_semaphore, #tpu.memory_space<semaphore_mem>>)
    %dma_wait3A_98 = arith.constant 0 : i32
    %dma_wait3A_99 = arith.constant 0 : i32
    %dma_wait3A_100 = tpu.memref_slice %arg6[%dma_wait3A_98, %dma_wait3A_99] : memref<40x128xi32, #tpu.memory_space<vmem>> -> memref<1x128xi32, #tpu.memory_space<vmem>>
    %dma_wait3A_101 = tpu.memref_squeeze %dma_wait3A_100 : memref<1x128xi32, #tpu.memory_space<vmem>> -> memref<128xi32, #tpu.memory_space<vmem>>
    %dma_wait3A_102 = arith.constant 0 : i32
    %dma_wait3A_103 = arith.constant 0 : i32
    %dma_wait3A_104 = tpu.memref_slice %arg13[%dma_wait3A_102, %dma_wait3A_103] : memref<10240x32xf32, #tpu.memory_space<vmem_shared>> -> memref<10240x32xf32, #tpu.memory_space<vmem_shared>>
    tpu.wait_indirect_dma semaphore(%arg16 : memref<!tpu.dma_semaphore, #tpu.memory_space<semaphore_mem>>) src(%dma_wait3A_104 : memref<10240x32xf32, #tpu.memory_space<vmem_shared>>) dst(%arg10 : memref<128x32xf32, #tpu.memory_space<vmem>>)
    %dma_start3A_105 = arith.constant 2 : i32
    %dma_start3A_106 = arith.constant 0 : i32
    %dma_start3A_107 = tpu.memref_slice %arg7[%dma_start3A_105, %dma_start3A_106] : memref<40x128xi32, #tpu.memory_space<vmem>> -> memref<1x128xi32, #tpu.memory_space<vmem>>
    %dma_start3A_108 = tpu.memref_squeeze %dma_start3A_107 : memref<1x128xi32, #tpu.memory_space<vmem>> -> memref<128xi32, #tpu.memory_space<vmem>>
    %dma_start3A_109 = arith.constant 0 : i32
    %dma_start3A_110 = arith.constant 0 : i32
    %dma_start3A_111 = tpu.memref_slice %arg12[%dma_start3A_109, %dma_start3A_110] : memref<10240x32xf32, #tpu.memory_space<vmem_shared>> -> memref<10240x32xf32, #tpu.memory_space<vmem_shared>>
    tpu.enqueue_indirect_dma source(%arg10 : memref<128x32xf32, #tpu.memory_space<vmem>>) target(%dma_start3A_111 : memref<10240x32xf32, #tpu.memory_space<vmem_shared>>) offsets(%dma_start3A_108 : memref<128xi32, #tpu.memory_space<vmem>>) semaphore(%arg20 : memref<!tpu.dma_semaphore, #tpu.memory_space<semaphore_mem>>) {add = true}
    %dma_wait3A_112 = arith.constant 0 : i32
    %dma_wait3A_113 = arith.constant 0 : i32
    %dma_wait3A_114 = tpu.memref_slice %arg7[%dma_wait3A_112, %dma_wait3A_113] : memref<40x128xi32, #tpu.memory_space<vmem>> -> memref<1x128xi32, #tpu.memory_space<vmem>>
    %dma_wait3A_115 = tpu.memref_squeeze %dma_wait3A_114 : memref<1x128xi32, #tpu.memory_space<vmem>> -> memref<128xi32, #tpu.memory_space<vmem>>
    %dma_wait3A_116 = arith.constant 0 : i32
    %dma_wait3A_117 = arith.constant 0 : i32
    %dma_wait3A_118 = tpu.memref_slice %arg12[%dma_wait3A_116, %dma_wait3A_117] : memref<10240x32xf32, #tpu.memory_space<vmem_shared>> -> memref<10240x32xf32, #tpu.memory_space<vmem_shared>>
    tpu.wait_indirect_dma semaphore(%arg19 : memref<!tpu.dma_semaphore, #tpu.memory_space<semaphore_mem>>) src(%arg9 : memref<128x32xf32, #tpu.memory_space<vmem>>) dst(%dma_wait3A_118 : memref<10240x32xf32, #tpu.memory_space<vmem_shared>>)
    %dma_start3A_119 = arith.constant 5 : i32
    %dma_start3A_120 = arith.constant 0 : i32
    %dma_start3A_121 = tpu.memref_slice %arg6[%dma_start3A_119, %dma_start3A_120] : memref<40x128xi32, #tpu.memory_space<vmem>> -> memref<1x128xi32, #tpu.memory_space<vmem>>
    %dma_start3A_122 = tpu.memref_squeeze %dma_start3A_121 : memref<1x128xi32, #tpu.memory_space<vmem>> -> memref<128xi32, #tpu.memory_space<vmem>>
    %dma_start3A_123 = arith.constant 0 : i32
    %dma_start3A_124 = arith.constant 0 : i32
    %dma_start3A_125 = tpu.memref_slice %arg13[%dma_start3A_123, %dma_start3A_124] : memref<10240x32xf32, #tpu.memory_space<vmem_shared>> -> memref<10240x32xf32, #tpu.memory_space<vmem_shared>>
    tpu.enqueue_indirect_dma source(%dma_start3A_125 : memref<10240x32xf32, #tpu.memory_space<vmem_shared>>) target(%arg9 : memref<128x32xf32, #tpu.memory_space<vmem>>) offsets(%dma_start3A_122 : memref<128xi32, #tpu.memory_space<vmem>>) semaphore(%arg15 : memref<!tpu.dma_semaphore, #tpu.memory_space<semaphore_mem>>)
    %dma_wait3A_126 = arith.constant 0 : i32
    %dma_wait3A_127 = arith.constant 0 : i32
    %dma_wait3A_128 = tpu.memref_slice %arg6[%dma_wait3A_126, %dma_wait3A_127] : memref<40x128xi32, #tpu.memory_space<vmem>> -> memref<1x128xi32, #tpu.memory_space<vmem>>
    %dma_wait3A_129 = tpu.memref_squeeze %dma_wait3A_128 : memref<1x128xi32, #tpu.memory_space<vmem>> -> memref<128xi32, #tpu.memory_space<vmem>>
    %dma_wait3A_130 = arith.constant 0 : i32
    %dma_wait3A_131 = arith.constant 0 : i32
    %dma_wait3A_132 = tpu.memref_slice %arg13[%dma_wait3A_130, %dma_wait3A_131] : memref<10240x32xf32, #tpu.memory_space<vmem_shared>> -> memref<10240x32xf32, #tpu.memory_space<vmem_shared>>
    tpu.wait_indirect_dma semaphore(%arg17 : memref<!tpu.dma_semaphore, #tpu.memory_space<semaphore_mem>>) src(%dma_wait3A_132 : memref<10240x32xf32, #tpu.memory_space<vmem_shared>>) dst(%arg11 : memref<128x32xf32, #tpu.memory_space<vmem>>)
    %dma_start3A_133 = arith.constant 3 : i32
    %dma_start3A_134 = arith.constant 0 : i32
    %dma_start3A_135 = tpu.memref_slice %arg7[%dma_start3A_133, %dma_start3A_134] : memref<40x128xi32, #tpu.memory_space<vmem>> -> memref<1x128xi32, #tpu.memory_space<vmem>>
    %dma_start3A_136 = tpu.memref_squeeze %dma_start3A_135 : memref<1x128xi32, #tpu.memory_space<vmem>> -> memref<128xi32, #tpu.memory_space<vmem>>
    %dma_start3A_137 = arith.constant 0 : i32
    %dma_start3A_138 = arith.constant 0 : i32
    %dma_start3A_139 = tpu.memref_slice %arg12[%dma_start3A_137, %dma_start3A_138] : memref<10240x32xf32, #tpu.memory_space<vmem_shared>> -> memref<10240x32xf32, #tpu.memory_space<vmem_shared>>
    tpu.enqueue_indirect_dma source(%arg11 : memref<128x32xf32, #tpu.memory_space<vmem>>) target(%dma_start3A_139 : memref<10240x32xf32, #tpu.memory_space<vmem_shared>>) offsets(%dma_start3A_136 : memref<128xi32, #tpu.memory_space<vmem>>) semaphore(%arg21 : memref<!tpu.dma_semaphore, #tpu.memory_space<semaphore_mem>>) {add = true}
    %scan3A_140 = arith.constant 0 : i32
    %scan3A_141 = arith.constant 1 : i32
    %scan3A_142 = arith.constant 8 : i32
    %scan3A_143 = arith.addi %scan3A_141, %scan3A_142 : i32
    %scan3A_144 = arith.constant 1 : i32
    scf.for %scan3A_513 = %scan3A_141 to %scan3A_143 step %scan3A_144  : i32 {
      %mul3A_514 = arith.constant 4 : i32
      %mul3A_515 = arith.muli %scan3A_513, %mul3A_514 : i32
      %add3A_516 = arith.constant 0 : i32
      %add3A_517 = arith.addi %mul3A_515, %add3A_516 : i32
      %dma_wait3A_518 = arith.constant 0 : i32
      %dma_wait3A_519 = arith.constant 0 : i32
      %dma_wait3A_520 = tpu.memref_slice %arg7[%dma_wait3A_518, %dma_wait3A_519] : memref<40x128xi32, #tpu.memory_space<vmem>> -> memref<1x128xi32, #tpu.memory_space<vmem>>
      %dma_wait3A_521 = tpu.memref_squeeze %dma_wait3A_520 : memref<1x128xi32, #tpu.memory_space<vmem>> -> memref<128xi32, #tpu.memory_space<vmem>>
      %dma_wait3A_522 = arith.constant 0 : i32
      %dma_wait3A_523 = arith.constant 0 : i32
      %dma_wait3A_524 = tpu.memref_slice %arg12[%dma_wait3A_522, %dma_wait3A_523] : memref<10240x32xf32, #tpu.memory_space<vmem_shared>> -> memref<10240x32xf32, #tpu.memory_space<vmem_shared>>
      tpu.wait_indirect_dma semaphore(%arg20 : memref<!tpu.dma_semaphore, #tpu.memory_space<semaphore_mem>>) src(%arg10 : memref<128x32xf32, #tpu.memory_space<vmem>>) dst(%dma_wait3A_524 : memref<10240x32xf32, #tpu.memory_space<vmem_shared>>)
      %add3A_525 = arith.constant 2 : i32
      %add3A_526 = arith.addi %add3A_517, %add3A_525 : i32
      %dma_start3A_527 = arith.constant 0 : i32
      %dma_start3A_528 = tpu.memref_slice %arg6[%add3A_526, %dma_start3A_527] : memref<40x128xi32, #tpu.memory_space<vmem>> -> memref<1x128xi32, #tpu.memory_space<vmem>>
      %dma_start3A_529 = tpu.memref_squeeze %dma_start3A_528 : memref<1x128xi32, #tpu.memory_space<vmem>> -> memref<128xi32, #tpu.memory_space<vmem>>
      %dma_start3A_530 = arith.constant 0 : i32
      %dma_start3A_531 = arith.constant 0 : i32
      %dma_start3A_532 = tpu.memref_slice %arg13[%dma_start3A_530, %dma_start3A_531] : memref<10240x32xf32, #tpu.memory_space<vmem_shared>> -> memref<10240x32xf32, #tpu.memory_space<vmem_shared>>
      tpu.enqueue_indirect_dma source(%dma_start3A_532 : memref<10240x32xf32, #tpu.memory_space<vmem_shared>>) target(%arg10 : memref<128x32xf32, #tpu.memory_space<vmem>>) offsets(%dma_start3A_529 : memref<128xi32, #tpu.memory_space<vmem>>) semaphore(%arg16 : memref<!tpu.dma_semaphore, #tpu.memory_space<semaphore_mem>>)
      %dma_wait3A_533 = arith.constant 0 : i32
      %dma_wait3A_534 = arith.constant 0 : i32
      %dma_wait3A_535 = tpu.memref_slice %arg6[%dma_wait3A_533, %dma_wait3A_534] : memref<40x128xi32, #tpu.memory_space<vmem>> -> memref<1x128xi32, #tpu.memory_space<vmem>>
      %dma_wait3A_536 = tpu.memref_squeeze %dma_wait3A_535 : memref<1x128xi32, #tpu.memory_space<vmem>> -> memref<128xi32, #tpu.memory_space<vmem>>
      %dma_wait3A_537 = arith.constant 0 : i32
      %dma_wait3A_538 = arith.constant 0 : i32
      %dma_wait3A_539 = tpu.memref_slice %arg13[%dma_wait3A_537, %dma_wait3A_538] : memref<10240x32xf32, #tpu.memory_space<vmem_shared>> -> memref<10240x32xf32, #tpu.memory_space<vmem_shared>>
      tpu.wait_indirect_dma semaphore(%arg14 : memref<!tpu.dma_semaphore, #tpu.memory_space<semaphore_mem>>) src(%dma_wait3A_539 : memref<10240x32xf32, #tpu.memory_space<vmem_shared>>) dst(%arg8 : memref<128x32xf32, #tpu.memory_space<vmem>>)
      %dma_start3A_540 = arith.constant 0 : i32
      %dma_start3A_541 = tpu.memref_slice %arg7[%add3A_517, %dma_start3A_540] : memref<40x128xi32, #tpu.memory_space<vmem>> -> memref<1x128xi32, #tpu.memory_space<vmem>>
      %dma_start3A_542 = tpu.memref_squeeze %dma_start3A_541 : memref<1x128xi32, #tpu.memory_space<vmem>> -> memref<128xi32, #tpu.memory_space<vmem>>
      %dma_start3A_543 = arith.constant 0 : i32
      %dma_start3A_544 = arith.constant 0 : i32
      %dma_start3A_545 = tpu.memref_slice %arg12[%dma_start3A_543, %dma_start3A_544] : memref<10240x32xf32, #tpu.memory_space<vmem_shared>> -> memref<10240x32xf32, #tpu.memory_space<vmem_shared>>
      tpu.enqueue_indirect_dma source(%arg8 : memref<128x32xf32, #tpu.memory_space<vmem>>) target(%dma_start3A_545 : memref<10240x32xf32, #tpu.memory_space<vmem_shared>>) offsets(%dma_start3A_542 : memref<128xi32, #tpu.memory_space<vmem>>) semaphore(%arg18 : memref<!tpu.dma_semaphore, #tpu.memory_space<semaphore_mem>>) {add = true}
      %mul3A_546 = arith.constant 4 : i32
      %mul3A_547 = arith.muli %scan3A_513, %mul3A_546 : i32
      %add3A_548 = arith.constant 1 : i32
      %add3A_549 = arith.addi %mul3A_547, %add3A_548 : i32
      %dma_wait3A_550 = arith.constant 0 : i32
      %dma_wait3A_551 = arith.constant 0 : i32
      %dma_wait3A_552 = tpu.memref_slice %arg7[%dma_wait3A_550, %dma_wait3A_551] : memref<40x128xi32, #tpu.memory_space<vmem>> -> memref<1x128xi32, #tpu.memory_space<vmem>>
      %dma_wait3A_553 = tpu.memref_squeeze %dma_wait3A_552 : memref<1x128xi32, #tpu.memory_space<vmem>> -> memref<128xi32, #tpu.memory_space<vmem>>
      %dma_wait3A_554 = arith.constant 0 : i32
      %dma_wait3A_555 = arith.constant 0 : i32
      %dma_wait3A_556 = tpu.memref_slice %arg12[%dma_wait3A_554, %dma_wait3A_555] : memref<10240x32xf32, #tpu.memory_space<vmem_shared>> -> memref<10240x32xf32, #tpu.memory_space<vmem_shared>>
      tpu.wait_indirect_dma semaphore(%arg21 : memref<!tpu.dma_semaphore, #tpu.memory_space<semaphore_mem>>) src(%arg11 : memref<128x32xf32, #tpu.memory_space<vmem>>) dst(%dma_wait3A_556 : memref<10240x32xf32, #tpu.memory_space<vmem_shared>>)
      %add3A_557 = arith.constant 2 : i32
      %add3A_558 = arith.addi %add3A_549, %add3A_557 : i32
      %dma_start3A_559 = arith.constant 0 : i32
      %dma_start3A_560 = tpu.memref_slice %arg6[%add3A_558, %dma_start3A_559] : memref<40x128xi32, #tpu.memory_space<vmem>> -> memref<1x128xi32, #tpu.memory_space<vmem>>
      %dma_start3A_561 = tpu.memref_squeeze %dma_start3A_560 : memref<1x128xi32, #tpu.memory_space<vmem>> -> memref<128xi32, #tpu.memory_space<vmem>>
      %dma_start3A_562 = arith.constant 0 : i32
      %dma_start3A_563 = arith.constant 0 : i32
      %dma_start3A_564 = tpu.memref_slice %arg13[%dma_start3A_562, %dma_start3A_563] : memref<10240x32xf32, #tpu.memory_space<vmem_shared>> -> memref<10240x32xf32, #tpu.memory_space<vmem_shared>>
      tpu.enqueue_indirect_dma source(%dma_start3A_564 : memref<10240x32xf32, #tpu.memory_space<vmem_shared>>) target(%arg11 : memref<128x32xf32, #tpu.memory_space<vmem>>) offsets(%dma_start3A_561 : memref<128xi32, #tpu.memory_space<vmem>>) semaphore(%arg17 : memref<!tpu.dma_semaphore, #tpu.memory_space<semaphore_mem>>)
      %dma_wait3A_565 = arith.constant 0 : i32
      %dma_wait3A_566 = arith.constant 0 : i32
      %dma_wait3A_567 = tpu.memref_slice %arg6[%dma_wait3A_565, %dma_wait3A_566] : memref<40x128xi32, #tpu.memory_space<vmem>> -> memref<1x128xi32, #tpu.memory_space<vmem>>
      %dma_wait3A_568 = tpu.memref_squeeze %dma_wait3A_567 : memref<1x128xi32, #tpu.memory_space<vmem>> -> memref<128xi32, #tpu.memory_space<vmem>>
      %dma_wait3A_569 = arith.constant 0 : i32
      %dma_wait3A_570 = arith.constant 0 : i32
      %dma_wait3A_571 = tpu.memref_slice %arg13[%dma_wait3A_569, %dma_wait3A_570] : memref<10240x32xf32, #tpu.memory_space<vmem_shared>> -> memref<10240x32xf32, #tpu.memory_space<vmem_shared>>
      tpu.wait_indirect_dma semaphore(%arg15 : memref<!tpu.dma_semaphore, #tpu.memory_space<semaphore_mem>>) src(%dma_wait3A_571 : memref<10240x32xf32, #tpu.memory_space<vmem_shared>>) dst(%arg9 : memref<128x32xf32, #tpu.memory_space<vmem>>)
      %dma_start3A_572 = arith.constant 0 : i32
      %dma_start3A_573 = tpu.memref_slice %arg7[%add3A_549, %dma_start3A_572] : memref<40x128xi32, #tpu.memory_space<vmem>> -> memref<1x128xi32, #tpu.memory_space<vmem>>
      %dma_start3A_574 = tpu.memref_squeeze %dma_start3A_573 : memref<1x128xi32, #tpu.memory_space<vmem>> -> memref<128xi32, #tpu.memory_space<vmem>>
      %dma_start3A_575 = arith.constant 0 : i32
      %dma_start3A_576 = arith.constant 0 : i32
      %dma_start3A_577 = tpu.memref_slice %arg12[%dma_start3A_575, %dma_start3A_576] : memref<10240x32xf32, #tpu.memory_space<vmem_shared>> -> memref<10240x32xf32, #tpu.memory_space<vmem_shared>>
      tpu.enqueue_indirect_dma source(%arg9 : memref<128x32xf32, #tpu.memory_space<vmem>>) target(%dma_start3A_577 : memref<10240x32xf32, #tpu.memory_space<vmem_shared>>) offsets(%dma_start3A_574 : memref<128xi32, #tpu.memory_space<vmem>>) semaphore(%arg19 : memref<!tpu.dma_semaphore, #tpu.memory_space<semaphore_mem>>) {add = true}
      %mul3A_578 = arith.constant 4 : i32
      %mul3A_579 = arith.muli %scan3A_513, %mul3A_578 : i32
      %add3A_580 = arith.constant 2 : i32
      %add3A_581 = arith.addi %mul3A_579, %add3A_580 : i32
      %dma_wait3A_582 = arith.constant 0 : i32
      %dma_wait3A_583 = arith.constant 0 : i32
      %dma_wait3A_584 = tpu.memref_slice %arg7[%dma_wait3A_582, %dma_wait3A_583] : memref<40x128xi32, #tpu.memory_space<vmem>> -> memref<1x128xi32, #tpu.memory_space<vmem>>
      %dma_wait3A_585 = tpu.memref_squeeze %dma_wait3A_584 : memref<1x128xi32, #tpu.memory_space<vmem>> -> memref<128xi32, #tpu.memory_space<vmem>>
      %dma_wait3A_586 = arith.constant 0 : i32
      %dma_wait3A_587 = arith.constant 0 : i32
      %dma_wait3A_588 = tpu.memref_slice %arg12[%dma_wait3A_586, %dma_wait3A_587] : memref<10240x32xf32, #tpu.memory_space<vmem_shared>> -> memref<10240x32xf32, #tpu.memory_space<vmem_shared>>
      tpu.wait_indirect_dma semaphore(%arg18 : memref<!tpu.dma_semaphore, #tpu.memory_space<semaphore_mem>>) src(%arg8 : memref<128x32xf32, #tpu.memory_space<vmem>>) dst(%dma_wait3A_588 : memref<10240x32xf32, #tpu.memory_space<vmem_shared>>)
      %add3A_589 = arith.constant 2 : i32
      %add3A_590 = arith.addi %add3A_581, %add3A_589 : i32
      %dma_start3A_591 = arith.constant 0 : i32
      %dma_start3A_592 = tpu.memref_slice %arg6[%add3A_590, %dma_start3A_591] : memref<40x128xi32, #tpu.memory_space<vmem>> -> memref<1x128xi32, #tpu.memory_space<vmem>>
      %dma_start3A_593 = tpu.memref_squeeze %dma_start3A_592 : memref<1x128xi32, #tpu.memory_space<vmem>> -> memref<128xi32, #tpu.memory_space<vmem>>
      %dma_start3A_594 = arith.constant 0 : i32
      %dma_start3A_595 = arith.constant 0 : i32
      %dma_start3A_596 = tpu.memref_slice %arg13[%dma_start3A_594, %dma_start3A_595] : memref<10240x32xf32, #tpu.memory_space<vmem_shared>> -> memref<10240x32xf32, #tpu.memory_space<vmem_shared>>
      tpu.enqueue_indirect_dma source(%dma_start3A_596 : memref<10240x32xf32, #tpu.memory_space<vmem_shared>>) target(%arg8 : memref<128x32xf32, #tpu.memory_space<vmem>>) offsets(%dma_start3A_593 : memref<128xi32, #tpu.memory_space<vmem>>) semaphore(%arg14 : memref<!tpu.dma_semaphore, #tpu.memory_space<semaphore_mem>>)
      %dma_wait3A_597 = arith.constant 0 : i32
      %dma_wait3A_598 = arith.constant 0 : i32
      %dma_wait3A_599 = tpu.memref_slice %arg6[%dma_wait3A_597, %dma_wait3A_598] : memref<40x128xi32, #tpu.memory_space<vmem>> -> memref<1x128xi32, #tpu.memory_space<vmem>>
      %dma_wait3A_600 = tpu.memref_squeeze %dma_wait3A_599 : memref<1x128xi32, #tpu.memory_space<vmem>> -> memref<128xi32, #tpu.memory_space<vmem>>
      %dma_wait3A_601 = arith.constant 0 : i32
      %dma_wait3A_602 = arith.constant 0 : i32
      %dma_wait3A_603 = tpu.memref_slice %arg13[%dma_wait3A_601, %dma_wait3A_602] : memref<10240x32xf32, #tpu.memory_space<vmem_shared>> -> memref<10240x32xf32, #tpu.memory_space<vmem_shared>>
      tpu.wait_indirect_dma semaphore(%arg16 : memref<!tpu.dma_semaphore, #tpu.memory_space<semaphore_mem>>) src(%dma_wait3A_603 : memref<10240x32xf32, #tpu.memory_space<vmem_shared>>) dst(%arg10 : memref<128x32xf32, #tpu.memory_space<vmem>>)
      %dma_start3A_604 = arith.constant 0 : i32
      %dma_start3A_605 = tpu.memref_slice %arg7[%add3A_581, %dma_start3A_604] : memref<40x128xi32, #tpu.memory_space<vmem>> -> memref<1x128xi32, #tpu.memory_space<vmem>>
      %dma_start3A_606 = tpu.memref_squeeze %dma_start3A_605 : memref<1x128xi32, #tpu.memory_space<vmem>> -> memref<128xi32, #tpu.memory_space<vmem>>
      %dma_start3A_607 = arith.constant 0 : i32
      %dma_start3A_608 = arith.constant 0 : i32
      %dma_start3A_609 = tpu.memref_slice %arg12[%dma_start3A_607, %dma_start3A_608] : memref<10240x32xf32, #tpu.memory_space<vmem_shared>> -> memref<10240x32xf32, #tpu.memory_space<vmem_shared>>
      tpu.enqueue_indirect_dma source(%arg10 : memref<128x32xf32, #tpu.memory_space<vmem>>) target(%dma_start3A_609 : memref<10240x32xf32, #tpu.memory_space<vmem_shared>>) offsets(%dma_start3A_606 : memref<128xi32, #tpu.memory_space<vmem>>) semaphore(%arg20 : memref<!tpu.dma_semaphore, #tpu.memory_space<semaphore_mem>>) {add = true}
      %mul3A_610 = arith.constant 4 : i32
      %mul3A_611 = arith.muli %scan3A_513, %mul3A_610 : i32
      %add3A_612 = arith.constant 3 : i32
      %add3A_613 = arith.addi %mul3A_611, %add3A_612 : i32
      %dma_wait3A_614 = arith.constant 0 : i32
      %dma_wait3A_615 = arith.constant 0 : i32
      %dma_wait3A_616 = tpu.memref_slice %arg7[%dma_wait3A_614, %dma_wait3A_615] : memref<40x128xi32, #tpu.memory_space<vmem>> -> memref<1x128xi32, #tpu.memory_space<vmem>>
      %dma_wait3A_617 = tpu.memref_squeeze %dma_wait3A_616 : memref<1x128xi32, #tpu.memory_space<vmem>> -> memref<128xi32, #tpu.memory_space<vmem>>
      %dma_wait3A_618 = arith.constant 0 : i32
      %dma_wait3A_619 = arith.constant 0 : i32
      %dma_wait3A_620 = tpu.memref_slice %arg12[%dma_wait3A_618, %dma_wait3A_619] : memref<10240x32xf32, #tpu.memory_space<vmem_shared>> -> memref<10240x32xf32, #tpu.memory_space<vmem_shared>>
      tpu.wait_indirect_dma semaphore(%arg19 : memref<!tpu.dma_semaphore, #tpu.memory_space<semaphore_mem>>) src(%arg9 : memref<128x32xf32, #tpu.memory_space<vmem>>) dst(%dma_wait3A_620 : memref<10240x32xf32, #tpu.memory_space<vmem_shared>>)
      %add3A_621 = arith.constant 2 : i32
      %add3A_622 = arith.addi %add3A_613, %add3A_621 : i32
      %dma_start3A_623 = arith.constant 0 : i32
      %dma_start3A_624 = tpu.memref_slice %arg6[%add3A_622, %dma_start3A_623] : memref<40x128xi32, #tpu.memory_space<vmem>> -> memref<1x128xi32, #tpu.memory_space<vmem>>
      %dma_start3A_625 = tpu.memref_squeeze %dma_start3A_624 : memref<1x128xi32, #tpu.memory_space<vmem>> -> memref<128xi32, #tpu.memory_space<vmem>>
      %dma_start3A_626 = arith.constant 0 : i32
      %dma_start3A_627 = arith.constant 0 : i32
      %dma_start3A_628 = tpu.memref_slice %arg13[%dma_start3A_626, %dma_start3A_627] : memref<10240x32xf32, #tpu.memory_space<vmem_shared>> -> memref<10240x32xf32, #tpu.memory_space<vmem_shared>>
      tpu.enqueue_indirect_dma source(%dma_start3A_628 : memref<10240x32xf32, #tpu.memory_space<vmem_shared>>) target(%arg9 : memref<128x32xf32, #tpu.memory_space<vmem>>) offsets(%dma_start3A_625 : memref<128xi32, #tpu.memory_space<vmem>>) semaphore(%arg15 : memref<!tpu.dma_semaphore, #tpu.memory_space<semaphore_mem>>)
      %dma_wait3A_629 = arith.constant 0 : i32
      %dma_wait3A_630 = arith.constant 0 : i32
      %dma_wait3A_631 = tpu.memref_slice %arg6[%dma_wait3A_629, %dma_wait3A_630] : memref<40x128xi32, #tpu.memory_space<vmem>> -> memref<1x128xi32, #tpu.memory_space<vmem>>
      %dma_wait3A_632 = tpu.memref_squeeze %dma_wait3A_631 : memref<1x128xi32, #tpu.memory_space<vmem>> -> memref<128xi32, #tpu.memory_space<vmem>>
      %dma_wait3A_633 = arith.constant 0 : i32
      %dma_wait3A_634 = arith.constant 0 : i32
      %dma_wait3A_635 = tpu.memref_slice %arg13[%dma_wait3A_633, %dma_wait3A_634] : memref<10240x32xf32, #tpu.memory_space<vmem_shared>> -> memref<10240x32xf32, #tpu.memory_space<vmem_shared>>
      tpu.wait_indirect_dma semaphore(%arg17 : memref<!tpu.dma_semaphore, #tpu.memory_space<semaphore_mem>>) src(%dma_wait3A_635 : memref<10240x32xf32, #tpu.memory_space<vmem_shared>>) dst(%arg11 : memref<128x32xf32, #tpu.memory_space<vmem>>)
      %dma_start3A_636 = arith.constant 0 : i32
      %dma_start3A_637 = tpu.memref_slice %arg7[%add3A_613, %dma_start3A_636] : memref<40x128xi32, #tpu.memory_space<vmem>> -> memref<1x128xi32, #tpu.memory_space<vmem>>
      %dma_start3A_638 = tpu.memref_squeeze %dma_start3A_637 : memref<1x128xi32, #tpu.memory_space<vmem>> -> memref<128xi32, #tpu.memory_space<vmem>>
      %dma_start3A_639 = arith.constant 0 : i32
      %dma_start3A_640 = arith.constant 0 : i32
      %dma_start3A_641 = tpu.memref_slice %arg12[%dma_start3A_639, %dma_start3A_640] : memref<10240x32xf32, #tpu.memory_space<vmem_shared>> -> memref<10240x32xf32, #tpu.memory_space<vmem_shared>>
      tpu.enqueue_indirect_dma source(%arg11 : memref<128x32xf32, #tpu.memory_space<vmem>>) target(%dma_start3A_641 : memref<10240x32xf32, #tpu.memory_space<vmem_shared>>) offsets(%dma_start3A_638 : memref<128xi32, #tpu.memory_space<vmem>>) semaphore(%arg21 : memref<!tpu.dma_semaphore, #tpu.memory_space<semaphore_mem>>) {add = true}
    }
    %scan3A_145 = arith.constant 8 : i32
    %dma_wait3A_146 = arith.constant 0 : i32
    %dma_wait3A_147 = arith.constant 0 : i32
    %dma_wait3A_148 = tpu.memref_slice %arg7[%dma_wait3A_146, %dma_wait3A_147] : memref<40x128xi32, #tpu.memory_space<vmem>> -> memref<1x128xi32, #tpu.memory_space<vmem>>
    %dma_wait3A_149 = tpu.memref_squeeze %dma_wait3A_148 : memref<1x128xi32, #tpu.memory_space<vmem>> -> memref<128xi32, #tpu.memory_space<vmem>>
    %dma_wait3A_150 = arith.constant 0 : i32
    %dma_wait3A_151 = arith.constant 0 : i32
    %dma_wait3A_152 = tpu.memref_slice %arg12[%dma_wait3A_150, %dma_wait3A_151] : memref<10240x32xf32, #tpu.memory_space<vmem_shared>> -> memref<10240x32xf32, #tpu.memory_space<vmem_shared>>
    tpu.wait_indirect_dma semaphore(%arg20 : memref<!tpu.dma_semaphore, #tpu.memory_space<semaphore_mem>>) src(%arg10 : memref<128x32xf32, #tpu.memory_space<vmem>>) dst(%dma_wait3A_152 : memref<10240x32xf32, #tpu.memory_space<vmem_shared>>)
    %dma_start3A_153 = arith.constant 38 : i32
    %dma_start3A_154 = arith.constant 0 : i32
    %dma_start3A_155 = tpu.memref_slice %arg6[%dma_start3A_153, %dma_start3A_154] : memref<40x128xi32, #tpu.memory_space<vmem>> -> memref<1x128xi32, #tpu.memory_space<vmem>>
    %dma_start3A_156 = tpu.memref_squeeze %dma_start3A_155 : memref<1x128xi32, #tpu.memory_space<vmem>> -> memref<128xi32, #tpu.memory_space<vmem>>
    %dma_start3A_157 = arith.constant 0 : i32
    %dma_start3A_158 = arith.constant 0 : i32
    %dma_start3A_159 = tpu.memref_slice %arg13[%dma_start3A_157, %dma_start3A_158] : memref<10240x32xf32, #tpu.memory_space<vmem_shared>> -> memref<10240x32xf32, #tpu.memory_space<vmem_shared>>
    tpu.enqueue_indirect_dma source(%dma_start3A_159 : memref<10240x32xf32, #tpu.memory_space<vmem_shared>>) target(%arg10 : memref<128x32xf32, #tpu.memory_space<vmem>>) offsets(%dma_start3A_156 : memref<128xi32, #tpu.memory_space<vmem>>) semaphore(%arg16 : memref<!tpu.dma_semaphore, #tpu.memory_space<semaphore_mem>>)
    %dma_wait3A_160 = arith.constant 0 : i32
    %dma_wait3A_161 = arith.constant 0 : i32
    %dma_wait3A_162 = tpu.memref_slice %arg6[%dma_wait3A_160, %dma_wait3A_161] : memref<40x128xi32, #tpu.memory_space<vmem>> -> memref<1x128xi32, #tpu.memory_space<vmem>>
    %dma_wait3A_163 = tpu.memref_squeeze %dma_wait3A_162 : memref<1x128xi32, #tpu.memory_space<vmem>> -> memref<128xi32, #tpu.memory_space<vmem>>
    %dma_wait3A_164 = arith.constant 0 : i32
    %dma_wait3A_165 = arith.constant 0 : i32
    %dma_wait3A_166 = tpu.memref_slice %arg13[%dma_wait3A_164, %dma_wait3A_165] : memref<10240x32xf32, #tpu.memory_space<vmem_shared>> -> memref<10240x32xf32, #tpu.memory_space<vmem_shared>>
    tpu.wait_indirect_dma semaphore(%arg14 : memref<!tpu.dma_semaphore, #tpu.memory_space<semaphore_mem>>) src(%dma_wait3A_166 : memref<10240x32xf32, #tpu.memory_space<vmem_shared>>) dst(%arg8 : memref<128x32xf32, #tpu.memory_space<vmem>>)
    %dma_start3A_167 = arith.constant 36 : i32
    %dma_start3A_168 = arith.constant 0 : i32
    %dma_start3A_169 = tpu.memref_slice %arg7[%dma_start3A_167, %dma_start3A_168] : memref<40x128xi32, #tpu.memory_space<vmem>> -> memref<1x128xi32, #tpu.memory_space<vmem>>
    %dma_start3A_170 = tpu.memref_squeeze %dma_start3A_169 : memref<1x128xi32, #tpu.memory_space<vmem>> -> memref<128xi32, #tpu.memory_space<vmem>>
    %dma_start3A_171 = arith.constant 0 : i32
    %dma_start3A_172 = arith.constant 0 : i32
    %dma_start3A_173 = tpu.memref_slice %arg12[%dma_start3A_171, %dma_start3A_172] : memref<10240x32xf32, #tpu.memory_space<vmem_shared>> -> memref<10240x32xf32, #tpu.memory_space<vmem_shared>>
    tpu.enqueue_indirect_dma source(%arg8 : memref<128x32xf32, #tpu.memory_space<vmem>>) target(%dma_start3A_173 : memref<10240x32xf32, #tpu.memory_space<vmem_shared>>) offsets(%dma_start3A_170 : memref<128xi32, #tpu.memory_space<vmem>>) semaphore(%arg18 : memref<!tpu.dma_semaphore, #tpu.memory_space<semaphore_mem>>) {add = true}
    %dma_wait3A_174 = arith.constant 0 : i32
    %dma_wait3A_175 = arith.constant 0 : i32
    %dma_wait3A_176 = tpu.memref_slice %arg7[%dma_wait3A_174, %dma_wait3A_175] : memref<40x128xi32, #tpu.memory_space<vmem>> -> memref<1x128xi32, #tpu.memory_space<vmem>>
    %dma_wait3A_177 = tpu.memref_squeeze %dma_wait3A_176 : memref<1x128xi32, #tpu.memory_space<vmem>> -> memref<128xi32, #tpu.memory_space<vmem>>
    %dma_wait3A_178 = arith.constant 0 : i32
    %dma_wait3A_179 = arith.constant 0 : i32
    %dma_wait3A_180 = tpu.memref_slice %arg12[%dma_wait3A_178, %dma_wait3A_179] : memref<10240x32xf32, #tpu.memory_space<vmem_shared>> -> memref<10240x32xf32, #tpu.memory_space<vmem_shared>>
    tpu.wait_indirect_dma semaphore(%arg21 : memref<!tpu.dma_semaphore, #tpu.memory_space<semaphore_mem>>) src(%arg11 : memref<128x32xf32, #tpu.memory_space<vmem>>) dst(%dma_wait3A_180 : memref<10240x32xf32, #tpu.memory_space<vmem_shared>>)
    %dma_start3A_181 = arith.constant 39 : i32
    %dma_start3A_182 = arith.constant 0 : i32
    %dma_start3A_183 = tpu.memref_slice %arg6[%dma_start3A_181, %dma_start3A_182] : memref<40x128xi32, #tpu.memory_space<vmem>> -> memref<1x128xi32, #tpu.memory_space<vmem>>
    %dma_start3A_184 = tpu.memref_squeeze %dma_start3A_183 : memref<1x128xi32, #tpu.memory_space<vmem>> -> memref<128xi32, #tpu.memory_space<vmem>>
    %dma_start3A_185 = arith.constant 0 : i32
    %dma_start3A_186 = arith.constant 0 : i32
    %dma_start3A_187 = tpu.memref_slice %arg13[%dma_start3A_185, %dma_start3A_186] : memref<10240x32xf32, #tpu.memory_space<vmem_shared>> -> memref<10240x32xf32, #tpu.memory_space<vmem_shared>>
    tpu.enqueue_indirect_dma source(%dma_start3A_187 : memref<10240x32xf32, #tpu.memory_space<vmem_shared>>) target(%arg11 : memref<128x32xf32, #tpu.memory_space<vmem>>) offsets(%dma_start3A_184 : memref<128xi32, #tpu.memory_space<vmem>>) semaphore(%arg17 : memref<!tpu.dma_semaphore, #tpu.memory_space<semaphore_mem>>)
    %dma_wait3A_188 = arith.constant 0 : i32
    %dma_wait3A_189 = arith.constant 0 : i32
    %dma_wait3A_190 = tpu.memref_slice %arg6[%dma_wait3A_188, %dma_wait3A_189] : memref<40x128xi32, #tpu.memory_space<vmem>> -> memref<1x128xi32, #tpu.memory_space<vmem>>
    %dma_wait3A_191 = tpu.memref_squeeze %dma_wait3A_190 : memref<1x128xi32, #tpu.memory_space<vmem>> -> memref<128xi32, #tpu.memory_space<vmem>>
    %dma_wait3A_192 = arith.constant 0 : i32
    %dma_wait3A_193 = arith.constant 0 : i32
    %dma_wait3A_194 = tpu.memref_slice %arg13[%dma_wait3A_192, %dma_wait3A_193] : memref<10240x32xf32, #tpu.memory_space<vmem_shared>> -> memref<10240x32xf32, #tpu.memory_space<vmem_shared>>
    tpu.wait_indirect_dma semaphore(%arg15 : memref<!tpu.dma_semaphore, #tpu.memory_space<semaphore_mem>>) src(%dma_wait3A_194 : memref<10240x32xf32, #tpu.memory_space<vmem_shared>>) dst(%arg9 : memref<128x32xf32, #tpu.memory_space<vmem>>)
    %dma_start3A_195 = arith.constant 37 : i32
    %dma_start3A_196 = arith.constant 0 : i32
    %dma_start3A_197 = tpu.memref_slice %arg7[%dma_start3A_195, %dma_start3A_196] : memref<40x128xi32, #tpu.memory_space<vmem>> -> memref<1x128xi32, #tpu.memory_space<vmem>>
    %dma_start3A_198 = tpu.memref_squeeze %dma_start3A_197 : memref<1x128xi32, #tpu.memory_space<vmem>> -> memref<128xi32, #tpu.memory_space<vmem>>
    %dma_start3A_199 = arith.constant 0 : i32
    %dma_start3A_200 = arith.constant 0 : i32
    %dma_start3A_201 = tpu.memref_slice %arg12[%dma_start3A_199, %dma_start3A_200] : memref<10240x32xf32, #tpu.memory_space<vmem_shared>> -> memref<10240x32xf32, #tpu.memory_space<vmem_shared>>
    tpu.enqueue_indirect_dma source(%arg9 : memref<128x32xf32, #tpu.memory_space<vmem>>) target(%dma_start3A_201 : memref<10240x32xf32, #tpu.memory_space<vmem_shared>>) offsets(%dma_start3A_198 : memref<128xi32, #tpu.memory_space<vmem>>) semaphore(%arg19 : memref<!tpu.dma_semaphore, #tpu.memory_space<semaphore_mem>>) {add = true}
    %dma_wait3A_202 = arith.constant 0 : i32
    %dma_wait3A_203 = arith.constant 0 : i32
    %dma_wait3A_204 = tpu.memref_slice %arg6[%dma_wait3A_202, %dma_wait3A_203] : memref<40x128xi32, #tpu.memory_space<vmem>> -> memref<1x128xi32, #tpu.memory_space<vmem>>
    %dma_wait3A_205 = tpu.memref_squeeze %dma_wait3A_204 : memref<1x128xi32, #tpu.memory_space<vmem>> -> memref<128xi32, #tpu.memory_space<vmem>>
    %dma_wait3A_206 = arith.constant 0 : i32
    %dma_wait3A_207 = arith.constant 0 : i32
    %dma_wait3A_208 = tpu.memref_slice %arg13[%dma_wait3A_206, %dma_wait3A_207] : memref<10240x32xf32, #tpu.memory_space<vmem_shared>> -> memref<10240x32xf32, #tpu.memory_space<vmem_shared>>
    tpu.wait_indirect_dma semaphore(%arg16 : memref<!tpu.dma_semaphore, #tpu.memory_space<semaphore_mem>>) src(%dma_wait3A_208 : memref<10240x32xf32, #tpu.memory_space<vmem_shared>>) dst(%arg10 : memref<128x32xf32, #tpu.memory_space<vmem>>)
    %dma_start3A_209 = arith.constant 38 : i32
    %dma_start3A_210 = arith.constant 0 : i32
    %dma_start3A_211 = tpu.memref_slice %arg7[%dma_start3A_209, %dma_start3A_210] : memref<40x128xi32, #tpu.memory_space<vmem>> -> memref<1x128xi32, #tpu.memory_space<vmem>>
    %dma_start3A_212 = tpu.memref_squeeze %dma_start3A_211 : memref<1x128xi32, #tpu.memory_space<vmem>> -> memref<128xi32, #tpu.memory_space<vmem>>
    %dma_start3A_213 = arith.constant 0 : i32
    %dma_start3A_214 = arith.constant 0 : i32
    %dma_start3A_215 = tpu.memref_slice %arg12[%dma_start3A_213, %dma_start3A_214] : memref<10240x32xf32, #tpu.memory_space<vmem_shared>> -> memref<10240x32xf32, #tpu.memory_space<vmem_shared>>
    tpu.enqueue_indirect_dma source(%arg10 : memref<128x32xf32, #tpu.memory_space<vmem>>) target(%dma_start3A_215 : memref<10240x32xf32, #tpu.memory_space<vmem_shared>>) offsets(%dma_start3A_212 : memref<128xi32, #tpu.memory_space<vmem>>) semaphore(%arg20 : memref<!tpu.dma_semaphore, #tpu.memory_space<semaphore_mem>>) {add = true}
    %dma_wait3A_216 = arith.constant 0 : i32
    %dma_wait3A_217 = arith.constant 0 : i32
    %dma_wait3A_218 = tpu.memref_slice %arg6[%dma_wait3A_216, %dma_wait3A_217] : memref<40x128xi32, #tpu.memory_space<vmem>> -> memref<1x128xi32, #tpu.memory_space<vmem>>
    %dma_wait3A_219 = tpu.memref_squeeze %dma_wait3A_218 : memref<1x128xi32, #tpu.memory_space<vmem>> -> memref<128xi32, #tpu.memory_space<vmem>>
    %dma_wait3A_220 = arith.constant 0 : i32
    %dma_wait3A_221 = arith.constant 0 : i32
    %dma_wait3A_222 = tpu.memref_slice %arg13[%dma_wait3A_220, %dma_wait3A_221] : memref<10240x32xf32, #tpu.memory_space<vmem_shared>> -> memref<10240x32xf32, #tpu.memory_space<vmem_shared>>
    tpu.wait_indirect_dma semaphore(%arg17 : memref<!tpu.dma_semaphore, #tpu.memory_space<semaphore_mem>>) src(%dma_wait3A_222 : memref<10240x32xf32, #tpu.memory_space<vmem_shared>>) dst(%arg11 : memref<128x32xf32, #tpu.memory_space<vmem>>)
    %dma_start3A_223 = arith.constant 39 : i32
    %dma_start3A_224 = arith.constant 0 : i32
    %dma_start3A_225 = tpu.memref_slice %arg7[%dma_start3A_223, %dma_start3A_224] : memref<40x128xi32, #tpu.memory_space<vmem>> -> memref<1x128xi32, #tpu.memory_space<vmem>>
    %dma_start3A_226 = tpu.memref_squeeze %dma_start3A_225 : memref<1x128xi32, #tpu.memory_space<vmem>> -> memref<128xi32, #tpu.memory_space<vmem>>
    %dma_start3A_227 = arith.constant 0 : i32
    %dma_start3A_228 = arith.constant 0 : i32
    %dma_start3A_229 = tpu.memref_slice %arg12[%dma_start3A_227, %dma_start3A_228] : memref<10240x32xf32, #tpu.memory_space<vmem_shared>> -> memref<10240x32xf32, #tpu.memory_space<vmem_shared>>
    tpu.enqueue_indirect_dma source(%arg11 : memref<128x32xf32, #tpu.memory_space<vmem>>) target(%dma_start3A_229 : memref<10240x32xf32, #tpu.memory_space<vmem_shared>>) offsets(%dma_start3A_226 : memref<128xi32, #tpu.memory_space<vmem>>) semaphore(%arg21 : memref<!tpu.dma_semaphore, #tpu.memory_space<semaphore_mem>>) {add = true}
    %dma_wait3A_230 = arith.constant 0 : i32
    %dma_wait3A_231 = arith.constant 0 : i32
    %dma_wait3A_232 = tpu.memref_slice %arg7[%dma_wait3A_230, %dma_wait3A_231] : memref<40x128xi32, #tpu.memory_space<vmem>> -> memref<1x128xi32, #tpu.memory_space<vmem>>
    %dma_wait3A_233 = tpu.memref_squeeze %dma_wait3A_232 : memref<1x128xi32, #tpu.memory_space<vmem>> -> memref<128xi32, #tpu.memory_space<vmem>>
    %dma_wait3A_234 = arith.constant 0 : i32
    %dma_wait3A_235 = arith.constant 0 : i32
    %dma_wait3A_236 = tpu.memref_slice %arg12[%dma_wait3A_234, %dma_wait3A_235] : memref<10240x32xf32, #tpu.memory_space<vmem_shared>> -> memref<10240x32xf32, #tpu.memory_space<vmem_shared>>
    tpu.wait_indirect_dma semaphore(%arg18 : memref<!tpu.dma_semaphore, #tpu.memory_space<semaphore_mem>>) src(%arg8 : memref<128x32xf32, #tpu.memory_space<vmem>>) dst(%dma_wait3A_236 : memref<10240x32xf32, #tpu.memory_space<vmem_shared>>)
    %dma_wait3A_237 = arith.constant 0 : i32
    %dma_wait3A_238 = arith.constant 0 : i32
    %dma_wait3A_239 = tpu.memref_slice %arg7[%dma_wait3A_237, %dma_wait3A_238] : memref<40x128xi32, #tpu.memory_space<vmem>> -> memref<1x128xi32, #tpu.memory_space<vmem>>
    %dma_wait3A_240 = tpu.memref_squeeze %dma_wait3A_239 : memref<1x128xi32, #tpu.memory_space<vmem>> -> memref<128xi32, #tpu.memory_space<vmem>>
    %dma_wait3A_241 = arith.constant 0 : i32
    %dma_wait3A_242 = arith.constant 0 : i32
    %dma_wait3A_243 = tpu.memref_slice %arg12[%dma_wait3A_241, %dma_wait3A_242] : memref<10240x32xf32, #tpu.memory_space<vmem_shared>> -> memref<10240x32xf32, #tpu.memory_space<vmem_shared>>
    tpu.wait_indirect_dma semaphore(%arg19 : memref<!tpu.dma_semaphore, #tpu.memory_space<semaphore_mem>>) src(%arg9 : memref<128x32xf32, #tpu.memory_space<vmem>>) dst(%dma_wait3A_243 : memref<10240x32xf32, #tpu.memory_space<vmem_shared>>)
    %dma_wait3A_244 = arith.constant 0 : i32
    %dma_wait3A_245 = arith.constant 0 : i32
    %dma_wait3A_246 = tpu.memref_slice %arg7[%dma_wait3A_244, %dma_wait3A_245] : memref<40x128xi32, #tpu.memory_space<vmem>> -> memref<1x128xi32, #tpu.memory_space<vmem>>
    %dma_wait3A_247 = tpu.memref_squeeze %dma_wait3A_246 : memref<1x128xi32, #tpu.memory_space<vmem>> -> memref<128xi32, #tpu.memory_space<vmem>>
    %dma_wait3A_248 = arith.constant 0 : i32
    %dma_wait3A_249 = arith.constant 0 : i32
    %dma_wait3A_250 = tpu.memref_slice %arg12[%dma_wait3A_248, %dma_wait3A_249] : memref<10240x32xf32, #tpu.memory_space<vmem_shared>> -> memref<10240x32xf32, #tpu.memory_space<vmem_shared>>
    tpu.wait_indirect_dma semaphore(%arg20 : memref<!tpu.dma_semaphore, #tpu.memory_space<semaphore_mem>>) src(%arg10 : memref<128x32xf32, #tpu.memory_space<vmem>>) dst(%dma_wait3A_250 : memref<10240x32xf32, #tpu.memory_space<vmem_shared>>)
    %dma_wait3A_251 = arith.constant 0 : i32
    %dma_wait3A_252 = arith.constant 0 : i32
    %dma_wait3A_253 = tpu.memref_slice %arg7[%dma_wait3A_251, %dma_wait3A_252] : memref<40x128xi32, #tpu.memory_space<vmem>> -> memref<1x128xi32, #tpu.memory_space<vmem>>
    %dma_wait3A_254 = tpu.memref_squeeze %dma_wait3A_253 : memref<1x128xi32, #tpu.memory_space<vmem>> -> memref<128xi32, #tpu.memory_space<vmem>>
    %dma_wait3A_255 = arith.constant 0 : i32
    %dma_wait3A_256 = arith.constant 0 : i32
    %dma_wait3A_257 = tpu.memref_slice %arg12[%dma_wait3A_255, %dma_wait3A_256] : memref<10240x32xf32, #tpu.memory_space<vmem_shared>> -> memref<10240x32xf32, #tpu.memory_space<vmem_shared>>
    tpu.wait_indirect_dma semaphore(%arg21 : memref<!tpu.dma_semaphore, #tpu.memory_space<semaphore_mem>>) src(%arg11 : memref<128x32xf32, #tpu.memory_space<vmem>>) dst(%dma_wait3A_257 : memref<10240x32xf32, #tpu.memory_space<vmem_shared>>)
    %mul3A_258 = arith.constant 80 : i32
    %mul3A_259 = arith.muli %add3A, %mul3A_258 : i32
    %add3A_260 = arith.constant 40 : i32
    %add3A_261 = arith.addi %mul3A_259, %add3A_260 : i32
    "tpu.region"() ({
      %run_scoped3A = tpu.sem_alloc : memref<!tpu.dma_semaphore, #tpu.memory_space<semaphore_mem>>
      %dma_start3A_513 = arith.constant 0 : i32
      %dma_start3A_514 = tpu.memref_slice %arg2[%add3A_261, %dma_start3A_513] : memref<2688x128xi32, #tpu.memory_space<hbm>> -> memref<40x128xi32, #tpu.memory_space<hbm>>
      %dma_start3A_515 = arith.constant 0 : i32
      %dma_start3A_516 = tpu.memref_slice %arg2[%add3A_261, %dma_start3A_515] : memref<2688x128xi32, #tpu.memory_space<hbm>> -> memref<40x128xi32, #tpu.memory_space<hbm>>
      tpu.enqueue_dma source(%dma_start3A_516 : memref<40x128xi32, #tpu.memory_space<hbm>>) target(%arg6 : memref<40x128xi32, #tpu.memory_space<vmem>>) target_semaphore(%run_scoped3A : memref<!tpu.dma_semaphore, #tpu.memory_space<semaphore_mem>>)
      %dma_wait3A_517 = arith.constant 0 : i32
      %dma_wait3A_518 = tpu.memref_slice %arg2[%add3A_261, %dma_wait3A_517] : memref<2688x128xi32, #tpu.memory_space<hbm>> -> memref<40x128xi32, #tpu.memory_space<hbm>>
      %dma_wait3A_519 = arith.constant 0 : i32
      %dma_wait3A_520 = tpu.memref_slice %arg2[%add3A_261, %dma_wait3A_519] : memref<2688x128xi32, #tpu.memory_space<hbm>> -> memref<40x128xi32, #tpu.memory_space<hbm>>
      tpu.wait_dma2 semaphore(%run_scoped3A : memref<!tpu.dma_semaphore, #tpu.memory_space<semaphore_mem>>) src(%dma_wait3A_520 : memref<40x128xi32, #tpu.memory_space<hbm>>) dst(%arg6 : memref<40x128xi32, #tpu.memory_space<vmem>>)
      tpu.yield
    }) : () -> ()
    "tpu.region"() ({
      %run_scoped3A = tpu.sem_alloc : memref<!tpu.dma_semaphore, #tpu.memory_space<semaphore_mem>>
      %dma_start3A_513 = arith.constant 0 : i32
      %dma_start3A_514 = tpu.memref_slice %arg3[%add3A_261, %dma_start3A_513] : memref<2688x128xi32, #tpu.memory_space<hbm>> -> memref<40x128xi32, #tpu.memory_space<hbm>>
      %dma_start3A_515 = arith.constant 0 : i32
      %dma_start3A_516 = tpu.memref_slice %arg3[%add3A_261, %dma_start3A_515] : memref<2688x128xi32, #tpu.memory_space<hbm>> -> memref<40x128xi32, #tpu.memory_space<hbm>>
      tpu.enqueue_dma source(%dma_start3A_516 : memref<40x128xi32, #tpu.memory_space<hbm>>) target(%arg7 : memref<40x128xi32, #tpu.memory_space<vmem>>) target_semaphore(%run_scoped3A : memref<!tpu.dma_semaphore, #tpu.memory_space<semaphore_mem>>)
      %dma_wait3A_517 = arith.constant 0 : i32
      %dma_wait3A_518 = tpu.memref_slice %arg3[%add3A_261, %dma_wait3A_517] : memref<2688x128xi32, #tpu.memory_space<hbm>> -> memref<40x128xi32, #tpu.memory_space<hbm>>
      %dma_wait3A_519 = arith.constant 0 : i32
      %dma_wait3A_520 = tpu.memref_slice %arg3[%add3A_261, %dma_wait3A_519] : memref<2688x128xi32, #tpu.memory_space<hbm>> -> memref<40x128xi32, #tpu.memory_space<hbm>>
      tpu.wait_dma2 semaphore(%run_scoped3A : memref<!tpu.dma_semaphore, #tpu.memory_space<semaphore_mem>>) src(%dma_wait3A_520 : memref<40x128xi32, #tpu.memory_space<hbm>>) dst(%arg7 : memref<40x128xi32, #tpu.memory_space<vmem>>)
      tpu.yield
    }) : () -> ()
    %dma_start3A_262 = arith.constant 0 : i32
    %dma_start3A_263 = arith.constant 0 : i32
    %dma_start3A_264 = tpu.memref_slice %arg6[%dma_start3A_262, %dma_start3A_263] : memref<40x128xi32, #tpu.memory_space<vmem>> -> memref<1x128xi32, #tpu.memory_space<vmem>>
    %dma_start3A_265 = tpu.memref_squeeze %dma_start3A_264 : memref<1x128xi32, #tpu.memory_space<vmem>> -> memref<128xi32, #tpu.memory_space<vmem>>
    %dma_start3A_266 = arith.constant 0 : i32
    %dma_start3A_267 = arith.constant 0 : i32
    %dma_start3A_268 = tpu.memref_slice %arg13[%dma_start3A_266, %dma_start3A_267] : memref<10240x32xf32, #tpu.memory_space<vmem_shared>> -> memref<10240x32xf32, #tpu.memory_space<vmem_shared>>
    tpu.enqueue_indirect_dma source(%dma_start3A_268 : memref<10240x32xf32, #tpu.memory_space<vmem_shared>>) target(%arg8 : memref<128x32xf32, #tpu.memory_space<vmem>>) offsets(%dma_start3A_265 : memref<128xi32, #tpu.memory_space<vmem>>) semaphore(%arg14 : memref<!tpu.dma_semaphore, #tpu.memory_space<semaphore_mem>>)
    %dma_start3A_269 = arith.constant 1 : i32
    %dma_start3A_270 = arith.constant 0 : i32
    %dma_start3A_271 = tpu.memref_slice %arg6[%dma_start3A_269, %dma_start3A_270] : memref<40x128xi32, #tpu.memory_space<vmem>> -> memref<1x128xi32, #tpu.memory_space<vmem>>
    %dma_start3A_272 = tpu.memref_squeeze %dma_start3A_271 : memref<1x128xi32, #tpu.memory_space<vmem>> -> memref<128xi32, #tpu.memory_space<vmem>>
    %dma_start3A_273 = arith.constant 0 : i32
    %dma_start3A_274 = arith.constant 0 : i32
    %dma_start3A_275 = tpu.memref_slice %arg13[%dma_start3A_273, %dma_start3A_274] : memref<10240x32xf32, #tpu.memory_space<vmem_shared>> -> memref<10240x32xf32, #tpu.memory_space<vmem_shared>>
    tpu.enqueue_indirect_dma source(%dma_start3A_275 : memref<10240x32xf32, #tpu.memory_space<vmem_shared>>) target(%arg9 : memref<128x32xf32, #tpu.memory_space<vmem>>) offsets(%dma_start3A_272 : memref<128xi32, #tpu.memory_space<vmem>>) semaphore(%arg15 : memref<!tpu.dma_semaphore, #tpu.memory_space<semaphore_mem>>)
    %dma_start3A_276 = arith.constant 2 : i32
    %dma_start3A_277 = arith.constant 0 : i32
    %dma_start3A_278 = tpu.memref_slice %arg6[%dma_start3A_276, %dma_start3A_277] : memref<40x128xi32, #tpu.memory_space<vmem>> -> memref<1x128xi32, #tpu.memory_space<vmem>>
    %dma_start3A_279 = tpu.memref_squeeze %dma_start3A_278 : memref<1x128xi32, #tpu.memory_space<vmem>> -> memref<128xi32, #tpu.memory_space<vmem>>
    %dma_start3A_280 = arith.constant 0 : i32
    %dma_start3A_281 = arith.constant 0 : i32
    %dma_start3A_282 = tpu.memref_slice %arg13[%dma_start3A_280, %dma_start3A_281] : memref<10240x32xf32, #tpu.memory_space<vmem_shared>> -> memref<10240x32xf32, #tpu.memory_space<vmem_shared>>
    tpu.enqueue_indirect_dma source(%dma_start3A_282 : memref<10240x32xf32, #tpu.memory_space<vmem_shared>>) target(%arg10 : memref<128x32xf32, #tpu.memory_space<vmem>>) offsets(%dma_start3A_279 : memref<128xi32, #tpu.memory_space<vmem>>) semaphore(%arg16 : memref<!tpu.dma_semaphore, #tpu.memory_space<semaphore_mem>>)
    %dma_wait3A_283 = arith.constant 0 : i32
    %dma_wait3A_284 = arith.constant 0 : i32
    %dma_wait3A_285 = tpu.memref_slice %arg6[%dma_wait3A_283, %dma_wait3A_284] : memref<40x128xi32, #tpu.memory_space<vmem>> -> memref<1x128xi32, #tpu.memory_space<vmem>>
    %dma_wait3A_286 = tpu.memref_squeeze %dma_wait3A_285 : memref<1x128xi32, #tpu.memory_space<vmem>> -> memref<128xi32, #tpu.memory_space<vmem>>
    %dma_wait3A_287 = arith.constant 0 : i32
    %dma_wait3A_288 = arith.constant 0 : i32
    %dma_wait3A_289 = tpu.memref_slice %arg13[%dma_wait3A_287, %dma_wait3A_288] : memref<10240x32xf32, #tpu.memory_space<vmem_shared>> -> memref<10240x32xf32, #tpu.memory_space<vmem_shared>>
    tpu.wait_indirect_dma semaphore(%arg14 : memref<!tpu.dma_semaphore, #tpu.memory_space<semaphore_mem>>) src(%dma_wait3A_289 : memref<10240x32xf32, #tpu.memory_space<vmem_shared>>) dst(%arg8 : memref<128x32xf32, #tpu.memory_space<vmem>>)
    %dma_start3A_290 = arith.constant 0 : i32
    %dma_start3A_291 = arith.constant 0 : i32
    %dma_start3A_292 = tpu.memref_slice %arg7[%dma_start3A_290, %dma_start3A_291] : memref<40x128xi32, #tpu.memory_space<vmem>> -> memref<1x128xi32, #tpu.memory_space<vmem>>
    %dma_start3A_293 = tpu.memref_squeeze %dma_start3A_292 : memref<1x128xi32, #tpu.memory_space<vmem>> -> memref<128xi32, #tpu.memory_space<vmem>>
    %dma_start3A_294 = arith.constant 0 : i32
    %dma_start3A_295 = arith.constant 0 : i32
    %dma_start3A_296 = tpu.memref_slice %arg12[%dma_start3A_294, %dma_start3A_295] : memref<10240x32xf32, #tpu.memory_space<vmem_shared>> -> memref<10240x32xf32, #tpu.memory_space<vmem_shared>>
    tpu.enqueue_indirect_dma source(%arg8 : memref<128x32xf32, #tpu.memory_space<vmem>>) target(%dma_start3A_296 : memref<10240x32xf32, #tpu.memory_space<vmem_shared>>) offsets(%dma_start3A_293 : memref<128xi32, #tpu.memory_space<vmem>>) semaphore(%arg18 : memref<!tpu.dma_semaphore, #tpu.memory_space<semaphore_mem>>) {add = true}
    %dma_start3A_297 = arith.constant 3 : i32
    %dma_start3A_298 = arith.constant 0 : i32
    %dma_start3A_299 = tpu.memref_slice %arg6[%dma_start3A_297, %dma_start3A_298] : memref<40x128xi32, #tpu.memory_space<vmem>> -> memref<1x128xi32, #tpu.memory_space<vmem>>
    %dma_start3A_300 = tpu.memref_squeeze %dma_start3A_299 : memref<1x128xi32, #tpu.memory_space<vmem>> -> memref<128xi32, #tpu.memory_space<vmem>>
    %dma_start3A_301 = arith.constant 0 : i32
    %dma_start3A_302 = arith.constant 0 : i32
    %dma_start3A_303 = tpu.memref_slice %arg13[%dma_start3A_301, %dma_start3A_302] : memref<10240x32xf32, #tpu.memory_space<vmem_shared>> -> memref<10240x32xf32, #tpu.memory_space<vmem_shared>>
    tpu.enqueue_indirect_dma source(%dma_start3A_303 : memref<10240x32xf32, #tpu.memory_space<vmem_shared>>) target(%arg11 : memref<128x32xf32, #tpu.memory_space<vmem>>) offsets(%dma_start3A_300 : memref<128xi32, #tpu.memory_space<vmem>>) semaphore(%arg17 : memref<!tpu.dma_semaphore, #tpu.memory_space<semaphore_mem>>)
    %dma_wait3A_304 = arith.constant 0 : i32
    %dma_wait3A_305 = arith.constant 0 : i32
    %dma_wait3A_306 = tpu.memref_slice %arg6[%dma_wait3A_304, %dma_wait3A_305] : memref<40x128xi32, #tpu.memory_space<vmem>> -> memref<1x128xi32, #tpu.memory_space<vmem>>
    %dma_wait3A_307 = tpu.memref_squeeze %dma_wait3A_306 : memref<1x128xi32, #tpu.memory_space<vmem>> -> memref<128xi32, #tpu.memory_space<vmem>>
    %dma_wait3A_308 = arith.constant 0 : i32
    %dma_wait3A_309 = arith.constant 0 : i32
    %dma_wait3A_310 = tpu.memref_slice %arg13[%dma_wait3A_308, %dma_wait3A_309] : memref<10240x32xf32, #tpu.memory_space<vmem_shared>> -> memref<10240x32xf32, #tpu.memory_space<vmem_shared>>
    tpu.wait_indirect_dma semaphore(%arg15 : memref<!tpu.dma_semaphore, #tpu.memory_space<semaphore_mem>>) src(%dma_wait3A_310 : memref<10240x32xf32, #tpu.memory_space<vmem_shared>>) dst(%arg9 : memref<128x32xf32, #tpu.memory_space<vmem>>)
    %dma_start3A_311 = arith.constant 1 : i32
    %dma_start3A_312 = arith.constant 0 : i32
    %dma_start3A_313 = tpu.memref_slice %arg7[%dma_start3A_311, %dma_start3A_312] : memref<40x128xi32, #tpu.memory_space<vmem>> -> memref<1x128xi32, #tpu.memory_space<vmem>>
    %dma_start3A_314 = tpu.memref_squeeze %dma_start3A_313 : memref<1x128xi32, #tpu.memory_space<vmem>> -> memref<128xi32, #tpu.memory_space<vmem>>
    %dma_start3A_315 = arith.constant 0 : i32
    %dma_start3A_316 = arith.constant 0 : i32
    %dma_start3A_317 = tpu.memref_slice %arg12[%dma_start3A_315, %dma_start3A_316] : memref<10240x32xf32, #tpu.memory_space<vmem_shared>> -> memref<10240x32xf32, #tpu.memory_space<vmem_shared>>
    tpu.enqueue_indirect_dma source(%arg9 : memref<128x32xf32, #tpu.memory_space<vmem>>) target(%dma_start3A_317 : memref<10240x32xf32, #tpu.memory_space<vmem_shared>>) offsets(%dma_start3A_314 : memref<128xi32, #tpu.memory_space<vmem>>) semaphore(%arg19 : memref<!tpu.dma_semaphore, #tpu.memory_space<semaphore_mem>>) {add = true}
    %dma_wait3A_318 = arith.constant 0 : i32
    %dma_wait3A_319 = arith.constant 0 : i32
    %dma_wait3A_320 = tpu.memref_slice %arg7[%dma_wait3A_318, %dma_wait3A_319] : memref<40x128xi32, #tpu.memory_space<vmem>> -> memref<1x128xi32, #tpu.memory_space<vmem>>
    %dma_wait3A_321 = tpu.memref_squeeze %dma_wait3A_320 : memref<1x128xi32, #tpu.memory_space<vmem>> -> memref<128xi32, #tpu.memory_space<vmem>>
    %dma_wait3A_322 = arith.constant 0 : i32
    %dma_wait3A_323 = arith.constant 0 : i32
    %dma_wait3A_324 = tpu.memref_slice %arg12[%dma_wait3A_322, %dma_wait3A_323] : memref<10240x32xf32, #tpu.memory_space<vmem_shared>> -> memref<10240x32xf32, #tpu.memory_space<vmem_shared>>
    tpu.wait_indirect_dma semaphore(%arg18 : memref<!tpu.dma_semaphore, #tpu.memory_space<semaphore_mem>>) src(%arg8 : memref<128x32xf32, #tpu.memory_space<vmem>>) dst(%dma_wait3A_324 : memref<10240x32xf32, #tpu.memory_space<vmem_shared>>)
    %dma_start3A_325 = arith.constant 4 : i32
    %dma_start3A_326 = arith.constant 0 : i32
    %dma_start3A_327 = tpu.memref_slice %arg6[%dma_start3A_325, %dma_start3A_326] : memref<40x128xi32, #tpu.memory_space<vmem>> -> memref<1x128xi32, #tpu.memory_space<vmem>>
    %dma_start3A_328 = tpu.memref_squeeze %dma_start3A_327 : memref<1x128xi32, #tpu.memory_space<vmem>> -> memref<128xi32, #tpu.memory_space<vmem>>
    %dma_start3A_329 = arith.constant 0 : i32
    %dma_start3A_330 = arith.constant 0 : i32
    %dma_start3A_331 = tpu.memref_slice %arg13[%dma_start3A_329, %dma_start3A_330] : memref<10240x32xf32, #tpu.memory_space<vmem_shared>> -> memref<10240x32xf32, #tpu.memory_space<vmem_shared>>
    tpu.enqueue_indirect_dma source(%dma_start3A_331 : memref<10240x32xf32, #tpu.memory_space<vmem_shared>>) target(%arg8 : memref<128x32xf32, #tpu.memory_space<vmem>>) offsets(%dma_start3A_328 : memref<128xi32, #tpu.memory_space<vmem>>) semaphore(%arg14 : memref<!tpu.dma_semaphore, #tpu.memory_space<semaphore_mem>>)
    %dma_wait3A_332 = arith.constant 0 : i32
    %dma_wait3A_333 = arith.constant 0 : i32
    %dma_wait3A_334 = tpu.memref_slice %arg6[%dma_wait3A_332, %dma_wait3A_333] : memref<40x128xi32, #tpu.memory_space<vmem>> -> memref<1x128xi32, #tpu.memory_space<vmem>>
    %dma_wait3A_335 = tpu.memref_squeeze %dma_wait3A_334 : memref<1x128xi32, #tpu.memory_space<vmem>> -> memref<128xi32, #tpu.memory_space<vmem>>
    %dma_wait3A_336 = arith.constant 0 : i32
    %dma_wait3A_337 = arith.constant 0 : i32
    %dma_wait3A_338 = tpu.memref_slice %arg13[%dma_wait3A_336, %dma_wait3A_337] : memref<10240x32xf32, #tpu.memory_space<vmem_shared>> -> memref<10240x32xf32, #tpu.memory_space<vmem_shared>>
    tpu.wait_indirect_dma semaphore(%arg16 : memref<!tpu.dma_semaphore, #tpu.memory_space<semaphore_mem>>) src(%dma_wait3A_338 : memref<10240x32xf32, #tpu.memory_space<vmem_shared>>) dst(%arg10 : memref<128x32xf32, #tpu.memory_space<vmem>>)
    %dma_start3A_339 = arith.constant 2 : i32
    %dma_start3A_340 = arith.constant 0 : i32
    %dma_start3A_341 = tpu.memref_slice %arg7[%dma_start3A_339, %dma_start3A_340] : memref<40x128xi32, #tpu.memory_space<vmem>> -> memref<1x128xi32, #tpu.memory_space<vmem>>
    %dma_start3A_342 = tpu.memref_squeeze %dma_start3A_341 : memref<1x128xi32, #tpu.memory_space<vmem>> -> memref<128xi32, #tpu.memory_space<vmem>>
    %dma_start3A_343 = arith.constant 0 : i32
    %dma_start3A_344 = arith.constant 0 : i32
    %dma_start3A_345 = tpu.memref_slice %arg12[%dma_start3A_343, %dma_start3A_344] : memref<10240x32xf32, #tpu.memory_space<vmem_shared>> -> memref<10240x32xf32, #tpu.memory_space<vmem_shared>>
    tpu.enqueue_indirect_dma source(%arg10 : memref<128x32xf32, #tpu.memory_space<vmem>>) target(%dma_start3A_345 : memref<10240x32xf32, #tpu.memory_space<vmem_shared>>) offsets(%dma_start3A_342 : memref<128xi32, #tpu.memory_space<vmem>>) semaphore(%arg20 : memref<!tpu.dma_semaphore, #tpu.memory_space<semaphore_mem>>) {add = true}
    %dma_wait3A_346 = arith.constant 0 : i32
    %dma_wait3A_347 = arith.constant 0 : i32
    %dma_wait3A_348 = tpu.memref_slice %arg7[%dma_wait3A_346, %dma_wait3A_347] : memref<40x128xi32, #tpu.memory_space<vmem>> -> memref<1x128xi32, #tpu.memory_space<vmem>>
    %dma_wait3A_349 = tpu.memref_squeeze %dma_wait3A_348 : memref<1x128xi32, #tpu.memory_space<vmem>> -> memref<128xi32, #tpu.memory_space<vmem>>
    %dma_wait3A_350 = arith.constant 0 : i32
    %dma_wait3A_351 = arith.constant 0 : i32
    %dma_wait3A_352 = tpu.memref_slice %arg12[%dma_wait3A_350, %dma_wait3A_351] : memref<10240x32xf32, #tpu.memory_space<vmem_shared>> -> memref<10240x32xf32, #tpu.memory_space<vmem_shared>>
    tpu.wait_indirect_dma semaphore(%arg19 : memref<!tpu.dma_semaphore, #tpu.memory_space<semaphore_mem>>) src(%arg9 : memref<128x32xf32, #tpu.memory_space<vmem>>) dst(%dma_wait3A_352 : memref<10240x32xf32, #tpu.memory_space<vmem_shared>>)
    %dma_start3A_353 = arith.constant 5 : i32
    %dma_start3A_354 = arith.constant 0 : i32
    %dma_start3A_355 = tpu.memref_slice %arg6[%dma_start3A_353, %dma_start3A_354] : memref<40x128xi32, #tpu.memory_space<vmem>> -> memref<1x128xi32, #tpu.memory_space<vmem>>
    %dma_start3A_356 = tpu.memref_squeeze %dma_start3A_355 : memref<1x128xi32, #tpu.memory_space<vmem>> -> memref<128xi32, #tpu.memory_space<vmem>>
    %dma_start3A_357 = arith.constant 0 : i32
    %dma_start3A_358 = arith.constant 0 : i32
    %dma_start3A_359 = tpu.memref_slice %arg13[%dma_start3A_357, %dma_start3A_358] : memref<10240x32xf32, #tpu.memory_space<vmem_shared>> -> memref<10240x32xf32, #tpu.memory_space<vmem_shared>>
    tpu.enqueue_indirect_dma source(%dma_start3A_359 : memref<10240x32xf32, #tpu.memory_space<vmem_shared>>) target(%arg9 : memref<128x32xf32, #tpu.memory_space<vmem>>) offsets(%dma_start3A_356 : memref<128xi32, #tpu.memory_space<vmem>>) semaphore(%arg15 : memref<!tpu.dma_semaphore, #tpu.memory_space<semaphore_mem>>)
    %dma_wait3A_360 = arith.constant 0 : i32
    %dma_wait3A_361 = arith.constant 0 : i32
    %dma_wait3A_362 = tpu.memref_slice %arg6[%dma_wait3A_360, %dma_wait3A_361] : memref<40x128xi32, #tpu.memory_space<vmem>> -> memref<1x128xi32, #tpu.memory_space<vmem>>
    %dma_wait3A_363 = tpu.memref_squeeze %dma_wait3A_362 : memref<1x128xi32, #tpu.memory_space<vmem>> -> memref<128xi32, #tpu.memory_space<vmem>>
    %dma_wait3A_364 = arith.constant 0 : i32
    %dma_wait3A_365 = arith.constant 0 : i32
    %dma_wait3A_366 = tpu.memref_slice %arg13[%dma_wait3A_364, %dma_wait3A_365] : memref<10240x32xf32, #tpu.memory_space<vmem_shared>> -> memref<10240x32xf32, #tpu.memory_space<vmem_shared>>
    tpu.wait_indirect_dma semaphore(%arg17 : memref<!tpu.dma_semaphore, #tpu.memory_space<semaphore_mem>>) src(%dma_wait3A_366 : memref<10240x32xf32, #tpu.memory_space<vmem_shared>>) dst(%arg11 : memref<128x32xf32, #tpu.memory_space<vmem>>)
    %dma_start3A_367 = arith.constant 3 : i32
    %dma_start3A_368 = arith.constant 0 : i32
    %dma_start3A_369 = tpu.memref_slice %arg7[%dma_start3A_367, %dma_start3A_368] : memref<40x128xi32, #tpu.memory_space<vmem>> -> memref<1x128xi32, #tpu.memory_space<vmem>>
    %dma_start3A_370 = tpu.memref_squeeze %dma_start3A_369 : memref<1x128xi32, #tpu.memory_space<vmem>> -> memref<128xi32, #tpu.memory_space<vmem>>
    %dma_start3A_371 = arith.constant 0 : i32
    %dma_start3A_372 = arith.constant 0 : i32
    %dma_start3A_373 = tpu.memref_slice %arg12[%dma_start3A_371, %dma_start3A_372] : memref<10240x32xf32, #tpu.memory_space<vmem_shared>> -> memref<10240x32xf32, #tpu.memory_space<vmem_shared>>
    tpu.enqueue_indirect_dma source(%arg11 : memref<128x32xf32, #tpu.memory_space<vmem>>) target(%dma_start3A_373 : memref<10240x32xf32, #tpu.memory_space<vmem_shared>>) offsets(%dma_start3A_370 : memref<128xi32, #tpu.memory_space<vmem>>) semaphore(%arg21 : memref<!tpu.dma_semaphore, #tpu.memory_space<semaphore_mem>>) {add = true}
    %scan3A_374 = arith.constant 0 : i32
    %scan3A_375 = arith.constant 1 : i32
    %scan3A_376 = arith.constant 8 : i32
    %scan3A_377 = arith.addi %scan3A_375, %scan3A_376 : i32
    %scan3A_378 = arith.constant 1 : i32
    scf.for %scan3A_513 = %scan3A_375 to %scan3A_377 step %scan3A_378  : i32 {
      %mul3A_514 = arith.constant 4 : i32
      %mul3A_515 = arith.muli %scan3A_513, %mul3A_514 : i32
      %add3A_516 = arith.constant 0 : i32
      %add3A_517 = arith.addi %mul3A_515, %add3A_516 : i32
      %dma_wait3A_518 = arith.constant 0 : i32
      %dma_wait3A_519 = arith.constant 0 : i32
      %dma_wait3A_520 = tpu.memref_slice %arg7[%dma_wait3A_518, %dma_wait3A_519] : memref<40x128xi32, #tpu.memory_space<vmem>> -> memref<1x128xi32, #tpu.memory_space<vmem>>
      %dma_wait3A_521 = tpu.memref_squeeze %dma_wait3A_520 : memref<1x128xi32, #tpu.memory_space<vmem>> -> memref<128xi32, #tpu.memory_space<vmem>>
      %dma_wait3A_522 = arith.constant 0 : i32
      %dma_wait3A_523 = arith.constant 0 : i32
      %dma_wait3A_524 = tpu.memref_slice %arg12[%dma_wait3A_522, %dma_wait3A_523] : memref<10240x32xf32, #tpu.memory_space<vmem_shared>> -> memref<10240x32xf32, #tpu.memory_space<vmem_shared>>
      tpu.wait_indirect_dma semaphore(%arg20 : memref<!tpu.dma_semaphore, #tpu.memory_space<semaphore_mem>>) src(%arg10 : memref<128x32xf32, #tpu.memory_space<vmem>>) dst(%dma_wait3A_524 : memref<10240x32xf32, #tpu.memory_space<vmem_shared>>)
      %add3A_525 = arith.constant 2 : i32
      %add3A_526 = arith.addi %add3A_517, %add3A_525 : i32
      %dma_start3A_527 = arith.constant 0 : i32
      %dma_start3A_528 = tpu.memref_slice %arg6[%add3A_526, %dma_start3A_527] : memref<40x128xi32, #tpu.memory_space<vmem>> -> memref<1x128xi32, #tpu.memory_space<vmem>>
      %dma_start3A_529 = tpu.memref_squeeze %dma_start3A_528 : memref<1x128xi32, #tpu.memory_space<vmem>> -> memref<128xi32, #tpu.memory_space<vmem>>
      %dma_start3A_530 = arith.constant 0 : i32
      %dma_start3A_531 = arith.constant 0 : i32
      %dma_start3A_532 = tpu.memref_slice %arg13[%dma_start3A_530, %dma_start3A_531] : memref<10240x32xf32, #tpu.memory_space<vmem_shared>> -> memref<10240x32xf32, #tpu.memory_space<vmem_shared>>
      tpu.enqueue_indirect_dma source(%dma_start3A_532 : memref<10240x32xf32, #tpu.memory_space<vmem_shared>>) target(%arg10 : memref<128x32xf32, #tpu.memory_space<vmem>>) offsets(%dma_start3A_529 : memref<128xi32, #tpu.memory_space<vmem>>) semaphore(%arg16 : memref<!tpu.dma_semaphore, #tpu.memory_space<semaphore_mem>>)
      %dma_wait3A_533 = arith.constant 0 : i32
      %dma_wait3A_534 = arith.constant 0 : i32
      %dma_wait3A_535 = tpu.memref_slice %arg6[%dma_wait3A_533, %dma_wait3A_534] : memref<40x128xi32, #tpu.memory_space<vmem>> -> memref<1x128xi32, #tpu.memory_space<vmem>>
      %dma_wait3A_536 = tpu.memref_squeeze %dma_wait3A_535 : memref<1x128xi32, #tpu.memory_space<vmem>> -> memref<128xi32, #tpu.memory_space<vmem>>
      %dma_wait3A_537 = arith.constant 0 : i32
      %dma_wait3A_538 = arith.constant 0 : i32
      %dma_wait3A_539 = tpu.memref_slice %arg13[%dma_wait3A_537, %dma_wait3A_538] : memref<10240x32xf32, #tpu.memory_space<vmem_shared>> -> memref<10240x32xf32, #tpu.memory_space<vmem_shared>>
      tpu.wait_indirect_dma semaphore(%arg14 : memref<!tpu.dma_semaphore, #tpu.memory_space<semaphore_mem>>) src(%dma_wait3A_539 : memref<10240x32xf32, #tpu.memory_space<vmem_shared>>) dst(%arg8 : memref<128x32xf32, #tpu.memory_space<vmem>>)
      %dma_start3A_540 = arith.constant 0 : i32
      %dma_start3A_541 = tpu.memref_slice %arg7[%add3A_517, %dma_start3A_540] : memref<40x128xi32, #tpu.memory_space<vmem>> -> memref<1x128xi32, #tpu.memory_space<vmem>>
      %dma_start3A_542 = tpu.memref_squeeze %dma_start3A_541 : memref<1x128xi32, #tpu.memory_space<vmem>> -> memref<128xi32, #tpu.memory_space<vmem>>
      %dma_start3A_543 = arith.constant 0 : i32
      %dma_start3A_544 = arith.constant 0 : i32
      %dma_start3A_545 = tpu.memref_slice %arg12[%dma_start3A_543, %dma_start3A_544] : memref<10240x32xf32, #tpu.memory_space<vmem_shared>> -> memref<10240x32xf32, #tpu.memory_space<vmem_shared>>
      tpu.enqueue_indirect_dma source(%arg8 : memref<128x32xf32, #tpu.memory_space<vmem>>) target(%dma_start3A_545 : memref<10240x32xf32, #tpu.memory_space<vmem_shared>>) offsets(%dma_start3A_542 : memref<128xi32, #tpu.memory_space<vmem>>) semaphore(%arg18 : memref<!tpu.dma_semaphore, #tpu.memory_space<semaphore_mem>>) {add = true}
      %mul3A_546 = arith.constant 4 : i32
      %mul3A_547 = arith.muli %scan3A_513, %mul3A_546 : i32
      %add3A_548 = arith.constant 1 : i32
      %add3A_549 = arith.addi %mul3A_547, %add3A_548 : i32
      %dma_wait3A_550 = arith.constant 0 : i32
      %dma_wait3A_551 = arith.constant 0 : i32
      %dma_wait3A_552 = tpu.memref_slice %arg7[%dma_wait3A_550, %dma_wait3A_551] : memref<40x128xi32, #tpu.memory_space<vmem>> -> memref<1x128xi32, #tpu.memory_space<vmem>>
      %dma_wait3A_553 = tpu.memref_squeeze %dma_wait3A_552 : memref<1x128xi32, #tpu.memory_space<vmem>> -> memref<128xi32, #tpu.memory_space<vmem>>
      %dma_wait3A_554 = arith.constant 0 : i32
      %dma_wait3A_555 = arith.constant 0 : i32
      %dma_wait3A_556 = tpu.memref_slice %arg12[%dma_wait3A_554, %dma_wait3A_555] : memref<10240x32xf32, #tpu.memory_space<vmem_shared>> -> memref<10240x32xf32, #tpu.memory_space<vmem_shared>>
      tpu.wait_indirect_dma semaphore(%arg21 : memref<!tpu.dma_semaphore, #tpu.memory_space<semaphore_mem>>) src(%arg11 : memref<128x32xf32, #tpu.memory_space<vmem>>) dst(%dma_wait3A_556 : memref<10240x32xf32, #tpu.memory_space<vmem_shared>>)
      %add3A_557 = arith.constant 2 : i32
      %add3A_558 = arith.addi %add3A_549, %add3A_557 : i32
      %dma_start3A_559 = arith.constant 0 : i32
      %dma_start3A_560 = tpu.memref_slice %arg6[%add3A_558, %dma_start3A_559] : memref<40x128xi32, #tpu.memory_space<vmem>> -> memref<1x128xi32, #tpu.memory_space<vmem>>
      %dma_start3A_561 = tpu.memref_squeeze %dma_start3A_560 : memref<1x128xi32, #tpu.memory_space<vmem>> -> memref<128xi32, #tpu.memory_space<vmem>>
      %dma_start3A_562 = arith.constant 0 : i32
      %dma_start3A_563 = arith.constant 0 : i32
      %dma_start3A_564 = tpu.memref_slice %arg13[%dma_start3A_562, %dma_start3A_563] : memref<10240x32xf32, #tpu.memory_space<vmem_shared>> -> memref<10240x32xf32, #tpu.memory_space<vmem_shared>>
      tpu.enqueue_indirect_dma source(%dma_start3A_564 : memref<10240x32xf32, #tpu.memory_space<vmem_shared>>) target(%arg11 : memref<128x32xf32, #tpu.memory_space<vmem>>) offsets(%dma_start3A_561 : memref<128xi32, #tpu.memory_space<vmem>>) semaphore(%arg17 : memref<!tpu.dma_semaphore, #tpu.memory_space<semaphore_mem>>)
      %dma_wait3A_565 = arith.constant 0 : i32
      %dma_wait3A_566 = arith.constant 0 : i32
      %dma_wait3A_567 = tpu.memref_slice %arg6[%dma_wait3A_565, %dma_wait3A_566] : memref<40x128xi32, #tpu.memory_space<vmem>> -> memref<1x128xi32, #tpu.memory_space<vmem>>
      %dma_wait3A_568 = tpu.memref_squeeze %dma_wait3A_567 : memref<1x128xi32, #tpu.memory_space<vmem>> -> memref<128xi32, #tpu.memory_space<vmem>>
      %dma_wait3A_569 = arith.constant 0 : i32
      %dma_wait3A_570 = arith.constant 0 : i32
      %dma_wait3A_571 = tpu.memref_slice %arg13[%dma_wait3A_569, %dma_wait3A_570] : memref<10240x32xf32, #tpu.memory_space<vmem_shared>> -> memref<10240x32xf32, #tpu.memory_space<vmem_shared>>
      tpu.wait_indirect_dma semaphore(%arg15 : memref<!tpu.dma_semaphore, #tpu.memory_space<semaphore_mem>>) src(%dma_wait3A_571 : memref<10240x32xf32, #tpu.memory_space<vmem_shared>>) dst(%arg9 : memref<128x32xf32, #tpu.memory_space<vmem>>)
      %dma_start3A_572 = arith.constant 0 : i32
      %dma_start3A_573 = tpu.memref_slice %arg7[%add3A_549, %dma_start3A_572] : memref<40x128xi32, #tpu.memory_space<vmem>> -> memref<1x128xi32, #tpu.memory_space<vmem>>
      %dma_start3A_574 = tpu.memref_squeeze %dma_start3A_573 : memref<1x128xi32, #tpu.memory_space<vmem>> -> memref<128xi32, #tpu.memory_space<vmem>>
      %dma_start3A_575 = arith.constant 0 : i32
      %dma_start3A_576 = arith.constant 0 : i32
      %dma_start3A_577 = tpu.memref_slice %arg12[%dma_start3A_575, %dma_start3A_576] : memref<10240x32xf32, #tpu.memory_space<vmem_shared>> -> memref<10240x32xf32, #tpu.memory_space<vmem_shared>>
      tpu.enqueue_indirect_dma source(%arg9 : memref<128x32xf32, #tpu.memory_space<vmem>>) target(%dma_start3A_577 : memref<10240x32xf32, #tpu.memory_space<vmem_shared>>) offsets(%dma_start3A_574 : memref<128xi32, #tpu.memory_space<vmem>>) semaphore(%arg19 : memref<!tpu.dma_semaphore, #tpu.memory_space<semaphore_mem>>) {add = true}
      %mul3A_578 = arith.constant 4 : i32
      %mul3A_579 = arith.muli %scan3A_513, %mul3A_578 : i32
      %add3A_580 = arith.constant 2 : i32
      %add3A_581 = arith.addi %mul3A_579, %add3A_580 : i32
      %dma_wait3A_582 = arith.constant 0 : i32
      %dma_wait3A_583 = arith.constant 0 : i32
      %dma_wait3A_584 = tpu.memref_slice %arg7[%dma_wait3A_582, %dma_wait3A_583] : memref<40x128xi32, #tpu.memory_space<vmem>> -> memref<1x128xi32, #tpu.memory_space<vmem>>
      %dma_wait3A_585 = tpu.memref_squeeze %dma_wait3A_584 : memref<1x128xi32, #tpu.memory_space<vmem>> -> memref<128xi32, #tpu.memory_space<vmem>>
      %dma_wait3A_586 = arith.constant 0 : i32
      %dma_wait3A_587 = arith.constant 0 : i32
      %dma_wait3A_588 = tpu.memref_slice %arg12[%dma_wait3A_586, %dma_wait3A_587] : memref<10240x32xf32, #tpu.memory_space<vmem_shared>> -> memref<10240x32xf32, #tpu.memory_space<vmem_shared>>
      tpu.wait_indirect_dma semaphore(%arg18 : memref<!tpu.dma_semaphore, #tpu.memory_space<semaphore_mem>>) src(%arg8 : memref<128x32xf32, #tpu.memory_space<vmem>>) dst(%dma_wait3A_588 : memref<10240x32xf32, #tpu.memory_space<vmem_shared>>)
      %add3A_589 = arith.constant 2 : i32
      %add3A_590 = arith.addi %add3A_581, %add3A_589 : i32
      %dma_start3A_591 = arith.constant 0 : i32
      %dma_start3A_592 = tpu.memref_slice %arg6[%add3A_590, %dma_start3A_591] : memref<40x128xi32, #tpu.memory_space<vmem>> -> memref<1x128xi32, #tpu.memory_space<vmem>>
      %dma_start3A_593 = tpu.memref_squeeze %dma_start3A_592 : memref<1x128xi32, #tpu.memory_space<vmem>> -> memref<128xi32, #tpu.memory_space<vmem>>
      %dma_start3A_594 = arith.constant 0 : i32
      %dma_start3A_595 = arith.constant 0 : i32
      %dma_start3A_596 = tpu.memref_slice %arg13[%dma_start3A_594, %dma_start3A_595] : memref<10240x32xf32, #tpu.memory_space<vmem_shared>> -> memref<10240x32xf32, #tpu.memory_space<vmem_shared>>
      tpu.enqueue_indirect_dma source(%dma_start3A_596 : memref<10240x32xf32, #tpu.memory_space<vmem_shared>>) target(%arg8 : memref<128x32xf32, #tpu.memory_space<vmem>>) offsets(%dma_start3A_593 : memref<128xi32, #tpu.memory_space<vmem>>) semaphore(%arg14 : memref<!tpu.dma_semaphore, #tpu.memory_space<semaphore_mem>>)
      %dma_wait3A_597 = arith.constant 0 : i32
      %dma_wait3A_598 = arith.constant 0 : i32
      %dma_wait3A_599 = tpu.memref_slice %arg6[%dma_wait3A_597, %dma_wait3A_598] : memref<40x128xi32, #tpu.memory_space<vmem>> -> memref<1x128xi32, #tpu.memory_space<vmem>>
      %dma_wait3A_600 = tpu.memref_squeeze %dma_wait3A_599 : memref<1x128xi32, #tpu.memory_space<vmem>> -> memref<128xi32, #tpu.memory_space<vmem>>
      %dma_wait3A_601 = arith.constant 0 : i32
      %dma_wait3A_602 = arith.constant 0 : i32
      %dma_wait3A_603 = tpu.memref_slice %arg13[%dma_wait3A_601, %dma_wait3A_602] : memref<10240x32xf32, #tpu.memory_space<vmem_shared>> -> memref<10240x32xf32, #tpu.memory_space<vmem_shared>>
      tpu.wait_indirect_dma semaphore(%arg16 : memref<!tpu.dma_semaphore, #tpu.memory_space<semaphore_mem>>) src(%dma_wait3A_603 : memref<10240x32xf32, #tpu.memory_space<vmem_shared>>) dst(%arg10 : memref<128x32xf32, #tpu.memory_space<vmem>>)
      %dma_start3A_604 = arith.constant 0 : i32
      %dma_start3A_605 = tpu.memref_slice %arg7[%add3A_581, %dma_start3A_604] : memref<40x128xi32, #tpu.memory_space<vmem>> -> memref<1x128xi32, #tpu.memory_space<vmem>>
      %dma_start3A_606 = tpu.memref_squeeze %dma_start3A_605 : memref<1x128xi32, #tpu.memory_space<vmem>> -> memref<128xi32, #tpu.memory_space<vmem>>
      %dma_start3A_607 = arith.constant 0 : i32
      %dma_start3A_608 = arith.constant 0 : i32
      %dma_start3A_609 = tpu.memref_slice %arg12[%dma_start3A_607, %dma_start3A_608] : memref<10240x32xf32, #tpu.memory_space<vmem_shared>> -> memref<10240x32xf32, #tpu.memory_space<vmem_shared>>
      tpu.enqueue_indirect_dma source(%arg10 : memref<128x32xf32, #tpu.memory_space<vmem>>) target(%dma_start3A_609 : memref<10240x32xf32, #tpu.memory_space<vmem_shared>>) offsets(%dma_start3A_606 : memref<128xi32, #tpu.memory_space<vmem>>) semaphore(%arg20 : memref<!tpu.dma_semaphore, #tpu.memory_space<semaphore_mem>>) {add = true}
      %mul3A_610 = arith.constant 4 : i32
      %mul3A_611 = arith.muli %scan3A_513, %mul3A_610 : i32
      %add3A_612 = arith.constant 3 : i32
      %add3A_613 = arith.addi %mul3A_611, %add3A_612 : i32
      %dma_wait3A_614 = arith.constant 0 : i32
      %dma_wait3A_615 = arith.constant 0 : i32
      %dma_wait3A_616 = tpu.memref_slice %arg7[%dma_wait3A_614, %dma_wait3A_615] : memref<40x128xi32, #tpu.memory_space<vmem>> -> memref<1x128xi32, #tpu.memory_space<vmem>>
      %dma_wait3A_617 = tpu.memref_squeeze %dma_wait3A_616 : memref<1x128xi32, #tpu.memory_space<vmem>> -> memref<128xi32, #tpu.memory_space<vmem>>
      %dma_wait3A_618 = arith.constant 0 : i32
      %dma_wait3A_619 = arith.constant 0 : i32
      %dma_wait3A_620 = tpu.memref_slice %arg12[%dma_wait3A_618, %dma_wait3A_619] : memref<10240x32xf32, #tpu.memory_space<vmem_shared>> -> memref<10240x32xf32, #tpu.memory_space<vmem_shared>>
      tpu.wait_indirect_dma semaphore(%arg19 : memref<!tpu.dma_semaphore, #tpu.memory_space<semaphore_mem>>) src(%arg9 : memref<128x32xf32, #tpu.memory_space<vmem>>) dst(%dma_wait3A_620 : memref<10240x32xf32, #tpu.memory_space<vmem_shared>>)
      %add3A_621 = arith.constant 2 : i32
      %add3A_622 = arith.addi %add3A_613, %add3A_621 : i32
      %dma_start3A_623 = arith.constant 0 : i32
      %dma_start3A_624 = tpu.memref_slice %arg6[%add3A_622, %dma_start3A_623] : memref<40x128xi32, #tpu.memory_space<vmem>> -> memref<1x128xi32, #tpu.memory_space<vmem>>
      %dma_start3A_625 = tpu.memref_squeeze %dma_start3A_624 : memref<1x128xi32, #tpu.memory_space<vmem>> -> memref<128xi32, #tpu.memory_space<vmem>>
      %dma_start3A_626 = arith.constant 0 : i32
      %dma_start3A_627 = arith.constant 0 : i32
      %dma_start3A_628 = tpu.memref_slice %arg13[%dma_start3A_626, %dma_start3A_627] : memref<10240x32xf32, #tpu.memory_space<vmem_shared>> -> memref<10240x32xf32, #tpu.memory_space<vmem_shared>>
      tpu.enqueue_indirect_dma source(%dma_start3A_628 : memref<10240x32xf32, #tpu.memory_space<vmem_shared>>) target(%arg9 : memref<128x32xf32, #tpu.memory_space<vmem>>) offsets(%dma_start3A_625 : memref<128xi32, #tpu.memory_space<vmem>>) semaphore(%arg15 : memref<!tpu.dma_semaphore, #tpu.memory_space<semaphore_mem>>)
      %dma_wait3A_629 = arith.constant 0 : i32
      %dma_wait3A_630 = arith.constant 0 : i32
      %dma_wait3A_631 = tpu.memref_slice %arg6[%dma_wait3A_629, %dma_wait3A_630] : memref<40x128xi32, #tpu.memory_space<vmem>> -> memref<1x128xi32, #tpu.memory_space<vmem>>
      %dma_wait3A_632 = tpu.memref_squeeze %dma_wait3A_631 : memref<1x128xi32, #tpu.memory_space<vmem>> -> memref<128xi32, #tpu.memory_space<vmem>>
      %dma_wait3A_633 = arith.constant 0 : i32
      %dma_wait3A_634 = arith.constant 0 : i32
      %dma_wait3A_635 = tpu.memref_slice %arg13[%dma_wait3A_633, %dma_wait3A_634] : memref<10240x32xf32, #tpu.memory_space<vmem_shared>> -> memref<10240x32xf32, #tpu.memory_space<vmem_shared>>
      tpu.wait_indirect_dma semaphore(%arg17 : memref<!tpu.dma_semaphore, #tpu.memory_space<semaphore_mem>>) src(%dma_wait3A_635 : memref<10240x32xf32, #tpu.memory_space<vmem_shared>>) dst(%arg11 : memref<128x32xf32, #tpu.memory_space<vmem>>)
      %dma_start3A_636 = arith.constant 0 : i32
      %dma_start3A_637 = tpu.memref_slice %arg7[%add3A_613, %dma_start3A_636] : memref<40x128xi32, #tpu.memory_space<vmem>> -> memref<1x128xi32, #tpu.memory_space<vmem>>
      %dma_start3A_638 = tpu.memref_squeeze %dma_start3A_637 : memref<1x128xi32, #tpu.memory_space<vmem>> -> memref<128xi32, #tpu.memory_space<vmem>>
      %dma_start3A_639 = arith.constant 0 : i32
      %dma_start3A_640 = arith.constant 0 : i32
      %dma_start3A_641 = tpu.memref_slice %arg12[%dma_start3A_639, %dma_start3A_640] : memref<10240x32xf32, #tpu.memory_space<vmem_shared>> -> memref<10240x32xf32, #tpu.memory_space<vmem_shared>>
      tpu.enqueue_indirect_dma source(%arg11 : memref<128x32xf32, #tpu.memory_space<vmem>>) target(%dma_start3A_641 : memref<10240x32xf32, #tpu.memory_space<vmem_shared>>) offsets(%dma_start3A_638 : memref<128xi32, #tpu.memory_space<vmem>>) semaphore(%arg21 : memref<!tpu.dma_semaphore, #tpu.memory_space<semaphore_mem>>) {add = true}
    }
    %scan3A_379 = arith.constant 8 : i32
    %dma_wait3A_380 = arith.constant 0 : i32
    %dma_wait3A_381 = arith.constant 0 : i32
    %dma_wait3A_382 = tpu.memref_slice %arg7[%dma_wait3A_380, %dma_wait3A_381] : memref<40x128xi32, #tpu.memory_space<vmem>> -> memref<1x128xi32, #tpu.memory_space<vmem>>
    %dma_wait3A_383 = tpu.memref_squeeze %dma_wait3A_382 : memref<1x128xi32, #tpu.memory_space<vmem>> -> memref<128xi32, #tpu.memory_space<vmem>>
    %dma_wait3A_384 = arith.constant 0 : i32
    %dma_wait3A_385 = arith.constant 0 : i32
    %dma_wait3A_386 = tpu.memref_slice %arg12[%dma_wait3A_384, %dma_wait3A_385] : memref<10240x32xf32, #tpu.memory_space<vmem_shared>> -> memref<10240x32xf32, #tpu.memory_space<vmem_shared>>
    tpu.wait_indirect_dma semaphore(%arg20 : memref<!tpu.dma_semaphore, #tpu.memory_space<semaphore_mem>>) src(%arg10 : memref<128x32xf32, #tpu.memory_space<vmem>>) dst(%dma_wait3A_386 : memref<10240x32xf32, #tpu.memory_space<vmem_shared>>)
    %dma_start3A_387 = arith.constant 38 : i32
    %dma_start3A_388 = arith.constant 0 : i32
    %dma_start3A_389 = tpu.memref_slice %arg6[%dma_start3A_387, %dma_start3A_388] : memref<40x128xi32, #tpu.memory_space<vmem>> -> memref<1x128xi32, #tpu.memory_space<vmem>>
    %dma_start3A_390 = tpu.memref_squeeze %dma_start3A_389 : memref<1x128xi32, #tpu.memory_space<vmem>> -> memref<128xi32, #tpu.memory_space<vmem>>
    %dma_start3A_391 = arith.constant 0 : i32
    %dma_start3A_392 = arith.constant 0 : i32
    %dma_start3A_393 = tpu.memref_slice %arg13[%dma_start3A_391, %dma_start3A_392] : memref<10240x32xf32, #tpu.memory_space<vmem_shared>> -> memref<10240x32xf32, #tpu.memory_space<vmem_shared>>
    tpu.enqueue_indirect_dma source(%dma_start3A_393 : memref<10240x32xf32, #tpu.memory_space<vmem_shared>>) target(%arg10 : memref<128x32xf32, #tpu.memory_space<vmem>>) offsets(%dma_start3A_390 : memref<128xi32, #tpu.memory_space<vmem>>) semaphore(%arg16 : memref<!tpu.dma_semaphore, #tpu.memory_space<semaphore_mem>>)
    %dma_wait3A_394 = arith.constant 0 : i32
    %dma_wait3A_395 = arith.constant 0 : i32
    %dma_wait3A_396 = tpu.memref_slice %arg6[%dma_wait3A_394, %dma_wait3A_395] : memref<40x128xi32, #tpu.memory_space<vmem>> -> memref<1x128xi32, #tpu.memory_space<vmem>>
    %dma_wait3A_397 = tpu.memref_squeeze %dma_wait3A_396 : memref<1x128xi32, #tpu.memory_space<vmem>> -> memref<128xi32, #tpu.memory_space<vmem>>
    %dma_wait3A_398 = arith.constant 0 : i32
    %dma_wait3A_399 = arith.constant 0 : i32
    %dma_wait3A_400 = tpu.memref_slice %arg13[%dma_wait3A_398, %dma_wait3A_399] : memref<10240x32xf32, #tpu.memory_space<vmem_shared>> -> memref<10240x32xf32, #tpu.memory_space<vmem_shared>>
    tpu.wait_indirect_dma semaphore(%arg14 : memref<!tpu.dma_semaphore, #tpu.memory_space<semaphore_mem>>) src(%dma_wait3A_400 : memref<10240x32xf32, #tpu.memory_space<vmem_shared>>) dst(%arg8 : memref<128x32xf32, #tpu.memory_space<vmem>>)
    %dma_start3A_401 = arith.constant 36 : i32
    %dma_start3A_402 = arith.constant 0 : i32
    %dma_start3A_403 = tpu.memref_slice %arg7[%dma_start3A_401, %dma_start3A_402] : memref<40x128xi32, #tpu.memory_space<vmem>> -> memref<1x128xi32, #tpu.memory_space<vmem>>
    %dma_start3A_404 = tpu.memref_squeeze %dma_start3A_403 : memref<1x128xi32, #tpu.memory_space<vmem>> -> memref<128xi32, #tpu.memory_space<vmem>>
    %dma_start3A_405 = arith.constant 0 : i32
    %dma_start3A_406 = arith.constant 0 : i32
    %dma_start3A_407 = tpu.memref_slice %arg12[%dma_start3A_405, %dma_start3A_406] : memref<10240x32xf32, #tpu.memory_space<vmem_shared>> -> memref<10240x32xf32, #tpu.memory_space<vmem_shared>>
    tpu.enqueue_indirect_dma source(%arg8 : memref<128x32xf32, #tpu.memory_space<vmem>>) target(%dma_start3A_407 : memref<10240x32xf32, #tpu.memory_space<vmem_shared>>) offsets(%dma_start3A_404 : memref<128xi32, #tpu.memory_space<vmem>>) semaphore(%arg18 : memref<!tpu.dma_semaphore, #tpu.memory_space<semaphore_mem>>) {add = true}
    %dma_wait3A_408 = arith.constant 0 : i32
    %dma_wait3A_409 = arith.constant 0 : i32
    %dma_wait3A_410 = tpu.memref_slice %arg7[%dma_wait3A_408, %dma_wait3A_409] : memref<40x128xi32, #tpu.memory_space<vmem>> -> memref<1x128xi32, #tpu.memory_space<vmem>>
    %dma_wait3A_411 = tpu.memref_squeeze %dma_wait3A_410 : memref<1x128xi32, #tpu.memory_space<vmem>> -> memref<128xi32, #tpu.memory_space<vmem>>
    %dma_wait3A_412 = arith.constant 0 : i32
    %dma_wait3A_413 = arith.constant 0 : i32
    %dma_wait3A_414 = tpu.memref_slice %arg12[%dma_wait3A_412, %dma_wait3A_413] : memref<10240x32xf32, #tpu.memory_space<vmem_shared>> -> memref<10240x32xf32, #tpu.memory_space<vmem_shared>>
    tpu.wait_indirect_dma semaphore(%arg21 : memref<!tpu.dma_semaphore, #tpu.memory_space<semaphore_mem>>) src(%arg11 : memref<128x32xf32, #tpu.memory_space<vmem>>) dst(%dma_wait3A_414 : memref<10240x32xf32, #tpu.memory_space<vmem_shared>>)
    %dma_start3A_415 = arith.constant 39 : i32
    %dma_start3A_416 = arith.constant 0 : i32
    %dma_start3A_417 = tpu.memref_slice %arg6[%dma_start3A_415, %dma_start3A_416] : memref<40x128xi32, #tpu.memory_space<vmem>> -> memref<1x128xi32, #tpu.memory_space<vmem>>
    %dma_start3A_418 = tpu.memref_squeeze %dma_start3A_417 : memref<1x128xi32, #tpu.memory_space<vmem>> -> memref<128xi32, #tpu.memory_space<vmem>>
    %dma_start3A_419 = arith.constant 0 : i32
    %dma_start3A_420 = arith.constant 0 : i32
    %dma_start3A_421 = tpu.memref_slice %arg13[%dma_start3A_419, %dma_start3A_420] : memref<10240x32xf32, #tpu.memory_space<vmem_shared>> -> memref<10240x32xf32, #tpu.memory_space<vmem_shared>>
    tpu.enqueue_indirect_dma source(%dma_start3A_421 : memref<10240x32xf32, #tpu.memory_space<vmem_shared>>) target(%arg11 : memref<128x32xf32, #tpu.memory_space<vmem>>) offsets(%dma_start3A_418 : memref<128xi32, #tpu.memory_space<vmem>>) semaphore(%arg17 : memref<!tpu.dma_semaphore, #tpu.memory_space<semaphore_mem>>)
    %dma_wait3A_422 = arith.constant 0 : i32
    %dma_wait3A_423 = arith.constant 0 : i32
    %dma_wait3A_424 = tpu.memref_slice %arg6[%dma_wait3A_422, %dma_wait3A_423] : memref<40x128xi32, #tpu.memory_space<vmem>> -> memref<1x128xi32, #tpu.memory_space<vmem>>
    %dma_wait3A_425 = tpu.memref_squeeze %dma_wait3A_424 : memref<1x128xi32, #tpu.memory_space<vmem>> -> memref<128xi32, #tpu.memory_space<vmem>>
    %dma_wait3A_426 = arith.constant 0 : i32
    %dma_wait3A_427 = arith.constant 0 : i32
    %dma_wait3A_428 = tpu.memref_slice %arg13[%dma_wait3A_426, %dma_wait3A_427] : memref<10240x32xf32, #tpu.memory_space<vmem_shared>> -> memref<10240x32xf32, #tpu.memory_space<vmem_shared>>
    tpu.wait_indirect_dma semaphore(%arg15 : memref<!tpu.dma_semaphore, #tpu.memory_space<semaphore_mem>>) src(%dma_wait3A_428 : memref<10240x32xf32, #tpu.memory_space<vmem_shared>>) dst(%arg9 : memref<128x32xf32, #tpu.memory_space<vmem>>)
    %dma_start3A_429 = arith.constant 37 : i32
    %dma_start3A_430 = arith.constant 0 : i32
    %dma_start3A_431 = tpu.memref_slice %arg7[%dma_start3A_429, %dma_start3A_430] : memref<40x128xi32, #tpu.memory_space<vmem>> -> memref<1x128xi32, #tpu.memory_space<vmem>>
    %dma_start3A_432 = tpu.memref_squeeze %dma_start3A_431 : memref<1x128xi32, #tpu.memory_space<vmem>> -> memref<128xi32, #tpu.memory_space<vmem>>
    %dma_start3A_433 = arith.constant 0 : i32
    %dma_start3A_434 = arith.constant 0 : i32
    %dma_start3A_435 = tpu.memref_slice %arg12[%dma_start3A_433, %dma_start3A_434] : memref<10240x32xf32, #tpu.memory_space<vmem_shared>> -> memref<10240x32xf32, #tpu.memory_space<vmem_shared>>
    tpu.enqueue_indirect_dma source(%arg9 : memref<128x32xf32, #tpu.memory_space<vmem>>) target(%dma_start3A_435 : memref<10240x32xf32, #tpu.memory_space<vmem_shared>>) offsets(%dma_start3A_432 : memref<128xi32, #tpu.memory_space<vmem>>) semaphore(%arg19 : memref<!tpu.dma_semaphore, #tpu.memory_space<semaphore_mem>>) {add = true}
    %dma_wait3A_436 = arith.constant 0 : i32
    %dma_wait3A_437 = arith.constant 0 : i32
    %dma_wait3A_438 = tpu.memref_slice %arg6[%dma_wait3A_436, %dma_wait3A_437] : memref<40x128xi32, #tpu.memory_space<vmem>> -> memref<1x128xi32, #tpu.memory_space<vmem>>
    %dma_wait3A_439 = tpu.memref_squeeze %dma_wait3A_438 : memref<1x128xi32, #tpu.memory_space<vmem>> -> memref<128xi32, #tpu.memory_space<vmem>>
    %dma_wait3A_440 = arith.constant 0 : i32
    %dma_wait3A_441 = arith.constant 0 : i32
    %dma_wait3A_442 = tpu.memref_slice %arg13[%dma_wait3A_440, %dma_wait3A_441] : memref<10240x32xf32, #tpu.memory_space<vmem_shared>> -> memref<10240x32xf32, #tpu.memory_space<vmem_shared>>
    tpu.wait_indirect_dma semaphore(%arg16 : memref<!tpu.dma_semaphore, #tpu.memory_space<semaphore_mem>>) src(%dma_wait3A_442 : memref<10240x32xf32, #tpu.memory_space<vmem_shared>>) dst(%arg10 : memref<128x32xf32, #tpu.memory_space<vmem>>)
    %dma_start3A_443 = arith.constant 38 : i32
    %dma_start3A_444 = arith.constant 0 : i32
    %dma_start3A_445 = tpu.memref_slice %arg7[%dma_start3A_443, %dma_start3A_444] : memref<40x128xi32, #tpu.memory_space<vmem>> -> memref<1x128xi32, #tpu.memory_space<vmem>>
    %dma_start3A_446 = tpu.memref_squeeze %dma_start3A_445 : memref<1x128xi32, #tpu.memory_space<vmem>> -> memref<128xi32, #tpu.memory_space<vmem>>
    %dma_start3A_447 = arith.constant 0 : i32
    %dma_start3A_448 = arith.constant 0 : i32
    %dma_start3A_449 = tpu.memref_slice %arg12[%dma_start3A_447, %dma_start3A_448] : memref<10240x32xf32, #tpu.memory_space<vmem_shared>> -> memref<10240x32xf32, #tpu.memory_space<vmem_shared>>
    tpu.enqueue_indirect_dma source(%arg10 : memref<128x32xf32, #tpu.memory_space<vmem>>) target(%dma_start3A_449 : memref<10240x32xf32, #tpu.memory_space<vmem_shared>>) offsets(%dma_start3A_446 : memref<128xi32, #tpu.memory_space<vmem>>) semaphore(%arg20 : memref<!tpu.dma_semaphore, #tpu.memory_space<semaphore_mem>>) {add = true}
    %dma_wait3A_450 = arith.constant 0 : i32
    %dma_wait3A_451 = arith.constant 0 : i32
    %dma_wait3A_452 = tpu.memref_slice %arg6[%dma_wait3A_450, %dma_wait3A_451] : memref<40x128xi32, #tpu.memory_space<vmem>> -> memref<1x128xi32, #tpu.memory_space<vmem>>
    %dma_wait3A_453 = tpu.memref_squeeze %dma_wait3A_452 : memref<1x128xi32, #tpu.memory_space<vmem>> -> memref<128xi32, #tpu.memory_space<vmem>>
    %dma_wait3A_454 = arith.constant 0 : i32
    %dma_wait3A_455 = arith.constant 0 : i32
    %dma_wait3A_456 = tpu.memref_slice %arg13[%dma_wait3A_454, %dma_wait3A_455] : memref<10240x32xf32, #tpu.memory_space<vmem_shared>> -> memref<10240x32xf32, #tpu.memory_space<vmem_shared>>
    tpu.wait_indirect_dma semaphore(%arg17 : memref<!tpu.dma_semaphore, #tpu.memory_space<semaphore_mem>>) src(%dma_wait3A_456 : memref<10240x32xf32, #tpu.memory_space<vmem_shared>>) dst(%arg11 : memref<128x32xf32, #tpu.memory_space<vmem>>)
    %dma_start3A_457 = arith.constant 39 : i32
    %dma_start3A_458 = arith.constant 0 : i32
    %dma_start3A_459 = tpu.memref_slice %arg7[%dma_start3A_457, %dma_start3A_458] : memref<40x128xi32, #tpu.memory_space<vmem>> -> memref<1x128xi32, #tpu.memory_space<vmem>>
    %dma_start3A_460 = tpu.memref_squeeze %dma_start3A_459 : memref<1x128xi32, #tpu.memory_space<vmem>> -> memref<128xi32, #tpu.memory_space<vmem>>
    %dma_start3A_461 = arith.constant 0 : i32
    %dma_start3A_462 = arith.constant 0 : i32
    %dma_start3A_463 = tpu.memref_slice %arg12[%dma_start3A_461, %dma_start3A_462] : memref<10240x32xf32, #tpu.memory_space<vmem_shared>> -> memref<10240x32xf32, #tpu.memory_space<vmem_shared>>
    tpu.enqueue_indirect_dma source(%arg11 : memref<128x32xf32, #tpu.memory_space<vmem>>) target(%dma_start3A_463 : memref<10240x32xf32, #tpu.memory_space<vmem_shared>>) offsets(%dma_start3A_460 : memref<128xi32, #tpu.memory_space<vmem>>) semaphore(%arg21 : memref<!tpu.dma_semaphore, #tpu.memory_space<semaphore_mem>>) {add = true}
    %dma_wait3A_464 = arith.constant 0 : i32
    %dma_wait3A_465 = arith.constant 0 : i32
    %dma_wait3A_466 = tpu.memref_slice %arg7[%dma_wait3A_464, %dma_wait3A_465] : memref<40x128xi32, #tpu.memory_space<vmem>> -> memref<1x128xi32, #tpu.memory_space<vmem>>
    %dma_wait3A_467 = tpu.memref_squeeze %dma_wait3A_466 : memref<1x128xi32, #tpu.memory_space<vmem>> -> memref<128xi32, #tpu.memory_space<vmem>>
    %dma_wait3A_468 = arith.constant 0 : i32
    %dma_wait3A_469 = arith.constant 0 : i32
    %dma_wait3A_470 = tpu.memref_slice %arg12[%dma_wait3A_468, %dma_wait3A_469] : memref<10240x32xf32, #tpu.memory_space<vmem_shared>> -> memref<10240x32xf32, #tpu.memory_space<vmem_shared>>
    tpu.wait_indirect_dma semaphore(%arg18 : memref<!tpu.dma_semaphore, #tpu.memory_space<semaphore_mem>>) src(%arg8 : memref<128x32xf32, #tpu.memory_space<vmem>>) dst(%dma_wait3A_470 : memref<10240x32xf32, #tpu.memory_space<vmem_shared>>)
    %dma_wait3A_471 = arith.constant 0 : i32
    %dma_wait3A_472 = arith.constant 0 : i32
    %dma_wait3A_473 = tpu.memref_slice %arg7[%dma_wait3A_471, %dma_wait3A_472] : memref<40x128xi32, #tpu.memory_space<vmem>> -> memref<1x128xi32, #tpu.memory_space<vmem>>
    %dma_wait3A_474 = tpu.memref_squeeze %dma_wait3A_473 : memref<1x128xi32, #tpu.memory_space<vmem>> -> memref<128xi32, #tpu.memory_space<vmem>>
    %dma_wait3A_475 = arith.constant 0 : i32
    %dma_wait3A_476 = arith.constant 0 : i32
    %dma_wait3A_477 = tpu.memref_slice %arg12[%dma_wait3A_475, %dma_wait3A_476] : memref<10240x32xf32, #tpu.memory_space<vmem_shared>> -> memref<10240x32xf32, #tpu.memory_space<vmem_shared>>
    tpu.wait_indirect_dma semaphore(%arg19 : memref<!tpu.dma_semaphore, #tpu.memory_space<semaphore_mem>>) src(%arg9 : memref<128x32xf32, #tpu.memory_space<vmem>>) dst(%dma_wait3A_477 : memref<10240x32xf32, #tpu.memory_space<vmem_shared>>)
    %dma_wait3A_478 = arith.constant 0 : i32
    %dma_wait3A_479 = arith.constant 0 : i32
    %dma_wait3A_480 = tpu.memref_slice %arg7[%dma_wait3A_478, %dma_wait3A_479] : memref<40x128xi32, #tpu.memory_space<vmem>> -> memref<1x128xi32, #tpu.memory_space<vmem>>
    %dma_wait3A_481 = tpu.memref_squeeze %dma_wait3A_480 : memref<1x128xi32, #tpu.memory_space<vmem>> -> memref<128xi32, #tpu.memory_space<vmem>>
    %dma_wait3A_482 = arith.constant 0 : i32
    %dma_wait3A_483 = arith.constant 0 : i32
    %dma_wait3A_484 = tpu.memref_slice %arg12[%dma_wait3A_482, %dma_wait3A_483] : memref<10240x32xf32, #tpu.memory_space<vmem_shared>> -> memref<10240x32xf32, #tpu.memory_space<vmem_shared>>
    tpu.wait_indirect_dma semaphore(%arg20 : memref<!tpu.dma_semaphore, #tpu.memory_space<semaphore_mem>>) src(%arg10 : memref<128x32xf32, #tpu.memory_space<vmem>>) dst(%dma_wait3A_484 : memref<10240x32xf32, #tpu.memory_space<vmem_shared>>)
    %dma_wait3A_485 = arith.constant 0 : i32
    %dma_wait3A_486 = arith.constant 0 : i32
    %dma_wait3A_487 = tpu.memref_slice %arg7[%dma_wait3A_485, %dma_wait3A_486] : memref<40x128xi32, #tpu.memory_space<vmem>> -> memref<1x128xi32, #tpu.memory_space<vmem>>
    %dma_wait3A_488 = tpu.memref_squeeze %dma_wait3A_487 : memref<1x128xi32, #tpu.memory_space<vmem>> -> memref<128xi32, #tpu.memory_space<vmem>>
    %dma_wait3A_489 = arith.constant 0 : i32
    %dma_wait3A_490 = arith.constant 0 : i32
    %dma_wait3A_491 = tpu.memref_slice %arg12[%dma_wait3A_489, %dma_wait3A_490] : memref<10240x32xf32, #tpu.memory_space<vmem_shared>> -> memref<10240x32xf32, #tpu.memory_space<vmem_shared>>
    tpu.wait_indirect_dma semaphore(%arg21 : memref<!tpu.dma_semaphore, #tpu.memory_space<semaphore_mem>>) src(%arg11 : memref<128x32xf32, #tpu.memory_space<vmem>>) dst(%dma_wait3A_491 : memref<10240x32xf32, #tpu.memory_space<vmem_shared>>)
    %barrier3A_492 = arith.constant 0 : index
    tpu.barrier barrier_id(%barrier3A_492)
    %mul3A_493 = arith.constant 640 : i32
    %mul3A_494 = arith.muli %arg1, %mul3A_493 : i32
    %add3A_495 = arith.constant 0 : i32
    %add3A_496 = arith.addi %mul3A_494, %add3A_495 : i32
    "tpu.region"() ({
      %run_scoped3A = tpu.sem_alloc : memref<!tpu.dma_semaphore, #tpu.memory_space<semaphore_mem>>
      %dma_start3A_513 = arith.constant 0 : i32
      %dma_start3A_514 = tpu.memref_slice %arg12[%add3A_496, %dma_start3A_513] : memref<10240x32xf32, #tpu.memory_space<vmem_shared>> -> memref<128x32xf32, #tpu.memory_space<vmem_shared>>
      %dma_start3A_515 = arith.constant 0 : i32
      %dma_start3A_516 = tpu.memref_slice %arg12[%add3A_496, %dma_start3A_515] : memref<10240x32xf32, #tpu.memory_space<vmem_shared>> -> memref<128x32xf32, #tpu.memory_space<vmem_shared>>
      tpu.enqueue_dma source(%dma_start3A_516 : memref<128x32xf32, #tpu.memory_space<vmem_shared>>) target(%arg8 : memref<128x32xf32, #tpu.memory_space<vmem>>) target_semaphore(%run_scoped3A : memref<!tpu.dma_semaphore, #tpu.memory_space<semaphore_mem>>)
      %dma_wait3A_517 = arith.constant 0 : i32
      %dma_wait3A_518 = tpu.memref_slice %arg12[%add3A_496, %dma_wait3A_517] : memref<10240x32xf32, #tpu.memory_space<vmem_shared>> -> memref<128x32xf32, #tpu.memory_space<vmem_shared>>
      %dma_wait3A_519 = arith.constant 0 : i32
      %dma_wait3A_520 = tpu.memref_slice %arg12[%add3A_496, %dma_wait3A_519] : memref<10240x32xf32, #tpu.memory_space<vmem_shared>> -> memref<128x32xf32, #tpu.memory_space<vmem_shared>>
      tpu.wait_dma2 semaphore(%run_scoped3A : memref<!tpu.dma_semaphore, #tpu.memory_space<semaphore_mem>>) src(%dma_wait3A_520 : memref<128x32xf32, #tpu.memory_space<vmem_shared>>) dst(%arg8 : memref<128x32xf32, #tpu.memory_space<vmem>>)
      tpu.yield
    }) : () -> ()
    "tpu.region"() ({
      %run_scoped3A = tpu.sem_alloc : memref<!tpu.dma_semaphore, #tpu.memory_space<semaphore_mem>>
      %dma_start3A_513 = arith.constant 0 : i32
      %dma_start3A_514 = tpu.memref_slice %arg5[%arg0, %add3A_496, %dma_start3A_513] : memref<2x10240x32xf32, #tpu.memory_space<hbm>> -> memref<1x128x32xf32, #tpu.memory_space<hbm>>
      %dma_start3A_515 = tpu.memref_squeeze %dma_start3A_514 : memref<1x128x32xf32, #tpu.memory_space<hbm>> -> memref<128x32xf32, #tpu.memory_space<hbm>>
      %dma_start3A_516 = arith.constant 0 : i32
      %dma_start3A_517 = tpu.memref_slice %arg5[%arg0, %add3A_496, %dma_start3A_516] : memref<2x10240x32xf32, #tpu.memory_space<hbm>> -> memref<1x128x32xf32, #tpu.memory_space<hbm>>
      %dma_start3A_518 = tpu.memref_squeeze %dma_start3A_517 : memref<1x128x32xf32, #tpu.memory_space<hbm>> -> memref<128x32xf32, #tpu.memory_space<hbm>>
      tpu.enqueue_dma source(%arg8 : memref<128x32xf32, #tpu.memory_space<vmem>>) target(%dma_start3A_518 : memref<128x32xf32, #tpu.memory_space<hbm>>) target_semaphore(%run_scoped3A : memref<!tpu.dma_semaphore, #tpu.memory_space<semaphore_mem>>)
      %dma_wait3A_519 = arith.constant 0 : i32
      %dma_wait3A_520 = tpu.memref_slice %arg5[%arg0, %add3A_496, %dma_wait3A_519] : memref<2x10240x32xf32, #tpu.memory_space<hbm>> -> memref<1x128x32xf32, #tpu.memory_space<hbm>>
      %dma_wait3A_521 = tpu.memref_squeeze %dma_wait3A_520 : memref<1x128x32xf32, #tpu.memory_space<hbm>> -> memref<128x32xf32, #tpu.memory_space<hbm>>
      %dma_wait3A_522 = arith.constant 0 : i32
      %dma_wait3A_523 = tpu.memref_slice %arg5[%arg0, %add3A_496, %dma_wait3A_522] : memref<2x10240x32xf32, #tpu.memory_space<hbm>> -> memref<1x128x32xf32, #tpu.memory_space<hbm>>
      %dma_wait3A_524 = tpu.memref_squeeze %dma_wait3A_523 : memref<1x128x32xf32, #tpu.memory_space<hbm>> -> memref<128x32xf32, #tpu.memory_space<hbm>>
      tpu.wait_dma2 semaphore(%run_scoped3A : memref<!tpu.dma_semaphore, #tpu.memory_space<semaphore_mem>>) src(%arg8 : memref<128x32xf32, #tpu.memory_space<vmem>>) dst(%dma_wait3A_524 : memref<128x32xf32, #tpu.memory_space<hbm>>)
      tpu.yield
    }) : () -> ()
    %mul3A_497 = arith.constant 640 : i32
    %mul3A_498 = arith.muli %arg1, %mul3A_497 : i32
    %add3A_499 = arith.constant 128 : i32
    %add3A_500 = arith.addi %mul3A_498, %add3A_499 : i32
    "tpu.region"() ({
      %run_scoped3A = tpu.sem_alloc : memref<!tpu.dma_semaphore, #tpu.memory_space<semaphore_mem>>
      %dma_start3A_513 = arith.constant 0 : i32
      %dma_start3A_514 = tpu.memref_slice %arg12[%add3A_500, %dma_start3A_513] : memref<10240x32xf32, #tpu.memory_space<vmem_shared>> -> memref<128x32xf32, #tpu.memory_space<vmem_shared>>
      %dma_start3A_515 = arith.constant 0 : i32
      %dma_start3A_516 = tpu.memref_slice %arg12[%add3A_500, %dma_start3A_515] : memref<10240x32xf32, #tpu.memory_space<vmem_shared>> -> memref<128x32xf32, #tpu.memory_space<vmem_shared>>
      tpu.enqueue_dma source(%dma_start3A_516 : memref<128x32xf32, #tpu.memory_space<vmem_shared>>) target(%arg8 : memref<128x32xf32, #tpu.memory_space<vmem>>) target_semaphore(%run_scoped3A : memref<!tpu.dma_semaphore, #tpu.memory_space<semaphore_mem>>)
      %dma_wait3A_517 = arith.constant 0 : i32
      %dma_wait3A_518 = tpu.memref_slice %arg12[%add3A_500, %dma_wait3A_517] : memref<10240x32xf32, #tpu.memory_space<vmem_shared>> -> memref<128x32xf32, #tpu.memory_space<vmem_shared>>
      %dma_wait3A_519 = arith.constant 0 : i32
      %dma_wait3A_520 = tpu.memref_slice %arg12[%add3A_500, %dma_wait3A_519] : memref<10240x32xf32, #tpu.memory_space<vmem_shared>> -> memref<128x32xf32, #tpu.memory_space<vmem_shared>>
      tpu.wait_dma2 semaphore(%run_scoped3A : memref<!tpu.dma_semaphore, #tpu.memory_space<semaphore_mem>>) src(%dma_wait3A_520 : memref<128x32xf32, #tpu.memory_space<vmem_shared>>) dst(%arg8 : memref<128x32xf32, #tpu.memory_space<vmem>>)
      tpu.yield
    }) : () -> ()
    "tpu.region"() ({
      %run_scoped3A = tpu.sem_alloc : memref<!tpu.dma_semaphore, #tpu.memory_space<semaphore_mem>>
      %dma_start3A_513 = arith.constant 0 : i32
      %dma_start3A_514 = tpu.memref_slice %arg5[%arg0, %add3A_500, %dma_start3A_513] : memref<2x10240x32xf32, #tpu.memory_space<hbm>> -> memref<1x128x32xf32, #tpu.memory_space<hbm>>
      %dma_start3A_515 = tpu.memref_squeeze %dma_start3A_514 : memref<1x128x32xf32, #tpu.memory_space<hbm>> -> memref<128x32xf32, #tpu.memory_space<hbm>>
      %dma_start3A_516 = arith.constant 0 : i32
      %dma_start3A_517 = tpu.memref_slice %arg5[%arg0, %add3A_500, %dma_start3A_516] : memref<2x10240x32xf32, #tpu.memory_space<hbm>> -> memref<1x128x32xf32, #tpu.memory_space<hbm>>
      %dma_start3A_518 = tpu.memref_squeeze %dma_start3A_517 : memref<1x128x32xf32, #tpu.memory_space<hbm>> -> memref<128x32xf32, #tpu.memory_space<hbm>>
      tpu.enqueue_dma source(%arg8 : memref<128x32xf32, #tpu.memory_space<vmem>>) target(%dma_start3A_518 : memref<128x32xf32, #tpu.memory_space<hbm>>) target_semaphore(%run_scoped3A : memref<!tpu.dma_semaphore, #tpu.memory_space<semaphore_mem>>)
      %dma_wait3A_519 = arith.constant 0 : i32
      %dma_wait3A_520 = tpu.memref_slice %arg5[%arg0, %add3A_500, %dma_wait3A_519] : memref<2x10240x32xf32, #tpu.memory_space<hbm>> -> memref<1x128x32xf32, #tpu.memory_space<hbm>>
      %dma_wait3A_521 = tpu.memref_squeeze %dma_wait3A_520 : memref<1x128x32xf32, #tpu.memory_space<hbm>> -> memref<128x32xf32, #tpu.memory_space<hbm>>
      %dma_wait3A_522 = arith.constant 0 : i32
      %dma_wait3A_523 = tpu.memref_slice %arg5[%arg0, %add3A_500, %dma_wait3A_522] : memref<2x10240x32xf32, #tpu.memory_space<hbm>> -> memref<1x128x32xf32, #tpu.memory_space<hbm>>
      %dma_wait3A_524 = tpu.memref_squeeze %dma_wait3A_523 : memref<1x128x32xf32, #tpu.memory_space<hbm>> -> memref<128x32xf32, #tpu.memory_space<hbm>>
      tpu.wait_dma2 semaphore(%run_scoped3A : memref<!tpu.dma_semaphore, #tpu.memory_space<semaphore_mem>>) src(%arg8 : memref<128x32xf32, #tpu.memory_space<vmem>>) dst(%dma_wait3A_524 : memref<128x32xf32, #tpu.memory_space<hbm>>)
      tpu.yield
    }) : () -> ()
    %mul3A_501 = arith.constant 640 : i32
    %mul3A_502 = arith.muli %arg1, %mul3A_501 : i32
    %add3A_503 = arith.constant 256 : i32
    %add3A_504 = arith.addi %mul3A_502, %add3A_503 : i32
    "tpu.region"() ({
      %run_scoped3A = tpu.sem_alloc : memref<!tpu.dma_semaphore, #tpu.memory_space<semaphore_mem>>
      %dma_start3A_513 = arith.constant 0 : i32
      %dma_start3A_514 = tpu.memref_slice %arg12[%add3A_504, %dma_start3A_513] : memref<10240x32xf32, #tpu.memory_space<vmem_shared>> -> memref<128x32xf32, #tpu.memory_space<vmem_shared>>
      %dma_start3A_515 = arith.constant 0 : i32
      %dma_start3A_516 = tpu.memref_slice %arg12[%add3A_504, %dma_start3A_515] : memref<10240x32xf32, #tpu.memory_space<vmem_shared>> -> memref<128x32xf32, #tpu.memory_space<vmem_shared>>
      tpu.enqueue_dma source(%dma_start3A_516 : memref<128x32xf32, #tpu.memory_space<vmem_shared>>) target(%arg8 : memref<128x32xf32, #tpu.memory_space<vmem>>) target_semaphore(%run_scoped3A : memref<!tpu.dma_semaphore, #tpu.memory_space<semaphore_mem>>)
      %dma_wait3A_517 = arith.constant 0 : i32
      %dma_wait3A_518 = tpu.memref_slice %arg12[%add3A_504, %dma_wait3A_517] : memref<10240x32xf32, #tpu.memory_space<vmem_shared>> -> memref<128x32xf32, #tpu.memory_space<vmem_shared>>
      %dma_wait3A_519 = arith.constant 0 : i32
      %dma_wait3A_520 = tpu.memref_slice %arg12[%add3A_504, %dma_wait3A_519] : memref<10240x32xf32, #tpu.memory_space<vmem_shared>> -> memref<128x32xf32, #tpu.memory_space<vmem_shared>>
      tpu.wait_dma2 semaphore(%run_scoped3A : memref<!tpu.dma_semaphore, #tpu.memory_space<semaphore_mem>>) src(%dma_wait3A_520 : memref<128x32xf32, #tpu.memory_space<vmem_shared>>) dst(%arg8 : memref<128x32xf32, #tpu.memory_space<vmem>>)
      tpu.yield
    }) : () -> ()
    "tpu.region"() ({
      %run_scoped3A = tpu.sem_alloc : memref<!tpu.dma_semaphore, #tpu.memory_space<semaphore_mem>>
      %dma_start3A_513 = arith.constant 0 : i32
      %dma_start3A_514 = tpu.memref_slice %arg5[%arg0, %add3A_504, %dma_start3A_513] : memref<2x10240x32xf32, #tpu.memory_space<hbm>> -> memref<1x128x32xf32, #tpu.memory_space<hbm>>
      %dma_start3A_515 = tpu.memref_squeeze %dma_start3A_514 : memref<1x128x32xf32, #tpu.memory_space<hbm>> -> memref<128x32xf32, #tpu.memory_space<hbm>>
      %dma_start3A_516 = arith.constant 0 : i32
      %dma_start3A_517 = tpu.memref_slice %arg5[%arg0, %add3A_504, %dma_start3A_516] : memref<2x10240x32xf32, #tpu.memory_space<hbm>> -> memref<1x128x32xf32, #tpu.memory_space<hbm>>
      %dma_start3A_518 = tpu.memref_squeeze %dma_start3A_517 : memref<1x128x32xf32, #tpu.memory_space<hbm>> -> memref<128x32xf32, #tpu.memory_space<hbm>>
      tpu.enqueue_dma source(%arg8 : memref<128x32xf32, #tpu.memory_space<vmem>>) target(%dma_start3A_518 : memref<128x32xf32, #tpu.memory_space<hbm>>) target_semaphore(%run_scoped3A : memref<!tpu.dma_semaphore, #tpu.memory_space<semaphore_mem>>)
      %dma_wait3A_519 = arith.constant 0 : i32
      %dma_wait3A_520 = tpu.memref_slice %arg5[%arg0, %add3A_504, %dma_wait3A_519] : memref<2x10240x32xf32, #tpu.memory_space<hbm>> -> memref<1x128x32xf32, #tpu.memory_space<hbm>>
      %dma_wait3A_521 = tpu.memref_squeeze %dma_wait3A_520 : memref<1x128x32xf32, #tpu.memory_space<hbm>> -> memref<128x32xf32, #tpu.memory_space<hbm>>
      %dma_wait3A_522 = arith.constant 0 : i32
      %dma_wait3A_523 = tpu.memref_slice %arg5[%arg0, %add3A_504, %dma_wait3A_522] : memref<2x10240x32xf32, #tpu.memory_space<hbm>> -> memref<1x128x32xf32, #tpu.memory_space<hbm>>
      %dma_wait3A_524 = tpu.memref_squeeze %dma_wait3A_523 : memref<1x128x32xf32, #tpu.memory_space<hbm>> -> memref<128x32xf32, #tpu.memory_space<hbm>>
      tpu.wait_dma2 semaphore(%run_scoped3A : memref<!tpu.dma_semaphore, #tpu.memory_space<semaphore_mem>>) src(%arg8 : memref<128x32xf32, #tpu.memory_space<vmem>>) dst(%dma_wait3A_524 : memref<128x32xf32, #tpu.memory_space<hbm>>)
      tpu.yield
    }) : () -> ()
    %mul3A_505 = arith.constant 640 : i32
    %mul3A_506 = arith.muli %arg1, %mul3A_505 : i32
    %add3A_507 = arith.constant 384 : i32
    %add3A_508 = arith.addi %mul3A_506, %add3A_507 : i32
    "tpu.region"() ({
      %run_scoped3A = tpu.sem_alloc : memref<!tpu.dma_semaphore, #tpu.memory_space<semaphore_mem>>
      %dma_start3A_513 = arith.constant 0 : i32
      %dma_start3A_514 = tpu.memref_slice %arg12[%add3A_508, %dma_start3A_513] : memref<10240x32xf32, #tpu.memory_space<vmem_shared>> -> memref<128x32xf32, #tpu.memory_space<vmem_shared>>
      %dma_start3A_515 = arith.constant 0 : i32
      %dma_start3A_516 = tpu.memref_slice %arg12[%add3A_508, %dma_start3A_515] : memref<10240x32xf32, #tpu.memory_space<vmem_shared>> -> memref<128x32xf32, #tpu.memory_space<vmem_shared>>
      tpu.enqueue_dma source(%dma_start3A_516 : memref<128x32xf32, #tpu.memory_space<vmem_shared>>) target(%arg8 : memref<128x32xf32, #tpu.memory_space<vmem>>) target_semaphore(%run_scoped3A : memref<!tpu.dma_semaphore, #tpu.memory_space<semaphore_mem>>)
      %dma_wait3A_517 = arith.constant 0 : i32
      %dma_wait3A_518 = tpu.memref_slice %arg12[%add3A_508, %dma_wait3A_517] : memref<10240x32xf32, #tpu.memory_space<vmem_shared>> -> memref<128x32xf32, #tpu.memory_space<vmem_shared>>
      %dma_wait3A_519 = arith.constant 0 : i32
      %dma_wait3A_520 = tpu.memref_slice %arg12[%add3A_508, %dma_wait3A_519] : memref<10240x32xf32, #tpu.memory_space<vmem_shared>> -> memref<128x32xf32, #tpu.memory_space<vmem_shared>>
      tpu.wait_dma2 semaphore(%run_scoped3A : memref<!tpu.dma_semaphore, #tpu.memory_space<semaphore_mem>>) src(%dma_wait3A_520 : memref<128x32xf32, #tpu.memory_space<vmem_shared>>) dst(%arg8 : memref<128x32xf32, #tpu.memory_space<vmem>>)
      tpu.yield
    }) : () -> ()
    "tpu.region"() ({
      %run_scoped3A = tpu.sem_alloc : memref<!tpu.dma_semaphore, #tpu.memory_space<semaphore_mem>>
      %dma_start3A_513 = arith.constant 0 : i32
      %dma_start3A_514 = tpu.memref_slice %arg5[%arg0, %add3A_508, %dma_start3A_513] : memref<2x10240x32xf32, #tpu.memory_space<hbm>> -> memref<1x128x32xf32, #tpu.memory_space<hbm>>
      %dma_start3A_515 = tpu.memref_squeeze %dma_start3A_514 : memref<1x128x32xf32, #tpu.memory_space<hbm>> -> memref<128x32xf32, #tpu.memory_space<hbm>>
      %dma_start3A_516 = arith.constant 0 : i32
      %dma_start3A_517 = tpu.memref_slice %arg5[%arg0, %add3A_508, %dma_start3A_516] : memref<2x10240x32xf32, #tpu.memory_space<hbm>> -> memref<1x128x32xf32, #tpu.memory_space<hbm>>
      %dma_start3A_518 = tpu.memref_squeeze %dma_start3A_517 : memref<1x128x32xf32, #tpu.memory_space<hbm>> -> memref<128x32xf32, #tpu.memory_space<hbm>>
      tpu.enqueue_dma source(%arg8 : memref<128x32xf32, #tpu.memory_space<vmem>>) target(%dma_start3A_518 : memref<128x32xf32, #tpu.memory_space<hbm>>) target_semaphore(%run_scoped3A : memref<!tpu.dma_semaphore, #tpu.memory_space<semaphore_mem>>)
      %dma_wait3A_519 = arith.constant 0 : i32
      %dma_wait3A_520 = tpu.memref_slice %arg5[%arg0, %add3A_508, %dma_wait3A_519] : memref<2x10240x32xf32, #tpu.memory_space<hbm>> -> memref<1x128x32xf32, #tpu.memory_space<hbm>>
      %dma_wait3A_521 = tpu.memref_squeeze %dma_wait3A_520 : memref<1x128x32xf32, #tpu.memory_space<hbm>> -> memref<128x32xf32, #tpu.memory_space<hbm>>
      %dma_wait3A_522 = arith.constant 0 : i32
      %dma_wait3A_523 = tpu.memref_slice %arg5[%arg0, %add3A_508, %dma_wait3A_522] : memref<2x10240x32xf32, #tpu.memory_space<hbm>> -> memref<1x128x32xf32, #tpu.memory_space<hbm>>
      %dma_wait3A_524 = tpu.memref_squeeze %dma_wait3A_523 : memref<1x128x32xf32, #tpu.memory_space<hbm>> -> memref<128x32xf32, #tpu.memory_space<hbm>>
      tpu.wait_dma2 semaphore(%run_scoped3A : memref<!tpu.dma_semaphore, #tpu.memory_space<semaphore_mem>>) src(%arg8 : memref<128x32xf32, #tpu.memory_space<vmem>>) dst(%dma_wait3A_524 : memref<128x32xf32, #tpu.memory_space<hbm>>)
      tpu.yield
    }) : () -> ()
    %mul3A_509 = arith.constant 640 : i32
    %mul3A_510 = arith.muli %arg1, %mul3A_509 : i32
    %add3A_511 = arith.constant 512 : i32
    %add3A_512 = arith.addi %mul3A_510, %add3A_511 : i32
    "tpu.region"() ({
      %run_scoped3A = tpu.sem_alloc : memref<!tpu.dma_semaphore, #tpu.memory_space<semaphore_mem>>
      %dma_start3A_513 = arith.constant 0 : i32
      %dma_start3A_514 = tpu.memref_slice %arg12[%add3A_512, %dma_start3A_513] : memref<10240x32xf32, #tpu.memory_space<vmem_shared>> -> memref<128x32xf32, #tpu.memory_space<vmem_shared>>
      %dma_start3A_515 = arith.constant 0 : i32
      %dma_start3A_516 = tpu.memref_slice %arg12[%add3A_512, %dma_start3A_515] : memref<10240x32xf32, #tpu.memory_space<vmem_shared>> -> memref<128x32xf32, #tpu.memory_space<vmem_shared>>
      tpu.enqueue_dma source(%dma_start3A_516 : memref<128x32xf32, #tpu.memory_space<vmem_shared>>) target(%arg8 : memref<128x32xf32, #tpu.memory_space<vmem>>) target_semaphore(%run_scoped3A : memref<!tpu.dma_semaphore, #tpu.memory_space<semaphore_mem>>)
      %dma_wait3A_517 = arith.constant 0 : i32
      %dma_wait3A_518 = tpu.memref_slice %arg12[%add3A_512, %dma_wait3A_517] : memref<10240x32xf32, #tpu.memory_space<vmem_shared>> -> memref<128x32xf32, #tpu.memory_space<vmem_shared>>
      %dma_wait3A_519 = arith.constant 0 : i32
      %dma_wait3A_520 = tpu.memref_slice %arg12[%add3A_512, %dma_wait3A_519] : memref<10240x32xf32, #tpu.memory_space<vmem_shared>> -> memref<128x32xf32, #tpu.memory_space<vmem_shared>>
      tpu.wait_dma2 semaphore(%run_scoped3A : memref<!tpu.dma_semaphore, #tpu.memory_space<semaphore_mem>>) src(%dma_wait3A_520 : memref<128x32xf32, #tpu.memory_space<vmem_shared>>) dst(%arg8 : memref<128x32xf32, #tpu.memory_space<vmem>>)
      tpu.yield
    }) : () -> ()
    "tpu.region"() ({
      %run_scoped3A = tpu.sem_alloc : memref<!tpu.dma_semaphore, #tpu.memory_space<semaphore_mem>>
      %dma_start3A_513 = arith.constant 0 : i32
      %dma_start3A_514 = tpu.memref_slice %arg5[%arg0, %add3A_512, %dma_start3A_513] : memref<2x10240x32xf32, #tpu.memory_space<hbm>> -> memref<1x128x32xf32, #tpu.memory_space<hbm>>
      %dma_start3A_515 = tpu.memref_squeeze %dma_start3A_514 : memref<1x128x32xf32, #tpu.memory_space<hbm>> -> memref<128x32xf32, #tpu.memory_space<hbm>>
      %dma_start3A_516 = arith.constant 0 : i32
      %dma_start3A_517 = tpu.memref_slice %arg5[%arg0, %add3A_512, %dma_start3A_516] : memref<2x10240x32xf32, #tpu.memory_space<hbm>> -> memref<1x128x32xf32, #tpu.memory_space<hbm>>
      %dma_start3A_518 = tpu.memref_squeeze %dma_start3A_517 : memref<1x128x32xf32, #tpu.memory_space<hbm>> -> memref<128x32xf32, #tpu.memory_space<hbm>>
      tpu.enqueue_dma source(%arg8 : memref<128x32xf32, #tpu.memory_space<vmem>>) target(%dma_start3A_518 : memref<128x32xf32, #tpu.memory_space<hbm>>) target_semaphore(%run_scoped3A : memref<!tpu.dma_semaphore, #tpu.memory_space<semaphore_mem>>)
      %dma_wait3A_519 = arith.constant 0 : i32
      %dma_wait3A_520 = tpu.memref_slice %arg5[%arg0, %add3A_512, %dma_wait3A_519] : memref<2x10240x32xf32, #tpu.memory_space<hbm>> -> memref<1x128x32xf32, #tpu.memory_space<hbm>>
      %dma_wait3A_521 = tpu.memref_squeeze %dma_wait3A_520 : memref<1x128x32xf32, #tpu.memory_space<hbm>> -> memref<128x32xf32, #tpu.memory_space<hbm>>
      %dma_wait3A_522 = arith.constant 0 : i32
      %dma_wait3A_523 = tpu.memref_slice %arg5[%arg0, %add3A_512, %dma_wait3A_522] : memref<2x10240x32xf32, #tpu.memory_space<hbm>> -> memref<1x128x32xf32, #tpu.memory_space<hbm>>
      %dma_wait3A_524 = tpu.memref_squeeze %dma_wait3A_523 : memref<1x128x32xf32, #tpu.memory_space<hbm>> -> memref<128x32xf32, #tpu.memory_space<hbm>>
      tpu.wait_dma2 semaphore(%run_scoped3A : memref<!tpu.dma_semaphore, #tpu.memory_space<semaphore_mem>>) src(%arg8 : memref<128x32xf32, #tpu.memory_space<vmem>>) dst(%dma_wait3A_524 : memref<128x32xf32, #tpu.memory_space<hbm>>)
      tpu.yield
    }) : () -> ()
    return
  }
}

#map = affine_map<(d0, d1) -> (0, 0)>
#map1 = affine_map<(d0, d1) -> (0, 0, 0)>
module attributes {stable_mosaic.version = 14 : i64} {
  func.func @scat(%arg0: i32, %arg1: i32, %arg2: memref<2688x128xi32, #tpu.memory_space<hbm>>, %arg3: memref<2688x128xi32, #tpu.memory_space<hbm>>, %arg4: memref<10000x64xf32, #tpu.memory_space<hbm>>, %arg5: memref<2x10240x64xf32, #tpu.memory_space<hbm>>, %arg6: memref<40x128xi32, #tpu.memory_space<vmem>>, %arg7: memref<40x128xi32, #tpu.memory_space<vmem>>, %arg8: memref<128x64xf32, #tpu.memory_space<vmem>>, %arg9: memref<128x64xf32, #tpu.memory_space<vmem>>, %arg10: memref<128x64xf32, #tpu.memory_space<vmem>>, %arg11: memref<128x64xf32, #tpu.memory_space<vmem>>, %arg12: memref<10240x64xf32, #tpu.memory_space<vmem_shared>>, %arg13: memref<10240x64xf32, #tpu.memory_space<vmem_shared>>, %arg14: memref<!tpu.dma_semaphore, #tpu.memory_space<semaphore_mem>>, %arg15: memref<!tpu.dma_semaphore, #tpu.memory_space<semaphore_mem>>, %arg16: memref<!tpu.dma_semaphore, #tpu.memory_space<semaphore_mem>>, %arg17: memref<!tpu.dma_semaphore, #tpu.memory_space<semaphore_mem>>, %arg18: memref<!tpu.dma_semaphore, #tpu.memory_space<semaphore_mem>>, %arg19: memref<!tpu.dma_semaphore, #tpu.memory_space<semaphore_mem>>, %arg20: memref<!tpu.dma_semaphore, #tpu.memory_space<semaphore_mem>>, %arg21: memref<!tpu.dma_semaphore, #tpu.memory_space<semaphore_mem>>) attributes {dimension_semantics = [#tpu.dimension_semantics<core_parallel>, #tpu.dimension_semantics<subcore_parallel>], iteration_bounds = array<i64: 2, 16>, scalar_prefetch = 0 : i64, scratch_operands = 16 : i64, tpu.core_type = #tpu.core_type<sc_vector_subcore>, window_params = [{transform_indices = #map}, {transform_indices = #map}, {transform_indices = #map}, {transform_indices = #map1}]} {
    %mul3A = arith.constant 16 : i32
    %mul3A_0 = arith.muli %arg0, %mul3A : i32
    %add3A = arith.addi %mul3A_0, %arg1 : i32
    %scan3A = arith.constant 0 : i32
    %scan3A_1 = arith.constant 0 : i32
    %scan3A_2 = arith.constant 128 : i32
    %scan3A_3 = arith.addi %scan3A_1, %scan3A_2 : i32
    %scan3A_4 = arith.constant 1 : i32
    scf.for %scan3A_513 = %scan3A_1 to %scan3A_3 step %scan3A_4  : i32 {
      %broadcast_in_dim3A = arith.constant 0.000000e+00 : f32
      %broadcast_in_dim3A_514 = vector.broadcast %broadcast_in_dim3A : f32 to vector<16xf32>
      %swap3A = arith.index_cast %scan3A_513 : i32 to index
      %swap3A_515 = arith.constant 0 : index
      %swap3A_516 = tpu.vector_load %arg8[%swap3A, %swap3A_515] {strides = array<i32>} : memref<128x64xf32, #tpu.memory_space<vmem>>, vector<1x16xf32>,
      %swap3A_517 = vector.shape_cast %swap3A_516 : vector<1x16xf32> to vector<16xf32>
      %swap3A_518 = vector.shape_cast %broadcast_in_dim3A_514 : vector<16xf32> to vector<1x16xf32>
      tpu.vector_store %arg8[%swap3A, %swap3A_515], %swap3A_518 {strides = array<i32>} : memref<128x64xf32, #tpu.memory_space<vmem>>, vector<1x16xf32>,
      %broadcast_in_dim3A_519 = arith.constant 0.000000e+00 : f32
      %broadcast_in_dim3A_520 = vector.broadcast %broadcast_in_dim3A_519 : f32 to vector<16xf32>
      %swap3A_521 = arith.index_cast %scan3A_513 : i32 to index
      %swap3A_522 = arith.constant 16 : index
      %swap3A_523 = tpu.vector_load %arg8[%swap3A_521, %swap3A_522] {strides = array<i32>} : memref<128x64xf32, #tpu.memory_space<vmem>>, vector<1x16xf32>,
      %swap3A_524 = vector.shape_cast %swap3A_523 : vector<1x16xf32> to vector<16xf32>
      %swap3A_525 = vector.shape_cast %broadcast_in_dim3A_520 : vector<16xf32> to vector<1x16xf32>
      tpu.vector_store %arg8[%swap3A_521, %swap3A_522], %swap3A_525 {strides = array<i32>} : memref<128x64xf32, #tpu.memory_space<vmem>>, vector<1x16xf32>,
      %broadcast_in_dim3A_526 = arith.constant 0.000000e+00 : f32
      %broadcast_in_dim3A_527 = vector.broadcast %broadcast_in_dim3A_526 : f32 to vector<16xf32>
      %swap3A_528 = arith.index_cast %scan3A_513 : i32 to index
      %swap3A_529 = arith.constant 32 : index
      %swap3A_530 = tpu.vector_load %arg8[%swap3A_528, %swap3A_529] {strides = array<i32>} : memref<128x64xf32, #tpu.memory_space<vmem>>, vector<1x16xf32>,
      %swap3A_531 = vector.shape_cast %swap3A_530 : vector<1x16xf32> to vector<16xf32>
      %swap3A_532 = vector.shape_cast %broadcast_in_dim3A_527 : vector<16xf32> to vector<1x16xf32>
      tpu.vector_store %arg8[%swap3A_528, %swap3A_529], %swap3A_532 {strides = array<i32>} : memref<128x64xf32, #tpu.memory_space<vmem>>, vector<1x16xf32>,
      %broadcast_in_dim3A_533 = arith.constant 0.000000e+00 : f32
      %broadcast_in_dim3A_534 = vector.broadcast %broadcast_in_dim3A_533 : f32 to vector<16xf32>
      %swap3A_535 = arith.index_cast %scan3A_513 : i32 to index
      %swap3A_536 = arith.constant 48 : index
      %swap3A_537 = tpu.vector_load %arg8[%swap3A_535, %swap3A_536] {strides = array<i32>} : memref<128x64xf32, #tpu.memory_space<vmem>>, vector<1x16xf32>,
      %swap3A_538 = vector.shape_cast %swap3A_537 : vector<1x16xf32> to vector<16xf32>
      %swap3A_539 = vector.shape_cast %broadcast_in_dim3A_534 : vector<16xf32> to vector<1x16xf32>
      tpu.vector_store %arg8[%swap3A_535, %swap3A_536], %swap3A_539 {strides = array<i32>} : memref<128x64xf32, #tpu.memory_space<vmem>>, vector<1x16xf32>,
    }
    %scan3A_5 = arith.constant 128 : i32
    %mul3A_6 = arith.constant 640 : i32
    %mul3A_7 = arith.muli %arg1, %mul3A_6 : i32
    %add3A_8 = arith.constant 0 : i32
    %add3A_9 = arith.addi %mul3A_7, %add3A_8 : i32
    "tpu.region"() ({
      %run_scoped3A = tpu.sem_alloc : memref<!tpu.dma_semaphore, #tpu.memory_space<semaphore_mem>>
      %dma_start3A_513 = arith.constant 0 : i32
      %dma_start3A_514 = tpu.memref_slice %arg12[%add3A_9, %dma_start3A_513] : memref<10240x64xf32, #tpu.memory_space<vmem_shared>> -> memref<128x64xf32, #tpu.memory_space<vmem_shared>>
      %dma_start3A_515 = arith.constant 0 : i32
      %dma_start3A_516 = tpu.memref_slice %arg12[%add3A_9, %dma_start3A_515] : memref<10240x64xf32, #tpu.memory_space<vmem_shared>> -> memref<128x64xf32, #tpu.memory_space<vmem_shared>>
      tpu.enqueue_dma source(%arg8 : memref<128x64xf32, #tpu.memory_space<vmem>>) target(%dma_start3A_516 : memref<128x64xf32, #tpu.memory_space<vmem_shared>>) target_semaphore(%run_scoped3A : memref<!tpu.dma_semaphore, #tpu.memory_space<semaphore_mem>>)
      %dma_wait3A_517 = arith.constant 0 : i32
      %dma_wait3A_518 = tpu.memref_slice %arg12[%add3A_9, %dma_wait3A_517] : memref<10240x64xf32, #tpu.memory_space<vmem_shared>> -> memref<128x64xf32, #tpu.memory_space<vmem_shared>>
      %dma_wait3A_519 = arith.constant 0 : i32
      %dma_wait3A_520 = tpu.memref_slice %arg12[%add3A_9, %dma_wait3A_519] : memref<10240x64xf32, #tpu.memory_space<vmem_shared>> -> memref<128x64xf32, #tpu.memory_space<vmem_shared>>
      tpu.wait_dma2 semaphore(%run_scoped3A : memref<!tpu.dma_semaphore, #tpu.memory_space<semaphore_mem>>) src(%arg8 : memref<128x64xf32, #tpu.memory_space<vmem>>) dst(%dma_wait3A_520 : memref<128x64xf32, #tpu.memory_space<vmem_shared>>)
      tpu.yield
    }) : () -> ()
    "tpu.region"() ({
      %run_scoped3A = tpu.sem_alloc : memref<!tpu.dma_semaphore, #tpu.memory_space<semaphore_mem>>
      %dma_start3A_513 = arith.constant 0 : i32
      %dma_start3A_514 = tpu.memref_slice %arg13[%add3A_9, %dma_start3A_513] : memref<10240x64xf32, #tpu.memory_space<vmem_shared>> -> memref<128x64xf32, #tpu.memory_space<vmem_shared>>
      %dma_start3A_515 = arith.constant 0 : i32
      %dma_start3A_516 = tpu.memref_slice %arg4[%add3A_9, %dma_start3A_515] : memref<10000x64xf32, #tpu.memory_space<hbm>> -> memref<128x64xf32, #tpu.memory_space<hbm>>
      tpu.enqueue_dma source(%dma_start3A_516 : memref<128x64xf32, #tpu.memory_space<hbm>>) target(%dma_start3A_514 : memref<128x64xf32, #tpu.memory_space<vmem_shared>>) target_semaphore(%run_scoped3A : memref<!tpu.dma_semaphore, #tpu.memory_space<semaphore_mem>>)
      %dma_wait3A_517 = arith.constant 0 : i32
      %dma_wait3A_518 = tpu.memref_slice %arg13[%add3A_9, %dma_wait3A_517] : memref<10240x64xf32, #tpu.memory_space<vmem_shared>> -> memref<128x64xf32, #tpu.memory_space<vmem_shared>>
      %dma_wait3A_519 = arith.constant 0 : i32
      %dma_wait3A_520 = tpu.memref_slice %arg4[%add3A_9, %dma_wait3A_519] : memref<10000x64xf32, #tpu.memory_space<hbm>> -> memref<128x64xf32, #tpu.memory_space<hbm>>
      tpu.wait_dma2 semaphore(%run_scoped3A : memref<!tpu.dma_semaphore, #tpu.memory_space<semaphore_mem>>) src(%dma_wait3A_520 : memref<128x64xf32, #tpu.memory_space<hbm>>) dst(%dma_wait3A_518 : memref<128x64xf32, #tpu.memory_space<vmem_shared>>)
      tpu.yield
    }) : () -> ()
    %mul3A_10 = arith.constant 640 : i32
    %mul3A_11 = arith.muli %arg1, %mul3A_10 : i32
    %add3A_12 = arith.constant 128 : i32
    %add3A_13 = arith.addi %mul3A_11, %add3A_12 : i32
    "tpu.region"() ({
      %run_scoped3A = tpu.sem_alloc : memref<!tpu.dma_semaphore, #tpu.memory_space<semaphore_mem>>
      %dma_start3A_513 = arith.constant 0 : i32
      %dma_start3A_514 = tpu.memref_slice %arg12[%add3A_13, %dma_start3A_513] : memref<10240x64xf32, #tpu.memory_space<vmem_shared>> -> memref<128x64xf32, #tpu.memory_space<vmem_shared>>
      %dma_start3A_515 = arith.constant 0 : i32
      %dma_start3A_516 = tpu.memref_slice %arg12[%add3A_13, %dma_start3A_515] : memref<10240x64xf32, #tpu.memory_space<vmem_shared>> -> memref<128x64xf32, #tpu.memory_space<vmem_shared>>
      tpu.enqueue_dma source(%arg8 : memref<128x64xf32, #tpu.memory_space<vmem>>) target(%dma_start3A_516 : memref<128x64xf32, #tpu.memory_space<vmem_shared>>) target_semaphore(%run_scoped3A : memref<!tpu.dma_semaphore, #tpu.memory_space<semaphore_mem>>)
      %dma_wait3A_517 = arith.constant 0 : i32
      %dma_wait3A_518 = tpu.memref_slice %arg12[%add3A_13, %dma_wait3A_517] : memref<10240x64xf32, #tpu.memory_space<vmem_shared>> -> memref<128x64xf32, #tpu.memory_space<vmem_shared>>
      %dma_wait3A_519 = arith.constant 0 : i32
      %dma_wait3A_520 = tpu.memref_slice %arg12[%add3A_13, %dma_wait3A_519] : memref<10240x64xf32, #tpu.memory_space<vmem_shared>> -> memref<128x64xf32, #tpu.memory_space<vmem_shared>>
      tpu.wait_dma2 semaphore(%run_scoped3A : memref<!tpu.dma_semaphore, #tpu.memory_space<semaphore_mem>>) src(%arg8 : memref<128x64xf32, #tpu.memory_space<vmem>>) dst(%dma_wait3A_520 : memref<128x64xf32, #tpu.memory_space<vmem_shared>>)
      tpu.yield
    }) : () -> ()
    "tpu.region"() ({
      %run_scoped3A = tpu.sem_alloc : memref<!tpu.dma_semaphore, #tpu.memory_space<semaphore_mem>>
      %dma_start3A_513 = arith.constant 0 : i32
      %dma_start3A_514 = tpu.memref_slice %arg13[%add3A_13, %dma_start3A_513] : memref<10240x64xf32, #tpu.memory_space<vmem_shared>> -> memref<128x64xf32, #tpu.memory_space<vmem_shared>>
      %dma_start3A_515 = arith.constant 0 : i32
      %dma_start3A_516 = tpu.memref_slice %arg4[%add3A_13, %dma_start3A_515] : memref<10000x64xf32, #tpu.memory_space<hbm>> -> memref<128x64xf32, #tpu.memory_space<hbm>>
      tpu.enqueue_dma source(%dma_start3A_516 : memref<128x64xf32, #tpu.memory_space<hbm>>) target(%dma_start3A_514 : memref<128x64xf32, #tpu.memory_space<vmem_shared>>) target_semaphore(%run_scoped3A : memref<!tpu.dma_semaphore, #tpu.memory_space<semaphore_mem>>)
      %dma_wait3A_517 = arith.constant 0 : i32
      %dma_wait3A_518 = tpu.memref_slice %arg13[%add3A_13, %dma_wait3A_517] : memref<10240x64xf32, #tpu.memory_space<vmem_shared>> -> memref<128x64xf32, #tpu.memory_space<vmem_shared>>
      %dma_wait3A_519 = arith.constant 0 : i32
      %dma_wait3A_520 = tpu.memref_slice %arg4[%add3A_13, %dma_wait3A_519] : memref<10000x64xf32, #tpu.memory_space<hbm>> -> memref<128x64xf32, #tpu.memory_space<hbm>>
      tpu.wait_dma2 semaphore(%run_scoped3A : memref<!tpu.dma_semaphore, #tpu.memory_space<semaphore_mem>>) src(%dma_wait3A_520 : memref<128x64xf32, #tpu.memory_space<hbm>>) dst(%dma_wait3A_518 : memref<128x64xf32, #tpu.memory_space<vmem_shared>>)
      tpu.yield
    }) : () -> ()
    %mul3A_14 = arith.constant 640 : i32
    %mul3A_15 = arith.muli %arg1, %mul3A_14 : i32
    %add3A_16 = arith.constant 256 : i32
    %add3A_17 = arith.addi %mul3A_15, %add3A_16 : i32
    "tpu.region"() ({
      %run_scoped3A = tpu.sem_alloc : memref<!tpu.dma_semaphore, #tpu.memory_space<semaphore_mem>>
      %dma_start3A_513 = arith.constant 0 : i32
      %dma_start3A_514 = tpu.memref_slice %arg12[%add3A_17, %dma_start3A_513] : memref<10240x64xf32, #tpu.memory_space<vmem_shared>> -> memref<128x64xf32, #tpu.memory_space<vmem_shared>>
      %dma_start3A_515 = arith.constant 0 : i32
      %dma_start3A_516 = tpu.memref_slice %arg12[%add3A_17, %dma_start3A_515] : memref<10240x64xf32, #tpu.memory_space<vmem_shared>> -> memref<128x64xf32, #tpu.memory_space<vmem_shared>>
      tpu.enqueue_dma source(%arg8 : memref<128x64xf32, #tpu.memory_space<vmem>>) target(%dma_start3A_516 : memref<128x64xf32, #tpu.memory_space<vmem_shared>>) target_semaphore(%run_scoped3A : memref<!tpu.dma_semaphore, #tpu.memory_space<semaphore_mem>>)
      %dma_wait3A_517 = arith.constant 0 : i32
      %dma_wait3A_518 = tpu.memref_slice %arg12[%add3A_17, %dma_wait3A_517] : memref<10240x64xf32, #tpu.memory_space<vmem_shared>> -> memref<128x64xf32, #tpu.memory_space<vmem_shared>>
      %dma_wait3A_519 = arith.constant 0 : i32
      %dma_wait3A_520 = tpu.memref_slice %arg12[%add3A_17, %dma_wait3A_519] : memref<10240x64xf32, #tpu.memory_space<vmem_shared>> -> memref<128x64xf32, #tpu.memory_space<vmem_shared>>
      tpu.wait_dma2 semaphore(%run_scoped3A : memref<!tpu.dma_semaphore, #tpu.memory_space<semaphore_mem>>) src(%arg8 : memref<128x64xf32, #tpu.memory_space<vmem>>) dst(%dma_wait3A_520 : memref<128x64xf32, #tpu.memory_space<vmem_shared>>)
      tpu.yield
    }) : () -> ()
    "tpu.region"() ({
      %run_scoped3A = tpu.sem_alloc : memref<!tpu.dma_semaphore, #tpu.memory_space<semaphore_mem>>
      %dma_start3A_513 = arith.constant 0 : i32
      %dma_start3A_514 = tpu.memref_slice %arg13[%add3A_17, %dma_start3A_513] : memref<10240x64xf32, #tpu.memory_space<vmem_shared>> -> memref<128x64xf32, #tpu.memory_space<vmem_shared>>
      %dma_start3A_515 = arith.constant 0 : i32
      %dma_start3A_516 = tpu.memref_slice %arg4[%add3A_17, %dma_start3A_515] : memref<10000x64xf32, #tpu.memory_space<hbm>> -> memref<128x64xf32, #tpu.memory_space<hbm>>
      tpu.enqueue_dma source(%dma_start3A_516 : memref<128x64xf32, #tpu.memory_space<hbm>>) target(%dma_start3A_514 : memref<128x64xf32, #tpu.memory_space<vmem_shared>>) target_semaphore(%run_scoped3A : memref<!tpu.dma_semaphore, #tpu.memory_space<semaphore_mem>>)
      %dma_wait3A_517 = arith.constant 0 : i32
      %dma_wait3A_518 = tpu.memref_slice %arg13[%add3A_17, %dma_wait3A_517] : memref<10240x64xf32, #tpu.memory_space<vmem_shared>> -> memref<128x64xf32, #tpu.memory_space<vmem_shared>>
      %dma_wait3A_519 = arith.constant 0 : i32
      %dma_wait3A_520 = tpu.memref_slice %arg4[%add3A_17, %dma_wait3A_519] : memref<10000x64xf32, #tpu.memory_space<hbm>> -> memref<128x64xf32, #tpu.memory_space<hbm>>
      tpu.wait_dma2 semaphore(%run_scoped3A : memref<!tpu.dma_semaphore, #tpu.memory_space<semaphore_mem>>) src(%dma_wait3A_520 : memref<128x64xf32, #tpu.memory_space<hbm>>) dst(%dma_wait3A_518 : memref<128x64xf32, #tpu.memory_space<vmem_shared>>)
      tpu.yield
    }) : () -> ()
    %mul3A_18 = arith.constant 640 : i32
    %mul3A_19 = arith.muli %arg1, %mul3A_18 : i32
    %add3A_20 = arith.constant 384 : i32
    %add3A_21 = arith.addi %mul3A_19, %add3A_20 : i32
    "tpu.region"() ({
      %run_scoped3A = tpu.sem_alloc : memref<!tpu.dma_semaphore, #tpu.memory_space<semaphore_mem>>
      %dma_start3A_513 = arith.constant 0 : i32
      %dma_start3A_514 = tpu.memref_slice %arg12[%add3A_21, %dma_start3A_513] : memref<10240x64xf32, #tpu.memory_space<vmem_shared>> -> memref<128x64xf32, #tpu.memory_space<vmem_shared>>
      %dma_start3A_515 = arith.constant 0 : i32
      %dma_start3A_516 = tpu.memref_slice %arg12[%add3A_21, %dma_start3A_515] : memref<10240x64xf32, #tpu.memory_space<vmem_shared>> -> memref<128x64xf32, #tpu.memory_space<vmem_shared>>
      tpu.enqueue_dma source(%arg8 : memref<128x64xf32, #tpu.memory_space<vmem>>) target(%dma_start3A_516 : memref<128x64xf32, #tpu.memory_space<vmem_shared>>) target_semaphore(%run_scoped3A : memref<!tpu.dma_semaphore, #tpu.memory_space<semaphore_mem>>)
      %dma_wait3A_517 = arith.constant 0 : i32
      %dma_wait3A_518 = tpu.memref_slice %arg12[%add3A_21, %dma_wait3A_517] : memref<10240x64xf32, #tpu.memory_space<vmem_shared>> -> memref<128x64xf32, #tpu.memory_space<vmem_shared>>
      %dma_wait3A_519 = arith.constant 0 : i32
      %dma_wait3A_520 = tpu.memref_slice %arg12[%add3A_21, %dma_wait3A_519] : memref<10240x64xf32, #tpu.memory_space<vmem_shared>> -> memref<128x64xf32, #tpu.memory_space<vmem_shared>>
      tpu.wait_dma2 semaphore(%run_scoped3A : memref<!tpu.dma_semaphore, #tpu.memory_space<semaphore_mem>>) src(%arg8 : memref<128x64xf32, #tpu.memory_space<vmem>>) dst(%dma_wait3A_520 : memref<128x64xf32, #tpu.memory_space<vmem_shared>>)
      tpu.yield
    }) : () -> ()
    "tpu.region"() ({
      %run_scoped3A = tpu.sem_alloc : memref<!tpu.dma_semaphore, #tpu.memory_space<semaphore_mem>>
      %dma_start3A_513 = arith.constant 0 : i32
      %dma_start3A_514 = tpu.memref_slice %arg13[%add3A_21, %dma_start3A_513] : memref<10240x64xf32, #tpu.memory_space<vmem_shared>> -> memref<128x64xf32, #tpu.memory_space<vmem_shared>>
      %dma_start3A_515 = arith.constant 0 : i32
      %dma_start3A_516 = tpu.memref_slice %arg4[%add3A_21, %dma_start3A_515] : memref<10000x64xf32, #tpu.memory_space<hbm>> -> memref<128x64xf32, #tpu.memory_space<hbm>>
      tpu.enqueue_dma source(%dma_start3A_516 : memref<128x64xf32, #tpu.memory_space<hbm>>) target(%dma_start3A_514 : memref<128x64xf32, #tpu.memory_space<vmem_shared>>) target_semaphore(%run_scoped3A : memref<!tpu.dma_semaphore, #tpu.memory_space<semaphore_mem>>)
      %dma_wait3A_517 = arith.constant 0 : i32
      %dma_wait3A_518 = tpu.memref_slice %arg13[%add3A_21, %dma_wait3A_517] : memref<10240x64xf32, #tpu.memory_space<vmem_shared>> -> memref<128x64xf32, #tpu.memory_space<vmem_shared>>
      %dma_wait3A_519 = arith.constant 0 : i32
      %dma_wait3A_520 = tpu.memref_slice %arg4[%add3A_21, %dma_wait3A_519] : memref<10000x64xf32, #tpu.memory_space<hbm>> -> memref<128x64xf32, #tpu.memory_space<hbm>>
      tpu.wait_dma2 semaphore(%run_scoped3A : memref<!tpu.dma_semaphore, #tpu.memory_space<semaphore_mem>>) src(%dma_wait3A_520 : memref<128x64xf32, #tpu.memory_space<hbm>>) dst(%dma_wait3A_518 : memref<128x64xf32, #tpu.memory_space<vmem_shared>>)
      tpu.yield
    }) : () -> ()
    %mul3A_22 = arith.constant 640 : i32
    %mul3A_23 = arith.muli %arg1, %mul3A_22 : i32
    %add3A_24 = arith.constant 512 : i32
    %add3A_25 = arith.addi %mul3A_23, %add3A_24 : i32
    "tpu.region"() ({
      %run_scoped3A = tpu.sem_alloc : memref<!tpu.dma_semaphore, #tpu.memory_space<semaphore_mem>>
      %dma_start3A_513 = arith.constant 0 : i32
      %dma_start3A_514 = tpu.memref_slice %arg12[%add3A_25, %dma_start3A_513] : memref<10240x64xf32, #tpu.memory_space<vmem_shared>> -> memref<128x64xf32, #tpu.memory_space<vmem_shared>>
      %dma_start3A_515 = arith.constant 0 : i32
      %dma_start3A_516 = tpu.memref_slice %arg12[%add3A_25, %dma_start3A_515] : memref<10240x64xf32, #tpu.memory_space<vmem_shared>> -> memref<128x64xf32, #tpu.memory_space<vmem_shared>>
      tpu.enqueue_dma source(%arg8 : memref<128x64xf32, #tpu.memory_space<vmem>>) target(%dma_start3A_516 : memref<128x64xf32, #tpu.memory_space<vmem_shared>>) target_semaphore(%run_scoped3A : memref<!tpu.dma_semaphore, #tpu.memory_space<semaphore_mem>>)
      %dma_wait3A_517 = arith.constant 0 : i32
      %dma_wait3A_518 = tpu.memref_slice %arg12[%add3A_25, %dma_wait3A_517] : memref<10240x64xf32, #tpu.memory_space<vmem_shared>> -> memref<128x64xf32, #tpu.memory_space<vmem_shared>>
      %dma_wait3A_519 = arith.constant 0 : i32
      %dma_wait3A_520 = tpu.memref_slice %arg12[%add3A_25, %dma_wait3A_519] : memref<10240x64xf32, #tpu.memory_space<vmem_shared>> -> memref<128x64xf32, #tpu.memory_space<vmem_shared>>
      tpu.wait_dma2 semaphore(%run_scoped3A : memref<!tpu.dma_semaphore, #tpu.memory_space<semaphore_mem>>) src(%arg8 : memref<128x64xf32, #tpu.memory_space<vmem>>) dst(%dma_wait3A_520 : memref<128x64xf32, #tpu.memory_space<vmem_shared>>)
      tpu.yield
    }) : () -> ()
    "tpu.region"() ({
      %run_scoped3A = tpu.sem_alloc : memref<!tpu.dma_semaphore, #tpu.memory_space<semaphore_mem>>
      %dma_start3A_513 = arith.constant 0 : i32
      %dma_start3A_514 = tpu.memref_slice %arg13[%add3A_25, %dma_start3A_513] : memref<10240x64xf32, #tpu.memory_space<vmem_shared>> -> memref<128x64xf32, #tpu.memory_space<vmem_shared>>
      %dma_start3A_515 = arith.constant 0 : i32
      %dma_start3A_516 = tpu.memref_slice %arg4[%add3A_25, %dma_start3A_515] : memref<10000x64xf32, #tpu.memory_space<hbm>> -> memref<128x64xf32, #tpu.memory_space<hbm>>
      tpu.enqueue_dma source(%dma_start3A_516 : memref<128x64xf32, #tpu.memory_space<hbm>>) target(%dma_start3A_514 : memref<128x64xf32, #tpu.memory_space<vmem_shared>>) target_semaphore(%run_scoped3A : memref<!tpu.dma_semaphore, #tpu.memory_space<semaphore_mem>>)
      %dma_wait3A_517 = arith.constant 0 : i32
      %dma_wait3A_518 = tpu.memref_slice %arg13[%add3A_25, %dma_wait3A_517] : memref<10240x64xf32, #tpu.memory_space<vmem_shared>> -> memref<128x64xf32, #tpu.memory_space<vmem_shared>>
      %dma_wait3A_519 = arith.constant 0 : i32
      %dma_wait3A_520 = tpu.memref_slice %arg4[%add3A_25, %dma_wait3A_519] : memref<10000x64xf32, #tpu.memory_space<hbm>> -> memref<128x64xf32, #tpu.memory_space<hbm>>
      tpu.wait_dma2 semaphore(%run_scoped3A : memref<!tpu.dma_semaphore, #tpu.memory_space<semaphore_mem>>) src(%dma_wait3A_520 : memref<128x64xf32, #tpu.memory_space<hbm>>) dst(%dma_wait3A_518 : memref<128x64xf32, #tpu.memory_space<vmem_shared>>)
      tpu.yield
    }) : () -> ()
    %barrier3A = arith.constant 0 : index
    tpu.barrier barrier_id(%barrier3A)
    %mul3A_26 = arith.constant 80 : i32
    %mul3A_27 = arith.muli %add3A, %mul3A_26 : i32
    %add3A_28 = arith.constant 0 : i32
    %add3A_29 = arith.addi %mul3A_27, %add3A_28 : i32
    "tpu.region"() ({
      %run_scoped3A = tpu.sem_alloc : memref<!tpu.dma_semaphore, #tpu.memory_space<semaphore_mem>>
      %dma_start3A_513 = arith.constant 0 : i32
      %dma_start3A_514 = tpu.memref_slice %arg2[%add3A_29, %dma_start3A_513] : memref<2688x128xi32, #tpu.memory_space<hbm>> -> memref<40x128xi32, #tpu.memory_space<hbm>>
      %dma_start3A_515 = arith.constant 0 : i32
      %dma_start3A_516 = tpu.memref_slice %arg2[%add3A_29, %dma_start3A_515] : memref<2688x128xi32, #tpu.memory_space<hbm>> -> memref<40x128xi32, #tpu.memory_space<hbm>>
      tpu.enqueue_dma source(%dma_start3A_516 : memref<40x128xi32, #tpu.memory_space<hbm>>) target(%arg6 : memref<40x128xi32, #tpu.memory_space<vmem>>) target_semaphore(%run_scoped3A : memref<!tpu.dma_semaphore, #tpu.memory_space<semaphore_mem>>)
      %dma_wait3A_517 = arith.constant 0 : i32
      %dma_wait3A_518 = tpu.memref_slice %arg2[%add3A_29, %dma_wait3A_517] : memref<2688x128xi32, #tpu.memory_space<hbm>> -> memref<40x128xi32, #tpu.memory_space<hbm>>
      %dma_wait3A_519 = arith.constant 0 : i32
      %dma_wait3A_520 = tpu.memref_slice %arg2[%add3A_29, %dma_wait3A_519] : memref<2688x128xi32, #tpu.memory_space<hbm>> -> memref<40x128xi32, #tpu.memory_space<hbm>>
      tpu.wait_dma2 semaphore(%run_scoped3A : memref<!tpu.dma_semaphore, #tpu.memory_space<semaphore_mem>>) src(%dma_wait3A_520 : memref<40x128xi32, #tpu.memory_space<hbm>>) dst(%arg6 : memref<40x128xi32, #tpu.memory_space<vmem>>)
      tpu.yield
    }) : () -> ()
    "tpu.region"() ({
      %run_scoped3A = tpu.sem_alloc : memref<!tpu.dma_semaphore, #tpu.memory_space<semaphore_mem>>
      %dma_start3A_513 = arith.constant 0 : i32
      %dma_start3A_514 = tpu.memref_slice %arg3[%add3A_29, %dma_start3A_513] : memref<2688x128xi32, #tpu.memory_space<hbm>> -> memref<40x128xi32, #tpu.memory_space<hbm>>
      %dma_start3A_515 = arith.constant 0 : i32
      %dma_start3A_516 = tpu.memref_slice %arg3[%add3A_29, %dma_start3A_515] : memref<2688x128xi32, #tpu.memory_space<hbm>> -> memref<40x128xi32, #tpu.memory_space<hbm>>
      tpu.enqueue_dma source(%dma_start3A_516 : memref<40x128xi32, #tpu.memory_space<hbm>>) target(%arg7 : memref<40x128xi32, #tpu.memory_space<vmem>>) target_semaphore(%run_scoped3A : memref<!tpu.dma_semaphore, #tpu.memory_space<semaphore_mem>>)
      %dma_wait3A_517 = arith.constant 0 : i32
      %dma_wait3A_518 = tpu.memref_slice %arg3[%add3A_29, %dma_wait3A_517] : memref<2688x128xi32, #tpu.memory_space<hbm>> -> memref<40x128xi32, #tpu.memory_space<hbm>>
      %dma_wait3A_519 = arith.constant 0 : i32
      %dma_wait3A_520 = tpu.memref_slice %arg3[%add3A_29, %dma_wait3A_519] : memref<2688x128xi32, #tpu.memory_space<hbm>> -> memref<40x128xi32, #tpu.memory_space<hbm>>
      tpu.wait_dma2 semaphore(%run_scoped3A : memref<!tpu.dma_semaphore, #tpu.memory_space<semaphore_mem>>) src(%dma_wait3A_520 : memref<40x128xi32, #tpu.memory_space<hbm>>) dst(%arg7 : memref<40x128xi32, #tpu.memory_space<vmem>>)
      tpu.yield
    }) : () -> ()
    %dma_start3A = arith.constant 0 : i32
    %dma_start3A_30 = arith.constant 0 : i32
    %dma_start3A_31 = tpu.memref_slice %arg6[%dma_start3A, %dma_start3A_30] : memref<40x128xi32, #tpu.memory_space<vmem>> -> memref<1x128xi32, #tpu.memory_space<vmem>>
    %dma_start3A_32 = tpu.memref_squeeze %dma_start3A_31 : memref<1x128xi32, #tpu.memory_space<vmem>> -> memref<128xi32, #tpu.memory_space<vmem>>
    %dma_start3A_33 = arith.constant 0 : i32
    %dma_start3A_34 = arith.constant 0 : i32
    %dma_start3A_35 = tpu.memref_slice %arg13[%dma_start3A_33, %dma_start3A_34] : memref<10240x64xf32, #tpu.memory_space<vmem_shared>> -> memref<10240x64xf32, #tpu.memory_space<vmem_shared>>
    tpu.enqueue_indirect_dma source(%dma_start3A_35 : memref<10240x64xf32, #tpu.memory_space<vmem_shared>>) target(%arg8 : memref<128x64xf32, #tpu.memory_space<vmem>>) offsets(%dma_start3A_32 : memref<128xi32, #tpu.memory_space<vmem>>) semaphore(%arg14 : memref<!tpu.dma_semaphore, #tpu.memory_space<semaphore_mem>>)
    %dma_start3A_36 = arith.constant 1 : i32
    %dma_start3A_37 = arith.constant 0 : i32
    %dma_start3A_38 = tpu.memref_slice %arg6[%dma_start3A_36, %dma_start3A_37] : memref<40x128xi32, #tpu.memory_space<vmem>> -> memref<1x128xi32, #tpu.memory_space<vmem>>
    %dma_start3A_39 = tpu.memref_squeeze %dma_start3A_38 : memref<1x128xi32, #tpu.memory_space<vmem>> -> memref<128xi32, #tpu.memory_space<vmem>>
    %dma_start3A_40 = arith.constant 0 : i32
    %dma_start3A_41 = arith.constant 0 : i32
    %dma_start3A_42 = tpu.memref_slice %arg13[%dma_start3A_40, %dma_start3A_41] : memref<10240x64xf32, #tpu.memory_space<vmem_shared>> -> memref<10240x64xf32, #tpu.memory_space<vmem_shared>>
    tpu.enqueue_indirect_dma source(%dma_start3A_42 : memref<10240x64xf32, #tpu.memory_space<vmem_shared>>) target(%arg9 : memref<128x64xf32, #tpu.memory_space<vmem>>) offsets(%dma_start3A_39 : memref<128xi32, #tpu.memory_space<vmem>>) semaphore(%arg15 : memref<!tpu.dma_semaphore, #tpu.memory_space<semaphore_mem>>)
    %dma_start3A_43 = arith.constant 2 : i32
    %dma_start3A_44 = arith.constant 0 : i32
    %dma_start3A_45 = tpu.memref_slice %arg6[%dma_start3A_43, %dma_start3A_44] : memref<40x128xi32, #tpu.memory_space<vmem>> -> memref<1x128xi32, #tpu.memory_space<vmem>>
    %dma_start3A_46 = tpu.memref_squeeze %dma_start3A_45 : memref<1x128xi32, #tpu.memory_space<vmem>> -> memref<128xi32, #tpu.memory_space<vmem>>
    %dma_start3A_47 = arith.constant 0 : i32
    %dma_start3A_48 = arith.constant 0 : i32
    %dma_start3A_49 = tpu.memref_slice %arg13[%dma_start3A_47, %dma_start3A_48] : memref<10240x64xf32, #tpu.memory_space<vmem_shared>> -> memref<10240x64xf32, #tpu.memory_space<vmem_shared>>
    tpu.enqueue_indirect_dma source(%dma_start3A_49 : memref<10240x64xf32, #tpu.memory_space<vmem_shared>>) target(%arg10 : memref<128x64xf32, #tpu.memory_space<vmem>>) offsets(%dma_start3A_46 : memref<128xi32, #tpu.memory_space<vmem>>) semaphore(%arg16 : memref<!tpu.dma_semaphore, #tpu.memory_space<semaphore_mem>>)
    %dma_wait3A = arith.constant 0 : i32
    %dma_wait3A_50 = arith.constant 0 : i32
    %dma_wait3A_51 = tpu.memref_slice %arg6[%dma_wait3A, %dma_wait3A_50] : memref<40x128xi32, #tpu.memory_space<vmem>> -> memref<1x128xi32, #tpu.memory_space<vmem>>
    %dma_wait3A_52 = tpu.memref_squeeze %dma_wait3A_51 : memref<1x128xi32, #tpu.memory_space<vmem>> -> memref<128xi32, #tpu.memory_space<vmem>>
    %dma_wait3A_53 = arith.constant 0 : i32
    %dma_wait3A_54 = arith.constant 0 : i32
    %dma_wait3A_55 = tpu.memref_slice %arg13[%dma_wait3A_53, %dma_wait3A_54] : memref<10240x64xf32, #tpu.memory_space<vmem_shared>> -> memref<10240x64xf32, #tpu.memory_space<vmem_shared>>
    tpu.wait_indirect_dma semaphore(%arg14 : memref<!tpu.dma_semaphore, #tpu.memory_space<semaphore_mem>>) src(%dma_wait3A_55 : memref<10240x64xf32, #tpu.memory_space<vmem_shared>>) dst(%arg8 : memref<128x64xf32, #tpu.memory_space<vmem>>)
    %dma_start3A_56 = arith.constant 0 : i32
    %dma_start3A_57 = arith.constant 0 : i32
    %dma_start3A_58 = tpu.memref_slice %arg7[%dma_start3A_56, %dma_start3A_57] : memref<40x128xi32, #tpu.memory_space<vmem>> -> memref<1x128xi32, #tpu.memory_space<vmem>>
    %dma_start3A_59 = tpu.memref_squeeze %dma_start3A_58 : memref<1x128xi32, #tpu.memory_space<vmem>> -> memref<128xi32, #tpu.memory_space<vmem>>
    %dma_start3A_60 = arith.constant 0 : i32
    %dma_start3A_61 = arith.constant 0 : i32
    %dma_start3A_62 = tpu.memref_slice %arg12[%dma_start3A_60, %dma_start3A_61] : memref<10240x64xf32, #tpu.memory_space<vmem_shared>> -> memref<10240x64xf32, #tpu.memory_space<vmem_shared>>
    tpu.enqueue_indirect_dma source(%arg8 : memref<128x64xf32, #tpu.memory_space<vmem>>) target(%dma_start3A_62 : memref<10240x64xf32, #tpu.memory_space<vmem_shared>>) offsets(%dma_start3A_59 : memref<128xi32, #tpu.memory_space<vmem>>) semaphore(%arg18 : memref<!tpu.dma_semaphore, #tpu.memory_space<semaphore_mem>>) {add = true}
    %dma_start3A_63 = arith.constant 3 : i32
    %dma_start3A_64 = arith.constant 0 : i32
    %dma_start3A_65 = tpu.memref_slice %arg6[%dma_start3A_63, %dma_start3A_64] : memref<40x128xi32, #tpu.memory_space<vmem>> -> memref<1x128xi32, #tpu.memory_space<vmem>>
    %dma_start3A_66 = tpu.memref_squeeze %dma_start3A_65 : memref<1x128xi32, #tpu.memory_space<vmem>> -> memref<128xi32, #tpu.memory_space<vmem>>
    %dma_start3A_67 = arith.constant 0 : i32
    %dma_start3A_68 = arith.constant 0 : i32
    %dma_start3A_69 = tpu.memref_slice %arg13[%dma_start3A_67, %dma_start3A_68] : memref<10240x64xf32, #tpu.memory_space<vmem_shared>> -> memref<10240x64xf32, #tpu.memory_space<vmem_shared>>
    tpu.enqueue_indirect_dma source(%dma_start3A_69 : memref<10240x64xf32, #tpu.memory_space<vmem_shared>>) target(%arg11 : memref<128x64xf32, #tpu.memory_space<vmem>>) offsets(%dma_start3A_66 : memref<128xi32, #tpu.memory_space<vmem>>) semaphore(%arg17 : memref<!tpu.dma_semaphore, #tpu.memory_space<semaphore_mem>>)
    %dma_wait3A_70 = arith.constant 0 : i32
    %dma_wait3A_71 = arith.constant 0 : i32
    %dma_wait3A_72 = tpu.memref_slice %arg6[%dma_wait3A_70, %dma_wait3A_71] : memref<40x128xi32, #tpu.memory_space<vmem>> -> memref<1x128xi32, #tpu.memory_space<vmem>>
    %dma_wait3A_73 = tpu.memref_squeeze %dma_wait3A_72 : memref<1x128xi32, #tpu.memory_space<vmem>> -> memref<128xi32, #tpu.memory_space<vmem>>
    %dma_wait3A_74 = arith.constant 0 : i32
    %dma_wait3A_75 = arith.constant 0 : i32
    %dma_wait3A_76 = tpu.memref_slice %arg13[%dma_wait3A_74, %dma_wait3A_75] : memref<10240x64xf32, #tpu.memory_space<vmem_shared>> -> memref<10240x64xf32, #tpu.memory_space<vmem_shared>>
    tpu.wait_indirect_dma semaphore(%arg15 : memref<!tpu.dma_semaphore, #tpu.memory_space<semaphore_mem>>) src(%dma_wait3A_76 : memref<10240x64xf32, #tpu.memory_space<vmem_shared>>) dst(%arg9 : memref<128x64xf32, #tpu.memory_space<vmem>>)
    %dma_start3A_77 = arith.constant 1 : i32
    %dma_start3A_78 = arith.constant 0 : i32
    %dma_start3A_79 = tpu.memref_slice %arg7[%dma_start3A_77, %dma_start3A_78] : memref<40x128xi32, #tpu.memory_space<vmem>> -> memref<1x128xi32, #tpu.memory_space<vmem>>
    %dma_start3A_80 = tpu.memref_squeeze %dma_start3A_79 : memref<1x128xi32, #tpu.memory_space<vmem>> -> memref<128xi32, #tpu.memory_space<vmem>>
    %dma_start3A_81 = arith.constant 0 : i32
    %dma_start3A_82 = arith.constant 0 : i32
    %dma_start3A_83 = tpu.memref_slice %arg12[%dma_start3A_81, %dma_start3A_82] : memref<10240x64xf32, #tpu.memory_space<vmem_shared>> -> memref<10240x64xf32, #tpu.memory_space<vmem_shared>>
    tpu.enqueue_indirect_dma source(%arg9 : memref<128x64xf32, #tpu.memory_space<vmem>>) target(%dma_start3A_83 : memref<10240x64xf32, #tpu.memory_space<vmem_shared>>) offsets(%dma_start3A_80 : memref<128xi32, #tpu.memory_space<vmem>>) semaphore(%arg19 : memref<!tpu.dma_semaphore, #tpu.memory_space<semaphore_mem>>) {add = true}
    %dma_wait3A_84 = arith.constant 0 : i32
    %dma_wait3A_85 = arith.constant 0 : i32
    %dma_wait3A_86 = tpu.memref_slice %arg7[%dma_wait3A_84, %dma_wait3A_85] : memref<40x128xi32, #tpu.memory_space<vmem>> -> memref<1x128xi32, #tpu.memory_space<vmem>>
    %dma_wait3A_87 = tpu.memref_squeeze %dma_wait3A_86 : memref<1x128xi32, #tpu.memory_space<vmem>> -> memref<128xi32, #tpu.memory_space<vmem>>
    %dma_wait3A_88 = arith.constant 0 : i32
    %dma_wait3A_89 = arith.constant 0 : i32
    %dma_wait3A_90 = tpu.memref_slice %arg12[%dma_wait3A_88, %dma_wait3A_89] : memref<10240x64xf32, #tpu.memory_space<vmem_shared>> -> memref<10240x64xf32, #tpu.memory_space<vmem_shared>>
    tpu.wait_indirect_dma semaphore(%arg18 : memref<!tpu.dma_semaphore, #tpu.memory_space<semaphore_mem>>) src(%arg8 : memref<128x64xf32, #tpu.memory_space<vmem>>) dst(%dma_wait3A_90 : memref<10240x64xf32, #tpu.memory_space<vmem_shared>>)
    %dma_start3A_91 = arith.constant 4 : i32
    %dma_start3A_92 = arith.constant 0 : i32
    %dma_start3A_93 = tpu.memref_slice %arg6[%dma_start3A_91, %dma_start3A_92] : memref<40x128xi32, #tpu.memory_space<vmem>> -> memref<1x128xi32, #tpu.memory_space<vmem>>
    %dma_start3A_94 = tpu.memref_squeeze %dma_start3A_93 : memref<1x128xi32, #tpu.memory_space<vmem>> -> memref<128xi32, #tpu.memory_space<vmem>>
    %dma_start3A_95 = arith.constant 0 : i32
    %dma_start3A_96 = arith.constant 0 : i32
    %dma_start3A_97 = tpu.memref_slice %arg13[%dma_start3A_95, %dma_start3A_96] : memref<10240x64xf32, #tpu.memory_space<vmem_shared>> -> memref<10240x64xf32, #tpu.memory_space<vmem_shared>>
    tpu.enqueue_indirect_dma source(%dma_start3A_97 : memref<10240x64xf32, #tpu.memory_space<vmem_shared>>) target(%arg8 : memref<128x64xf32, #tpu.memory_space<vmem>>) offsets(%dma_start3A_94 : memref<128xi32, #tpu.memory_space<vmem>>) semaphore(%arg14 : memref<!tpu.dma_semaphore, #tpu.memory_space<semaphore_mem>>)
    %dma_wait3A_98 = arith.constant 0 : i32
    %dma_wait3A_99 = arith.constant 0 : i32
    %dma_wait3A_100 = tpu.memref_slice %arg6[%dma_wait3A_98, %dma_wait3A_99] : memref<40x128xi32, #tpu.memory_space<vmem>> -> memref<1x128xi32, #tpu.memory_space<vmem>>
    %dma_wait3A_101 = tpu.memref_squeeze %dma_wait3A_100 : memref<1x128xi32, #tpu.memory_space<vmem>> -> memref<128xi32, #tpu.memory_space<vmem>>
    %dma_wait3A_102 = arith.constant 0 : i32
    %dma_wait3A_103 = arith.constant 0 : i32
    %dma_wait3A_104 = tpu.memref_slice %arg13[%dma_wait3A_102, %dma_wait3A_103] : memref<10240x64xf32, #tpu.memory_space<vmem_shared>> -> memref<10240x64xf32, #tpu.memory_space<vmem_shared>>
    tpu.wait_indirect_dma semaphore(%arg16 : memref<!tpu.dma_semaphore, #tpu.memory_space<semaphore_mem>>) src(%dma_wait3A_104 : memref<10240x64xf32, #tpu.memory_space<vmem_shared>>) dst(%arg10 : memref<128x64xf32, #tpu.memory_space<vmem>>)
    %dma_start3A_105 = arith.constant 2 : i32
    %dma_start3A_106 = arith.constant 0 : i32
    %dma_start3A_107 = tpu.memref_slice %arg7[%dma_start3A_105, %dma_start3A_106] : memref<40x128xi32, #tpu.memory_space<vmem>> -> memref<1x128xi32, #tpu.memory_space<vmem>>
    %dma_start3A_108 = tpu.memref_squeeze %dma_start3A_107 : memref<1x128xi32, #tpu.memory_space<vmem>> -> memref<128xi32, #tpu.memory_space<vmem>>
    %dma_start3A_109 = arith.constant 0 : i32
    %dma_start3A_110 = arith.constant 0 : i32
    %dma_start3A_111 = tpu.memref_slice %arg12[%dma_start3A_109, %dma_start3A_110] : memref<10240x64xf32, #tpu.memory_space<vmem_shared>> -> memref<10240x64xf32, #tpu.memory_space<vmem_shared>>
    tpu.enqueue_indirect_dma source(%arg10 : memref<128x64xf32, #tpu.memory_space<vmem>>) target(%dma_start3A_111 : memref<10240x64xf32, #tpu.memory_space<vmem_shared>>) offsets(%dma_start3A_108 : memref<128xi32, #tpu.memory_space<vmem>>) semaphore(%arg20 : memref<!tpu.dma_semaphore, #tpu.memory_space<semaphore_mem>>) {add = true}
    %dma_wait3A_112 = arith.constant 0 : i32
    %dma_wait3A_113 = arith.constant 0 : i32
    %dma_wait3A_114 = tpu.memref_slice %arg7[%dma_wait3A_112, %dma_wait3A_113] : memref<40x128xi32, #tpu.memory_space<vmem>> -> memref<1x128xi32, #tpu.memory_space<vmem>>
    %dma_wait3A_115 = tpu.memref_squeeze %dma_wait3A_114 : memref<1x128xi32, #tpu.memory_space<vmem>> -> memref<128xi32, #tpu.memory_space<vmem>>
    %dma_wait3A_116 = arith.constant 0 : i32
    %dma_wait3A_117 = arith.constant 0 : i32
    %dma_wait3A_118 = tpu.memref_slice %arg12[%dma_wait3A_116, %dma_wait3A_117] : memref<10240x64xf32, #tpu.memory_space<vmem_shared>> -> memref<10240x64xf32, #tpu.memory_space<vmem_shared>>
    tpu.wait_indirect_dma semaphore(%arg19 : memref<!tpu.dma_semaphore, #tpu.memory_space<semaphore_mem>>) src(%arg9 : memref<128x64xf32, #tpu.memory_space<vmem>>) dst(%dma_wait3A_118 : memref<10240x64xf32, #tpu.memory_space<vmem_shared>>)
    %dma_start3A_119 = arith.constant 5 : i32
    %dma_start3A_120 = arith.constant 0 : i32
    %dma_start3A_121 = tpu.memref_slice %arg6[%dma_start3A_119, %dma_start3A_120] : memref<40x128xi32, #tpu.memory_space<vmem>> -> memref<1x128xi32, #tpu.memory_space<vmem>>
    %dma_start3A_122 = tpu.memref_squeeze %dma_start3A_121 : memref<1x128xi32, #tpu.memory_space<vmem>> -> memref<128xi32, #tpu.memory_space<vmem>>
    %dma_start3A_123 = arith.constant 0 : i32
    %dma_start3A_124 = arith.constant 0 : i32
    %dma_start3A_125 = tpu.memref_slice %arg13[%dma_start3A_123, %dma_start3A_124] : memref<10240x64xf32, #tpu.memory_space<vmem_shared>> -> memref<10240x64xf32, #tpu.memory_space<vmem_shared>>
    tpu.enqueue_indirect_dma source(%dma_start3A_125 : memref<10240x64xf32, #tpu.memory_space<vmem_shared>>) target(%arg9 : memref<128x64xf32, #tpu.memory_space<vmem>>) offsets(%dma_start3A_122 : memref<128xi32, #tpu.memory_space<vmem>>) semaphore(%arg15 : memref<!tpu.dma_semaphore, #tpu.memory_space<semaphore_mem>>)
    %dma_wait3A_126 = arith.constant 0 : i32
    %dma_wait3A_127 = arith.constant 0 : i32
    %dma_wait3A_128 = tpu.memref_slice %arg6[%dma_wait3A_126, %dma_wait3A_127] : memref<40x128xi32, #tpu.memory_space<vmem>> -> memref<1x128xi32, #tpu.memory_space<vmem>>
    %dma_wait3A_129 = tpu.memref_squeeze %dma_wait3A_128 : memref<1x128xi32, #tpu.memory_space<vmem>> -> memref<128xi32, #tpu.memory_space<vmem>>
    %dma_wait3A_130 = arith.constant 0 : i32
    %dma_wait3A_131 = arith.constant 0 : i32
    %dma_wait3A_132 = tpu.memref_slice %arg13[%dma_wait3A_130, %dma_wait3A_131] : memref<10240x64xf32, #tpu.memory_space<vmem_shared>> -> memref<10240x64xf32, #tpu.memory_space<vmem_shared>>
    tpu.wait_indirect_dma semaphore(%arg17 : memref<!tpu.dma_semaphore, #tpu.memory_space<semaphore_mem>>) src(%dma_wait3A_132 : memref<10240x64xf32, #tpu.memory_space<vmem_shared>>) dst(%arg11 : memref<128x64xf32, #tpu.memory_space<vmem>>)
    %dma_start3A_133 = arith.constant 3 : i32
    %dma_start3A_134 = arith.constant 0 : i32
    %dma_start3A_135 = tpu.memref_slice %arg7[%dma_start3A_133, %dma_start3A_134] : memref<40x128xi32, #tpu.memory_space<vmem>> -> memref<1x128xi32, #tpu.memory_space<vmem>>
    %dma_start3A_136 = tpu.memref_squeeze %dma_start3A_135 : memref<1x128xi32, #tpu.memory_space<vmem>> -> memref<128xi32, #tpu.memory_space<vmem>>
    %dma_start3A_137 = arith.constant 0 : i32
    %dma_start3A_138 = arith.constant 0 : i32
    %dma_start3A_139 = tpu.memref_slice %arg12[%dma_start3A_137, %dma_start3A_138] : memref<10240x64xf32, #tpu.memory_space<vmem_shared>> -> memref<10240x64xf32, #tpu.memory_space<vmem_shared>>
    tpu.enqueue_indirect_dma source(%arg11 : memref<128x64xf32, #tpu.memory_space<vmem>>) target(%dma_start3A_139 : memref<10240x64xf32, #tpu.memory_space<vmem_shared>>) offsets(%dma_start3A_136 : memref<128xi32, #tpu.memory_space<vmem>>) semaphore(%arg21 : memref<!tpu.dma_semaphore, #tpu.memory_space<semaphore_mem>>) {add = true}
    %scan3A_140 = arith.constant 0 : i32
    %scan3A_141 = arith.constant 1 : i32
    %scan3A_142 = arith.constant 8 : i32
    %scan3A_143 = arith.addi %scan3A_141, %scan3A_142 : i32
    %scan3A_144 = arith.constant 1 : i32
    scf.for %scan3A_513 = %scan3A_141 to %scan3A_143 step %scan3A_144  : i32 {
      %mul3A_514 = arith.constant 4 : i32
      %mul3A_515 = arith.muli %scan3A_513, %mul3A_514 : i32
      %add3A_516 = arith.constant 0 : i32
      %add3A_517 = arith.addi %mul3A_515, %add3A_516 : i32
      %dma_wait3A_518 = arith.constant 0 : i32
      %dma_wait3A_519 = arith.constant 0 : i32
      %dma_wait3A_520 = tpu.memref_slice %arg7[%dma_wait3A_518, %dma_wait3A_519] : memref<40x128xi32, #tpu.memory_space<vmem>> -> memref<1x128xi32, #tpu.memory_space<vmem>>
      %dma_wait3A_521 = tpu.memref_squeeze %dma_wait3A_520 : memref<1x128xi32, #tpu.memory_space<vmem>> -> memref<128xi32, #tpu.memory_space<vmem>>
      %dma_wait3A_522 = arith.constant 0 : i32
      %dma_wait3A_523 = arith.constant 0 : i32
      %dma_wait3A_524 = tpu.memref_slice %arg12[%dma_wait3A_522, %dma_wait3A_523] : memref<10240x64xf32, #tpu.memory_space<vmem_shared>> -> memref<10240x64xf32, #tpu.memory_space<vmem_shared>>
      tpu.wait_indirect_dma semaphore(%arg20 : memref<!tpu.dma_semaphore, #tpu.memory_space<semaphore_mem>>) src(%arg10 : memref<128x64xf32, #tpu.memory_space<vmem>>) dst(%dma_wait3A_524 : memref<10240x64xf32, #tpu.memory_space<vmem_shared>>)
      %add3A_525 = arith.constant 2 : i32
      %add3A_526 = arith.addi %add3A_517, %add3A_525 : i32
      %dma_start3A_527 = arith.constant 0 : i32
      %dma_start3A_528 = tpu.memref_slice %arg6[%add3A_526, %dma_start3A_527] : memref<40x128xi32, #tpu.memory_space<vmem>> -> memref<1x128xi32, #tpu.memory_space<vmem>>
      %dma_start3A_529 = tpu.memref_squeeze %dma_start3A_528 : memref<1x128xi32, #tpu.memory_space<vmem>> -> memref<128xi32, #tpu.memory_space<vmem>>
      %dma_start3A_530 = arith.constant 0 : i32
      %dma_start3A_531 = arith.constant 0 : i32
      %dma_start3A_532 = tpu.memref_slice %arg13[%dma_start3A_530, %dma_start3A_531] : memref<10240x64xf32, #tpu.memory_space<vmem_shared>> -> memref<10240x64xf32, #tpu.memory_space<vmem_shared>>
      tpu.enqueue_indirect_dma source(%dma_start3A_532 : memref<10240x64xf32, #tpu.memory_space<vmem_shared>>) target(%arg10 : memref<128x64xf32, #tpu.memory_space<vmem>>) offsets(%dma_start3A_529 : memref<128xi32, #tpu.memory_space<vmem>>) semaphore(%arg16 : memref<!tpu.dma_semaphore, #tpu.memory_space<semaphore_mem>>)
      %dma_wait3A_533 = arith.constant 0 : i32
      %dma_wait3A_534 = arith.constant 0 : i32
      %dma_wait3A_535 = tpu.memref_slice %arg6[%dma_wait3A_533, %dma_wait3A_534] : memref<40x128xi32, #tpu.memory_space<vmem>> -> memref<1x128xi32, #tpu.memory_space<vmem>>
      %dma_wait3A_536 = tpu.memref_squeeze %dma_wait3A_535 : memref<1x128xi32, #tpu.memory_space<vmem>> -> memref<128xi32, #tpu.memory_space<vmem>>
      %dma_wait3A_537 = arith.constant 0 : i32
      %dma_wait3A_538 = arith.constant 0 : i32
      %dma_wait3A_539 = tpu.memref_slice %arg13[%dma_wait3A_537, %dma_wait3A_538] : memref<10240x64xf32, #tpu.memory_space<vmem_shared>> -> memref<10240x64xf32, #tpu.memory_space<vmem_shared>>
      tpu.wait_indirect_dma semaphore(%arg14 : memref<!tpu.dma_semaphore, #tpu.memory_space<semaphore_mem>>) src(%dma_wait3A_539 : memref<10240x64xf32, #tpu.memory_space<vmem_shared>>) dst(%arg8 : memref<128x64xf32, #tpu.memory_space<vmem>>)
      %dma_start3A_540 = arith.constant 0 : i32
      %dma_start3A_541 = tpu.memref_slice %arg7[%add3A_517, %dma_start3A_540] : memref<40x128xi32, #tpu.memory_space<vmem>> -> memref<1x128xi32, #tpu.memory_space<vmem>>
      %dma_start3A_542 = tpu.memref_squeeze %dma_start3A_541 : memref<1x128xi32, #tpu.memory_space<vmem>> -> memref<128xi32, #tpu.memory_space<vmem>>
      %dma_start3A_543 = arith.constant 0 : i32
      %dma_start3A_544 = arith.constant 0 : i32
      %dma_start3A_545 = tpu.memref_slice %arg12[%dma_start3A_543, %dma_start3A_544] : memref<10240x64xf32, #tpu.memory_space<vmem_shared>> -> memref<10240x64xf32, #tpu.memory_space<vmem_shared>>
      tpu.enqueue_indirect_dma source(%arg8 : memref<128x64xf32, #tpu.memory_space<vmem>>) target(%dma_start3A_545 : memref<10240x64xf32, #tpu.memory_space<vmem_shared>>) offsets(%dma_start3A_542 : memref<128xi32, #tpu.memory_space<vmem>>) semaphore(%arg18 : memref<!tpu.dma_semaphore, #tpu.memory_space<semaphore_mem>>) {add = true}
      %mul3A_546 = arith.constant 4 : i32
      %mul3A_547 = arith.muli %scan3A_513, %mul3A_546 : i32
      %add3A_548 = arith.constant 1 : i32
      %add3A_549 = arith.addi %mul3A_547, %add3A_548 : i32
      %dma_wait3A_550 = arith.constant 0 : i32
      %dma_wait3A_551 = arith.constant 0 : i32
      %dma_wait3A_552 = tpu.memref_slice %arg7[%dma_wait3A_550, %dma_wait3A_551] : memref<40x128xi32, #tpu.memory_space<vmem>> -> memref<1x128xi32, #tpu.memory_space<vmem>>
      %dma_wait3A_553 = tpu.memref_squeeze %dma_wait3A_552 : memref<1x128xi32, #tpu.memory_space<vmem>> -> memref<128xi32, #tpu.memory_space<vmem>>
      %dma_wait3A_554 = arith.constant 0 : i32
      %dma_wait3A_555 = arith.constant 0 : i32
      %dma_wait3A_556 = tpu.memref_slice %arg12[%dma_wait3A_554, %dma_wait3A_555] : memref<10240x64xf32, #tpu.memory_space<vmem_shared>> -> memref<10240x64xf32, #tpu.memory_space<vmem_shared>>
      tpu.wait_indirect_dma semaphore(%arg21 : memref<!tpu.dma_semaphore, #tpu.memory_space<semaphore_mem>>) src(%arg11 : memref<128x64xf32, #tpu.memory_space<vmem>>) dst(%dma_wait3A_556 : memref<10240x64xf32, #tpu.memory_space<vmem_shared>>)
      %add3A_557 = arith.constant 2 : i32
      %add3A_558 = arith.addi %add3A_549, %add3A_557 : i32
      %dma_start3A_559 = arith.constant 0 : i32
      %dma_start3A_560 = tpu.memref_slice %arg6[%add3A_558, %dma_start3A_559] : memref<40x128xi32, #tpu.memory_space<vmem>> -> memref<1x128xi32, #tpu.memory_space<vmem>>
      %dma_start3A_561 = tpu.memref_squeeze %dma_start3A_560 : memref<1x128xi32, #tpu.memory_space<vmem>> -> memref<128xi32, #tpu.memory_space<vmem>>
      %dma_start3A_562 = arith.constant 0 : i32
      %dma_start3A_563 = arith.constant 0 : i32
      %dma_start3A_564 = tpu.memref_slice %arg13[%dma_start3A_562, %dma_start3A_563] : memref<10240x64xf32, #tpu.memory_space<vmem_shared>> -> memref<10240x64xf32, #tpu.memory_space<vmem_shared>>
      tpu.enqueue_indirect_dma source(%dma_start3A_564 : memref<10240x64xf32, #tpu.memory_space<vmem_shared>>) target(%arg11 : memref<128x64xf32, #tpu.memory_space<vmem>>) offsets(%dma_start3A_561 : memref<128xi32, #tpu.memory_space<vmem>>) semaphore(%arg17 : memref<!tpu.dma_semaphore, #tpu.memory_space<semaphore_mem>>)
      %dma_wait3A_565 = arith.constant 0 : i32
      %dma_wait3A_566 = arith.constant 0 : i32
      %dma_wait3A_567 = tpu.memref_slice %arg6[%dma_wait3A_565, %dma_wait3A_566] : memref<40x128xi32, #tpu.memory_space<vmem>> -> memref<1x128xi32, #tpu.memory_space<vmem>>
      %dma_wait3A_568 = tpu.memref_squeeze %dma_wait3A_567 : memref<1x128xi32, #tpu.memory_space<vmem>> -> memref<128xi32, #tpu.memory_space<vmem>>
      %dma_wait3A_569 = arith.constant 0 : i32
      %dma_wait3A_570 = arith.constant 0 : i32
      %dma_wait3A_571 = tpu.memref_slice %arg13[%dma_wait3A_569, %dma_wait3A_570] : memref<10240x64xf32, #tpu.memory_space<vmem_shared>> -> memref<10240x64xf32, #tpu.memory_space<vmem_shared>>
      tpu.wait_indirect_dma semaphore(%arg15 : memref<!tpu.dma_semaphore, #tpu.memory_space<semaphore_mem>>) src(%dma_wait3A_571 : memref<10240x64xf32, #tpu.memory_space<vmem_shared>>) dst(%arg9 : memref<128x64xf32, #tpu.memory_space<vmem>>)
      %dma_start3A_572 = arith.constant 0 : i32
      %dma_start3A_573 = tpu.memref_slice %arg7[%add3A_549, %dma_start3A_572] : memref<40x128xi32, #tpu.memory_space<vmem>> -> memref<1x128xi32, #tpu.memory_space<vmem>>
      %dma_start3A_574 = tpu.memref_squeeze %dma_start3A_573 : memref<1x128xi32, #tpu.memory_space<vmem>> -> memref<128xi32, #tpu.memory_space<vmem>>
      %dma_start3A_575 = arith.constant 0 : i32
      %dma_start3A_576 = arith.constant 0 : i32
      %dma_start3A_577 = tpu.memref_slice %arg12[%dma_start3A_575, %dma_start3A_576] : memref<10240x64xf32, #tpu.memory_space<vmem_shared>> -> memref<10240x64xf32, #tpu.memory_space<vmem_shared>>
      tpu.enqueue_indirect_dma source(%arg9 : memref<128x64xf32, #tpu.memory_space<vmem>>) target(%dma_start3A_577 : memref<10240x64xf32, #tpu.memory_space<vmem_shared>>) offsets(%dma_start3A_574 : memref<128xi32, #tpu.memory_space<vmem>>) semaphore(%arg19 : memref<!tpu.dma_semaphore, #tpu.memory_space<semaphore_mem>>) {add = true}
      %mul3A_578 = arith.constant 4 : i32
      %mul3A_579 = arith.muli %scan3A_513, %mul3A_578 : i32
      %add3A_580 = arith.constant 2 : i32
      %add3A_581 = arith.addi %mul3A_579, %add3A_580 : i32
      %dma_wait3A_582 = arith.constant 0 : i32
      %dma_wait3A_583 = arith.constant 0 : i32
      %dma_wait3A_584 = tpu.memref_slice %arg7[%dma_wait3A_582, %dma_wait3A_583] : memref<40x128xi32, #tpu.memory_space<vmem>> -> memref<1x128xi32, #tpu.memory_space<vmem>>
      %dma_wait3A_585 = tpu.memref_squeeze %dma_wait3A_584 : memref<1x128xi32, #tpu.memory_space<vmem>> -> memref<128xi32, #tpu.memory_space<vmem>>
      %dma_wait3A_586 = arith.constant 0 : i32
      %dma_wait3A_587 = arith.constant 0 : i32
      %dma_wait3A_588 = tpu.memref_slice %arg12[%dma_wait3A_586, %dma_wait3A_587] : memref<10240x64xf32, #tpu.memory_space<vmem_shared>> -> memref<10240x64xf32, #tpu.memory_space<vmem_shared>>
      tpu.wait_indirect_dma semaphore(%arg18 : memref<!tpu.dma_semaphore, #tpu.memory_space<semaphore_mem>>) src(%arg8 : memref<128x64xf32, #tpu.memory_space<vmem>>) dst(%dma_wait3A_588 : memref<10240x64xf32, #tpu.memory_space<vmem_shared>>)
      %add3A_589 = arith.constant 2 : i32
      %add3A_590 = arith.addi %add3A_581, %add3A_589 : i32
      %dma_start3A_591 = arith.constant 0 : i32
      %dma_start3A_592 = tpu.memref_slice %arg6[%add3A_590, %dma_start3A_591] : memref<40x128xi32, #tpu.memory_space<vmem>> -> memref<1x128xi32, #tpu.memory_space<vmem>>
      %dma_start3A_593 = tpu.memref_squeeze %dma_start3A_592 : memref<1x128xi32, #tpu.memory_space<vmem>> -> memref<128xi32, #tpu.memory_space<vmem>>
      %dma_start3A_594 = arith.constant 0 : i32
      %dma_start3A_595 = arith.constant 0 : i32
      %dma_start3A_596 = tpu.memref_slice %arg13[%dma_start3A_594, %dma_start3A_595] : memref<10240x64xf32, #tpu.memory_space<vmem_shared>> -> memref<10240x64xf32, #tpu.memory_space<vmem_shared>>
      tpu.enqueue_indirect_dma source(%dma_start3A_596 : memref<10240x64xf32, #tpu.memory_space<vmem_shared>>) target(%arg8 : memref<128x64xf32, #tpu.memory_space<vmem>>) offsets(%dma_start3A_593 : memref<128xi32, #tpu.memory_space<vmem>>) semaphore(%arg14 : memref<!tpu.dma_semaphore, #tpu.memory_space<semaphore_mem>>)
      %dma_wait3A_597 = arith.constant 0 : i32
      %dma_wait3A_598 = arith.constant 0 : i32
      %dma_wait3A_599 = tpu.memref_slice %arg6[%dma_wait3A_597, %dma_wait3A_598] : memref<40x128xi32, #tpu.memory_space<vmem>> -> memref<1x128xi32, #tpu.memory_space<vmem>>
      %dma_wait3A_600 = tpu.memref_squeeze %dma_wait3A_599 : memref<1x128xi32, #tpu.memory_space<vmem>> -> memref<128xi32, #tpu.memory_space<vmem>>
      %dma_wait3A_601 = arith.constant 0 : i32
      %dma_wait3A_602 = arith.constant 0 : i32
      %dma_wait3A_603 = tpu.memref_slice %arg13[%dma_wait3A_601, %dma_wait3A_602] : memref<10240x64xf32, #tpu.memory_space<vmem_shared>> -> memref<10240x64xf32, #tpu.memory_space<vmem_shared>>
      tpu.wait_indirect_dma semaphore(%arg16 : memref<!tpu.dma_semaphore, #tpu.memory_space<semaphore_mem>>) src(%dma_wait3A_603 : memref<10240x64xf32, #tpu.memory_space<vmem_shared>>) dst(%arg10 : memref<128x64xf32, #tpu.memory_space<vmem>>)
      %dma_start3A_604 = arith.constant 0 : i32
      %dma_start3A_605 = tpu.memref_slice %arg7[%add3A_581, %dma_start3A_604] : memref<40x128xi32, #tpu.memory_space<vmem>> -> memref<1x128xi32, #tpu.memory_space<vmem>>
      %dma_start3A_606 = tpu.memref_squeeze %dma_start3A_605 : memref<1x128xi32, #tpu.memory_space<vmem>> -> memref<128xi32, #tpu.memory_space<vmem>>
      %dma_start3A_607 = arith.constant 0 : i32
      %dma_start3A_608 = arith.constant 0 : i32
      %dma_start3A_609 = tpu.memref_slice %arg12[%dma_start3A_607, %dma_start3A_608] : memref<10240x64xf32, #tpu.memory_space<vmem_shared>> -> memref<10240x64xf32, #tpu.memory_space<vmem_shared>>
      tpu.enqueue_indirect_dma source(%arg10 : memref<128x64xf32, #tpu.memory_space<vmem>>) target(%dma_start3A_609 : memref<10240x64xf32, #tpu.memory_space<vmem_shared>>) offsets(%dma_start3A_606 : memref<128xi32, #tpu.memory_space<vmem>>) semaphore(%arg20 : memref<!tpu.dma_semaphore, #tpu.memory_space<semaphore_mem>>) {add = true}
      %mul3A_610 = arith.constant 4 : i32
      %mul3A_611 = arith.muli %scan3A_513, %mul3A_610 : i32
      %add3A_612 = arith.constant 3 : i32
      %add3A_613 = arith.addi %mul3A_611, %add3A_612 : i32
      %dma_wait3A_614 = arith.constant 0 : i32
      %dma_wait3A_615 = arith.constant 0 : i32
      %dma_wait3A_616 = tpu.memref_slice %arg7[%dma_wait3A_614, %dma_wait3A_615] : memref<40x128xi32, #tpu.memory_space<vmem>> -> memref<1x128xi32, #tpu.memory_space<vmem>>
      %dma_wait3A_617 = tpu.memref_squeeze %dma_wait3A_616 : memref<1x128xi32, #tpu.memory_space<vmem>> -> memref<128xi32, #tpu.memory_space<vmem>>
      %dma_wait3A_618 = arith.constant 0 : i32
      %dma_wait3A_619 = arith.constant 0 : i32
      %dma_wait3A_620 = tpu.memref_slice %arg12[%dma_wait3A_618, %dma_wait3A_619] : memref<10240x64xf32, #tpu.memory_space<vmem_shared>> -> memref<10240x64xf32, #tpu.memory_space<vmem_shared>>
      tpu.wait_indirect_dma semaphore(%arg19 : memref<!tpu.dma_semaphore, #tpu.memory_space<semaphore_mem>>) src(%arg9 : memref<128x64xf32, #tpu.memory_space<vmem>>) dst(%dma_wait3A_620 : memref<10240x64xf32, #tpu.memory_space<vmem_shared>>)
      %add3A_621 = arith.constant 2 : i32
      %add3A_622 = arith.addi %add3A_613, %add3A_621 : i32
      %dma_start3A_623 = arith.constant 0 : i32
      %dma_start3A_624 = tpu.memref_slice %arg6[%add3A_622, %dma_start3A_623] : memref<40x128xi32, #tpu.memory_space<vmem>> -> memref<1x128xi32, #tpu.memory_space<vmem>>
      %dma_start3A_625 = tpu.memref_squeeze %dma_start3A_624 : memref<1x128xi32, #tpu.memory_space<vmem>> -> memref<128xi32, #tpu.memory_space<vmem>>
      %dma_start3A_626 = arith.constant 0 : i32
      %dma_start3A_627 = arith.constant 0 : i32
      %dma_start3A_628 = tpu.memref_slice %arg13[%dma_start3A_626, %dma_start3A_627] : memref<10240x64xf32, #tpu.memory_space<vmem_shared>> -> memref<10240x64xf32, #tpu.memory_space<vmem_shared>>
      tpu.enqueue_indirect_dma source(%dma_start3A_628 : memref<10240x64xf32, #tpu.memory_space<vmem_shared>>) target(%arg9 : memref<128x64xf32, #tpu.memory_space<vmem>>) offsets(%dma_start3A_625 : memref<128xi32, #tpu.memory_space<vmem>>) semaphore(%arg15 : memref<!tpu.dma_semaphore, #tpu.memory_space<semaphore_mem>>)
      %dma_wait3A_629 = arith.constant 0 : i32
      %dma_wait3A_630 = arith.constant 0 : i32
      %dma_wait3A_631 = tpu.memref_slice %arg6[%dma_wait3A_629, %dma_wait3A_630] : memref<40x128xi32, #tpu.memory_space<vmem>> -> memref<1x128xi32, #tpu.memory_space<vmem>>
      %dma_wait3A_632 = tpu.memref_squeeze %dma_wait3A_631 : memref<1x128xi32, #tpu.memory_space<vmem>> -> memref<128xi32, #tpu.memory_space<vmem>>
      %dma_wait3A_633 = arith.constant 0 : i32
      %dma_wait3A_634 = arith.constant 0 : i32
      %dma_wait3A_635 = tpu.memref_slice %arg13[%dma_wait3A_633, %dma_wait3A_634] : memref<10240x64xf32, #tpu.memory_space<vmem_shared>> -> memref<10240x64xf32, #tpu.memory_space<vmem_shared>>
      tpu.wait_indirect_dma semaphore(%arg17 : memref<!tpu.dma_semaphore, #tpu.memory_space<semaphore_mem>>) src(%dma_wait3A_635 : memref<10240x64xf32, #tpu.memory_space<vmem_shared>>) dst(%arg11 : memref<128x64xf32, #tpu.memory_space<vmem>>)
      %dma_start3A_636 = arith.constant 0 : i32
      %dma_start3A_637 = tpu.memref_slice %arg7[%add3A_613, %dma_start3A_636] : memref<40x128xi32, #tpu.memory_space<vmem>> -> memref<1x128xi32, #tpu.memory_space<vmem>>
      %dma_start3A_638 = tpu.memref_squeeze %dma_start3A_637 : memref<1x128xi32, #tpu.memory_space<vmem>> -> memref<128xi32, #tpu.memory_space<vmem>>
      %dma_start3A_639 = arith.constant 0 : i32
      %dma_start3A_640 = arith.constant 0 : i32
      %dma_start3A_641 = tpu.memref_slice %arg12[%dma_start3A_639, %dma_start3A_640] : memref<10240x64xf32, #tpu.memory_space<vmem_shared>> -> memref<10240x64xf32, #tpu.memory_space<vmem_shared>>
      tpu.enqueue_indirect_dma source(%arg11 : memref<128x64xf32, #tpu.memory_space<vmem>>) target(%dma_start3A_641 : memref<10240x64xf32, #tpu.memory_space<vmem_shared>>) offsets(%dma_start3A_638 : memref<128xi32, #tpu.memory_space<vmem>>) semaphore(%arg21 : memref<!tpu.dma_semaphore, #tpu.memory_space<semaphore_mem>>) {add = true}
    }
    %scan3A_145 = arith.constant 8 : i32
    %dma_wait3A_146 = arith.constant 0 : i32
    %dma_wait3A_147 = arith.constant 0 : i32
    %dma_wait3A_148 = tpu.memref_slice %arg7[%dma_wait3A_146, %dma_wait3A_147] : memref<40x128xi32, #tpu.memory_space<vmem>> -> memref<1x128xi32, #tpu.memory_space<vmem>>
    %dma_wait3A_149 = tpu.memref_squeeze %dma_wait3A_148 : memref<1x128xi32, #tpu.memory_space<vmem>> -> memref<128xi32, #tpu.memory_space<vmem>>
    %dma_wait3A_150 = arith.constant 0 : i32
    %dma_wait3A_151 = arith.constant 0 : i32
    %dma_wait3A_152 = tpu.memref_slice %arg12[%dma_wait3A_150, %dma_wait3A_151] : memref<10240x64xf32, #tpu.memory_space<vmem_shared>> -> memref<10240x64xf32, #tpu.memory_space<vmem_shared>>
    tpu.wait_indirect_dma semaphore(%arg20 : memref<!tpu.dma_semaphore, #tpu.memory_space<semaphore_mem>>) src(%arg10 : memref<128x64xf32, #tpu.memory_space<vmem>>) dst(%dma_wait3A_152 : memref<10240x64xf32, #tpu.memory_space<vmem_shared>>)
    %dma_start3A_153 = arith.constant 38 : i32
    %dma_start3A_154 = arith.constant 0 : i32
    %dma_start3A_155 = tpu.memref_slice %arg6[%dma_start3A_153, %dma_start3A_154] : memref<40x128xi32, #tpu.memory_space<vmem>> -> memref<1x128xi32, #tpu.memory_space<vmem>>
    %dma_start3A_156 = tpu.memref_squeeze %dma_start3A_155 : memref<1x128xi32, #tpu.memory_space<vmem>> -> memref<128xi32, #tpu.memory_space<vmem>>
    %dma_start3A_157 = arith.constant 0 : i32
    %dma_start3A_158 = arith.constant 0 : i32
    %dma_start3A_159 = tpu.memref_slice %arg13[%dma_start3A_157, %dma_start3A_158] : memref<10240x64xf32, #tpu.memory_space<vmem_shared>> -> memref<10240x64xf32, #tpu.memory_space<vmem_shared>>
    tpu.enqueue_indirect_dma source(%dma_start3A_159 : memref<10240x64xf32, #tpu.memory_space<vmem_shared>>) target(%arg10 : memref<128x64xf32, #tpu.memory_space<vmem>>) offsets(%dma_start3A_156 : memref<128xi32, #tpu.memory_space<vmem>>) semaphore(%arg16 : memref<!tpu.dma_semaphore, #tpu.memory_space<semaphore_mem>>)
    %dma_wait3A_160 = arith.constant 0 : i32
    %dma_wait3A_161 = arith.constant 0 : i32
    %dma_wait3A_162 = tpu.memref_slice %arg6[%dma_wait3A_160, %dma_wait3A_161] : memref<40x128xi32, #tpu.memory_space<vmem>> -> memref<1x128xi32, #tpu.memory_space<vmem>>
    %dma_wait3A_163 = tpu.memref_squeeze %dma_wait3A_162 : memref<1x128xi32, #tpu.memory_space<vmem>> -> memref<128xi32, #tpu.memory_space<vmem>>
    %dma_wait3A_164 = arith.constant 0 : i32
    %dma_wait3A_165 = arith.constant 0 : i32
    %dma_wait3A_166 = tpu.memref_slice %arg13[%dma_wait3A_164, %dma_wait3A_165] : memref<10240x64xf32, #tpu.memory_space<vmem_shared>> -> memref<10240x64xf32, #tpu.memory_space<vmem_shared>>
    tpu.wait_indirect_dma semaphore(%arg14 : memref<!tpu.dma_semaphore, #tpu.memory_space<semaphore_mem>>) src(%dma_wait3A_166 : memref<10240x64xf32, #tpu.memory_space<vmem_shared>>) dst(%arg8 : memref<128x64xf32, #tpu.memory_space<vmem>>)
    %dma_start3A_167 = arith.constant 36 : i32
    %dma_start3A_168 = arith.constant 0 : i32
    %dma_start3A_169 = tpu.memref_slice %arg7[%dma_start3A_167, %dma_start3A_168] : memref<40x128xi32, #tpu.memory_space<vmem>> -> memref<1x128xi32, #tpu.memory_space<vmem>>
    %dma_start3A_170 = tpu.memref_squeeze %dma_start3A_169 : memref<1x128xi32, #tpu.memory_space<vmem>> -> memref<128xi32, #tpu.memory_space<vmem>>
    %dma_start3A_171 = arith.constant 0 : i32
    %dma_start3A_172 = arith.constant 0 : i32
    %dma_start3A_173 = tpu.memref_slice %arg12[%dma_start3A_171, %dma_start3A_172] : memref<10240x64xf32, #tpu.memory_space<vmem_shared>> -> memref<10240x64xf32, #tpu.memory_space<vmem_shared>>
    tpu.enqueue_indirect_dma source(%arg8 : memref<128x64xf32, #tpu.memory_space<vmem>>) target(%dma_start3A_173 : memref<10240x64xf32, #tpu.memory_space<vmem_shared>>) offsets(%dma_start3A_170 : memref<128xi32, #tpu.memory_space<vmem>>) semaphore(%arg18 : memref<!tpu.dma_semaphore, #tpu.memory_space<semaphore_mem>>) {add = true}
    %dma_wait3A_174 = arith.constant 0 : i32
    %dma_wait3A_175 = arith.constant 0 : i32
    %dma_wait3A_176 = tpu.memref_slice %arg7[%dma_wait3A_174, %dma_wait3A_175] : memref<40x128xi32, #tpu.memory_space<vmem>> -> memref<1x128xi32, #tpu.memory_space<vmem>>
    %dma_wait3A_177 = tpu.memref_squeeze %dma_wait3A_176 : memref<1x128xi32, #tpu.memory_space<vmem>> -> memref<128xi32, #tpu.memory_space<vmem>>
    %dma_wait3A_178 = arith.constant 0 : i32
    %dma_wait3A_179 = arith.constant 0 : i32
    %dma_wait3A_180 = tpu.memref_slice %arg12[%dma_wait3A_178, %dma_wait3A_179] : memref<10240x64xf32, #tpu.memory_space<vmem_shared>> -> memref<10240x64xf32, #tpu.memory_space<vmem_shared>>
    tpu.wait_indirect_dma semaphore(%arg21 : memref<!tpu.dma_semaphore, #tpu.memory_space<semaphore_mem>>) src(%arg11 : memref<128x64xf32, #tpu.memory_space<vmem>>) dst(%dma_wait3A_180 : memref<10240x64xf32, #tpu.memory_space<vmem_shared>>)
    %dma_start3A_181 = arith.constant 39 : i32
    %dma_start3A_182 = arith.constant 0 : i32
    %dma_start3A_183 = tpu.memref_slice %arg6[%dma_start3A_181, %dma_start3A_182] : memref<40x128xi32, #tpu.memory_space<vmem>> -> memref<1x128xi32, #tpu.memory_space<vmem>>
    %dma_start3A_184 = tpu.memref_squeeze %dma_start3A_183 : memref<1x128xi32, #tpu.memory_space<vmem>> -> memref<128xi32, #tpu.memory_space<vmem>>
    %dma_start3A_185 = arith.constant 0 : i32
    %dma_start3A_186 = arith.constant 0 : i32
    %dma_start3A_187 = tpu.memref_slice %arg13[%dma_start3A_185, %dma_start3A_186] : memref<10240x64xf32, #tpu.memory_space<vmem_shared>> -> memref<10240x64xf32, #tpu.memory_space<vmem_shared>>
    tpu.enqueue_indirect_dma source(%dma_start3A_187 : memref<10240x64xf32, #tpu.memory_space<vmem_shared>>) target(%arg11 : memref<128x64xf32, #tpu.memory_space<vmem>>) offsets(%dma_start3A_184 : memref<128xi32, #tpu.memory_space<vmem>>) semaphore(%arg17 : memref<!tpu.dma_semaphore, #tpu.memory_space<semaphore_mem>>)
    %dma_wait3A_188 = arith.constant 0 : i32
    %dma_wait3A_189 = arith.constant 0 : i32
    %dma_wait3A_190 = tpu.memref_slice %arg6[%dma_wait3A_188, %dma_wait3A_189] : memref<40x128xi32, #tpu.memory_space<vmem>> -> memref<1x128xi32, #tpu.memory_space<vmem>>
    %dma_wait3A_191 = tpu.memref_squeeze %dma_wait3A_190 : memref<1x128xi32, #tpu.memory_space<vmem>> -> memref<128xi32, #tpu.memory_space<vmem>>
    %dma_wait3A_192 = arith.constant 0 : i32
    %dma_wait3A_193 = arith.constant 0 : i32
    %dma_wait3A_194 = tpu.memref_slice %arg13[%dma_wait3A_192, %dma_wait3A_193] : memref<10240x64xf32, #tpu.memory_space<vmem_shared>> -> memref<10240x64xf32, #tpu.memory_space<vmem_shared>>
    tpu.wait_indirect_dma semaphore(%arg15 : memref<!tpu.dma_semaphore, #tpu.memory_space<semaphore_mem>>) src(%dma_wait3A_194 : memref<10240x64xf32, #tpu.memory_space<vmem_shared>>) dst(%arg9 : memref<128x64xf32, #tpu.memory_space<vmem>>)
    %dma_start3A_195 = arith.constant 37 : i32
    %dma_start3A_196 = arith.constant 0 : i32
    %dma_start3A_197 = tpu.memref_slice %arg7[%dma_start3A_195, %dma_start3A_196] : memref<40x128xi32, #tpu.memory_space<vmem>> -> memref<1x128xi32, #tpu.memory_space<vmem>>
    %dma_start3A_198 = tpu.memref_squeeze %dma_start3A_197 : memref<1x128xi32, #tpu.memory_space<vmem>> -> memref<128xi32, #tpu.memory_space<vmem>>
    %dma_start3A_199 = arith.constant 0 : i32
    %dma_start3A_200 = arith.constant 0 : i32
    %dma_start3A_201 = tpu.memref_slice %arg12[%dma_start3A_199, %dma_start3A_200] : memref<10240x64xf32, #tpu.memory_space<vmem_shared>> -> memref<10240x64xf32, #tpu.memory_space<vmem_shared>>
    tpu.enqueue_indirect_dma source(%arg9 : memref<128x64xf32, #tpu.memory_space<vmem>>) target(%dma_start3A_201 : memref<10240x64xf32, #tpu.memory_space<vmem_shared>>) offsets(%dma_start3A_198 : memref<128xi32, #tpu.memory_space<vmem>>) semaphore(%arg19 : memref<!tpu.dma_semaphore, #tpu.memory_space<semaphore_mem>>) {add = true}
    %dma_wait3A_202 = arith.constant 0 : i32
    %dma_wait3A_203 = arith.constant 0 : i32
    %dma_wait3A_204 = tpu.memref_slice %arg6[%dma_wait3A_202, %dma_wait3A_203] : memref<40x128xi32, #tpu.memory_space<vmem>> -> memref<1x128xi32, #tpu.memory_space<vmem>>
    %dma_wait3A_205 = tpu.memref_squeeze %dma_wait3A_204 : memref<1x128xi32, #tpu.memory_space<vmem>> -> memref<128xi32, #tpu.memory_space<vmem>>
    %dma_wait3A_206 = arith.constant 0 : i32
    %dma_wait3A_207 = arith.constant 0 : i32
    %dma_wait3A_208 = tpu.memref_slice %arg13[%dma_wait3A_206, %dma_wait3A_207] : memref<10240x64xf32, #tpu.memory_space<vmem_shared>> -> memref<10240x64xf32, #tpu.memory_space<vmem_shared>>
    tpu.wait_indirect_dma semaphore(%arg16 : memref<!tpu.dma_semaphore, #tpu.memory_space<semaphore_mem>>) src(%dma_wait3A_208 : memref<10240x64xf32, #tpu.memory_space<vmem_shared>>) dst(%arg10 : memref<128x64xf32, #tpu.memory_space<vmem>>)
    %dma_start3A_209 = arith.constant 38 : i32
    %dma_start3A_210 = arith.constant 0 : i32
    %dma_start3A_211 = tpu.memref_slice %arg7[%dma_start3A_209, %dma_start3A_210] : memref<40x128xi32, #tpu.memory_space<vmem>> -> memref<1x128xi32, #tpu.memory_space<vmem>>
    %dma_start3A_212 = tpu.memref_squeeze %dma_start3A_211 : memref<1x128xi32, #tpu.memory_space<vmem>> -> memref<128xi32, #tpu.memory_space<vmem>>
    %dma_start3A_213 = arith.constant 0 : i32
    %dma_start3A_214 = arith.constant 0 : i32
    %dma_start3A_215 = tpu.memref_slice %arg12[%dma_start3A_213, %dma_start3A_214] : memref<10240x64xf32, #tpu.memory_space<vmem_shared>> -> memref<10240x64xf32, #tpu.memory_space<vmem_shared>>
    tpu.enqueue_indirect_dma source(%arg10 : memref<128x64xf32, #tpu.memory_space<vmem>>) target(%dma_start3A_215 : memref<10240x64xf32, #tpu.memory_space<vmem_shared>>) offsets(%dma_start3A_212 : memref<128xi32, #tpu.memory_space<vmem>>) semaphore(%arg20 : memref<!tpu.dma_semaphore, #tpu.memory_space<semaphore_mem>>) {add = true}
    %dma_wait3A_216 = arith.constant 0 : i32
    %dma_wait3A_217 = arith.constant 0 : i32
    %dma_wait3A_218 = tpu.memref_slice %arg6[%dma_wait3A_216, %dma_wait3A_217] : memref<40x128xi32, #tpu.memory_space<vmem>> -> memref<1x128xi32, #tpu.memory_space<vmem>>
    %dma_wait3A_219 = tpu.memref_squeeze %dma_wait3A_218 : memref<1x128xi32, #tpu.memory_space<vmem>> -> memref<128xi32, #tpu.memory_space<vmem>>
    %dma_wait3A_220 = arith.constant 0 : i32
    %dma_wait3A_221 = arith.constant 0 : i32
    %dma_wait3A_222 = tpu.memref_slice %arg13[%dma_wait3A_220, %dma_wait3A_221] : memref<10240x64xf32, #tpu.memory_space<vmem_shared>> -> memref<10240x64xf32, #tpu.memory_space<vmem_shared>>
    tpu.wait_indirect_dma semaphore(%arg17 : memref<!tpu.dma_semaphore, #tpu.memory_space<semaphore_mem>>) src(%dma_wait3A_222 : memref<10240x64xf32, #tpu.memory_space<vmem_shared>>) dst(%arg11 : memref<128x64xf32, #tpu.memory_space<vmem>>)
    %dma_start3A_223 = arith.constant 39 : i32
    %dma_start3A_224 = arith.constant 0 : i32
    %dma_start3A_225 = tpu.memref_slice %arg7[%dma_start3A_223, %dma_start3A_224] : memref<40x128xi32, #tpu.memory_space<vmem>> -> memref<1x128xi32, #tpu.memory_space<vmem>>
    %dma_start3A_226 = tpu.memref_squeeze %dma_start3A_225 : memref<1x128xi32, #tpu.memory_space<vmem>> -> memref<128xi32, #tpu.memory_space<vmem>>
    %dma_start3A_227 = arith.constant 0 : i32
    %dma_start3A_228 = arith.constant 0 : i32
    %dma_start3A_229 = tpu.memref_slice %arg12[%dma_start3A_227, %dma_start3A_228] : memref<10240x64xf32, #tpu.memory_space<vmem_shared>> -> memref<10240x64xf32, #tpu.memory_space<vmem_shared>>
    tpu.enqueue_indirect_dma source(%arg11 : memref<128x64xf32, #tpu.memory_space<vmem>>) target(%dma_start3A_229 : memref<10240x64xf32, #tpu.memory_space<vmem_shared>>) offsets(%dma_start3A_226 : memref<128xi32, #tpu.memory_space<vmem>>) semaphore(%arg21 : memref<!tpu.dma_semaphore, #tpu.memory_space<semaphore_mem>>) {add = true}
    %dma_wait3A_230 = arith.constant 0 : i32
    %dma_wait3A_231 = arith.constant 0 : i32
    %dma_wait3A_232 = tpu.memref_slice %arg7[%dma_wait3A_230, %dma_wait3A_231] : memref<40x128xi32, #tpu.memory_space<vmem>> -> memref<1x128xi32, #tpu.memory_space<vmem>>
    %dma_wait3A_233 = tpu.memref_squeeze %dma_wait3A_232 : memref<1x128xi32, #tpu.memory_space<vmem>> -> memref<128xi32, #tpu.memory_space<vmem>>
    %dma_wait3A_234 = arith.constant 0 : i32
    %dma_wait3A_235 = arith.constant 0 : i32
    %dma_wait3A_236 = tpu.memref_slice %arg12[%dma_wait3A_234, %dma_wait3A_235] : memref<10240x64xf32, #tpu.memory_space<vmem_shared>> -> memref<10240x64xf32, #tpu.memory_space<vmem_shared>>
    tpu.wait_indirect_dma semaphore(%arg18 : memref<!tpu.dma_semaphore, #tpu.memory_space<semaphore_mem>>) src(%arg8 : memref<128x64xf32, #tpu.memory_space<vmem>>) dst(%dma_wait3A_236 : memref<10240x64xf32, #tpu.memory_space<vmem_shared>>)
    %dma_wait3A_237 = arith.constant 0 : i32
    %dma_wait3A_238 = arith.constant 0 : i32
    %dma_wait3A_239 = tpu.memref_slice %arg7[%dma_wait3A_237, %dma_wait3A_238] : memref<40x128xi32, #tpu.memory_space<vmem>> -> memref<1x128xi32, #tpu.memory_space<vmem>>
    %dma_wait3A_240 = tpu.memref_squeeze %dma_wait3A_239 : memref<1x128xi32, #tpu.memory_space<vmem>> -> memref<128xi32, #tpu.memory_space<vmem>>
    %dma_wait3A_241 = arith.constant 0 : i32
    %dma_wait3A_242 = arith.constant 0 : i32
    %dma_wait3A_243 = tpu.memref_slice %arg12[%dma_wait3A_241, %dma_wait3A_242] : memref<10240x64xf32, #tpu.memory_space<vmem_shared>> -> memref<10240x64xf32, #tpu.memory_space<vmem_shared>>
    tpu.wait_indirect_dma semaphore(%arg19 : memref<!tpu.dma_semaphore, #tpu.memory_space<semaphore_mem>>) src(%arg9 : memref<128x64xf32, #tpu.memory_space<vmem>>) dst(%dma_wait3A_243 : memref<10240x64xf32, #tpu.memory_space<vmem_shared>>)
    %dma_wait3A_244 = arith.constant 0 : i32
    %dma_wait3A_245 = arith.constant 0 : i32
    %dma_wait3A_246 = tpu.memref_slice %arg7[%dma_wait3A_244, %dma_wait3A_245] : memref<40x128xi32, #tpu.memory_space<vmem>> -> memref<1x128xi32, #tpu.memory_space<vmem>>
    %dma_wait3A_247 = tpu.memref_squeeze %dma_wait3A_246 : memref<1x128xi32, #tpu.memory_space<vmem>> -> memref<128xi32, #tpu.memory_space<vmem>>
    %dma_wait3A_248 = arith.constant 0 : i32
    %dma_wait3A_249 = arith.constant 0 : i32
    %dma_wait3A_250 = tpu.memref_slice %arg12[%dma_wait3A_248, %dma_wait3A_249] : memref<10240x64xf32, #tpu.memory_space<vmem_shared>> -> memref<10240x64xf32, #tpu.memory_space<vmem_shared>>
    tpu.wait_indirect_dma semaphore(%arg20 : memref<!tpu.dma_semaphore, #tpu.memory_space<semaphore_mem>>) src(%arg10 : memref<128x64xf32, #tpu.memory_space<vmem>>) dst(%dma_wait3A_250 : memref<10240x64xf32, #tpu.memory_space<vmem_shared>>)
    %dma_wait3A_251 = arith.constant 0 : i32
    %dma_wait3A_252 = arith.constant 0 : i32
    %dma_wait3A_253 = tpu.memref_slice %arg7[%dma_wait3A_251, %dma_wait3A_252] : memref<40x128xi32, #tpu.memory_space<vmem>> -> memref<1x128xi32, #tpu.memory_space<vmem>>
    %dma_wait3A_254 = tpu.memref_squeeze %dma_wait3A_253 : memref<1x128xi32, #tpu.memory_space<vmem>> -> memref<128xi32, #tpu.memory_space<vmem>>
    %dma_wait3A_255 = arith.constant 0 : i32
    %dma_wait3A_256 = arith.constant 0 : i32
    %dma_wait3A_257 = tpu.memref_slice %arg12[%dma_wait3A_255, %dma_wait3A_256] : memref<10240x64xf32, #tpu.memory_space<vmem_shared>> -> memref<10240x64xf32, #tpu.memory_space<vmem_shared>>
    tpu.wait_indirect_dma semaphore(%arg21 : memref<!tpu.dma_semaphore, #tpu.memory_space<semaphore_mem>>) src(%arg11 : memref<128x64xf32, #tpu.memory_space<vmem>>) dst(%dma_wait3A_257 : memref<10240x64xf32, #tpu.memory_space<vmem_shared>>)
    %mul3A_258 = arith.constant 80 : i32
    %mul3A_259 = arith.muli %add3A, %mul3A_258 : i32
    %add3A_260 = arith.constant 40 : i32
    %add3A_261 = arith.addi %mul3A_259, %add3A_260 : i32
    "tpu.region"() ({
      %run_scoped3A = tpu.sem_alloc : memref<!tpu.dma_semaphore, #tpu.memory_space<semaphore_mem>>
      %dma_start3A_513 = arith.constant 0 : i32
      %dma_start3A_514 = tpu.memref_slice %arg2[%add3A_261, %dma_start3A_513] : memref<2688x128xi32, #tpu.memory_space<hbm>> -> memref<40x128xi32, #tpu.memory_space<hbm>>
      %dma_start3A_515 = arith.constant 0 : i32
      %dma_start3A_516 = tpu.memref_slice %arg2[%add3A_261, %dma_start3A_515] : memref<2688x128xi32, #tpu.memory_space<hbm>> -> memref<40x128xi32, #tpu.memory_space<hbm>>
      tpu.enqueue_dma source(%dma_start3A_516 : memref<40x128xi32, #tpu.memory_space<hbm>>) target(%arg6 : memref<40x128xi32, #tpu.memory_space<vmem>>) target_semaphore(%run_scoped3A : memref<!tpu.dma_semaphore, #tpu.memory_space<semaphore_mem>>)
      %dma_wait3A_517 = arith.constant 0 : i32
      %dma_wait3A_518 = tpu.memref_slice %arg2[%add3A_261, %dma_wait3A_517] : memref<2688x128xi32, #tpu.memory_space<hbm>> -> memref<40x128xi32, #tpu.memory_space<hbm>>
      %dma_wait3A_519 = arith.constant 0 : i32
      %dma_wait3A_520 = tpu.memref_slice %arg2[%add3A_261, %dma_wait3A_519] : memref<2688x128xi32, #tpu.memory_space<hbm>> -> memref<40x128xi32, #tpu.memory_space<hbm>>
      tpu.wait_dma2 semaphore(%run_scoped3A : memref<!tpu.dma_semaphore, #tpu.memory_space<semaphore_mem>>) src(%dma_wait3A_520 : memref<40x128xi32, #tpu.memory_space<hbm>>) dst(%arg6 : memref<40x128xi32, #tpu.memory_space<vmem>>)
      tpu.yield
    }) : () -> ()
    "tpu.region"() ({
      %run_scoped3A = tpu.sem_alloc : memref<!tpu.dma_semaphore, #tpu.memory_space<semaphore_mem>>
      %dma_start3A_513 = arith.constant 0 : i32
      %dma_start3A_514 = tpu.memref_slice %arg3[%add3A_261, %dma_start3A_513] : memref<2688x128xi32, #tpu.memory_space<hbm>> -> memref<40x128xi32, #tpu.memory_space<hbm>>
      %dma_start3A_515 = arith.constant 0 : i32
      %dma_start3A_516 = tpu.memref_slice %arg3[%add3A_261, %dma_start3A_515] : memref<2688x128xi32, #tpu.memory_space<hbm>> -> memref<40x128xi32, #tpu.memory_space<hbm>>
      tpu.enqueue_dma source(%dma_start3A_516 : memref<40x128xi32, #tpu.memory_space<hbm>>) target(%arg7 : memref<40x128xi32, #tpu.memory_space<vmem>>) target_semaphore(%run_scoped3A : memref<!tpu.dma_semaphore, #tpu.memory_space<semaphore_mem>>)
      %dma_wait3A_517 = arith.constant 0 : i32
      %dma_wait3A_518 = tpu.memref_slice %arg3[%add3A_261, %dma_wait3A_517] : memref<2688x128xi32, #tpu.memory_space<hbm>> -> memref<40x128xi32, #tpu.memory_space<hbm>>
      %dma_wait3A_519 = arith.constant 0 : i32
      %dma_wait3A_520 = tpu.memref_slice %arg3[%add3A_261, %dma_wait3A_519] : memref<2688x128xi32, #tpu.memory_space<hbm>> -> memref<40x128xi32, #tpu.memory_space<hbm>>
      tpu.wait_dma2 semaphore(%run_scoped3A : memref<!tpu.dma_semaphore, #tpu.memory_space<semaphore_mem>>) src(%dma_wait3A_520 : memref<40x128xi32, #tpu.memory_space<hbm>>) dst(%arg7 : memref<40x128xi32, #tpu.memory_space<vmem>>)
      tpu.yield
    }) : () -> ()
    %dma_start3A_262 = arith.constant 0 : i32
    %dma_start3A_263 = arith.constant 0 : i32
    %dma_start3A_264 = tpu.memref_slice %arg6[%dma_start3A_262, %dma_start3A_263] : memref<40x128xi32, #tpu.memory_space<vmem>> -> memref<1x128xi32, #tpu.memory_space<vmem>>
    %dma_start3A_265 = tpu.memref_squeeze %dma_start3A_264 : memref<1x128xi32, #tpu.memory_space<vmem>> -> memref<128xi32, #tpu.memory_space<vmem>>
    %dma_start3A_266 = arith.constant 0 : i32
    %dma_start3A_267 = arith.constant 0 : i32
    %dma_start3A_268 = tpu.memref_slice %arg13[%dma_start3A_266, %dma_start3A_267] : memref<10240x64xf32, #tpu.memory_space<vmem_shared>> -> memref<10240x64xf32, #tpu.memory_space<vmem_shared>>
    tpu.enqueue_indirect_dma source(%dma_start3A_268 : memref<10240x64xf32, #tpu.memory_space<vmem_shared>>) target(%arg8 : memref<128x64xf32, #tpu.memory_space<vmem>>) offsets(%dma_start3A_265 : memref<128xi32, #tpu.memory_space<vmem>>) semaphore(%arg14 : memref<!tpu.dma_semaphore, #tpu.memory_space<semaphore_mem>>)
    %dma_start3A_269 = arith.constant 1 : i32
    %dma_start3A_270 = arith.constant 0 : i32
    %dma_start3A_271 = tpu.memref_slice %arg6[%dma_start3A_269, %dma_start3A_270] : memref<40x128xi32, #tpu.memory_space<vmem>> -> memref<1x128xi32, #tpu.memory_space<vmem>>
    %dma_start3A_272 = tpu.memref_squeeze %dma_start3A_271 : memref<1x128xi32, #tpu.memory_space<vmem>> -> memref<128xi32, #tpu.memory_space<vmem>>
    %dma_start3A_273 = arith.constant 0 : i32
    %dma_start3A_274 = arith.constant 0 : i32
    %dma_start3A_275 = tpu.memref_slice %arg13[%dma_start3A_273, %dma_start3A_274] : memref<10240x64xf32, #tpu.memory_space<vmem_shared>> -> memref<10240x64xf32, #tpu.memory_space<vmem_shared>>
    tpu.enqueue_indirect_dma source(%dma_start3A_275 : memref<10240x64xf32, #tpu.memory_space<vmem_shared>>) target(%arg9 : memref<128x64xf32, #tpu.memory_space<vmem>>) offsets(%dma_start3A_272 : memref<128xi32, #tpu.memory_space<vmem>>) semaphore(%arg15 : memref<!tpu.dma_semaphore, #tpu.memory_space<semaphore_mem>>)
    %dma_start3A_276 = arith.constant 2 : i32
    %dma_start3A_277 = arith.constant 0 : i32
    %dma_start3A_278 = tpu.memref_slice %arg6[%dma_start3A_276, %dma_start3A_277] : memref<40x128xi32, #tpu.memory_space<vmem>> -> memref<1x128xi32, #tpu.memory_space<vmem>>
    %dma_start3A_279 = tpu.memref_squeeze %dma_start3A_278 : memref<1x128xi32, #tpu.memory_space<vmem>> -> memref<128xi32, #tpu.memory_space<vmem>>
    %dma_start3A_280 = arith.constant 0 : i32
    %dma_start3A_281 = arith.constant 0 : i32
    %dma_start3A_282 = tpu.memref_slice %arg13[%dma_start3A_280, %dma_start3A_281] : memref<10240x64xf32, #tpu.memory_space<vmem_shared>> -> memref<10240x64xf32, #tpu.memory_space<vmem_shared>>
    tpu.enqueue_indirect_dma source(%dma_start3A_282 : memref<10240x64xf32, #tpu.memory_space<vmem_shared>>) target(%arg10 : memref<128x64xf32, #tpu.memory_space<vmem>>) offsets(%dma_start3A_279 : memref<128xi32, #tpu.memory_space<vmem>>) semaphore(%arg16 : memref<!tpu.dma_semaphore, #tpu.memory_space<semaphore_mem>>)
    %dma_wait3A_283 = arith.constant 0 : i32
    %dma_wait3A_284 = arith.constant 0 : i32
    %dma_wait3A_285 = tpu.memref_slice %arg6[%dma_wait3A_283, %dma_wait3A_284] : memref<40x128xi32, #tpu.memory_space<vmem>> -> memref<1x128xi32, #tpu.memory_space<vmem>>
    %dma_wait3A_286 = tpu.memref_squeeze %dma_wait3A_285 : memref<1x128xi32, #tpu.memory_space<vmem>> -> memref<128xi32, #tpu.memory_space<vmem>>
    %dma_wait3A_287 = arith.constant 0 : i32
    %dma_wait3A_288 = arith.constant 0 : i32
    %dma_wait3A_289 = tpu.memref_slice %arg13[%dma_wait3A_287, %dma_wait3A_288] : memref<10240x64xf32, #tpu.memory_space<vmem_shared>> -> memref<10240x64xf32, #tpu.memory_space<vmem_shared>>
    tpu.wait_indirect_dma semaphore(%arg14 : memref<!tpu.dma_semaphore, #tpu.memory_space<semaphore_mem>>) src(%dma_wait3A_289 : memref<10240x64xf32, #tpu.memory_space<vmem_shared>>) dst(%arg8 : memref<128x64xf32, #tpu.memory_space<vmem>>)
    %dma_start3A_290 = arith.constant 0 : i32
    %dma_start3A_291 = arith.constant 0 : i32
    %dma_start3A_292 = tpu.memref_slice %arg7[%dma_start3A_290, %dma_start3A_291] : memref<40x128xi32, #tpu.memory_space<vmem>> -> memref<1x128xi32, #tpu.memory_space<vmem>>
    %dma_start3A_293 = tpu.memref_squeeze %dma_start3A_292 : memref<1x128xi32, #tpu.memory_space<vmem>> -> memref<128xi32, #tpu.memory_space<vmem>>
    %dma_start3A_294 = arith.constant 0 : i32
    %dma_start3A_295 = arith.constant 0 : i32
    %dma_start3A_296 = tpu.memref_slice %arg12[%dma_start3A_294, %dma_start3A_295] : memref<10240x64xf32, #tpu.memory_space<vmem_shared>> -> memref<10240x64xf32, #tpu.memory_space<vmem_shared>>
    tpu.enqueue_indirect_dma source(%arg8 : memref<128x64xf32, #tpu.memory_space<vmem>>) target(%dma_start3A_296 : memref<10240x64xf32, #tpu.memory_space<vmem_shared>>) offsets(%dma_start3A_293 : memref<128xi32, #tpu.memory_space<vmem>>) semaphore(%arg18 : memref<!tpu.dma_semaphore, #tpu.memory_space<semaphore_mem>>) {add = true}
    %dma_start3A_297 = arith.constant 3 : i32
    %dma_start3A_298 = arith.constant 0 : i32
    %dma_start3A_299 = tpu.memref_slice %arg6[%dma_start3A_297, %dma_start3A_298] : memref<40x128xi32, #tpu.memory_space<vmem>> -> memref<1x128xi32, #tpu.memory_space<vmem>>
    %dma_start3A_300 = tpu.memref_squeeze %dma_start3A_299 : memref<1x128xi32, #tpu.memory_space<vmem>> -> memref<128xi32, #tpu.memory_space<vmem>>
    %dma_start3A_301 = arith.constant 0 : i32
    %dma_start3A_302 = arith.constant 0 : i32
    %dma_start3A_303 = tpu.memref_slice %arg13[%dma_start3A_301, %dma_start3A_302] : memref<10240x64xf32, #tpu.memory_space<vmem_shared>> -> memref<10240x64xf32, #tpu.memory_space<vmem_shared>>
    tpu.enqueue_indirect_dma source(%dma_start3A_303 : memref<10240x64xf32, #tpu.memory_space<vmem_shared>>) target(%arg11 : memref<128x64xf32, #tpu.memory_space<vmem>>) offsets(%dma_start3A_300 : memref<128xi32, #tpu.memory_space<vmem>>) semaphore(%arg17 : memref<!tpu.dma_semaphore, #tpu.memory_space<semaphore_mem>>)
    %dma_wait3A_304 = arith.constant 0 : i32
    %dma_wait3A_305 = arith.constant 0 : i32
    %dma_wait3A_306 = tpu.memref_slice %arg6[%dma_wait3A_304, %dma_wait3A_305] : memref<40x128xi32, #tpu.memory_space<vmem>> -> memref<1x128xi32, #tpu.memory_space<vmem>>
    %dma_wait3A_307 = tpu.memref_squeeze %dma_wait3A_306 : memref<1x128xi32, #tpu.memory_space<vmem>> -> memref<128xi32, #tpu.memory_space<vmem>>
    %dma_wait3A_308 = arith.constant 0 : i32
    %dma_wait3A_309 = arith.constant 0 : i32
    %dma_wait3A_310 = tpu.memref_slice %arg13[%dma_wait3A_308, %dma_wait3A_309] : memref<10240x64xf32, #tpu.memory_space<vmem_shared>> -> memref<10240x64xf32, #tpu.memory_space<vmem_shared>>
    tpu.wait_indirect_dma semaphore(%arg15 : memref<!tpu.dma_semaphore, #tpu.memory_space<semaphore_mem>>) src(%dma_wait3A_310 : memref<10240x64xf32, #tpu.memory_space<vmem_shared>>) dst(%arg9 : memref<128x64xf32, #tpu.memory_space<vmem>>)
    %dma_start3A_311 = arith.constant 1 : i32
    %dma_start3A_312 = arith.constant 0 : i32
    %dma_start3A_313 = tpu.memref_slice %arg7[%dma_start3A_311, %dma_start3A_312] : memref<40x128xi32, #tpu.memory_space<vmem>> -> memref<1x128xi32, #tpu.memory_space<vmem>>
    %dma_start3A_314 = tpu.memref_squeeze %dma_start3A_313 : memref<1x128xi32, #tpu.memory_space<vmem>> -> memref<128xi32, #tpu.memory_space<vmem>>
    %dma_start3A_315 = arith.constant 0 : i32
    %dma_start3A_316 = arith.constant 0 : i32
    %dma_start3A_317 = tpu.memref_slice %arg12[%dma_start3A_315, %dma_start3A_316] : memref<10240x64xf32, #tpu.memory_space<vmem_shared>> -> memref<10240x64xf32, #tpu.memory_space<vmem_shared>>
    tpu.enqueue_indirect_dma source(%arg9 : memref<128x64xf32, #tpu.memory_space<vmem>>) target(%dma_start3A_317 : memref<10240x64xf32, #tpu.memory_space<vmem_shared>>) offsets(%dma_start3A_314 : memref<128xi32, #tpu.memory_space<vmem>>) semaphore(%arg19 : memref<!tpu.dma_semaphore, #tpu.memory_space<semaphore_mem>>) {add = true}
    %dma_wait3A_318 = arith.constant 0 : i32
    %dma_wait3A_319 = arith.constant 0 : i32
    %dma_wait3A_320 = tpu.memref_slice %arg7[%dma_wait3A_318, %dma_wait3A_319] : memref<40x128xi32, #tpu.memory_space<vmem>> -> memref<1x128xi32, #tpu.memory_space<vmem>>
    %dma_wait3A_321 = tpu.memref_squeeze %dma_wait3A_320 : memref<1x128xi32, #tpu.memory_space<vmem>> -> memref<128xi32, #tpu.memory_space<vmem>>
    %dma_wait3A_322 = arith.constant 0 : i32
    %dma_wait3A_323 = arith.constant 0 : i32
    %dma_wait3A_324 = tpu.memref_slice %arg12[%dma_wait3A_322, %dma_wait3A_323] : memref<10240x64xf32, #tpu.memory_space<vmem_shared>> -> memref<10240x64xf32, #tpu.memory_space<vmem_shared>>
    tpu.wait_indirect_dma semaphore(%arg18 : memref<!tpu.dma_semaphore, #tpu.memory_space<semaphore_mem>>) src(%arg8 : memref<128x64xf32, #tpu.memory_space<vmem>>) dst(%dma_wait3A_324 : memref<10240x64xf32, #tpu.memory_space<vmem_shared>>)
    %dma_start3A_325 = arith.constant 4 : i32
    %dma_start3A_326 = arith.constant 0 : i32
    %dma_start3A_327 = tpu.memref_slice %arg6[%dma_start3A_325, %dma_start3A_326] : memref<40x128xi32, #tpu.memory_space<vmem>> -> memref<1x128xi32, #tpu.memory_space<vmem>>
    %dma_start3A_328 = tpu.memref_squeeze %dma_start3A_327 : memref<1x128xi32, #tpu.memory_space<vmem>> -> memref<128xi32, #tpu.memory_space<vmem>>
    %dma_start3A_329 = arith.constant 0 : i32
    %dma_start3A_330 = arith.constant 0 : i32
    %dma_start3A_331 = tpu.memref_slice %arg13[%dma_start3A_329, %dma_start3A_330] : memref<10240x64xf32, #tpu.memory_space<vmem_shared>> -> memref<10240x64xf32, #tpu.memory_space<vmem_shared>>
    tpu.enqueue_indirect_dma source(%dma_start3A_331 : memref<10240x64xf32, #tpu.memory_space<vmem_shared>>) target(%arg8 : memref<128x64xf32, #tpu.memory_space<vmem>>) offsets(%dma_start3A_328 : memref<128xi32, #tpu.memory_space<vmem>>) semaphore(%arg14 : memref<!tpu.dma_semaphore, #tpu.memory_space<semaphore_mem>>)
    %dma_wait3A_332 = arith.constant 0 : i32
    %dma_wait3A_333 = arith.constant 0 : i32
    %dma_wait3A_334 = tpu.memref_slice %arg6[%dma_wait3A_332, %dma_wait3A_333] : memref<40x128xi32, #tpu.memory_space<vmem>> -> memref<1x128xi32, #tpu.memory_space<vmem>>
    %dma_wait3A_335 = tpu.memref_squeeze %dma_wait3A_334 : memref<1x128xi32, #tpu.memory_space<vmem>> -> memref<128xi32, #tpu.memory_space<vmem>>
    %dma_wait3A_336 = arith.constant 0 : i32
    %dma_wait3A_337 = arith.constant 0 : i32
    %dma_wait3A_338 = tpu.memref_slice %arg13[%dma_wait3A_336, %dma_wait3A_337] : memref<10240x64xf32, #tpu.memory_space<vmem_shared>> -> memref<10240x64xf32, #tpu.memory_space<vmem_shared>>
    tpu.wait_indirect_dma semaphore(%arg16 : memref<!tpu.dma_semaphore, #tpu.memory_space<semaphore_mem>>) src(%dma_wait3A_338 : memref<10240x64xf32, #tpu.memory_space<vmem_shared>>) dst(%arg10 : memref<128x64xf32, #tpu.memory_space<vmem>>)
    %dma_start3A_339 = arith.constant 2 : i32
    %dma_start3A_340 = arith.constant 0 : i32
    %dma_start3A_341 = tpu.memref_slice %arg7[%dma_start3A_339, %dma_start3A_340] : memref<40x128xi32, #tpu.memory_space<vmem>> -> memref<1x128xi32, #tpu.memory_space<vmem>>
    %dma_start3A_342 = tpu.memref_squeeze %dma_start3A_341 : memref<1x128xi32, #tpu.memory_space<vmem>> -> memref<128xi32, #tpu.memory_space<vmem>>
    %dma_start3A_343 = arith.constant 0 : i32
    %dma_start3A_344 = arith.constant 0 : i32
    %dma_start3A_345 = tpu.memref_slice %arg12[%dma_start3A_343, %dma_start3A_344] : memref<10240x64xf32, #tpu.memory_space<vmem_shared>> -> memref<10240x64xf32, #tpu.memory_space<vmem_shared>>
    tpu.enqueue_indirect_dma source(%arg10 : memref<128x64xf32, #tpu.memory_space<vmem>>) target(%dma_start3A_345 : memref<10240x64xf32, #tpu.memory_space<vmem_shared>>) offsets(%dma_start3A_342 : memref<128xi32, #tpu.memory_space<vmem>>) semaphore(%arg20 : memref<!tpu.dma_semaphore, #tpu.memory_space<semaphore_mem>>) {add = true}
    %dma_wait3A_346 = arith.constant 0 : i32
    %dma_wait3A_347 = arith.constant 0 : i32
    %dma_wait3A_348 = tpu.memref_slice %arg7[%dma_wait3A_346, %dma_wait3A_347] : memref<40x128xi32, #tpu.memory_space<vmem>> -> memref<1x128xi32, #tpu.memory_space<vmem>>
    %dma_wait3A_349 = tpu.memref_squeeze %dma_wait3A_348 : memref<1x128xi32, #tpu.memory_space<vmem>> -> memref<128xi32, #tpu.memory_space<vmem>>
    %dma_wait3A_350 = arith.constant 0 : i32
    %dma_wait3A_351 = arith.constant 0 : i32
    %dma_wait3A_352 = tpu.memref_slice %arg12[%dma_wait3A_350, %dma_wait3A_351] : memref<10240x64xf32, #tpu.memory_space<vmem_shared>> -> memref<10240x64xf32, #tpu.memory_space<vmem_shared>>
    tpu.wait_indirect_dma semaphore(%arg19 : memref<!tpu.dma_semaphore, #tpu.memory_space<semaphore_mem>>) src(%arg9 : memref<128x64xf32, #tpu.memory_space<vmem>>) dst(%dma_wait3A_352 : memref<10240x64xf32, #tpu.memory_space<vmem_shared>>)
    %dma_start3A_353 = arith.constant 5 : i32
    %dma_start3A_354 = arith.constant 0 : i32
    %dma_start3A_355 = tpu.memref_slice %arg6[%dma_start3A_353, %dma_start3A_354] : memref<40x128xi32, #tpu.memory_space<vmem>> -> memref<1x128xi32, #tpu.memory_space<vmem>>
    %dma_start3A_356 = tpu.memref_squeeze %dma_start3A_355 : memref<1x128xi32, #tpu.memory_space<vmem>> -> memref<128xi32, #tpu.memory_space<vmem>>
    %dma_start3A_357 = arith.constant 0 : i32
    %dma_start3A_358 = arith.constant 0 : i32
    %dma_start3A_359 = tpu.memref_slice %arg13[%dma_start3A_357, %dma_start3A_358] : memref<10240x64xf32, #tpu.memory_space<vmem_shared>> -> memref<10240x64xf32, #tpu.memory_space<vmem_shared>>
    tpu.enqueue_indirect_dma source(%dma_start3A_359 : memref<10240x64xf32, #tpu.memory_space<vmem_shared>>) target(%arg9 : memref<128x64xf32, #tpu.memory_space<vmem>>) offsets(%dma_start3A_356 : memref<128xi32, #tpu.memory_space<vmem>>) semaphore(%arg15 : memref<!tpu.dma_semaphore, #tpu.memory_space<semaphore_mem>>)
    %dma_wait3A_360 = arith.constant 0 : i32
    %dma_wait3A_361 = arith.constant 0 : i32
    %dma_wait3A_362 = tpu.memref_slice %arg6[%dma_wait3A_360, %dma_wait3A_361] : memref<40x128xi32, #tpu.memory_space<vmem>> -> memref<1x128xi32, #tpu.memory_space<vmem>>
    %dma_wait3A_363 = tpu.memref_squeeze %dma_wait3A_362 : memref<1x128xi32, #tpu.memory_space<vmem>> -> memref<128xi32, #tpu.memory_space<vmem>>
    %dma_wait3A_364 = arith.constant 0 : i32
    %dma_wait3A_365 = arith.constant 0 : i32
    %dma_wait3A_366 = tpu.memref_slice %arg13[%dma_wait3A_364, %dma_wait3A_365] : memref<10240x64xf32, #tpu.memory_space<vmem_shared>> -> memref<10240x64xf32, #tpu.memory_space<vmem_shared>>
    tpu.wait_indirect_dma semaphore(%arg17 : memref<!tpu.dma_semaphore, #tpu.memory_space<semaphore_mem>>) src(%dma_wait3A_366 : memref<10240x64xf32, #tpu.memory_space<vmem_shared>>) dst(%arg11 : memref<128x64xf32, #tpu.memory_space<vmem>>)
    %dma_start3A_367 = arith.constant 3 : i32
    %dma_start3A_368 = arith.constant 0 : i32
    %dma_start3A_369 = tpu.memref_slice %arg7[%dma_start3A_367, %dma_start3A_368] : memref<40x128xi32, #tpu.memory_space<vmem>> -> memref<1x128xi32, #tpu.memory_space<vmem>>
    %dma_start3A_370 = tpu.memref_squeeze %dma_start3A_369 : memref<1x128xi32, #tpu.memory_space<vmem>> -> memref<128xi32, #tpu.memory_space<vmem>>
    %dma_start3A_371 = arith.constant 0 : i32
    %dma_start3A_372 = arith.constant 0 : i32
    %dma_start3A_373 = tpu.memref_slice %arg12[%dma_start3A_371, %dma_start3A_372] : memref<10240x64xf32, #tpu.memory_space<vmem_shared>> -> memref<10240x64xf32, #tpu.memory_space<vmem_shared>>
    tpu.enqueue_indirect_dma source(%arg11 : memref<128x64xf32, #tpu.memory_space<vmem>>) target(%dma_start3A_373 : memref<10240x64xf32, #tpu.memory_space<vmem_shared>>) offsets(%dma_start3A_370 : memref<128xi32, #tpu.memory_space<vmem>>) semaphore(%arg21 : memref<!tpu.dma_semaphore, #tpu.memory_space<semaphore_mem>>) {add = true}
    %scan3A_374 = arith.constant 0 : i32
    %scan3A_375 = arith.constant 1 : i32
    %scan3A_376 = arith.constant 8 : i32
    %scan3A_377 = arith.addi %scan3A_375, %scan3A_376 : i32
    %scan3A_378 = arith.constant 1 : i32
    scf.for %scan3A_513 = %scan3A_375 to %scan3A_377 step %scan3A_378  : i32 {
      %mul3A_514 = arith.constant 4 : i32
      %mul3A_515 = arith.muli %scan3A_513, %mul3A_514 : i32
      %add3A_516 = arith.constant 0 : i32
      %add3A_517 = arith.addi %mul3A_515, %add3A_516 : i32
      %dma_wait3A_518 = arith.constant 0 : i32
      %dma_wait3A_519 = arith.constant 0 : i32
      %dma_wait3A_520 = tpu.memref_slice %arg7[%dma_wait3A_518, %dma_wait3A_519] : memref<40x128xi32, #tpu.memory_space<vmem>> -> memref<1x128xi32, #tpu.memory_space<vmem>>
      %dma_wait3A_521 = tpu.memref_squeeze %dma_wait3A_520 : memref<1x128xi32, #tpu.memory_space<vmem>> -> memref<128xi32, #tpu.memory_space<vmem>>
      %dma_wait3A_522 = arith.constant 0 : i32
      %dma_wait3A_523 = arith.constant 0 : i32
      %dma_wait3A_524 = tpu.memref_slice %arg12[%dma_wait3A_522, %dma_wait3A_523] : memref<10240x64xf32, #tpu.memory_space<vmem_shared>> -> memref<10240x64xf32, #tpu.memory_space<vmem_shared>>
      tpu.wait_indirect_dma semaphore(%arg20 : memref<!tpu.dma_semaphore, #tpu.memory_space<semaphore_mem>>) src(%arg10 : memref<128x64xf32, #tpu.memory_space<vmem>>) dst(%dma_wait3A_524 : memref<10240x64xf32, #tpu.memory_space<vmem_shared>>)
      %add3A_525 = arith.constant 2 : i32
      %add3A_526 = arith.addi %add3A_517, %add3A_525 : i32
      %dma_start3A_527 = arith.constant 0 : i32
      %dma_start3A_528 = tpu.memref_slice %arg6[%add3A_526, %dma_start3A_527] : memref<40x128xi32, #tpu.memory_space<vmem>> -> memref<1x128xi32, #tpu.memory_space<vmem>>
      %dma_start3A_529 = tpu.memref_squeeze %dma_start3A_528 : memref<1x128xi32, #tpu.memory_space<vmem>> -> memref<128xi32, #tpu.memory_space<vmem>>
      %dma_start3A_530 = arith.constant 0 : i32
      %dma_start3A_531 = arith.constant 0 : i32
      %dma_start3A_532 = tpu.memref_slice %arg13[%dma_start3A_530, %dma_start3A_531] : memref<10240x64xf32, #tpu.memory_space<vmem_shared>> -> memref<10240x64xf32, #tpu.memory_space<vmem_shared>>
      tpu.enqueue_indirect_dma source(%dma_start3A_532 : memref<10240x64xf32, #tpu.memory_space<vmem_shared>>) target(%arg10 : memref<128x64xf32, #tpu.memory_space<vmem>>) offsets(%dma_start3A_529 : memref<128xi32, #tpu.memory_space<vmem>>) semaphore(%arg16 : memref<!tpu.dma_semaphore, #tpu.memory_space<semaphore_mem>>)
      %dma_wait3A_533 = arith.constant 0 : i32
      %dma_wait3A_534 = arith.constant 0 : i32
      %dma_wait3A_535 = tpu.memref_slice %arg6[%dma_wait3A_533, %dma_wait3A_534] : memref<40x128xi32, #tpu.memory_space<vmem>> -> memref<1x128xi32, #tpu.memory_space<vmem>>
      %dma_wait3A_536 = tpu.memref_squeeze %dma_wait3A_535 : memref<1x128xi32, #tpu.memory_space<vmem>> -> memref<128xi32, #tpu.memory_space<vmem>>
      %dma_wait3A_537 = arith.constant 0 : i32
      %dma_wait3A_538 = arith.constant 0 : i32
      %dma_wait3A_539 = tpu.memref_slice %arg13[%dma_wait3A_537, %dma_wait3A_538] : memref<10240x64xf32, #tpu.memory_space<vmem_shared>> -> memref<10240x64xf32, #tpu.memory_space<vmem_shared>>
      tpu.wait_indirect_dma semaphore(%arg14 : memref<!tpu.dma_semaphore, #tpu.memory_space<semaphore_mem>>) src(%dma_wait3A_539 : memref<10240x64xf32, #tpu.memory_space<vmem_shared>>) dst(%arg8 : memref<128x64xf32, #tpu.memory_space<vmem>>)
      %dma_start3A_540 = arith.constant 0 : i32
      %dma_start3A_541 = tpu.memref_slice %arg7[%add3A_517, %dma_start3A_540] : memref<40x128xi32, #tpu.memory_space<vmem>> -> memref<1x128xi32, #tpu.memory_space<vmem>>
      %dma_start3A_542 = tpu.memref_squeeze %dma_start3A_541 : memref<1x128xi32, #tpu.memory_space<vmem>> -> memref<128xi32, #tpu.memory_space<vmem>>
      %dma_start3A_543 = arith.constant 0 : i32
      %dma_start3A_544 = arith.constant 0 : i32
      %dma_start3A_545 = tpu.memref_slice %arg12[%dma_start3A_543, %dma_start3A_544] : memref<10240x64xf32, #tpu.memory_space<vmem_shared>> -> memref<10240x64xf32, #tpu.memory_space<vmem_shared>>
      tpu.enqueue_indirect_dma source(%arg8 : memref<128x64xf32, #tpu.memory_space<vmem>>) target(%dma_start3A_545 : memref<10240x64xf32, #tpu.memory_space<vmem_shared>>) offsets(%dma_start3A_542 : memref<128xi32, #tpu.memory_space<vmem>>) semaphore(%arg18 : memref<!tpu.dma_semaphore, #tpu.memory_space<semaphore_mem>>) {add = true}
      %mul3A_546 = arith.constant 4 : i32
      %mul3A_547 = arith.muli %scan3A_513, %mul3A_546 : i32
      %add3A_548 = arith.constant 1 : i32
      %add3A_549 = arith.addi %mul3A_547, %add3A_548 : i32
      %dma_wait3A_550 = arith.constant 0 : i32
      %dma_wait3A_551 = arith.constant 0 : i32
      %dma_wait3A_552 = tpu.memref_slice %arg7[%dma_wait3A_550, %dma_wait3A_551] : memref<40x128xi32, #tpu.memory_space<vmem>> -> memref<1x128xi32, #tpu.memory_space<vmem>>
      %dma_wait3A_553 = tpu.memref_squeeze %dma_wait3A_552 : memref<1x128xi32, #tpu.memory_space<vmem>> -> memref<128xi32, #tpu.memory_space<vmem>>
      %dma_wait3A_554 = arith.constant 0 : i32
      %dma_wait3A_555 = arith.constant 0 : i32
      %dma_wait3A_556 = tpu.memref_slice %arg12[%dma_wait3A_554, %dma_wait3A_555] : memref<10240x64xf32, #tpu.memory_space<vmem_shared>> -> memref<10240x64xf32, #tpu.memory_space<vmem_shared>>
      tpu.wait_indirect_dma semaphore(%arg21 : memref<!tpu.dma_semaphore, #tpu.memory_space<semaphore_mem>>) src(%arg11 : memref<128x64xf32, #tpu.memory_space<vmem>>) dst(%dma_wait3A_556 : memref<10240x64xf32, #tpu.memory_space<vmem_shared>>)
      %add3A_557 = arith.constant 2 : i32
      %add3A_558 = arith.addi %add3A_549, %add3A_557 : i32
      %dma_start3A_559 = arith.constant 0 : i32
      %dma_start3A_560 = tpu.memref_slice %arg6[%add3A_558, %dma_start3A_559] : memref<40x128xi32, #tpu.memory_space<vmem>> -> memref<1x128xi32, #tpu.memory_space<vmem>>
      %dma_start3A_561 = tpu.memref_squeeze %dma_start3A_560 : memref<1x128xi32, #tpu.memory_space<vmem>> -> memref<128xi32, #tpu.memory_space<vmem>>
      %dma_start3A_562 = arith.constant 0 : i32
      %dma_start3A_563 = arith.constant 0 : i32
      %dma_start3A_564 = tpu.memref_slice %arg13[%dma_start3A_562, %dma_start3A_563] : memref<10240x64xf32, #tpu.memory_space<vmem_shared>> -> memref<10240x64xf32, #tpu.memory_space<vmem_shared>>
      tpu.enqueue_indirect_dma source(%dma_start3A_564 : memref<10240x64xf32, #tpu.memory_space<vmem_shared>>) target(%arg11 : memref<128x64xf32, #tpu.memory_space<vmem>>) offsets(%dma_start3A_561 : memref<128xi32, #tpu.memory_space<vmem>>) semaphore(%arg17 : memref<!tpu.dma_semaphore, #tpu.memory_space<semaphore_mem>>)
      %dma_wait3A_565 = arith.constant 0 : i32
      %dma_wait3A_566 = arith.constant 0 : i32
      %dma_wait3A_567 = tpu.memref_slice %arg6[%dma_wait3A_565, %dma_wait3A_566] : memref<40x128xi32, #tpu.memory_space<vmem>> -> memref<1x128xi32, #tpu.memory_space<vmem>>
      %dma_wait3A_568 = tpu.memref_squeeze %dma_wait3A_567 : memref<1x128xi32, #tpu.memory_space<vmem>> -> memref<128xi32, #tpu.memory_space<vmem>>
      %dma_wait3A_569 = arith.constant 0 : i32
      %dma_wait3A_570 = arith.constant 0 : i32
      %dma_wait3A_571 = tpu.memref_slice %arg13[%dma_wait3A_569, %dma_wait3A_570] : memref<10240x64xf32, #tpu.memory_space<vmem_shared>> -> memref<10240x64xf32, #tpu.memory_space<vmem_shared>>
      tpu.wait_indirect_dma semaphore(%arg15 : memref<!tpu.dma_semaphore, #tpu.memory_space<semaphore_mem>>) src(%dma_wait3A_571 : memref<10240x64xf32, #tpu.memory_space<vmem_shared>>) dst(%arg9 : memref<128x64xf32, #tpu.memory_space<vmem>>)
      %dma_start3A_572 = arith.constant 0 : i32
      %dma_start3A_573 = tpu.memref_slice %arg7[%add3A_549, %dma_start3A_572] : memref<40x128xi32, #tpu.memory_space<vmem>> -> memref<1x128xi32, #tpu.memory_space<vmem>>
      %dma_start3A_574 = tpu.memref_squeeze %dma_start3A_573 : memref<1x128xi32, #tpu.memory_space<vmem>> -> memref<128xi32, #tpu.memory_space<vmem>>
      %dma_start3A_575 = arith.constant 0 : i32
      %dma_start3A_576 = arith.constant 0 : i32
      %dma_start3A_577 = tpu.memref_slice %arg12[%dma_start3A_575, %dma_start3A_576] : memref<10240x64xf32, #tpu.memory_space<vmem_shared>> -> memref<10240x64xf32, #tpu.memory_space<vmem_shared>>
      tpu.enqueue_indirect_dma source(%arg9 : memref<128x64xf32, #tpu.memory_space<vmem>>) target(%dma_start3A_577 : memref<10240x64xf32, #tpu.memory_space<vmem_shared>>) offsets(%dma_start3A_574 : memref<128xi32, #tpu.memory_space<vmem>>) semaphore(%arg19 : memref<!tpu.dma_semaphore, #tpu.memory_space<semaphore_mem>>) {add = true}
      %mul3A_578 = arith.constant 4 : i32
      %mul3A_579 = arith.muli %scan3A_513, %mul3A_578 : i32
      %add3A_580 = arith.constant 2 : i32
      %add3A_581 = arith.addi %mul3A_579, %add3A_580 : i32
      %dma_wait3A_582 = arith.constant 0 : i32
      %dma_wait3A_583 = arith.constant 0 : i32
      %dma_wait3A_584 = tpu.memref_slice %arg7[%dma_wait3A_582, %dma_wait3A_583] : memref<40x128xi32, #tpu.memory_space<vmem>> -> memref<1x128xi32, #tpu.memory_space<vmem>>
      %dma_wait3A_585 = tpu.memref_squeeze %dma_wait3A_584 : memref<1x128xi32, #tpu.memory_space<vmem>> -> memref<128xi32, #tpu.memory_space<vmem>>
      %dma_wait3A_586 = arith.constant 0 : i32
      %dma_wait3A_587 = arith.constant 0 : i32
      %dma_wait3A_588 = tpu.memref_slice %arg12[%dma_wait3A_586, %dma_wait3A_587] : memref<10240x64xf32, #tpu.memory_space<vmem_shared>> -> memref<10240x64xf32, #tpu.memory_space<vmem_shared>>
      tpu.wait_indirect_dma semaphore(%arg18 : memref<!tpu.dma_semaphore, #tpu.memory_space<semaphore_mem>>) src(%arg8 : memref<128x64xf32, #tpu.memory_space<vmem>>) dst(%dma_wait3A_588 : memref<10240x64xf32, #tpu.memory_space<vmem_shared>>)
      %add3A_589 = arith.constant 2 : i32
      %add3A_590 = arith.addi %add3A_581, %add3A_589 : i32
      %dma_start3A_591 = arith.constant 0 : i32
      %dma_start3A_592 = tpu.memref_slice %arg6[%add3A_590, %dma_start3A_591] : memref<40x128xi32, #tpu.memory_space<vmem>> -> memref<1x128xi32, #tpu.memory_space<vmem>>
      %dma_start3A_593 = tpu.memref_squeeze %dma_start3A_592 : memref<1x128xi32, #tpu.memory_space<vmem>> -> memref<128xi32, #tpu.memory_space<vmem>>
      %dma_start3A_594 = arith.constant 0 : i32
      %dma_start3A_595 = arith.constant 0 : i32
      %dma_start3A_596 = tpu.memref_slice %arg13[%dma_start3A_594, %dma_start3A_595] : memref<10240x64xf32, #tpu.memory_space<vmem_shared>> -> memref<10240x64xf32, #tpu.memory_space<vmem_shared>>
      tpu.enqueue_indirect_dma source(%dma_start3A_596 : memref<10240x64xf32, #tpu.memory_space<vmem_shared>>) target(%arg8 : memref<128x64xf32, #tpu.memory_space<vmem>>) offsets(%dma_start3A_593 : memref<128xi32, #tpu.memory_space<vmem>>) semaphore(%arg14 : memref<!tpu.dma_semaphore, #tpu.memory_space<semaphore_mem>>)
      %dma_wait3A_597 = arith.constant 0 : i32
      %dma_wait3A_598 = arith.constant 0 : i32
      %dma_wait3A_599 = tpu.memref_slice %arg6[%dma_wait3A_597, %dma_wait3A_598] : memref<40x128xi32, #tpu.memory_space<vmem>> -> memref<1x128xi32, #tpu.memory_space<vmem>>
      %dma_wait3A_600 = tpu.memref_squeeze %dma_wait3A_599 : memref<1x128xi32, #tpu.memory_space<vmem>> -> memref<128xi32, #tpu.memory_space<vmem>>
      %dma_wait3A_601 = arith.constant 0 : i32
      %dma_wait3A_602 = arith.constant 0 : i32
      %dma_wait3A_603 = tpu.memref_slice %arg13[%dma_wait3A_601, %dma_wait3A_602] : memref<10240x64xf32, #tpu.memory_space<vmem_shared>> -> memref<10240x64xf32, #tpu.memory_space<vmem_shared>>
      tpu.wait_indirect_dma semaphore(%arg16 : memref<!tpu.dma_semaphore, #tpu.memory_space<semaphore_mem>>) src(%dma_wait3A_603 : memref<10240x64xf32, #tpu.memory_space<vmem_shared>>) dst(%arg10 : memref<128x64xf32, #tpu.memory_space<vmem>>)
      %dma_start3A_604 = arith.constant 0 : i32
      %dma_start3A_605 = tpu.memref_slice %arg7[%add3A_581, %dma_start3A_604] : memref<40x128xi32, #tpu.memory_space<vmem>> -> memref<1x128xi32, #tpu.memory_space<vmem>>
      %dma_start3A_606 = tpu.memref_squeeze %dma_start3A_605 : memref<1x128xi32, #tpu.memory_space<vmem>> -> memref<128xi32, #tpu.memory_space<vmem>>
      %dma_start3A_607 = arith.constant 0 : i32
      %dma_start3A_608 = arith.constant 0 : i32
      %dma_start3A_609 = tpu.memref_slice %arg12[%dma_start3A_607, %dma_start3A_608] : memref<10240x64xf32, #tpu.memory_space<vmem_shared>> -> memref<10240x64xf32, #tpu.memory_space<vmem_shared>>
      tpu.enqueue_indirect_dma source(%arg10 : memref<128x64xf32, #tpu.memory_space<vmem>>) target(%dma_start3A_609 : memref<10240x64xf32, #tpu.memory_space<vmem_shared>>) offsets(%dma_start3A_606 : memref<128xi32, #tpu.memory_space<vmem>>) semaphore(%arg20 : memref<!tpu.dma_semaphore, #tpu.memory_space<semaphore_mem>>) {add = true}
      %mul3A_610 = arith.constant 4 : i32
      %mul3A_611 = arith.muli %scan3A_513, %mul3A_610 : i32
      %add3A_612 = arith.constant 3 : i32
      %add3A_613 = arith.addi %mul3A_611, %add3A_612 : i32
      %dma_wait3A_614 = arith.constant 0 : i32
      %dma_wait3A_615 = arith.constant 0 : i32
      %dma_wait3A_616 = tpu.memref_slice %arg7[%dma_wait3A_614, %dma_wait3A_615] : memref<40x128xi32, #tpu.memory_space<vmem>> -> memref<1x128xi32, #tpu.memory_space<vmem>>
      %dma_wait3A_617 = tpu.memref_squeeze %dma_wait3A_616 : memref<1x128xi32, #tpu.memory_space<vmem>> -> memref<128xi32, #tpu.memory_space<vmem>>
      %dma_wait3A_618 = arith.constant 0 : i32
      %dma_wait3A_619 = arith.constant 0 : i32
      %dma_wait3A_620 = tpu.memref_slice %arg12[%dma_wait3A_618, %dma_wait3A_619] : memref<10240x64xf32, #tpu.memory_space<vmem_shared>> -> memref<10240x64xf32, #tpu.memory_space<vmem_shared>>
      tpu.wait_indirect_dma semaphore(%arg19 : memref<!tpu.dma_semaphore, #tpu.memory_space<semaphore_mem>>) src(%arg9 : memref<128x64xf32, #tpu.memory_space<vmem>>) dst(%dma_wait3A_620 : memref<10240x64xf32, #tpu.memory_space<vmem_shared>>)
      %add3A_621 = arith.constant 2 : i32
      %add3A_622 = arith.addi %add3A_613, %add3A_621 : i32
      %dma_start3A_623 = arith.constant 0 : i32
      %dma_start3A_624 = tpu.memref_slice %arg6[%add3A_622, %dma_start3A_623] : memref<40x128xi32, #tpu.memory_space<vmem>> -> memref<1x128xi32, #tpu.memory_space<vmem>>
      %dma_start3A_625 = tpu.memref_squeeze %dma_start3A_624 : memref<1x128xi32, #tpu.memory_space<vmem>> -> memref<128xi32, #tpu.memory_space<vmem>>
      %dma_start3A_626 = arith.constant 0 : i32
      %dma_start3A_627 = arith.constant 0 : i32
      %dma_start3A_628 = tpu.memref_slice %arg13[%dma_start3A_626, %dma_start3A_627] : memref<10240x64xf32, #tpu.memory_space<vmem_shared>> -> memref<10240x64xf32, #tpu.memory_space<vmem_shared>>
      tpu.enqueue_indirect_dma source(%dma_start3A_628 : memref<10240x64xf32, #tpu.memory_space<vmem_shared>>) target(%arg9 : memref<128x64xf32, #tpu.memory_space<vmem>>) offsets(%dma_start3A_625 : memref<128xi32, #tpu.memory_space<vmem>>) semaphore(%arg15 : memref<!tpu.dma_semaphore, #tpu.memory_space<semaphore_mem>>)
      %dma_wait3A_629 = arith.constant 0 : i32
      %dma_wait3A_630 = arith.constant 0 : i32
      %dma_wait3A_631 = tpu.memref_slice %arg6[%dma_wait3A_629, %dma_wait3A_630] : memref<40x128xi32, #tpu.memory_space<vmem>> -> memref<1x128xi32, #tpu.memory_space<vmem>>
      %dma_wait3A_632 = tpu.memref_squeeze %dma_wait3A_631 : memref<1x128xi32, #tpu.memory_space<vmem>> -> memref<128xi32, #tpu.memory_space<vmem>>
      %dma_wait3A_633 = arith.constant 0 : i32
      %dma_wait3A_634 = arith.constant 0 : i32
      %dma_wait3A_635 = tpu.memref_slice %arg13[%dma_wait3A_633, %dma_wait3A_634] : memref<10240x64xf32, #tpu.memory_space<vmem_shared>> -> memref<10240x64xf32, #tpu.memory_space<vmem_shared>>
      tpu.wait_indirect_dma semaphore(%arg17 : memref<!tpu.dma_semaphore, #tpu.memory_space<semaphore_mem>>) src(%dma_wait3A_635 : memref<10240x64xf32, #tpu.memory_space<vmem_shared>>) dst(%arg11 : memref<128x64xf32, #tpu.memory_space<vmem>>)
      %dma_start3A_636 = arith.constant 0 : i32
      %dma_start3A_637 = tpu.memref_slice %arg7[%add3A_613, %dma_start3A_636] : memref<40x128xi32, #tpu.memory_space<vmem>> -> memref<1x128xi32, #tpu.memory_space<vmem>>
      %dma_start3A_638 = tpu.memref_squeeze %dma_start3A_637 : memref<1x128xi32, #tpu.memory_space<vmem>> -> memref<128xi32, #tpu.memory_space<vmem>>
      %dma_start3A_639 = arith.constant 0 : i32
      %dma_start3A_640 = arith.constant 0 : i32
      %dma_start3A_641 = tpu.memref_slice %arg12[%dma_start3A_639, %dma_start3A_640] : memref<10240x64xf32, #tpu.memory_space<vmem_shared>> -> memref<10240x64xf32, #tpu.memory_space<vmem_shared>>
      tpu.enqueue_indirect_dma source(%arg11 : memref<128x64xf32, #tpu.memory_space<vmem>>) target(%dma_start3A_641 : memref<10240x64xf32, #tpu.memory_space<vmem_shared>>) offsets(%dma_start3A_638 : memref<128xi32, #tpu.memory_space<vmem>>) semaphore(%arg21 : memref<!tpu.dma_semaphore, #tpu.memory_space<semaphore_mem>>) {add = true}
    }
    %scan3A_379 = arith.constant 8 : i32
    %dma_wait3A_380 = arith.constant 0 : i32
    %dma_wait3A_381 = arith.constant 0 : i32
    %dma_wait3A_382 = tpu.memref_slice %arg7[%dma_wait3A_380, %dma_wait3A_381] : memref<40x128xi32, #tpu.memory_space<vmem>> -> memref<1x128xi32, #tpu.memory_space<vmem>>
    %dma_wait3A_383 = tpu.memref_squeeze %dma_wait3A_382 : memref<1x128xi32, #tpu.memory_space<vmem>> -> memref<128xi32, #tpu.memory_space<vmem>>
    %dma_wait3A_384 = arith.constant 0 : i32
    %dma_wait3A_385 = arith.constant 0 : i32
    %dma_wait3A_386 = tpu.memref_slice %arg12[%dma_wait3A_384, %dma_wait3A_385] : memref<10240x64xf32, #tpu.memory_space<vmem_shared>> -> memref<10240x64xf32, #tpu.memory_space<vmem_shared>>
    tpu.wait_indirect_dma semaphore(%arg20 : memref<!tpu.dma_semaphore, #tpu.memory_space<semaphore_mem>>) src(%arg10 : memref<128x64xf32, #tpu.memory_space<vmem>>) dst(%dma_wait3A_386 : memref<10240x64xf32, #tpu.memory_space<vmem_shared>>)
    %dma_start3A_387 = arith.constant 38 : i32
    %dma_start3A_388 = arith.constant 0 : i32
    %dma_start3A_389 = tpu.memref_slice %arg6[%dma_start3A_387, %dma_start3A_388] : memref<40x128xi32, #tpu.memory_space<vmem>> -> memref<1x128xi32, #tpu.memory_space<vmem>>
    %dma_start3A_390 = tpu.memref_squeeze %dma_start3A_389 : memref<1x128xi32, #tpu.memory_space<vmem>> -> memref<128xi32, #tpu.memory_space<vmem>>
    %dma_start3A_391 = arith.constant 0 : i32
    %dma_start3A_392 = arith.constant 0 : i32
    %dma_start3A_393 = tpu.memref_slice %arg13[%dma_start3A_391, %dma_start3A_392] : memref<10240x64xf32, #tpu.memory_space<vmem_shared>> -> memref<10240x64xf32, #tpu.memory_space<vmem_shared>>
    tpu.enqueue_indirect_dma source(%dma_start3A_393 : memref<10240x64xf32, #tpu.memory_space<vmem_shared>>) target(%arg10 : memref<128x64xf32, #tpu.memory_space<vmem>>) offsets(%dma_start3A_390 : memref<128xi32, #tpu.memory_space<vmem>>) semaphore(%arg16 : memref<!tpu.dma_semaphore, #tpu.memory_space<semaphore_mem>>)
    %dma_wait3A_394 = arith.constant 0 : i32
    %dma_wait3A_395 = arith.constant 0 : i32
    %dma_wait3A_396 = tpu.memref_slice %arg6[%dma_wait3A_394, %dma_wait3A_395] : memref<40x128xi32, #tpu.memory_space<vmem>> -> memref<1x128xi32, #tpu.memory_space<vmem>>
    %dma_wait3A_397 = tpu.memref_squeeze %dma_wait3A_396 : memref<1x128xi32, #tpu.memory_space<vmem>> -> memref<128xi32, #tpu.memory_space<vmem>>
    %dma_wait3A_398 = arith.constant 0 : i32
    %dma_wait3A_399 = arith.constant 0 : i32
    %dma_wait3A_400 = tpu.memref_slice %arg13[%dma_wait3A_398, %dma_wait3A_399] : memref<10240x64xf32, #tpu.memory_space<vmem_shared>> -> memref<10240x64xf32, #tpu.memory_space<vmem_shared>>
    tpu.wait_indirect_dma semaphore(%arg14 : memref<!tpu.dma_semaphore, #tpu.memory_space<semaphore_mem>>) src(%dma_wait3A_400 : memref<10240x64xf32, #tpu.memory_space<vmem_shared>>) dst(%arg8 : memref<128x64xf32, #tpu.memory_space<vmem>>)
    %dma_start3A_401 = arith.constant 36 : i32
    %dma_start3A_402 = arith.constant 0 : i32
    %dma_start3A_403 = tpu.memref_slice %arg7[%dma_start3A_401, %dma_start3A_402] : memref<40x128xi32, #tpu.memory_space<vmem>> -> memref<1x128xi32, #tpu.memory_space<vmem>>
    %dma_start3A_404 = tpu.memref_squeeze %dma_start3A_403 : memref<1x128xi32, #tpu.memory_space<vmem>> -> memref<128xi32, #tpu.memory_space<vmem>>
    %dma_start3A_405 = arith.constant 0 : i32
    %dma_start3A_406 = arith.constant 0 : i32
    %dma_start3A_407 = tpu.memref_slice %arg12[%dma_start3A_405, %dma_start3A_406] : memref<10240x64xf32, #tpu.memory_space<vmem_shared>> -> memref<10240x64xf32, #tpu.memory_space<vmem_shared>>
    tpu.enqueue_indirect_dma source(%arg8 : memref<128x64xf32, #tpu.memory_space<vmem>>) target(%dma_start3A_407 : memref<10240x64xf32, #tpu.memory_space<vmem_shared>>) offsets(%dma_start3A_404 : memref<128xi32, #tpu.memory_space<vmem>>) semaphore(%arg18 : memref<!tpu.dma_semaphore, #tpu.memory_space<semaphore_mem>>) {add = true}
    %dma_wait3A_408 = arith.constant 0 : i32
    %dma_wait3A_409 = arith.constant 0 : i32
    %dma_wait3A_410 = tpu.memref_slice %arg7[%dma_wait3A_408, %dma_wait3A_409] : memref<40x128xi32, #tpu.memory_space<vmem>> -> memref<1x128xi32, #tpu.memory_space<vmem>>
    %dma_wait3A_411 = tpu.memref_squeeze %dma_wait3A_410 : memref<1x128xi32, #tpu.memory_space<vmem>> -> memref<128xi32, #tpu.memory_space<vmem>>
    %dma_wait3A_412 = arith.constant 0 : i32
    %dma_wait3A_413 = arith.constant 0 : i32
    %dma_wait3A_414 = tpu.memref_slice %arg12[%dma_wait3A_412, %dma_wait3A_413] : memref<10240x64xf32, #tpu.memory_space<vmem_shared>> -> memref<10240x64xf32, #tpu.memory_space<vmem_shared>>
    tpu.wait_indirect_dma semaphore(%arg21 : memref<!tpu.dma_semaphore, #tpu.memory_space<semaphore_mem>>) src(%arg11 : memref<128x64xf32, #tpu.memory_space<vmem>>) dst(%dma_wait3A_414 : memref<10240x64xf32, #tpu.memory_space<vmem_shared>>)
    %dma_start3A_415 = arith.constant 39 : i32
    %dma_start3A_416 = arith.constant 0 : i32
    %dma_start3A_417 = tpu.memref_slice %arg6[%dma_start3A_415, %dma_start3A_416] : memref<40x128xi32, #tpu.memory_space<vmem>> -> memref<1x128xi32, #tpu.memory_space<vmem>>
    %dma_start3A_418 = tpu.memref_squeeze %dma_start3A_417 : memref<1x128xi32, #tpu.memory_space<vmem>> -> memref<128xi32, #tpu.memory_space<vmem>>
    %dma_start3A_419 = arith.constant 0 : i32
    %dma_start3A_420 = arith.constant 0 : i32
    %dma_start3A_421 = tpu.memref_slice %arg13[%dma_start3A_419, %dma_start3A_420] : memref<10240x64xf32, #tpu.memory_space<vmem_shared>> -> memref<10240x64xf32, #tpu.memory_space<vmem_shared>>
    tpu.enqueue_indirect_dma source(%dma_start3A_421 : memref<10240x64xf32, #tpu.memory_space<vmem_shared>>) target(%arg11 : memref<128x64xf32, #tpu.memory_space<vmem>>) offsets(%dma_start3A_418 : memref<128xi32, #tpu.memory_space<vmem>>) semaphore(%arg17 : memref<!tpu.dma_semaphore, #tpu.memory_space<semaphore_mem>>)
    %dma_wait3A_422 = arith.constant 0 : i32
    %dma_wait3A_423 = arith.constant 0 : i32
    %dma_wait3A_424 = tpu.memref_slice %arg6[%dma_wait3A_422, %dma_wait3A_423] : memref<40x128xi32, #tpu.memory_space<vmem>> -> memref<1x128xi32, #tpu.memory_space<vmem>>
    %dma_wait3A_425 = tpu.memref_squeeze %dma_wait3A_424 : memref<1x128xi32, #tpu.memory_space<vmem>> -> memref<128xi32, #tpu.memory_space<vmem>>
    %dma_wait3A_426 = arith.constant 0 : i32
    %dma_wait3A_427 = arith.constant 0 : i32
    %dma_wait3A_428 = tpu.memref_slice %arg13[%dma_wait3A_426, %dma_wait3A_427] : memref<10240x64xf32, #tpu.memory_space<vmem_shared>> -> memref<10240x64xf32, #tpu.memory_space<vmem_shared>>
    tpu.wait_indirect_dma semaphore(%arg15 : memref<!tpu.dma_semaphore, #tpu.memory_space<semaphore_mem>>) src(%dma_wait3A_428 : memref<10240x64xf32, #tpu.memory_space<vmem_shared>>) dst(%arg9 : memref<128x64xf32, #tpu.memory_space<vmem>>)
    %dma_start3A_429 = arith.constant 37 : i32
    %dma_start3A_430 = arith.constant 0 : i32
    %dma_start3A_431 = tpu.memref_slice %arg7[%dma_start3A_429, %dma_start3A_430] : memref<40x128xi32, #tpu.memory_space<vmem>> -> memref<1x128xi32, #tpu.memory_space<vmem>>
    %dma_start3A_432 = tpu.memref_squeeze %dma_start3A_431 : memref<1x128xi32, #tpu.memory_space<vmem>> -> memref<128xi32, #tpu.memory_space<vmem>>
    %dma_start3A_433 = arith.constant 0 : i32
    %dma_start3A_434 = arith.constant 0 : i32
    %dma_start3A_435 = tpu.memref_slice %arg12[%dma_start3A_433, %dma_start3A_434] : memref<10240x64xf32, #tpu.memory_space<vmem_shared>> -> memref<10240x64xf32, #tpu.memory_space<vmem_shared>>
    tpu.enqueue_indirect_dma source(%arg9 : memref<128x64xf32, #tpu.memory_space<vmem>>) target(%dma_start3A_435 : memref<10240x64xf32, #tpu.memory_space<vmem_shared>>) offsets(%dma_start3A_432 : memref<128xi32, #tpu.memory_space<vmem>>) semaphore(%arg19 : memref<!tpu.dma_semaphore, #tpu.memory_space<semaphore_mem>>) {add = true}
    %dma_wait3A_436 = arith.constant 0 : i32
    %dma_wait3A_437 = arith.constant 0 : i32
    %dma_wait3A_438 = tpu.memref_slice %arg6[%dma_wait3A_436, %dma_wait3A_437] : memref<40x128xi32, #tpu.memory_space<vmem>> -> memref<1x128xi32, #tpu.memory_space<vmem>>
    %dma_wait3A_439 = tpu.memref_squeeze %dma_wait3A_438 : memref<1x128xi32, #tpu.memory_space<vmem>> -> memref<128xi32, #tpu.memory_space<vmem>>
    %dma_wait3A_440 = arith.constant 0 : i32
    %dma_wait3A_441 = arith.constant 0 : i32
    %dma_wait3A_442 = tpu.memref_slice %arg13[%dma_wait3A_440, %dma_wait3A_441] : memref<10240x64xf32, #tpu.memory_space<vmem_shared>> -> memref<10240x64xf32, #tpu.memory_space<vmem_shared>>
    tpu.wait_indirect_dma semaphore(%arg16 : memref<!tpu.dma_semaphore, #tpu.memory_space<semaphore_mem>>) src(%dma_wait3A_442 : memref<10240x64xf32, #tpu.memory_space<vmem_shared>>) dst(%arg10 : memref<128x64xf32, #tpu.memory_space<vmem>>)
    %dma_start3A_443 = arith.constant 38 : i32
    %dma_start3A_444 = arith.constant 0 : i32
    %dma_start3A_445 = tpu.memref_slice %arg7[%dma_start3A_443, %dma_start3A_444] : memref<40x128xi32, #tpu.memory_space<vmem>> -> memref<1x128xi32, #tpu.memory_space<vmem>>
    %dma_start3A_446 = tpu.memref_squeeze %dma_start3A_445 : memref<1x128xi32, #tpu.memory_space<vmem>> -> memref<128xi32, #tpu.memory_space<vmem>>
    %dma_start3A_447 = arith.constant 0 : i32
    %dma_start3A_448 = arith.constant 0 : i32
    %dma_start3A_449 = tpu.memref_slice %arg12[%dma_start3A_447, %dma_start3A_448] : memref<10240x64xf32, #tpu.memory_space<vmem_shared>> -> memref<10240x64xf32, #tpu.memory_space<vmem_shared>>
    tpu.enqueue_indirect_dma source(%arg10 : memref<128x64xf32, #tpu.memory_space<vmem>>) target(%dma_start3A_449 : memref<10240x64xf32, #tpu.memory_space<vmem_shared>>) offsets(%dma_start3A_446 : memref<128xi32, #tpu.memory_space<vmem>>) semaphore(%arg20 : memref<!tpu.dma_semaphore, #tpu.memory_space<semaphore_mem>>) {add = true}
    %dma_wait3A_450 = arith.constant 0 : i32
    %dma_wait3A_451 = arith.constant 0 : i32
    %dma_wait3A_452 = tpu.memref_slice %arg6[%dma_wait3A_450, %dma_wait3A_451] : memref<40x128xi32, #tpu.memory_space<vmem>> -> memref<1x128xi32, #tpu.memory_space<vmem>>
    %dma_wait3A_453 = tpu.memref_squeeze %dma_wait3A_452 : memref<1x128xi32, #tpu.memory_space<vmem>> -> memref<128xi32, #tpu.memory_space<vmem>>
    %dma_wait3A_454 = arith.constant 0 : i32
    %dma_wait3A_455 = arith.constant 0 : i32
    %dma_wait3A_456 = tpu.memref_slice %arg13[%dma_wait3A_454, %dma_wait3A_455] : memref<10240x64xf32, #tpu.memory_space<vmem_shared>> -> memref<10240x64xf32, #tpu.memory_space<vmem_shared>>
    tpu.wait_indirect_dma semaphore(%arg17 : memref<!tpu.dma_semaphore, #tpu.memory_space<semaphore_mem>>) src(%dma_wait3A_456 : memref<10240x64xf32, #tpu.memory_space<vmem_shared>>) dst(%arg11 : memref<128x64xf32, #tpu.memory_space<vmem>>)
    %dma_start3A_457 = arith.constant 39 : i32
    %dma_start3A_458 = arith.constant 0 : i32
    %dma_start3A_459 = tpu.memref_slice %arg7[%dma_start3A_457, %dma_start3A_458] : memref<40x128xi32, #tpu.memory_space<vmem>> -> memref<1x128xi32, #tpu.memory_space<vmem>>
    %dma_start3A_460 = tpu.memref_squeeze %dma_start3A_459 : memref<1x128xi32, #tpu.memory_space<vmem>> -> memref<128xi32, #tpu.memory_space<vmem>>
    %dma_start3A_461 = arith.constant 0 : i32
    %dma_start3A_462 = arith.constant 0 : i32
    %dma_start3A_463 = tpu.memref_slice %arg12[%dma_start3A_461, %dma_start3A_462] : memref<10240x64xf32, #tpu.memory_space<vmem_shared>> -> memref<10240x64xf32, #tpu.memory_space<vmem_shared>>
    tpu.enqueue_indirect_dma source(%arg11 : memref<128x64xf32, #tpu.memory_space<vmem>>) target(%dma_start3A_463 : memref<10240x64xf32, #tpu.memory_space<vmem_shared>>) offsets(%dma_start3A_460 : memref<128xi32, #tpu.memory_space<vmem>>) semaphore(%arg21 : memref<!tpu.dma_semaphore, #tpu.memory_space<semaphore_mem>>) {add = true}
    %dma_wait3A_464 = arith.constant 0 : i32
    %dma_wait3A_465 = arith.constant 0 : i32
    %dma_wait3A_466 = tpu.memref_slice %arg7[%dma_wait3A_464, %dma_wait3A_465] : memref<40x128xi32, #tpu.memory_space<vmem>> -> memref<1x128xi32, #tpu.memory_space<vmem>>
    %dma_wait3A_467 = tpu.memref_squeeze %dma_wait3A_466 : memref<1x128xi32, #tpu.memory_space<vmem>> -> memref<128xi32, #tpu.memory_space<vmem>>
    %dma_wait3A_468 = arith.constant 0 : i32
    %dma_wait3A_469 = arith.constant 0 : i32
    %dma_wait3A_470 = tpu.memref_slice %arg12[%dma_wait3A_468, %dma_wait3A_469] : memref<10240x64xf32, #tpu.memory_space<vmem_shared>> -> memref<10240x64xf32, #tpu.memory_space<vmem_shared>>
    tpu.wait_indirect_dma semaphore(%arg18 : memref<!tpu.dma_semaphore, #tpu.memory_space<semaphore_mem>>) src(%arg8 : memref<128x64xf32, #tpu.memory_space<vmem>>) dst(%dma_wait3A_470 : memref<10240x64xf32, #tpu.memory_space<vmem_shared>>)
    %dma_wait3A_471 = arith.constant 0 : i32
    %dma_wait3A_472 = arith.constant 0 : i32
    %dma_wait3A_473 = tpu.memref_slice %arg7[%dma_wait3A_471, %dma_wait3A_472] : memref<40x128xi32, #tpu.memory_space<vmem>> -> memref<1x128xi32, #tpu.memory_space<vmem>>
    %dma_wait3A_474 = tpu.memref_squeeze %dma_wait3A_473 : memref<1x128xi32, #tpu.memory_space<vmem>> -> memref<128xi32, #tpu.memory_space<vmem>>
    %dma_wait3A_475 = arith.constant 0 : i32
    %dma_wait3A_476 = arith.constant 0 : i32
    %dma_wait3A_477 = tpu.memref_slice %arg12[%dma_wait3A_475, %dma_wait3A_476] : memref<10240x64xf32, #tpu.memory_space<vmem_shared>> -> memref<10240x64xf32, #tpu.memory_space<vmem_shared>>
    tpu.wait_indirect_dma semaphore(%arg19 : memref<!tpu.dma_semaphore, #tpu.memory_space<semaphore_mem>>) src(%arg9 : memref<128x64xf32, #tpu.memory_space<vmem>>) dst(%dma_wait3A_477 : memref<10240x64xf32, #tpu.memory_space<vmem_shared>>)
    %dma_wait3A_478 = arith.constant 0 : i32
    %dma_wait3A_479 = arith.constant 0 : i32
    %dma_wait3A_480 = tpu.memref_slice %arg7[%dma_wait3A_478, %dma_wait3A_479] : memref<40x128xi32, #tpu.memory_space<vmem>> -> memref<1x128xi32, #tpu.memory_space<vmem>>
    %dma_wait3A_481 = tpu.memref_squeeze %dma_wait3A_480 : memref<1x128xi32, #tpu.memory_space<vmem>> -> memref<128xi32, #tpu.memory_space<vmem>>
    %dma_wait3A_482 = arith.constant 0 : i32
    %dma_wait3A_483 = arith.constant 0 : i32
    %dma_wait3A_484 = tpu.memref_slice %arg12[%dma_wait3A_482, %dma_wait3A_483] : memref<10240x64xf32, #tpu.memory_space<vmem_shared>> -> memref<10240x64xf32, #tpu.memory_space<vmem_shared>>
    tpu.wait_indirect_dma semaphore(%arg20 : memref<!tpu.dma_semaphore, #tpu.memory_space<semaphore_mem>>) src(%arg10 : memref<128x64xf32, #tpu.memory_space<vmem>>) dst(%dma_wait3A_484 : memref<10240x64xf32, #tpu.memory_space<vmem_shared>>)
    %dma_wait3A_485 = arith.constant 0 : i32
    %dma_wait3A_486 = arith.constant 0 : i32
    %dma_wait3A_487 = tpu.memref_slice %arg7[%dma_wait3A_485, %dma_wait3A_486] : memref<40x128xi32, #tpu.memory_space<vmem>> -> memref<1x128xi32, #tpu.memory_space<vmem>>
    %dma_wait3A_488 = tpu.memref_squeeze %dma_wait3A_487 : memref<1x128xi32, #tpu.memory_space<vmem>> -> memref<128xi32, #tpu.memory_space<vmem>>
    %dma_wait3A_489 = arith.constant 0 : i32
    %dma_wait3A_490 = arith.constant 0 : i32
    %dma_wait3A_491 = tpu.memref_slice %arg12[%dma_wait3A_489, %dma_wait3A_490] : memref<10240x64xf32, #tpu.memory_space<vmem_shared>> -> memref<10240x64xf32, #tpu.memory_space<vmem_shared>>
    tpu.wait_indirect_dma semaphore(%arg21 : memref<!tpu.dma_semaphore, #tpu.memory_space<semaphore_mem>>) src(%arg11 : memref<128x64xf32, #tpu.memory_space<vmem>>) dst(%dma_wait3A_491 : memref<10240x64xf32, #tpu.memory_space<vmem_shared>>)
    %barrier3A_492 = arith.constant 0 : index
    tpu.barrier barrier_id(%barrier3A_492)
    %mul3A_493 = arith.constant 640 : i32
    %mul3A_494 = arith.muli %arg1, %mul3A_493 : i32
    %add3A_495 = arith.constant 0 : i32
    %add3A_496 = arith.addi %mul3A_494, %add3A_495 : i32
    "tpu.region"() ({
      %run_scoped3A = tpu.sem_alloc : memref<!tpu.dma_semaphore, #tpu.memory_space<semaphore_mem>>
      %dma_start3A_513 = arith.constant 0 : i32
      %dma_start3A_514 = tpu.memref_slice %arg12[%add3A_496, %dma_start3A_513] : memref<10240x64xf32, #tpu.memory_space<vmem_shared>> -> memref<128x64xf32, #tpu.memory_space<vmem_shared>>
      %dma_start3A_515 = arith.constant 0 : i32
      %dma_start3A_516 = tpu.memref_slice %arg12[%add3A_496, %dma_start3A_515] : memref<10240x64xf32, #tpu.memory_space<vmem_shared>> -> memref<128x64xf32, #tpu.memory_space<vmem_shared>>
      tpu.enqueue_dma source(%dma_start3A_516 : memref<128x64xf32, #tpu.memory_space<vmem_shared>>) target(%arg8 : memref<128x64xf32, #tpu.memory_space<vmem>>) target_semaphore(%run_scoped3A : memref<!tpu.dma_semaphore, #tpu.memory_space<semaphore_mem>>)
      %dma_wait3A_517 = arith.constant 0 : i32
      %dma_wait3A_518 = tpu.memref_slice %arg12[%add3A_496, %dma_wait3A_517] : memref<10240x64xf32, #tpu.memory_space<vmem_shared>> -> memref<128x64xf32, #tpu.memory_space<vmem_shared>>
      %dma_wait3A_519 = arith.constant 0 : i32
      %dma_wait3A_520 = tpu.memref_slice %arg12[%add3A_496, %dma_wait3A_519] : memref<10240x64xf32, #tpu.memory_space<vmem_shared>> -> memref<128x64xf32, #tpu.memory_space<vmem_shared>>
      tpu.wait_dma2 semaphore(%run_scoped3A : memref<!tpu.dma_semaphore, #tpu.memory_space<semaphore_mem>>) src(%dma_wait3A_520 : memref<128x64xf32, #tpu.memory_space<vmem_shared>>) dst(%arg8 : memref<128x64xf32, #tpu.memory_space<vmem>>)
      tpu.yield
    }) : () -> ()
    "tpu.region"() ({
      %run_scoped3A = tpu.sem_alloc : memref<!tpu.dma_semaphore, #tpu.memory_space<semaphore_mem>>
      %dma_start3A_513 = arith.constant 0 : i32
      %dma_start3A_514 = tpu.memref_slice %arg5[%arg0, %add3A_496, %dma_start3A_513] : memref<2x10240x64xf32, #tpu.memory_space<hbm>> -> memref<1x128x64xf32, #tpu.memory_space<hbm>>
      %dma_start3A_515 = tpu.memref_squeeze %dma_start3A_514 : memref<1x128x64xf32, #tpu.memory_space<hbm>> -> memref<128x64xf32, #tpu.memory_space<hbm>>
      %dma_start3A_516 = arith.constant 0 : i32
      %dma_start3A_517 = tpu.memref_slice %arg5[%arg0, %add3A_496, %dma_start3A_516] : memref<2x10240x64xf32, #tpu.memory_space<hbm>> -> memref<1x128x64xf32, #tpu.memory_space<hbm>>
      %dma_start3A_518 = tpu.memref_squeeze %dma_start3A_517 : memref<1x128x64xf32, #tpu.memory_space<hbm>> -> memref<128x64xf32, #tpu.memory_space<hbm>>
      tpu.enqueue_dma source(%arg8 : memref<128x64xf32, #tpu.memory_space<vmem>>) target(%dma_start3A_518 : memref<128x64xf32, #tpu.memory_space<hbm>>) target_semaphore(%run_scoped3A : memref<!tpu.dma_semaphore, #tpu.memory_space<semaphore_mem>>)
      %dma_wait3A_519 = arith.constant 0 : i32
      %dma_wait3A_520 = tpu.memref_slice %arg5[%arg0, %add3A_496, %dma_wait3A_519] : memref<2x10240x64xf32, #tpu.memory_space<hbm>> -> memref<1x128x64xf32, #tpu.memory_space<hbm>>
      %dma_wait3A_521 = tpu.memref_squeeze %dma_wait3A_520 : memref<1x128x64xf32, #tpu.memory_space<hbm>> -> memref<128x64xf32, #tpu.memory_space<hbm>>
      %dma_wait3A_522 = arith.constant 0 : i32
      %dma_wait3A_523 = tpu.memref_slice %arg5[%arg0, %add3A_496, %dma_wait3A_522] : memref<2x10240x64xf32, #tpu.memory_space<hbm>> -> memref<1x128x64xf32, #tpu.memory_space<hbm>>
      %dma_wait3A_524 = tpu.memref_squeeze %dma_wait3A_523 : memref<1x128x64xf32, #tpu.memory_space<hbm>> -> memref<128x64xf32, #tpu.memory_space<hbm>>
      tpu.wait_dma2 semaphore(%run_scoped3A : memref<!tpu.dma_semaphore, #tpu.memory_space<semaphore_mem>>) src(%arg8 : memref<128x64xf32, #tpu.memory_space<vmem>>) dst(%dma_wait3A_524 : memref<128x64xf32, #tpu.memory_space<hbm>>)
      tpu.yield
    }) : () -> ()
    %mul3A_497 = arith.constant 640 : i32
    %mul3A_498 = arith.muli %arg1, %mul3A_497 : i32
    %add3A_499 = arith.constant 128 : i32
    %add3A_500 = arith.addi %mul3A_498, %add3A_499 : i32
    "tpu.region"() ({
      %run_scoped3A = tpu.sem_alloc : memref<!tpu.dma_semaphore, #tpu.memory_space<semaphore_mem>>
      %dma_start3A_513 = arith.constant 0 : i32
      %dma_start3A_514 = tpu.memref_slice %arg12[%add3A_500, %dma_start3A_513] : memref<10240x64xf32, #tpu.memory_space<vmem_shared>> -> memref<128x64xf32, #tpu.memory_space<vmem_shared>>
      %dma_start3A_515 = arith.constant 0 : i32
      %dma_start3A_516 = tpu.memref_slice %arg12[%add3A_500, %dma_start3A_515] : memref<10240x64xf32, #tpu.memory_space<vmem_shared>> -> memref<128x64xf32, #tpu.memory_space<vmem_shared>>
      tpu.enqueue_dma source(%dma_start3A_516 : memref<128x64xf32, #tpu.memory_space<vmem_shared>>) target(%arg8 : memref<128x64xf32, #tpu.memory_space<vmem>>) target_semaphore(%run_scoped3A : memref<!tpu.dma_semaphore, #tpu.memory_space<semaphore_mem>>)
      %dma_wait3A_517 = arith.constant 0 : i32
      %dma_wait3A_518 = tpu.memref_slice %arg12[%add3A_500, %dma_wait3A_517] : memref<10240x64xf32, #tpu.memory_space<vmem_shared>> -> memref<128x64xf32, #tpu.memory_space<vmem_shared>>
      %dma_wait3A_519 = arith.constant 0 : i32
      %dma_wait3A_520 = tpu.memref_slice %arg12[%add3A_500, %dma_wait3A_519] : memref<10240x64xf32, #tpu.memory_space<vmem_shared>> -> memref<128x64xf32, #tpu.memory_space<vmem_shared>>
      tpu.wait_dma2 semaphore(%run_scoped3A : memref<!tpu.dma_semaphore, #tpu.memory_space<semaphore_mem>>) src(%dma_wait3A_520 : memref<128x64xf32, #tpu.memory_space<vmem_shared>>) dst(%arg8 : memref<128x64xf32, #tpu.memory_space<vmem>>)
      tpu.yield
    }) : () -> ()
    "tpu.region"() ({
      %run_scoped3A = tpu.sem_alloc : memref<!tpu.dma_semaphore, #tpu.memory_space<semaphore_mem>>
      %dma_start3A_513 = arith.constant 0 : i32
      %dma_start3A_514 = tpu.memref_slice %arg5[%arg0, %add3A_500, %dma_start3A_513] : memref<2x10240x64xf32, #tpu.memory_space<hbm>> -> memref<1x128x64xf32, #tpu.memory_space<hbm>>
      %dma_start3A_515 = tpu.memref_squeeze %dma_start3A_514 : memref<1x128x64xf32, #tpu.memory_space<hbm>> -> memref<128x64xf32, #tpu.memory_space<hbm>>
      %dma_start3A_516 = arith.constant 0 : i32
      %dma_start3A_517 = tpu.memref_slice %arg5[%arg0, %add3A_500, %dma_start3A_516] : memref<2x10240x64xf32, #tpu.memory_space<hbm>> -> memref<1x128x64xf32, #tpu.memory_space<hbm>>
      %dma_start3A_518 = tpu.memref_squeeze %dma_start3A_517 : memref<1x128x64xf32, #tpu.memory_space<hbm>> -> memref<128x64xf32, #tpu.memory_space<hbm>>
      tpu.enqueue_dma source(%arg8 : memref<128x64xf32, #tpu.memory_space<vmem>>) target(%dma_start3A_518 : memref<128x64xf32, #tpu.memory_space<hbm>>) target_semaphore(%run_scoped3A : memref<!tpu.dma_semaphore, #tpu.memory_space<semaphore_mem>>)
      %dma_wait3A_519 = arith.constant 0 : i32
      %dma_wait3A_520 = tpu.memref_slice %arg5[%arg0, %add3A_500, %dma_wait3A_519] : memref<2x10240x64xf32, #tpu.memory_space<hbm>> -> memref<1x128x64xf32, #tpu.memory_space<hbm>>
      %dma_wait3A_521 = tpu.memref_squeeze %dma_wait3A_520 : memref<1x128x64xf32, #tpu.memory_space<hbm>> -> memref<128x64xf32, #tpu.memory_space<hbm>>
      %dma_wait3A_522 = arith.constant 0 : i32
      %dma_wait3A_523 = tpu.memref_slice %arg5[%arg0, %add3A_500, %dma_wait3A_522] : memref<2x10240x64xf32, #tpu.memory_space<hbm>> -> memref<1x128x64xf32, #tpu.memory_space<hbm>>
      %dma_wait3A_524 = tpu.memref_squeeze %dma_wait3A_523 : memref<1x128x64xf32, #tpu.memory_space<hbm>> -> memref<128x64xf32, #tpu.memory_space<hbm>>
      tpu.wait_dma2 semaphore(%run_scoped3A : memref<!tpu.dma_semaphore, #tpu.memory_space<semaphore_mem>>) src(%arg8 : memref<128x64xf32, #tpu.memory_space<vmem>>) dst(%dma_wait3A_524 : memref<128x64xf32, #tpu.memory_space<hbm>>)
      tpu.yield
    }) : () -> ()
    %mul3A_501 = arith.constant 640 : i32
    %mul3A_502 = arith.muli %arg1, %mul3A_501 : i32
    %add3A_503 = arith.constant 256 : i32
    %add3A_504 = arith.addi %mul3A_502, %add3A_503 : i32
    "tpu.region"() ({
      %run_scoped3A = tpu.sem_alloc : memref<!tpu.dma_semaphore, #tpu.memory_space<semaphore_mem>>
      %dma_start3A_513 = arith.constant 0 : i32
      %dma_start3A_514 = tpu.memref_slice %arg12[%add3A_504, %dma_start3A_513] : memref<10240x64xf32, #tpu.memory_space<vmem_shared>> -> memref<128x64xf32, #tpu.memory_space<vmem_shared>>
      %dma_start3A_515 = arith.constant 0 : i32
      %dma_start3A_516 = tpu.memref_slice %arg12[%add3A_504, %dma_start3A_515] : memref<10240x64xf32, #tpu.memory_space<vmem_shared>> -> memref<128x64xf32, #tpu.memory_space<vmem_shared>>
      tpu.enqueue_dma source(%dma_start3A_516 : memref<128x64xf32, #tpu.memory_space<vmem_shared>>) target(%arg8 : memref<128x64xf32, #tpu.memory_space<vmem>>) target_semaphore(%run_scoped3A : memref<!tpu.dma_semaphore, #tpu.memory_space<semaphore_mem>>)
      %dma_wait3A_517 = arith.constant 0 : i32
      %dma_wait3A_518 = tpu.memref_slice %arg12[%add3A_504, %dma_wait3A_517] : memref<10240x64xf32, #tpu.memory_space<vmem_shared>> -> memref<128x64xf32, #tpu.memory_space<vmem_shared>>
      %dma_wait3A_519 = arith.constant 0 : i32
      %dma_wait3A_520 = tpu.memref_slice %arg12[%add3A_504, %dma_wait3A_519] : memref<10240x64xf32, #tpu.memory_space<vmem_shared>> -> memref<128x64xf32, #tpu.memory_space<vmem_shared>>
      tpu.wait_dma2 semaphore(%run_scoped3A : memref<!tpu.dma_semaphore, #tpu.memory_space<semaphore_mem>>) src(%dma_wait3A_520 : memref<128x64xf32, #tpu.memory_space<vmem_shared>>) dst(%arg8 : memref<128x64xf32, #tpu.memory_space<vmem>>)
      tpu.yield
    }) : () -> ()
    "tpu.region"() ({
      %run_scoped3A = tpu.sem_alloc : memref<!tpu.dma_semaphore, #tpu.memory_space<semaphore_mem>>
      %dma_start3A_513 = arith.constant 0 : i32
      %dma_start3A_514 = tpu.memref_slice %arg5[%arg0, %add3A_504, %dma_start3A_513] : memref<2x10240x64xf32, #tpu.memory_space<hbm>> -> memref<1x128x64xf32, #tpu.memory_space<hbm>>
      %dma_start3A_515 = tpu.memref_squeeze %dma_start3A_514 : memref<1x128x64xf32, #tpu.memory_space<hbm>> -> memref<128x64xf32, #tpu.memory_space<hbm>>
      %dma_start3A_516 = arith.constant 0 : i32
      %dma_start3A_517 = tpu.memref_slice %arg5[%arg0, %add3A_504, %dma_start3A_516] : memref<2x10240x64xf32, #tpu.memory_space<hbm>> -> memref<1x128x64xf32, #tpu.memory_space<hbm>>
      %dma_start3A_518 = tpu.memref_squeeze %dma_start3A_517 : memref<1x128x64xf32, #tpu.memory_space<hbm>> -> memref<128x64xf32, #tpu.memory_space<hbm>>
      tpu.enqueue_dma source(%arg8 : memref<128x64xf32, #tpu.memory_space<vmem>>) target(%dma_start3A_518 : memref<128x64xf32, #tpu.memory_space<hbm>>) target_semaphore(%run_scoped3A : memref<!tpu.dma_semaphore, #tpu.memory_space<semaphore_mem>>)
      %dma_wait3A_519 = arith.constant 0 : i32
      %dma_wait3A_520 = tpu.memref_slice %arg5[%arg0, %add3A_504, %dma_wait3A_519] : memref<2x10240x64xf32, #tpu.memory_space<hbm>> -> memref<1x128x64xf32, #tpu.memory_space<hbm>>
      %dma_wait3A_521 = tpu.memref_squeeze %dma_wait3A_520 : memref<1x128x64xf32, #tpu.memory_space<hbm>> -> memref<128x64xf32, #tpu.memory_space<hbm>>
      %dma_wait3A_522 = arith.constant 0 : i32
      %dma_wait3A_523 = tpu.memref_slice %arg5[%arg0, %add3A_504, %dma_wait3A_522] : memref<2x10240x64xf32, #tpu.memory_space<hbm>> -> memref<1x128x64xf32, #tpu.memory_space<hbm>>
      %dma_wait3A_524 = tpu.memref_squeeze %dma_wait3A_523 : memref<1x128x64xf32, #tpu.memory_space<hbm>> -> memref<128x64xf32, #tpu.memory_space<hbm>>
      tpu.wait_dma2 semaphore(%run_scoped3A : memref<!tpu.dma_semaphore, #tpu.memory_space<semaphore_mem>>) src(%arg8 : memref<128x64xf32, #tpu.memory_space<vmem>>) dst(%dma_wait3A_524 : memref<128x64xf32, #tpu.memory_space<hbm>>)
      tpu.yield
    }) : () -> ()
    %mul3A_505 = arith.constant 640 : i32
    %mul3A_506 = arith.muli %arg1, %mul3A_505 : i32
    %add3A_507 = arith.constant 384 : i32
    %add3A_508 = arith.addi %mul3A_506, %add3A_507 : i32
    "tpu.region"() ({
      %run_scoped3A = tpu.sem_alloc : memref<!tpu.dma_semaphore, #tpu.memory_space<semaphore_mem>>
      %dma_start3A_513 = arith.constant 0 : i32
      %dma_start3A_514 = tpu.memref_slice %arg12[%add3A_508, %dma_start3A_513] : memref<10240x64xf32, #tpu.memory_space<vmem_shared>> -> memref<128x64xf32, #tpu.memory_space<vmem_shared>>
      %dma_start3A_515 = arith.constant 0 : i32
      %dma_start3A_516 = tpu.memref_slice %arg12[%add3A_508, %dma_start3A_515] : memref<10240x64xf32, #tpu.memory_space<vmem_shared>> -> memref<128x64xf32, #tpu.memory_space<vmem_shared>>
      tpu.enqueue_dma source(%dma_start3A_516 : memref<128x64xf32, #tpu.memory_space<vmem_shared>>) target(%arg8 : memref<128x64xf32, #tpu.memory_space<vmem>>) target_semaphore(%run_scoped3A : memref<!tpu.dma_semaphore, #tpu.memory_space<semaphore_mem>>)
      %dma_wait3A_517 = arith.constant 0 : i32
      %dma_wait3A_518 = tpu.memref_slice %arg12[%add3A_508, %dma_wait3A_517] : memref<10240x64xf32, #tpu.memory_space<vmem_shared>> -> memref<128x64xf32, #tpu.memory_space<vmem_shared>>
      %dma_wait3A_519 = arith.constant 0 : i32
      %dma_wait3A_520 = tpu.memref_slice %arg12[%add3A_508, %dma_wait3A_519] : memref<10240x64xf32, #tpu.memory_space<vmem_shared>> -> memref<128x64xf32, #tpu.memory_space<vmem_shared>>
      tpu.wait_dma2 semaphore(%run_scoped3A : memref<!tpu.dma_semaphore, #tpu.memory_space<semaphore_mem>>) src(%dma_wait3A_520 : memref<128x64xf32, #tpu.memory_space<vmem_shared>>) dst(%arg8 : memref<128x64xf32, #tpu.memory_space<vmem>>)
      tpu.yield
    }) : () -> ()
    "tpu.region"() ({
      %run_scoped3A = tpu.sem_alloc : memref<!tpu.dma_semaphore, #tpu.memory_space<semaphore_mem>>
      %dma_start3A_513 = arith.constant 0 : i32
      %dma_start3A_514 = tpu.memref_slice %arg5[%arg0, %add3A_508, %dma_start3A_513] : memref<2x10240x64xf32, #tpu.memory_space<hbm>> -> memref<1x128x64xf32, #tpu.memory_space<hbm>>
      %dma_start3A_515 = tpu.memref_squeeze %dma_start3A_514 : memref<1x128x64xf32, #tpu.memory_space<hbm>> -> memref<128x64xf32, #tpu.memory_space<hbm>>
      %dma_start3A_516 = arith.constant 0 : i32
      %dma_start3A_517 = tpu.memref_slice %arg5[%arg0, %add3A_508, %dma_start3A_516] : memref<2x10240x64xf32, #tpu.memory_space<hbm>> -> memref<1x128x64xf32, #tpu.memory_space<hbm>>
      %dma_start3A_518 = tpu.memref_squeeze %dma_start3A_517 : memref<1x128x64xf32, #tpu.memory_space<hbm>> -> memref<128x64xf32, #tpu.memory_space<hbm>>
      tpu.enqueue_dma source(%arg8 : memref<128x64xf32, #tpu.memory_space<vmem>>) target(%dma_start3A_518 : memref<128x64xf32, #tpu.memory_space<hbm>>) target_semaphore(%run_scoped3A : memref<!tpu.dma_semaphore, #tpu.memory_space<semaphore_mem>>)
      %dma_wait3A_519 = arith.constant 0 : i32
      %dma_wait3A_520 = tpu.memref_slice %arg5[%arg0, %add3A_508, %dma_wait3A_519] : memref<2x10240x64xf32, #tpu.memory_space<hbm>> -> memref<1x128x64xf32, #tpu.memory_space<hbm>>
      %dma_wait3A_521 = tpu.memref_squeeze %dma_wait3A_520 : memref<1x128x64xf32, #tpu.memory_space<hbm>> -> memref<128x64xf32, #tpu.memory_space<hbm>>
      %dma_wait3A_522 = arith.constant 0 : i32
      %dma_wait3A_523 = tpu.memref_slice %arg5[%arg0, %add3A_508, %dma_wait3A_522] : memref<2x10240x64xf32, #tpu.memory_space<hbm>> -> memref<1x128x64xf32, #tpu.memory_space<hbm>>
      %dma_wait3A_524 = tpu.memref_squeeze %dma_wait3A_523 : memref<1x128x64xf32, #tpu.memory_space<hbm>> -> memref<128x64xf32, #tpu.memory_space<hbm>>
      tpu.wait_dma2 semaphore(%run_scoped3A : memref<!tpu.dma_semaphore, #tpu.memory_space<semaphore_mem>>) src(%arg8 : memref<128x64xf32, #tpu.memory_space<vmem>>) dst(%dma_wait3A_524 : memref<128x64xf32, #tpu.memory_space<hbm>>)
      tpu.yield
    }) : () -> ()
    %mul3A_509 = arith.constant 640 : i32
    %mul3A_510 = arith.muli %arg1, %mul3A_509 : i32
    %add3A_511 = arith.constant 512 : i32
    %add3A_512 = arith.addi %mul3A_510, %add3A_511 : i32
    "tpu.region"() ({
      %run_scoped3A = tpu.sem_alloc : memref<!tpu.dma_semaphore, #tpu.memory_space<semaphore_mem>>
      %dma_start3A_513 = arith.constant 0 : i32
      %dma_start3A_514 = tpu.memref_slice %arg12[%add3A_512, %dma_start3A_513] : memref<10240x64xf32, #tpu.memory_space<vmem_shared>> -> memref<128x64xf32, #tpu.memory_space<vmem_shared>>
      %dma_start3A_515 = arith.constant 0 : i32
      %dma_start3A_516 = tpu.memref_slice %arg12[%add3A_512, %dma_start3A_515] : memref<10240x64xf32, #tpu.memory_space<vmem_shared>> -> memref<128x64xf32, #tpu.memory_space<vmem_shared>>
      tpu.enqueue_dma source(%dma_start3A_516 : memref<128x64xf32, #tpu.memory_space<vmem_shared>>) target(%arg8 : memref<128x64xf32, #tpu.memory_space<vmem>>) target_semaphore(%run_scoped3A : memref<!tpu.dma_semaphore, #tpu.memory_space<semaphore_mem>>)
      %dma_wait3A_517 = arith.constant 0 : i32
      %dma_wait3A_518 = tpu.memref_slice %arg12[%add3A_512, %dma_wait3A_517] : memref<10240x64xf32, #tpu.memory_space<vmem_shared>> -> memref<128x64xf32, #tpu.memory_space<vmem_shared>>
      %dma_wait3A_519 = arith.constant 0 : i32
      %dma_wait3A_520 = tpu.memref_slice %arg12[%add3A_512, %dma_wait3A_519] : memref<10240x64xf32, #tpu.memory_space<vmem_shared>> -> memref<128x64xf32, #tpu.memory_space<vmem_shared>>
      tpu.wait_dma2 semaphore(%run_scoped3A : memref<!tpu.dma_semaphore, #tpu.memory_space<semaphore_mem>>) src(%dma_wait3A_520 : memref<128x64xf32, #tpu.memory_space<vmem_shared>>) dst(%arg8 : memref<128x64xf32, #tpu.memory_space<vmem>>)
      tpu.yield
    }) : () -> ()
    "tpu.region"() ({
      %run_scoped3A = tpu.sem_alloc : memref<!tpu.dma_semaphore, #tpu.memory_space<semaphore_mem>>
      %dma_start3A_513 = arith.constant 0 : i32
      %dma_start3A_514 = tpu.memref_slice %arg5[%arg0, %add3A_512, %dma_start3A_513] : memref<2x10240x64xf32, #tpu.memory_space<hbm>> -> memref<1x128x64xf32, #tpu.memory_space<hbm>>
      %dma_start3A_515 = tpu.memref_squeeze %dma_start3A_514 : memref<1x128x64xf32, #tpu.memory_space<hbm>> -> memref<128x64xf32, #tpu.memory_space<hbm>>
      %dma_start3A_516 = arith.constant 0 : i32
      %dma_start3A_517 = tpu.memref_slice %arg5[%arg0, %add3A_512, %dma_start3A_516] : memref<2x10240x64xf32, #tpu.memory_space<hbm>> -> memref<1x128x64xf32, #tpu.memory_space<hbm>>
      %dma_start3A_518 = tpu.memref_squeeze %dma_start3A_517 : memref<1x128x64xf32, #tpu.memory_space<hbm>> -> memref<128x64xf32, #tpu.memory_space<hbm>>
      tpu.enqueue_dma source(%arg8 : memref<128x64xf32, #tpu.memory_space<vmem>>) target(%dma_start3A_518 : memref<128x64xf32, #tpu.memory_space<hbm>>) target_semaphore(%run_scoped3A : memref<!tpu.dma_semaphore, #tpu.memory_space<semaphore_mem>>)
      %dma_wait3A_519 = arith.constant 0 : i32
      %dma_wait3A_520 = tpu.memref_slice %arg5[%arg0, %add3A_512, %dma_wait3A_519] : memref<2x10240x64xf32, #tpu.memory_space<hbm>> -> memref<1x128x64xf32, #tpu.memory_space<hbm>>
      %dma_wait3A_521 = tpu.memref_squeeze %dma_wait3A_520 : memref<1x128x64xf32, #tpu.memory_space<hbm>> -> memref<128x64xf32, #tpu.memory_space<hbm>>
      %dma_wait3A_522 = arith.constant 0 : i32
      %dma_wait3A_523 = tpu.memref_slice %arg5[%arg0, %add3A_512, %dma_wait3A_522] : memref<2x10240x64xf32, #tpu.memory_space<hbm>> -> memref<1x128x64xf32, #tpu.memory_space<hbm>>
      %dma_wait3A_524 = tpu.memref_squeeze %dma_wait3A_523 : memref<1x128x64xf32, #tpu.memory_space<hbm>> -> memref<128x64xf32, #tpu.memory_space<hbm>>
      tpu.wait_dma2 semaphore(%run_scoped3A : memref<!tpu.dma_semaphore, #tpu.memory_space<semaphore_mem>>) src(%arg8 : memref<128x64xf32, #tpu.memory_space<vmem>>) dst(%dma_wait3A_524 : memref<128x64xf32, #tpu.memory_space<hbm>>)
      tpu.yield
    }) : () -> ()
    return
  }
}

#map = affine_map<(d0, d1) -> (0, 0)>
#map1 = affine_map<(d0, d1) -> (0, 0, 0)>
module attributes {stable_mosaic.version = 14 : i64} {
  func.func @_deg_body(%arg0: i32, %arg1: i32, %arg2: memref<2688x128xi32, #tpu.memory_space<hbm>>, %arg3: memref<2x10240x8xf32, #tpu.memory_space<hbm>>, %arg4: memref<80x128xi32, #tpu.memory_space<vmem>>, %arg5: memref<640x8xf32, #tpu.memory_space<vmem>>, %arg6: memref<10240x8xf32, #tpu.memory_space<vmem_shared>>) attributes {dimension_semantics = [#tpu.dimension_semantics<core_parallel>, #tpu.dimension_semantics<subcore_parallel>], iteration_bounds = array<i64: 2, 16>, scalar_prefetch = 0 : i64, scratch_operands = 3 : i64, tpu.core_type = #tpu.core_type<sc_vector_subcore>, window_params = [{transform_indices = #map}, {transform_indices = #map1}]} {
    %mul3A = arith.constant 16 : i32
    %mul3A_0 = arith.muli %arg0, %mul3A : i32
    %add3A = arith.addi %mul3A_0, %arg1 : i32
    %scan3A = arith.constant 0 : i32
    %scan3A_1 = arith.constant 0 : i32
    %scan3A_2 = arith.constant 640 : i32
    %scan3A_3 = arith.addi %scan3A_1, %scan3A_2 : i32
    %scan3A_4 = arith.constant 1 : i32
    scf.for %scan3A_27 = %scan3A_1 to %scan3A_3 step %scan3A_4  : i32 {
      %broadcast_in_dim3A = arith.constant 0.000000e+00 : f32
      %broadcast_in_dim3A_28 = vector.broadcast %broadcast_in_dim3A : f32 to vector<16xf32>
      %swap3A = arith.index_cast %scan3A_27 : i32 to index
      %swap3A_29 = arith.constant 0 : index
      %swap3A_30 = tpu.vector_load %arg5[%swap3A, %swap3A_29] {strides = array<i32>} : memref<640x8xf32, #tpu.memory_space<vmem>>, vector<1x16xf32>,
      %swap3A_31 = vector.shape_cast %swap3A_30 : vector<1x16xf32> to vector<16xf32>
      %swap3A_32 = vector.shape_cast %broadcast_in_dim3A_28 : vector<16xf32> to vector<1x16xf32>
      tpu.vector_store %arg5[%swap3A, %swap3A_29], %swap3A_32 {strides = array<i32>} : memref<640x8xf32, #tpu.memory_space<vmem>>, vector<1x16xf32>,
    }
    %scan3A_5 = arith.constant 640 : i32
    %mul3A_6 = arith.constant 640 : i32
    %mul3A_7 = arith.muli %arg1, %mul3A_6 : i32
    "tpu.region"() ({
      %run_scoped3A = tpu.sem_alloc : memref<!tpu.dma_semaphore, #tpu.memory_space<semaphore_mem>>
      %dma_start3A = arith.constant 0 : i32
      %dma_start3A_27 = tpu.memref_slice %arg6[%mul3A_7, %dma_start3A] : memref<10240x8xf32, #tpu.memory_space<vmem_shared>> -> memref<640x8xf32, #tpu.memory_space<vmem_shared>>
      %dma_start3A_28 = arith.constant 0 : i32
      %dma_start3A_29 = tpu.memref_slice %arg6[%mul3A_7, %dma_start3A_28] : memref<10240x8xf32, #tpu.memory_space<vmem_shared>> -> memref<640x8xf32, #tpu.memory_space<vmem_shared>>
      tpu.enqueue_dma source(%arg5 : memref<640x8xf32, #tpu.memory_space<vmem>>) target(%dma_start3A_29 : memref<640x8xf32, #tpu.memory_space<vmem_shared>>) target_semaphore(%run_scoped3A : memref<!tpu.dma_semaphore, #tpu.memory_space<semaphore_mem>>)
      %dma_wait3A = arith.constant 0 : i32
      %dma_wait3A_30 = tpu.memref_slice %arg6[%mul3A_7, %dma_wait3A] : memref<10240x8xf32, #tpu.memory_space<vmem_shared>> -> memref<640x8xf32, #tpu.memory_space<vmem_shared>>
      %dma_wait3A_31 = arith.constant 0 : i32
      %dma_wait3A_32 = tpu.memref_slice %arg6[%mul3A_7, %dma_wait3A_31] : memref<10240x8xf32, #tpu.memory_space<vmem_shared>> -> memref<640x8xf32, #tpu.memory_space<vmem_shared>>
      tpu.wait_dma2 semaphore(%run_scoped3A : memref<!tpu.dma_semaphore, #tpu.memory_space<semaphore_mem>>) src(%arg5 : memref<640x8xf32, #tpu.memory_space<vmem>>) dst(%dma_wait3A_32 : memref<640x8xf32, #tpu.memory_space<vmem_shared>>)
      tpu.yield
    }) : () -> ()
    %barrier3A = arith.constant 0 : index
    tpu.barrier barrier_id(%barrier3A)
    %scan3A_8 = arith.constant 0 : i32
    %scan3A_9 = arith.constant 0 : i32
    %scan3A_10 = arith.constant 128 : i32
    %scan3A_11 = arith.addi %scan3A_9, %scan3A_10 : i32
    %scan3A_12 = arith.constant 1 : i32
    scf.for %scan3A_27 = %scan3A_9 to %scan3A_11 step %scan3A_12  : i32 {
      %broadcast_in_dim3A = arith.constant 1.000000e+00 : f32
      %broadcast_in_dim3A_28 = vector.broadcast %broadcast_in_dim3A : f32 to vector<16xf32>
      %swap3A = arith.index_cast %scan3A_27 : i32 to index
      %swap3A_29 = arith.constant 0 : index
      %swap3A_30 = tpu.vector_load %arg5[%swap3A, %swap3A_29] {strides = array<i32>} : memref<640x8xf32, #tpu.memory_space<vmem>>, vector<1x16xf32>,
      %swap3A_31 = vector.shape_cast %swap3A_30 : vector<1x16xf32> to vector<16xf32>
      %swap3A_32 = vector.shape_cast %broadcast_in_dim3A_28 : vector<16xf32> to vector<1x16xf32>
      tpu.vector_store %arg5[%swap3A, %swap3A_29], %swap3A_32 {strides = array<i32>} : memref<640x8xf32, #tpu.memory_space<vmem>>, vector<1x16xf32>,
    }
    %scan3A_13 = arith.constant 128 : i32
    %mul3A_14 = arith.constant 80 : i32
    %mul3A_15 = arith.muli %add3A, %mul3A_14 : i32
    "tpu.region"() ({
      %run_scoped3A = tpu.sem_alloc : memref<!tpu.dma_semaphore, #tpu.memory_space<semaphore_mem>>
      %dma_start3A = arith.constant 0 : i32
      %dma_start3A_27 = tpu.memref_slice %arg2[%mul3A_15, %dma_start3A] : memref<2688x128xi32, #tpu.memory_space<hbm>> -> memref<80x128xi32, #tpu.memory_space<hbm>>
      %dma_start3A_28 = arith.constant 0 : i32
      %dma_start3A_29 = tpu.memref_slice %arg2[%mul3A_15, %dma_start3A_28] : memref<2688x128xi32, #tpu.memory_space<hbm>> -> memref<80x128xi32, #tpu.memory_space<hbm>>
      tpu.enqueue_dma source(%dma_start3A_29 : memref<80x128xi32, #tpu.memory_space<hbm>>) target(%arg4 : memref<80x128xi32, #tpu.memory_space<vmem>>) target_semaphore(%run_scoped3A : memref<!tpu.dma_semaphore, #tpu.memory_space<semaphore_mem>>)
      %dma_wait3A = arith.constant 0 : i32
      %dma_wait3A_30 = tpu.memref_slice %arg2[%mul3A_15, %dma_wait3A] : memref<2688x128xi32, #tpu.memory_space<hbm>> -> memref<80x128xi32, #tpu.memory_space<hbm>>
      %dma_wait3A_31 = arith.constant 0 : i32
      %dma_wait3A_32 = tpu.memref_slice %arg2[%mul3A_15, %dma_wait3A_31] : memref<2688x128xi32, #tpu.memory_space<hbm>> -> memref<80x128xi32, #tpu.memory_space<hbm>>
      tpu.wait_dma2 semaphore(%run_scoped3A : memref<!tpu.dma_semaphore, #tpu.memory_space<semaphore_mem>>) src(%dma_wait3A_32 : memref<80x128xi32, #tpu.memory_space<hbm>>) dst(%arg4 : memref<80x128xi32, #tpu.memory_space<vmem>>)
      tpu.yield
    }) : () -> ()
    %scan3A_16 = arith.constant 0 : i32
    %scan3A_17 = arith.constant 0 : i32
    %scan3A_18 = arith.constant 80 : i32
    %scan3A_19 = arith.addi %scan3A_17, %scan3A_18 : i32
    %scan3A_20 = arith.constant 1 : i32
    scf.for %scan3A_27 = %scan3A_17 to %scan3A_19 step %scan3A_20  : i32 {
      "tpu.region"() ({
        %run_scoped3A = tpu.sem_alloc : memref<!tpu.dma_semaphore, #tpu.memory_space<semaphore_mem>>
        %dma_start3A = arith.constant 0 : i32
        %dma_start3A_28 = arith.constant 0 : i32
        %dma_start3A_29 = tpu.memref_slice %arg5[%dma_start3A, %dma_start3A_28] : memref<640x8xf32, #tpu.memory_space<vmem>> -> memref<128x8xf32, #tpu.memory_space<vmem>>
        %dma_start3A_30 = arith.constant 0 : i32
        %dma_start3A_31 = tpu.memref_slice %arg4[%scan3A_27, %dma_start3A_30] : memref<80x128xi32, #tpu.memory_space<vmem>> -> memref<1x128xi32, #tpu.memory_space<vmem>>
        %dma_start3A_32 = tpu.memref_squeeze %dma_start3A_31 : memref<1x128xi32, #tpu.memory_space<vmem>> -> memref<128xi32, #tpu.memory_space<vmem>>
        %dma_start3A_33 = arith.constant 0 : i32
        %dma_start3A_34 = arith.constant 0 : i32
        %dma_start3A_35 = tpu.memref_slice %arg6[%dma_start3A_33, %dma_start3A_34] : memref<10240x8xf32, #tpu.memory_space<vmem_shared>> -> memref<10240x8xf32, #tpu.memory_space<vmem_shared>>
        tpu.enqueue_indirect_dma source(%dma_start3A_29 : memref<128x8xf32, #tpu.memory_space<vmem>>) target(%dma_start3A_35 : memref<10240x8xf32, #tpu.memory_space<vmem_shared>>) offsets(%dma_start3A_32 : memref<128xi32, #tpu.memory_space<vmem>>) semaphore(%run_scoped3A : memref<!tpu.dma_semaphore, #tpu.memory_space<semaphore_mem>>) {add = true}
        %dma_wait3A = arith.constant 0 : i32
        %dma_wait3A_36 = arith.constant 0 : i32
        %dma_wait3A_37 = tpu.memref_slice %arg5[%dma_wait3A, %dma_wait3A_36] : memref<640x8xf32, #tpu.memory_space<vmem>> -> memref<128x8xf32, #tpu.memory_space<vmem>>
        %dma_wait3A_38 = arith.constant 0 : i32
        %dma_wait3A_39 = tpu.memref_slice %arg4[%scan3A_27, %dma_wait3A_38] : memref<80x128xi32, #tpu.memory_space<vmem>> -> memref<1x128xi32, #tpu.memory_space<vmem>>
        %dma_wait3A_40 = tpu.memref_squeeze %dma_wait3A_39 : memref<1x128xi32, #tpu.memory_space<vmem>> -> memref<128xi32, #tpu.memory_space<vmem>>
        %dma_wait3A_41 = arith.constant 0 : i32
        %dma_wait3A_42 = arith.constant 0 : i32
        %dma_wait3A_43 = tpu.memref_slice %arg6[%dma_wait3A_41, %dma_wait3A_42] : memref<10240x8xf32, #tpu.memory_space<vmem_shared>> -> memref<10240x8xf32, #tpu.memory_space<vmem_shared>>
        tpu.wait_indirect_dma semaphore(%run_scoped3A : memref<!tpu.dma_semaphore, #tpu.memory_space<semaphore_mem>>) src(%dma_wait3A_37 : memref<128x8xf32, #tpu.memory_space<vmem>>) dst(%dma_wait3A_43 : memref<10240x8xf32, #tpu.memory_space<vmem_shared>>)
        tpu.yield
      }) : () -> ()
    }
    %scan3A_21 = arith.constant 80 : i32
    %barrier3A_22 = arith.constant 0 : index
    tpu.barrier barrier_id(%barrier3A_22)
    %mul3A_23 = arith.constant 640 : i32
    %mul3A_24 = arith.muli %arg1, %mul3A_23 : i32
    "tpu.region"() ({
      %run_scoped3A = tpu.sem_alloc : memref<!tpu.dma_semaphore, #tpu.memory_space<semaphore_mem>>
      %dma_start3A = arith.constant 0 : i32
      %dma_start3A_27 = tpu.memref_slice %arg6[%mul3A_24, %dma_start3A] : memref<10240x8xf32, #tpu.memory_space<vmem_shared>> -> memref<640x8xf32, #tpu.memory_space<vmem_shared>>
      %dma_start3A_28 = arith.constant 0 : i32
      %dma_start3A_29 = tpu.memref_slice %arg6[%mul3A_24, %dma_start3A_28] : memref<10240x8xf32, #tpu.memory_space<vmem_shared>> -> memref<640x8xf32, #tpu.memory_space<vmem_shared>>
      tpu.enqueue_dma source(%dma_start3A_29 : memref<640x8xf32, #tpu.memory_space<vmem_shared>>) target(%arg5 : memref<640x8xf32, #tpu.memory_space<vmem>>) target_semaphore(%run_scoped3A : memref<!tpu.dma_semaphore, #tpu.memory_space<semaphore_mem>>)
      %dma_wait3A = arith.constant 0 : i32
      %dma_wait3A_30 = tpu.memref_slice %arg6[%mul3A_24, %dma_wait3A] : memref<10240x8xf32, #tpu.memory_space<vmem_shared>> -> memref<640x8xf32, #tpu.memory_space<vmem_shared>>
      %dma_wait3A_31 = arith.constant 0 : i32
      %dma_wait3A_32 = tpu.memref_slice %arg6[%mul3A_24, %dma_wait3A_31] : memref<10240x8xf32, #tpu.memory_space<vmem_shared>> -> memref<640x8xf32, #tpu.memory_space<vmem_shared>>
      tpu.wait_dma2 semaphore(%run_scoped3A : memref<!tpu.dma_semaphore, #tpu.memory_space<semaphore_mem>>) src(%dma_wait3A_32 : memref<640x8xf32, #tpu.memory_space<vmem_shared>>) dst(%arg5 : memref<640x8xf32, #tpu.memory_space<vmem>>)
      tpu.yield
    }) : () -> ()
    %mul3A_25 = arith.constant 640 : i32
    %mul3A_26 = arith.muli %arg1, %mul3A_25 : i32
    "tpu.region"() ({
      %run_scoped3A = tpu.sem_alloc : memref<!tpu.dma_semaphore, #tpu.memory_space<semaphore_mem>>
      %dma_start3A = arith.constant 0 : i32
      %dma_start3A_27 = tpu.memref_slice %arg3[%arg0, %mul3A_26, %dma_start3A] : memref<2x10240x8xf32, #tpu.memory_space<hbm>> -> memref<1x640x8xf32, #tpu.memory_space<hbm>>
      %dma_start3A_28 = tpu.memref_squeeze %dma_start3A_27 : memref<1x640x8xf32, #tpu.memory_space<hbm>> -> memref<640x8xf32, #tpu.memory_space<hbm>>
      %dma_start3A_29 = arith.constant 0 : i32
      %dma_start3A_30 = tpu.memref_slice %arg3[%arg0, %mul3A_26, %dma_start3A_29] : memref<2x10240x8xf32, #tpu.memory_space<hbm>> -> memref<1x640x8xf32, #tpu.memory_space<hbm>>
      %dma_start3A_31 = tpu.memref_squeeze %dma_start3A_30 : memref<1x640x8xf32, #tpu.memory_space<hbm>> -> memref<640x8xf32, #tpu.memory_space<hbm>>
      tpu.enqueue_dma source(%arg5 : memref<640x8xf32, #tpu.memory_space<vmem>>) target(%dma_start3A_31 : memref<640x8xf32, #tpu.memory_space<hbm>>) target_semaphore(%run_scoped3A : memref<!tpu.dma_semaphore, #tpu.memory_space<semaphore_mem>>)
      %dma_wait3A = arith.constant 0 : i32
      %dma_wait3A_32 = tpu.memref_slice %arg3[%arg0, %mul3A_26, %dma_wait3A] : memref<2x10240x8xf32, #tpu.memory_space<hbm>> -> memref<1x640x8xf32, #tpu.memory_space<hbm>>
      %dma_wait3A_33 = tpu.memref_squeeze %dma_wait3A_32 : memref<1x640x8xf32, #tpu.memory_space<hbm>> -> memref<640x8xf32, #tpu.memory_space<hbm>>
      %dma_wait3A_34 = arith.constant 0 : i32
      %dma_wait3A_35 = tpu.memref_slice %arg3[%arg0, %mul3A_26, %dma_wait3A_34] : memref<2x10240x8xf32, #tpu.memory_space<hbm>> -> memref<1x640x8xf32, #tpu.memory_space<hbm>>
      %dma_wait3A_36 = tpu.memref_squeeze %dma_wait3A_35 : memref<1x640x8xf32, #tpu.memory_space<hbm>> -> memref<640x8xf32, #tpu.memory_space<hbm>>
      tpu.wait_dma2 semaphore(%run_scoped3A : memref<!tpu.dma_semaphore, #tpu.memory_space<semaphore_mem>>) src(%arg5 : memref<640x8xf32, #tpu.memory_space<vmem>>) dst(%dma_wait3A_36 : memref<640x8xf32, #tpu.memory_space<hbm>>)
      tpu.yield
    }) : () -> ()
    return
  }
}

module attributes {stable_mosaic.version = 14 : i64} {
  func.func @_tc1_body(%arg0: memref<10000x128xf32, #tpu.memory_space<vmem>>, %arg1: memref<128x32xf32, #tpu.memory_space<vmem>>, %arg2: memref<2x10240x8xf32, #tpu.memory_space<vmem>>, %arg3: memref<10000x32xf32, #tpu.memory_space<vmem>>, %arg4: memref<10000x1xf32, #tpu.memory_space<vmem>>) attributes {dimension_semantics = [], scalar_prefetch = 0 : i64, scratch_operands = 0 : i64, tpu.core_type = #tpu.core_type<tc>} {
    %get3A = arith.constant 0 : index
    %get3A_0 = arith.constant 0 : index
    %get3A_1 = arith.constant 0 : index
    %get3A_2 = vector.load %arg2[%get3A, %get3A_0, %get3A_1] : memref<2x10240x8xf32, #tpu.memory_space<vmem>>, vector<1x10000x1xf32>
    %get3A_3 = vector.shape_cast %get3A_2 : vector<1x10000x1xf32> to vector<10000xf32>
    %get3A_4 = arith.constant 1 : index
    %get3A_5 = arith.constant 0 : index
    %get3A_6 = arith.constant 0 : index
    %get3A_7 = vector.load %arg2[%get3A_4, %get3A_5, %get3A_6] : memref<2x10240x8xf32, #tpu.memory_space<vmem>>, vector<1x10000x1xf32>
    %get3A_8 = vector.shape_cast %get3A_7 : vector<1x10000x1xf32> to vector<10000xf32>
    %add3A = arith.addf %get3A_3, %get3A_8 : vector<10000xf32>
    %add3A_9 = arith.constant 1.000000e+00 : f32
    %add3A_10 = vector.broadcast %add3A_9 : f32 to vector<10000xf32>
    %add3A_11 = arith.addf %add3A, %add3A_10 : vector<10000xf32>
    %rsqrt3A = math.rsqrt %add3A_11 : vector<10000xf32>
    %reshape3A = vector.shape_cast %rsqrt3A : vector<10000xf32> to vector<10000x1xf32>
    %get3A_12 = arith.constant 0 : index
    %get3A_13 = arith.constant 0 : index
    %get3A_14 = vector.load %arg0[%get3A_12, %get3A_13] : memref<10000x128xf32, #tpu.memory_space<vmem>>, vector<10000x128xf32>
    %get3A_15 = arith.constant 0 : index
    %get3A_16 = arith.constant 0 : index
    %get3A_17 = vector.load %arg1[%get3A_15, %get3A_16] : memref<128x32xf32, #tpu.memory_space<vmem>>, vector<128x32xf32>
    %dot_general3A = arith.constant dense<0.000000e+00> : vector<10000x32xf32>
    %dot_general3A_18 = tpu.matmul %get3A_14, %get3A_17, %dot_general3A {dimension_numbers = #tpu.dot_dimension_numbers<[1], [0], [0], [1], [0, 0, 1, 1], [], []>, transpose_lhs_hint = false} : vector<10000x128xf32>, vector<128x32xf32>, vector<10000x32xf32> -> vector<10000x32xf32>
    %mul3A = vector.broadcast %reshape3A : vector<10000x1xf32> to vector<10000x32xf32>
    %mul3A_19 = arith.mulf %dot_general3A_18, %mul3A : vector<10000x32xf32>
    %swap3A = arith.constant 0 : index
    %swap3A_20 = arith.constant 0 : index
    %swap3A_21 = vector.load %arg3[%swap3A, %swap3A_20] : memref<10000x32xf32, #tpu.memory_space<vmem>>, vector<10000x32xf32>
    tpu.vector_store %arg3[%swap3A, %swap3A_20], %mul3A_19 {strides = array<i32>} : memref<10000x32xf32, #tpu.memory_space<vmem>>, vector<10000x32xf32>,
    %swap3A_22 = arith.constant 0 : index
    %swap3A_23 = arith.constant 0 : index
    %swap3A_24 = vector.load %arg4[%swap3A_22, %swap3A_23] : memref<10000x1xf32, #tpu.memory_space<vmem>>, vector<10000x1xf32>
    tpu.vector_store %arg4[%swap3A_22, %swap3A_23], %reshape3A {strides = array<i32>} : memref<10000x1xf32, #tpu.memory_space<vmem>>, vector<10000x1xf32>,
    return
  }
}

module attributes {stable_mosaic.version = 14 : i64} {
  func.func @_tc2_body(%arg0: memref<10000x32xf32, #tpu.memory_space<vmem>>, %arg1: memref<2x10240x32xf32, #tpu.memory_space<vmem>>, %arg2: memref<10000x1xf32, #tpu.memory_space<vmem>>, %arg3: memref<32xf32, #tpu.memory_space<vmem>>, %arg4: memref<32x64xf32, #tpu.memory_space<vmem>>, %arg5: memref<10000x64xf32, #tpu.memory_space<vmem>>) attributes {dimension_semantics = [], scalar_prefetch = 0 : i64, scratch_operands = 0 : i64, tpu.core_type = #tpu.core_type<tc>} {
    %get3A = arith.constant 0 : index
    %get3A_0 = arith.constant 0 : index
    %get3A_1 = arith.constant 0 : index
    %get3A_2 = vector.load %arg1[%get3A, %get3A_0, %get3A_1] : memref<2x10240x32xf32, #tpu.memory_space<vmem>>, vector<1x10000x32xf32>
    %get3A_3 = vector.shape_cast %get3A_2 : vector<1x10000x32xf32> to vector<10000x32xf32>
    %get3A_4 = arith.constant 1 : index
    %get3A_5 = arith.constant 0 : index
    %get3A_6 = arith.constant 0 : index
    %get3A_7 = vector.load %arg1[%get3A_4, %get3A_5, %get3A_6] : memref<2x10240x32xf32, #tpu.memory_space<vmem>>, vector<1x10000x32xf32>
    %get3A_8 = vector.shape_cast %get3A_7 : vector<1x10000x32xf32> to vector<10000x32xf32>
    %add3A = arith.addf %get3A_3, %get3A_8 : vector<10000x32xf32>
    %get3A_9 = arith.constant 0 : index
    %get3A_10 = arith.constant 0 : index
    %get3A_11 = vector.load %arg0[%get3A_9, %get3A_10] : memref<10000x32xf32, #tpu.memory_space<vmem>>, vector<10000x32xf32>
    %add3A_12 = arith.addf %add3A, %get3A_11 : vector<10000x32xf32>
    %get3A_13 = arith.constant 0 : index
    %get3A_14 = arith.constant 0 : index
    %get3A_15 = vector.load %arg2[%get3A_13, %get3A_14] : memref<10000x1xf32, #tpu.memory_space<vmem>>, vector<10000x1xf32>
    %mul3A = vector.broadcast %get3A_15 : vector<10000x1xf32> to vector<10000x32xf32>
    %mul3A_16 = arith.mulf %add3A_12, %mul3A : vector<10000x32xf32>
    %get3A_17 = arith.constant 0 : index
    %get3A_18 = vector.load %arg3[%get3A_17] : memref<32xf32, #tpu.memory_space<vmem>>, vector<32xf32>
    %broadcast_in_dim3A = vector.shape_cast %get3A_18 : vector<32xf32> to vector<1x32xf32>
    %add3A_19 = vector.broadcast %broadcast_in_dim3A : vector<1x32xf32> to vector<10000x32xf32>
    %add3A_20 = arith.addf %mul3A_16, %add3A_19 : vector<10000x32xf32>
    %max3A = arith.constant 0.000000e+00 : f32
    %max3A_21 = vector.broadcast %max3A : f32 to vector<10000x32xf32>
    %max3A_22 = arith.maximumf %add3A_20, %max3A_21 : vector<10000x32xf32>
    %get3A_23 = arith.constant 0 : index
    %get3A_24 = arith.constant 0 : index
    %get3A_25 = vector.load %arg4[%get3A_23, %get3A_24] : memref<32x64xf32, #tpu.memory_space<vmem>>, vector<32x64xf32>
    %dot_general3A = arith.constant dense<0.000000e+00> : vector<10000x64xf32>
    %dot_general3A_26 = tpu.matmul %max3A_22, %get3A_25, %dot_general3A {dimension_numbers = #tpu.dot_dimension_numbers<[1], [0], [0], [1], [0, 0, 1, 1], [], []>, transpose_lhs_hint = false} : vector<10000x32xf32>, vector<32x64xf32>, vector<10000x64xf32> -> vector<10000x64xf32>
    %mul3A_27 = vector.broadcast %get3A_15 : vector<10000x1xf32> to vector<10000x64xf32>
    %mul3A_28 = arith.mulf %dot_general3A_26, %mul3A_27 : vector<10000x64xf32>
    %swap3A = arith.constant 0 : index
    %swap3A_29 = arith.constant 0 : index
    %swap3A_30 = vector.load %arg5[%swap3A, %swap3A_29] : memref<10000x64xf32, #tpu.memory_space<vmem>>, vector<10000x64xf32>
    tpu.vector_store %arg5[%swap3A, %swap3A_29], %mul3A_28 {strides = array<i32>} : memref<10000x64xf32, #tpu.memory_space<vmem>>, vector<10000x64xf32>,
    return
  }
}

module attributes {stable_mosaic.version = 14 : i64} {
  func.func @_tc3_body(%arg0: memref<10000x64xf32, #tpu.memory_space<vmem>>, %arg1: memref<2x10240x64xf32, #tpu.memory_space<vmem>>, %arg2: memref<10000x1xf32, #tpu.memory_space<vmem>>, %arg3: memref<64xf32, #tpu.memory_space<vmem>>, %arg4: memref<10000x1xi32, #tpu.memory_space<vmem>>, %arg5: memref<256x64xf32, #tpu.memory_space<vmem>>) attributes {dimension_semantics = [], scalar_prefetch = 0 : i64, scratch_operands = 0 : i64, tpu.core_type = #tpu.core_type<tc>} {
    %get3A = arith.constant 0 : index
    %get3A_0 = arith.constant 0 : index
    %get3A_1 = arith.constant 0 : index
    %get3A_2 = vector.load %arg1[%get3A, %get3A_0, %get3A_1] : memref<2x10240x64xf32, #tpu.memory_space<vmem>>, vector<1x10000x64xf32>
    %get3A_3 = vector.shape_cast %get3A_2 : vector<1x10000x64xf32> to vector<10000x64xf32>
    %get3A_4 = arith.constant 1 : index
    %get3A_5 = arith.constant 0 : index
    %get3A_6 = arith.constant 0 : index
    %get3A_7 = vector.load %arg1[%get3A_4, %get3A_5, %get3A_6] : memref<2x10240x64xf32, #tpu.memory_space<vmem>>, vector<1x10000x64xf32>
    %get3A_8 = vector.shape_cast %get3A_7 : vector<1x10000x64xf32> to vector<10000x64xf32>
    %add3A = arith.addf %get3A_3, %get3A_8 : vector<10000x64xf32>
    %get3A_9 = arith.constant 0 : index
    %get3A_10 = arith.constant 0 : index
    %get3A_11 = vector.load %arg0[%get3A_9, %get3A_10] : memref<10000x64xf32, #tpu.memory_space<vmem>>, vector<10000x64xf32>
    %add3A_12 = arith.addf %add3A, %get3A_11 : vector<10000x64xf32>
    %get3A_13 = arith.constant 0 : index
    %get3A_14 = arith.constant 0 : index
    %get3A_15 = vector.load %arg2[%get3A_13, %get3A_14] : memref<10000x1xf32, #tpu.memory_space<vmem>>, vector<10000x1xf32>
    %mul3A = vector.broadcast %get3A_15 : vector<10000x1xf32> to vector<10000x64xf32>
    %mul3A_16 = arith.mulf %add3A_12, %mul3A : vector<10000x64xf32>
    %get3A_17 = arith.constant 0 : index
    %get3A_18 = vector.load %arg3[%get3A_17] : memref<64xf32, #tpu.memory_space<vmem>>, vector<64xf32>
    %broadcast_in_dim3A = vector.shape_cast %get3A_18 : vector<64xf32> to vector<1x64xf32>
    %add3A_19 = vector.broadcast %broadcast_in_dim3A : vector<1x64xf32> to vector<10000x64xf32>
    %add3A_20 = arith.addf %mul3A_16, %add3A_19 : vector<10000x64xf32>
    %max3A = arith.constant 0.000000e+00 : f32
    %max3A_21 = vector.broadcast %max3A : f32 to vector<10000x64xf32>
    %max3A_22 = arith.maximumf %add3A_20, %max3A_21 : vector<10000x64xf32>
    %abs3A = math.absf %add3A_20 : vector<10000x64xf32>
    %neg3A = arith.constant 0.000000e+00 : f32
    %neg3A_23 = vector.broadcast %neg3A : f32 to vector<10000x64xf32>
    %neg3A_24 = arith.subf %neg3A_23, %abs3A : vector<10000x64xf32>
    %exp3A = math.exp %neg3A_24 : vector<10000x64xf32>
    %log1p3A = math.log1p %exp3A : vector<10000x64xf32>
    %add3A_25 = arith.addf %max3A_22, %log1p3A : vector<10000x64xf32>
    %tanh3A = math.tanh %add3A_25 : vector<10000x64xf32>
    %mul3A_26 = arith.mulf %add3A_20, %tanh3A : vector<10000x64xf32>
    %iota3A = tpu.iota {dimensions = array<i32: 1>} : vector<1x256xi32>
    %get3A_27 = arith.constant 0 : index
    %get3A_28 = arith.constant 0 : index
    %get3A_29 = vector.load %arg4[%get3A_27, %get3A_28] : memref<10000x1xi32, #tpu.memory_space<vmem>>, vector<10000x1xi32>
    %eq3A = vector.broadcast %get3A_29 : vector<10000x1xi32> to vector<10000x256xi32>
    %eq3A_30 = vector.broadcast %iota3A : vector<1x256xi32> to vector<10000x256xi32>
    %eq3A_31 = arith.cmpi eq, %eq3A, %eq3A_30 : vector<10000x256xi32>
    %convert_element_type3A = arith.extui %eq3A_31 : vector<10000x256xi1> to vector<10000x256xi32>
    %convert_element_type3A_32 = arith.sitofp %convert_element_type3A : vector<10000x256xi32> to vector<10000x256xf32>
    %dot_general3A = arith.constant dense<0.000000e+00> : vector<256x64xf32>
    %dot_general3A_33 = tpu.matmul %convert_element_type3A_32, %mul3A_26, %dot_general3A {dimension_numbers = #tpu.dot_dimension_numbers<[0], [0], [1], [1], [0, 1, 1, 1], [], []>, transpose_lhs_hint = false} : vector<10000x256xf32>, vector<10000x64xf32>, vector<256x64xf32> -> vector<256x64xf32>
    %reduce_sum3A = arith.constant dense<0.000000e+00> : vector<256xf32>
    %reduce_sum3A_34 = vector.multi_reduction <add>, %convert_element_type3A_32, %reduce_sum3A [0] : vector<10000x256xf32> to vector<256xf32>
    %max3A_35 = arith.constant 1.000000e+00 : f32
    %max3A_36 = vector.broadcast %max3A_35 : f32 to vector<256xf32>
    %max3A_37 = arith.maximumf %reduce_sum3A_34, %max3A_36 : vector<256xf32>
    %broadcast_in_dim3A_38 = vector.shape_cast %max3A_37 : vector<256xf32> to vector<256x1xf32>
    %div3A = vector.broadcast %broadcast_in_dim3A_38 : vector<256x1xf32> to vector<256x64xf32>
    %div3A_39 = arith.divf %dot_general3A_33, %div3A : vector<256x64xf32>
    %swap3A = arith.constant 0 : index
    %swap3A_40 = arith.constant 0 : index
    %swap3A_41 = vector.load %arg5[%swap3A, %swap3A_40] : memref<256x64xf32, #tpu.memory_space<vmem>>, vector<256x64xf32>
    tpu.vector_store %arg5[%swap3A, %swap3A_40], %div3A_39 {strides = array<i32>} : memref<256x64xf32, #tpu.memory_space<vmem>>, vector<256x64xf32>,
    return
  }
}

</mosaic_0001>

<sc_bundles>
// kernel: kernel.11.cloned.1.call-start
scs
__scs_entry_jumppad:
0x0: {  	(pc) =	sbr.rel $0x88, $3  }
0x1: {  	(tag) =	ssettag $0x0;
	lr =	simm.s32 $0x1  }
0x2: {  	[smem:$0x3F9A] =	sst lr;
	_ =	strace $0xD0000000  }
0x3: {  	_ = 	snop  }
0x4: {  	_ = 	snop  }
0x5: {  	_ = 	snop  }
0x6: {  	_ = 	snop  }
0x7: {  	_ = 	snop  }
__scs_overlays_trampoline_lowered:
0x8: {  	[smem:$0x3FA9] =	sst s0  }
0x9: {  	[smem:$0x3FAA] =	sst s1  }
0xa: {  	[smem:$0x3FAB] =	sst s2  }
0xb: {  	[smem:$0x3FAC] =	sst s3  }
0xc: {  	[smem:$0x3FAD] =	sst s4  }
0xd: {  	[smem:$0x3FAE] =	sst s5  }
0xe: {  	[smem:$0x3FAF] =	sst s6  }
0xf: {  	[smem:$0x3FB0] =	sst s7  }
0x10: {  	[smem:$0x3FB1] =	sst s8  }
0x11: {  	[smem:$0x3FB2] =	sst s9;
	s0 =	simm.s32 @!p0 $0x0  }
0x12: {  	s1 =	sld [smem:$0x3F98];
	s0 =	simm.s32 @p0 $0x1  }
0x13: {  	[smem:$0x3FB3] =	sst s0;
	s0 =	simm.s32 @!p1 $0x0  }
0x14: {  	s2 =	sld [smem:$0x3F97];
	s0 =	simm.s32 @p1 $0x1  }
0x15: {  	[smem:$0x3FB4] =	sst s0;
	s0 =	simm.s32 @!p2 $0x0  }
0x16: {  	s3 =	sld [smem:$0x3FDB];
	s0 =	simm.s32 @p2 $0x1  }
0x17: {  	s4 =	simm.s32 $0x1BF5;
	[smem:$0x3FB6] =	sst s0  }
0x18: {  	s0 =	sld [smem:$0x3F99];
	_ =	swait.ge [sflag:s4], $0x0  }
0x19: {  	s7 =	sld [smem:$0x3F9A]  }
0x1a: {  	s8 =	sadd.s32 $0xFFFFE003, lr  }
0x1b: {  	s9 =	sadd.s32 $0xFFFFFEF7, lr;
	s5 =	simm.s32 $0xFFFFFFFF;
	p2 =	slt.u32 s8, $0xFFFFF086  }
0x1c: {  	p1 =	slt.u32 s9, $0xF7A;
	s5 =	simm.s32 @!p2 $0x0  }
0x1d: {  	s5 =	simm.s32 @p1 $0x1;
	p0 =	seq.s32 s7, s2  }
0x1e: {  	s7 =	smul.u32 @!p0 $0xF7A, s2;
	p2 =	seq.s32 @!p0 s5, $0x0  }
0x1f: {  	s9 =	smul.u32 $0xF7A, s1;
	s8 =	simm.s32 @!p0 $0x1BF5;
	p2 =	por !p2, p0  }
0x20: {  	[sflag:s8] =	ssyncset.s32 @!p0 $0xFFFFF086;
	s6 =	sadd.s32 @!p0 s3, s7;
	s7 =	simm.s32 @!p0 $0x108  }
0x21: {  	s3 =	sadd.s32 s3, s9;
	s6 =	sadd.s32 @!p0 $0x88, s6;
	s7 =	simm.s32 @p2 $0x1082  }
0x22: {  	[simem:s7], [sflag:s8] =	dma.local @!p0 [hbm:s6], $0xF7A  }
0x23: {  	s9 =	sor.u32 $0xD0000000, s2;
	s6 =	simm.s32 $0x108;
	_ =	swait.ge @!p0 [sflag:s8], $0x0  }
0x24: {  	s3 =	sadd.s32 $0x88, s3;
	s6 =	simm.s32 @!p1 $0x1082;
	[sflag:s4] =	ssyncset.s32 $0xFFFFF086  }
0x25: {  	[simem:s6], [sflag:s4] =	dma.local [hbm:s3], $0xF7A  }
0x26: {  	[smem:$0x3F9A] =	sst s1;
	(tag) =	ssettag s2;
	_ =	strace s9  }
0x27: {  	s1 =	sld [smem:$0x3FAA]  }
0x28: {  	s2 =	sld [smem:$0x3FAB]  }
0x29: {  	s4 =	sld [smem:$0x3FAD]  }
0x2a: {  	p0 =	seq.s32 s5, $0x0;
	s5 =	sld [smem:$0x3FAE]  }
0x2b: {  	s6 =	sld [smem:$0x3FAF]  }
0x2c: {  	s7 =	sld [smem:$0x3FB0]  }
0x2d: {  	s3 =	simm.s32 $0x108;
	s8 =	sld [smem:$0x3FB1]  }
0x2e: {  	s3 =	simm.s32 @!p0 $0x1082;
	s9 =	sld [smem:$0x3FB2]  }
0x2f: {  	lr =	sadd.s32 s0, s3;
	s0 =	sld [smem:$0x3FA9]  }
0x30: {  	s3 =	sld [smem:$0x3FAC]  }
0x31: {  	[smem:$0x3FB5] =	sst s10  }
0x32: {  	s10 =	sld [smem:$0x3FB3];
	_ =	sdelay $0x3  }
0x33: {  	p0 =	seq.s32 s10, $0x1;
	s10 =	sld [smem:$0x3FB5];
	_ =	sdelay $0x3  }
0x34: {  	[smem:$0x3FB5] =	sst s10  }
0x35: {  	s10 =	sld [smem:$0x3FB4];
	_ =	sdelay $0x3  }
0x36: {  	p1 =	seq.s32 s10, $0x1;
	s10 =	sld [smem:$0x3FB5];
	_ =	sdelay $0x3  }
0x37: {  	[smem:$0x3FB5] =	sst s10  }
0x38: {  	s10 =	sld [smem:$0x3FB6]  }
0x39: {  	_ = 	snop;
	(pc) =	sbr.ind lr, $3  }
0x3a: {  	_ = 	snop  }
0x3b: {  	_ = 	snop  }
0x3c: {  	p2 =	seq.s32 s10, $0x1;
	s10 =	sld [smem:$0x3FB5]  }
0x3d: {  	_ =	shalt  }
0x3e: {  	_ =	shalt  }
0x3f: {  	_ =	shalt  }
0x40: {  	_ =	shalt  }
0x41: {  	_ =	shalt  }
0x42: {  	_ =	shalt  }
0x43: {  	_ =	shalt  }
0x44: {  	_ =	shalt  }
0x45: {  	_ =	shalt  }
0x46: {  	_ =	shalt  }
0x47: {  	_ =	shalt  }
0x48: {  	_ =	shalt  }
0x49: {  	_ =	shalt  }
0x4a: {  	_ =	shalt  }
0x4b: {  	_ =	shalt  }
0x4c: {  	_ =	shalt  }
0x4d: {  	_ =	shalt  }
0x4e: {  	_ =	shalt  }
0x4f: {  	_ =	shalt  }
0x50: {  	_ =	shalt  }
0x51: {  	_ =	shalt  }
0x52: {  	_ =	shalt  }
0x53: {  	_ =	shalt  }
0x54: {  	_ =	shalt  }
0x55: {  	_ =	shalt  }
0x56: {  	_ =	shalt  }
0x57: {  	_ =	shalt  }
0x58: {  	_ =	shalt  }
0x59: {  	_ =	shalt  }
0x5a: {  	_ =	shalt  }
0x5b: {  	_ =	shalt  }
0x5c: {  	_ =	shalt  }
0x5d: {  	_ =	shalt  }
0x5e: {  	_ =	shalt  }
0x5f: {  	_ =	shalt  }
0x60: {  	_ =	shalt  }
0x61: {  	_ =	shalt  }
0x62: {  	_ =	shalt  }
0x63: {  	_ =	shalt  }
0x64: {  	_ =	shalt  }
0x65: {  	_ =	shalt  }
0x66: {  	_ =	shalt  }
0x67: {  	_ =	shalt  }
0x68: {  	_ =	shalt  }
0x69: {  	_ =	shalt  }
0x6a: {  	_ =	shalt  }
0x6b: {  	_ =	shalt  }
0x6c: {  	_ =	shalt  }
0x6d: {  	_ =	shalt  }
0x6e: {  	_ =	shalt  }
0x6f: {  	_ =	shalt  }
0x70: {  	_ =	shalt  }
0x71: {  	_ =	shalt  }
0x72: {  	_ =	shalt  }
0x73: {  	_ =	shalt  }
0x74: {  	_ =	shalt  }
0x75: {  	_ =	shalt  }
0x76: {  	_ =	shalt  }
0x77: {  	_ =	shalt  }
0x78: {  	_ =	shalt  }
0x79: {  	_ =	shalt  }
0x7a: {  	_ =	shalt  }
0x7b: {  	_ =	shalt  }
0x7c: {  	_ =	shalt  }
0x7d: {  	_ =	shalt  }
0x7e: {  	_ =	shalt  }
0x7f: {  	_ =	shalt  }
0x80: {  	_ =	shalt  }
0x81: {  	_ =	shalt  }
0x82: {  	_ =	shalt  }
0x83: {  	_ =	shalt  }
0x84: {  	_ =	shalt  }
0x85: {  	_ =	shalt  }
0x86: {  	_ =	shalt  }
0x87: {  	_ =	shalt  }
.Lfunc_end0:
.L_simem_size_0:
called_computation.1_lowered:
.L_overlay_start_0:
0x88: {  	s2 =	sld [smem:$0x3FD9]  }
0x89: {  	s3 =	sld [smem:$0x3FFE];
	_ =	sdelay $0x1  }
0x8a: {  	s1 =	srdreg.scid  }
0x8b: {  	s0 =	sand.u32 $0x1, s1  }
0x8c: {  	s16 =	sshll.u32 s0, $0xA;
	s2 =	sadd.s32 s3, s2  }
0x8d: {  	s2 =	sadd.s32 s2, s16  }
0x8e: {  	[smem:$0x3FC1] =	sst s2  }
0x8f: {  	_ = 	snop  }
0x90: {  	(tm) =	ssettm $0x1  }
0x91: {  	s17 =	sld [smem:$0x3FFB];
	_ =	sdelay $0x3  }
0x92: {  	_ =	strace s17  }
0x93: {  	s2 =	sld [smem:$0x3FFC];
	_ =	sdelay $0x3  }
0x94: {  	_ =	strace s2  }
0x95: {  	s2 =	sld [smem:$0x3FFD];
	_ =	sdelay $0x3  }
0x96: {  	_ =	strace s2  }
0x97: {  	_ =	strace $0x8FFFFFFF  }
0x98: {  	s18 =	sld [smem:$0x3FDB];
	_ =	sdelay $0x1  }
0x99: {  	s19 =	simm.s32 $_scs_section_size  }
0x9a: {  	s4 =	simm.s32 $_size__tile_overlayer_lowered;
	s5 =	simm.s32 $_tile_overlayer_lowered  }
0x9b: {  	s22 =	simm.s32 $0x1BFF;
	s21 =	sshll.u32 s5, $0x1;
	s2 =	sadd.s32 s19, s18  }
0x9c: {  	s6 =	simm.s32 $0x0;
	s20 =	sshll.u32 s4, $0x1;
	s4 =	sadd.s32 s21, s2  }
0x9d: {  	[timem:s6], [sflag:s22] =	dma.local [hbm:s4], s20  }
0x9e: {  	_ =	swait.ge [sflag:s22], s20  }
0x9f: {  	s3 =	ssub.s32 $0x0, s20;
	[sflag:s22] =	ssyncset.done $0x0  }
0xa0: {  	[sflag:s22] =	ssyncadd.s32 s3;
	_ =	sdelay $0x1  }
0xa1: {  	s23 =	simm.s32 $0x1B8B  }
0xa2: {  	_ =	swait.ge [sflag:s23], $0x1  }
0xa3: {  	[sflag:s23] =	ssyncset.done $0x0  }
0xa4: {  	s25 =	simm.s32 $0x1B8E;
	s24 =	sld [smem:$0x3FFE];
	[sflag:s23] =	ssyncadd.s32 $0xFFFFFFFF  }
0xa5: {  	s26 =	simm.s32 $execute0_lowered;
	[smem:$0x3FD2] =	sst s25  }
0xa6: {  	s4 =	sshll.u32 s26, $0x1;
	_ =	strace $0x80000049;
	[dreg:$0x1] =	wrdreg $0xFFFFFFFF  }
0xa7: {  	s28 =	simm.s32 $_size_execute0_lowered;
	s2 =	sadd.s32 s2, s4;
	[dreg:$0x0] =	wrdreg $0x0  }
0xa8: {  	s4 =	sshll.u32 s28, $0x1;
	[dreg:$0x2] =	wrdreg s2  }
0xa9: {  	[dreg:$0x3] =	wrdreg s4  }
0xaa: {  	[dreg:$0x4] =	wrdreg $0xC0  }
0xab: {  	_ =	task [dreg:s6], $0x5FFFF  }
0xac: {  	[dreg:$0x1] =	wrdreg $0xFFFFFFFF  }
0xad: {  	[dreg:$0x0] =	wrdreg $0x60  }
0xae: {  	[dreg:$0x2] =	wrdreg s24  }
0xaf: {  	[dreg:$0x3] =	wrdreg $0x68000  }
0xb0: {  	[dreg:$0x4] =	wrdreg $0xB8000  }
0xb1: {  	[dreg:$0x5] =	wrdreg $0x9  }
0xb2: {  	_ =	task.clear_ibuf [dreg:s6], $0x6FFFF;
	_ =	strace $0x90000049  }
0xb3: {  	s29 =	simm.s32 $0x9;
	_ =	strace $0x8000004B  }
0xb4: {  	_ =	swait.ge [sflag:s29], $0x1  }
0xb5: {  	[sflag:s29] =	ssyncadd.s32 $0xFFFFFFFF  }
0xb6: {  	_ =	strace $0x9000004B  }
0xb7: {  	_ =	sfence  }
0xb8: {  	s30 =	sld [smem:$0x0];
	_ =	sdelay $0x2  }
0xb9: {  	s31 =	sshll.u32 s1, $0xD;
	s1 =	sshrl.u32 s1, $0x2  }
0xba: {  	s3 =	sand.u32 $0x4000, s31;
	s1 =	sadd.s32 s1, s30  }
0xbb: {  	s0 =	sor.u32 s3, s0;
	s1 =	sshll.u32 s1, $0x11  }
0xbc: {  	s0 =	sor.u32 s1, s0  }
0xbd: {  	s0 =	sadd.s32 $0x8F2B, s0  }
0xbe: {  	[sflag:s0] =	ssyncadd.remote.s32 $0x1  }
0xbf: {  	_ =	sfence.sel $0xFFFF  }
0xc0: {  	[dreg:$0x0] =	wrdreg $0xFFFFFFFF;
	(pc) =	sbr.abs _section_cstart, $3  }
0xc1: {  	[dreg:$0x1] =	wrdreg $0xFFFFFFFF  }
0xc2: {  	_ =	task.clear_ibuf [dreg:s6], $0x2FFFF;
	_ =	strace $0x9FFFFFFF  }
0xc3: {  	(tm) =	ssettm $0x7FFFFFFF  }
tec
execute0_lowered:
.L_overlay_start_1:
0x0: {  	(tag) =	ssettag $0x1  }
0x1: {  	s0 =	rddreg [dreg:$0x0]  }
0x2: {  	s1 =	rddreg [dreg:$0x1]  }
0x3: {  	s2 =	rddreg [dreg:$0x2];
	s3 =	simm.s32 $0x0;
	s4 =	srdreg.scid  }
0x4: {  	s11 =	stileid.u32;
	s31 =	simm.s32 $0x2800;
	s28 =	simm.s32 $0x8  }
0x5: {  	[smem:$0x7FF] =	sst s3;
	s5 =	sadd.s32 $0x11000, s0;
	s4 =	sand.u32 $0x1, s4  }
0x6: {  	s6 =	sadd.s32 $0x1800, s0;
	s8 =	sadd.s32 $0x1B800, s0;
	s10 =	smul.u32 $0x5000, s11  }
0x7: {  	s0 =	sadd.s32 $0x25600, s0;
	_ =	strace $0x8000004A;
	s7 =	ssub.s32 $0x2, s4  }
0x8: {  	s15 =	sshll.u32 s4, $0x4;
	s4 =	smul.u32 $0x50000, s4;
	s9 =	sshrl.u32 s7, $0x1  }
0x9: {  	s12 =	sadd.s32 $0x2000, s10;
	s13 =	sshrl.u32 s10, $0x3;
	s18 =	sadd.s32 $0x3000, s10  }
0xa: {  	s19 =	sadd.s32 s10, s1;
	s7 =	ssub.s32 s7, s9;
	s9 =	sor.u32 s11, s15  }
0xb: {  	s11 =	sadd.s32 $0x1000, s10;
	s15 =	sshrl.u32 s12, $0x3;
	s13 =	sadd.s32 s8, s13  }
0xc: {  	s24 =	sadd.s32 s10, s4;
	s14 =	sshrl.u32 s11, $0x3;
	s20 =	smul.u32 $0x500, s9  }
0xd: {  	[dreg:$0x4] =	wrdreg s13;
	s17 =	sadd.s32 s8, s15;
	s9 =	smul.u32 $0x2800, s9  }
0xe: {  	s25 =	sadd.s32 s4, s11;
	s26 =	sshrl.u32 s24, $0x3;
	s15 =	sadd.s32 s10, s2  }
0xf: {  	s7 =	smax.u32 s7, $0x1;
	s13 =	simm.s32 $0x2680;
	s16 =	sadd.s32 s8, s14  }
0x10: {  	[dreg:$0x6] =	wrdreg s17;
	s14 =	sadd.s32 $0x4000, s10;
	s29 =	sshrl.u32 s25, $0x3  }
0x11: {  	[dreg:$0x12] =	wrdreg s7;
	s7 =	simm.s32 $0x7;
	s10 =	simm.s32 $0x1380  }
0x12: {  	[dreg:$0x5] =	wrdreg s16;
	s16 =	sshrl.u32 s18, $0x3;
	s17 =	sshrl.u32 s14, $0x3  }
0x13: {  	s21 =	sadd.s32 s5, s20;
	s22 =	sadd.s32 s6, s20;
	s23 =	sshrl.u32 s9, $0x3  }
0x14: {  	s30 =	sadd.s32 s0, s29;
	s20 =	sadd.s32 s11, s1;
	[dreg:$0x9] =	wrdreg s21  }
0x15: {  	s24 =	sadd.s32 s14, s2;
	s16 =	sadd.s32 s8, s16;
	[dreg:$0xa] =	wrdreg s22  }
0x16: {  	s8 =	sadd.s32 s8, s17;
	[dreg:$0xe] =	wrdreg s30;
	s21 =	sadd.s32 s12, s1  }
0x17: {  	s17 =	sadd.s32 s12, s2;
	s22 =	sadd.s32 s18, s1;
	[dreg:$0x7] =	wrdreg s16  }
0x18: {  	s30 =	sshrl.u32 s24, $0x3;
	s24 =	simm.s32 $0x0;
	[dreg:$0x8] =	wrdreg s8  }
0x19: {  	s8 =	sadd.s32 $0x280, s23;
	s16 =	sadd.s32 s11, s2;
	s23 =	sadd.s32 s14, s1  }
0x1a: {  	[dreg:$0x17] =	wrdreg s30;
	s11 =	simm.s32 $0x5800;
	s5 =	sadd.s32 s5, s8  }
0x1b: {  	s6 =	sadd.s32 s6, s8;
	s8 =	sadd.s32 s4, s18;
	s18 =	sadd.s32 s18, s2  }
0x1c: {  	s25 =	sshrl.u32 s16, $0x3;
	s16 =	simm.s32 $0x3;
	[dreg:$0xb] =	wrdreg s5  }
0x1d: {  	[dreg:$0xc] =	wrdreg s6;
	s5 =	sadd.s32 s0, s26;
	s6 =	sadd.s32 s4, s12  }
0x1e: {  	s4 =	sadd.s32 s4, s14;
	[dreg:$0x14] =	wrdreg s25;
	s26 =	sshrl.u32 s17, $0x3  }
0x1f: {  	s29 =	sshrl.u32 s18, $0x3;
	s12 =	simm.s32 $0x2;
	s14 =	simm.s32 $0x5  }
0x20: {  	s18 =	simm.s32 $0x6;
	s25 =	simm.s32 $0x4;
	[dreg:$0xd] =	wrdreg s5  }
0x21: {  	s17 =	simm.s32 $0x2780;
	s5 =	sshrl.u32 s6, $0x3;
	[dreg:$0x15] =	wrdreg s26  }
0x22: {  	s6 =	sshrl.u32 s8, $0x3;
	[dreg:$0x16] =	wrdreg s29;
	s5 =	sadd.s32 s0, s5  }
0x23: {  	s4 =	sshrl.u32 s4, $0x3;
	s9 =	sadd.s32 s0, s6;
	[dreg:$0xf] =	wrdreg s5  }
0x24: {  	s8 =	simm.s32 $0x4800;
	s0 =	sadd.s32 s0, s4;
	[dreg:$0x10] =	wrdreg s9  }
0x25: {  	s4 =	simm.s32 $0x1400;
	s6 =	simm.s32 $0x3800;
	[dreg:$0x11] =	wrdreg s0  }
0x26: {  	s0 =	sshrl.u32 s15, $0x3;
	s5 =	simm.s32 $0x80;
	s9 =	simm.s32 $0x1  }
0x27: {  	v0 =	vimm.f32 $0.0e+00;
	s15 =	simm.s32 $0x2700;
	[dreg:$0x13] =	wrdreg s0;
	s0 =	simm.s32 $0x9  }
.LBB2_1:
0x28: {  	s26 =	simm.s32 $0x80;
	s29 =	simm.s32 $0x0  }
.LBB2_2:
0x29: {  	p0 =	sne.s32 s26, $0x3F80;
	[tilespmem:s29+$0x2800] =	vst v0;
	s30 =	smov.u32 s26;
	s26 =	sadd.s32 $0x80, s26  }
.Ltmp0:
0x2a: {  	[tilespmem:s29+$0x2810] =	vst v0;
	(pc) =	sbr.rel @p0 .LBB2_2-.Ltmp0, $2  }
0x2b: {  	_ =	sdelay $0x2  }
0x2c: {  	s29 =	sshra.s32 s30, $0x2  }
0x2d: {  	[tilespmem:s29+$0x2800] =	vst v0  }
0x2e: {  	[tilespmem:s29+$0x2810] =	vst v0  }
0x2f: {  	[spmem:s19] =	stream.linear.scatter [tilespmem:s31], [sflag:$0x9], $0x1000, $0x38;
	[tilespmem:$0x10800] =	vst v63  }
0x30: {  	s26 =	stileid.u32;
	_ =	swait.ge [sflag:s0], $0x1000  }
0x31: {  	s26 =	sshll.u32 s26, $0x6;
	[sflag:s0] =	ssyncset.done $0x0;
	s29 =	rddreg [dreg:$0x4]  }
0x32: {  	s26 =	sor.u32 $0x1C09, s26;
	s30 =	rddreg [dreg:$0x13];
	[sflag:s0] =	ssyncadd.s32 $0xFFFFF000  }
0x33: {  	[spmem:s30], [sflag:s26] =	dma.local [hbm:s29], $0x200  }
0x34: {  	_ =	swait.ge [sflag:s0], $0x200  }
0x35: {  	[sflag:s0] =	ssyncset.done $0x0  }
0x36: {  	[sflag:s0] =	ssyncadd.s32 $0xFFFFFE00  }
0x37: {  	[spmem:s20] =	stream.linear.scatter [tilespmem:s31], [sflag:$0x9], $0x1000, $0x38;
	[tilespmem:$0x10800] =	vst v63  }
0x38: {  	_ =	swait.ge [sflag:s0], $0x1000  }
0x39: {  	[sflag:s0] =	ssyncset.done $0x0;
	s29 =	rddreg [dreg:$0x5]  }
0x3a: {  	s30 =	rddreg [dreg:$0x14];
	[sflag:s0] =	ssyncadd.s32 $0xFFFFF000  }
0x3b: {  	[spmem:s30], [sflag:s26] =	dma.local [hbm:s29], $0x200  }
0x3c: {  	_ =	swait.ge [sflag:s0], $0x200  }
0x3d: {  	[sflag:s0] =	ssyncset.done $0x0  }
0x3e: {  	[sflag:s0] =	ssyncadd.s32 $0xFFFFFE00  }
0x3f: {  	[spmem:s21] =	stream.linear.scatter [tilespmem:s31], [sflag:$0x9], $0x1000, $0x38;
	[tilespmem:$0x10800] =	vst v63  }
0x40: {  	_ =	swait.ge [sflag:s0], $0x1000  }
0x41: {  	[sflag:s0] =	ssyncset.done $0x0;
	s29 =	rddreg [dreg:$0x6]  }
0x42: {  	s30 =	rddreg [dreg:$0x15];
	[sflag:s0] =	ssyncadd.s32 $0xFFFFF000  }
0x43: {  	[spmem:s30], [sflag:s26] =	dma.local [hbm:s29], $0x200  }
0x44: {  	_ =	swait.ge [sflag:s0], $0x200  }
0x45: {  	[sflag:s0] =	ssyncset.done $0x0  }
0x46: {  	[sflag:s0] =	ssyncadd.s32 $0xFFFFFE00  }
0x47: {  	[spmem:s22] =	stream.linear.scatter [tilespmem:s31], [sflag:$0x9], $0x1000, $0x38;
	[tilespmem:$0x10800] =	vst v63  }
0x48: {  	_ =	swait.ge [sflag:s0], $0x1000  }
0x49: {  	[sflag:s0] =	ssyncset.done $0x0;
	s29 =	rddreg [dreg:$0x7]  }
0x4a: {  	s30 =	rddreg [dreg:$0x16];
	[sflag:s0] =	ssyncadd.s32 $0xFFFFF000  }
0x4b: {  	[spmem:s30], [sflag:s26] =	dma.local [hbm:s29], $0x200  }
0x4c: {  	_ =	swait.ge [sflag:s0], $0x200  }
0x4d: {  	[sflag:s0] =	ssyncset.done $0x0  }
0x4e: {  	[sflag:s0] =	ssyncadd.s32 $0xFFFFFE00  }
0x4f: {  	[spmem:s23] =	stream.linear.scatter [tilespmem:s31], [sflag:$0x9], $0x1000, $0x38;
	[tilespmem:$0x10800] =	vst v63  }
0x50: {  	_ =	swait.ge [sflag:s0], $0x1000  }
0x51: {  	[sflag:s0] =	ssyncset.done $0x0;
	s29 =	rddreg [dreg:$0x8]  }
0x52: {  	s30 =	rddreg [dreg:$0x17];
	[sflag:s0] =	ssyncadd.s32 $0xFFFFF000  }
0x53: {  	[spmem:s30], [sflag:s26] =	dma.local [hbm:s29], $0x200  }
0x54: {  	_ =	swait.ge [sflag:s0], $0x200  }
0x55: {  	[sflag:s0] =	ssyncset.done $0x0  }
0x56: {  	[sflag:s0] =	ssyncadd.s32 $0xFFFFFE00  }
0x57: {  	[bflag:$0x0] =	sbarrier.arrive $0xFFFF  }
0x58: {  	s30 =	simm.s32 $0x0;
	s29 =	rddreg [dreg:$0x9]  }
0x59: {  	[tilespmem:s30], [sflag:$0x9] =	stream.linear.gather [hbm4b:s29+s30], $0x1400, $0x38;
	[tilespmem:$0x10800] =	vst v63  }
0x5a: {  	_ =	swait.ge [sflag:s0], $0x1400  }
0x5b: {  	[sflag:s0] =	ssyncset.done $0x0  }
0x5c: {  	s29 =	rddreg [dreg:$0xa];
	[sflag:s0] =	ssyncadd.s32 $0xFFFFEC00  }
0x5d: {  	[tilespmem:s4], [sflag:$0x9] =	stream.linear.gather [hbm4b:s29+s30], $0x1400, $0x38;
	[tilespmem:$0x10800] =	vst v63  }
0x5e: {  	_ =	swait.ge [sflag:s0], $0x1400  }
0x5f: {  	[sflag:s0] =	ssyncset.done $0x0  }
0x60: {  	[sflag:s0] =	ssyncadd.s32 $0xFFFFEC00  }
0x61: {  	[tilespmem:s31], [sflag:$0x1] =	stream.indirect.gather [spmem:s2], $0x20, s30, s5, $0xb8;
	[tilespmem:$0x10800] =	vst v63  }
0x62: {  	_ = 	snop  }
0x63: {  	[tilespmem:s6], [sflag:$0x2] =	stream.indirect.gather [spmem:s2], $0x20, s5, s5, $0xb8;
	[tilespmem:$0x10800] =	vst v63  }
0x64: {  	s30 =	simm.s32 $0x100  }
0x65: {  	[tilespmem:s8], [sflag:$0x3] =	stream.indirect.gather [spmem:s2], $0x20, s30, s5, $0xb8;
	[tilespmem:$0x10800] =	vst v63  }
0x66: {  	_ =	swait.ge [sflag:s9], $0x1000  }
0x67: {  	[sflag:s9] =	ssyncset.done $0x0  }
0x68: {  	[sflag:s9] =	ssyncadd.s32 $0xFFFFF000  }
0x69: {  	[spmem:s1] =	stream.indirect.scatter.add.f32 [tilespmem:s31], [sflag:$0x5], $0x20, s4, s5, $0xb8;
	[tilespmem:$0x10800] =	vst v63  }
0x6a: {  	s30 =	simm.s32 $0x180  }
0x6b: {  	[tilespmem:s11], [sflag:$0x4] =	stream.indirect.gather [spmem:s2], $0x20, s30, s5, $0xb8;
	[tilespmem:$0x10800] =	vst v63  }
0x6c: {  	_ =	swait.ge [sflag:s12], $0x1000  }
0x6d: {  	[sflag:s12] =	ssyncset.done $0x0  }
0x6e: {  	s30 =	simm.s32 $0x1480;
	[sflag:s12] =	ssyncadd.s32 $0xFFFFF000  }
0x6f: {  	[spmem:s1] =	stream.indirect.scatter.add.f32 [tilespmem:s6], [sflag:$0x6], $0x20, s30, s5, $0xb8;
	[tilespmem:$0x10800] =	vst v63  }
0x70: {  	_ =	swait.ge [sflag:s14], $0x1000  }
0x71: {  	[sflag:s14] =	ssyncset.done $0x0  }
0x72: {  	s30 =	simm.s32 $0x200;
	[sflag:s14] =	ssyncadd.s32 $0xFFFFF000  }
0x73: {  	[tilespmem:s31], [sflag:$0x1] =	stream.indirect.gather [spmem:s2], $0x20, s30, s5, $0xb8;
	[tilespmem:$0x10800] =	vst v63  }
0x74: {  	_ =	swait.ge [sflag:s16], $0x1000  }
0x75: {  	[sflag:s16] =	ssyncset.done $0x0  }
0x76: {  	s30 =	simm.s32 $0x1500;
	[sflag:s16] =	ssyncadd.s32 $0xFFFFF000  }
0x77: {  	[spmem:s1] =	stream.indirect.scatter.add.f32 [tilespmem:s8], [sflag:$0x7], $0x20, s30, s5, $0xb8;
	[tilespmem:$0x10800] =	vst v63  }
0x78: {  	_ =	swait.ge [sflag:s18], $0x1000  }
0x79: {  	[sflag:s18] =	ssyncset.done $0x0  }
0x7a: {  	s30 =	simm.s32 $0x280;
	[sflag:s18] =	ssyncadd.s32 $0xFFFFF000  }
0x7b: {  	[tilespmem:s6], [sflag:$0x2] =	stream.indirect.gather [spmem:s2], $0x20, s30, s5, $0xb8;
	[tilespmem:$0x10800] =	vst v63  }
0x7c: {  	_ =	swait.ge [sflag:s25], $0x1000  }
0x7d: {  	[sflag:s25] =	ssyncset.done $0x0  }
0x7e: {  	s30 =	simm.s32 $0x1580;
	[sflag:s25] =	ssyncadd.s32 $0xFFFFF000  }
0x7f: {  	[spmem:s1] =	stream.indirect.scatter.add.f32 [tilespmem:s11], [sflag:$0x8], $0x20, s30, s5, $0xb8;
	[tilespmem:$0x10800] =	vst v63  }
0x80: {  	_ =	swait.ge [sflag:s7], $0x1000  }
0x81: {  	[sflag:s7] =	ssyncset.done $0x0  }
0x82: {  	s30 =	simm.s32 $0x300;
	[sflag:s7] =	ssyncadd.s32 $0xFFFFF000  }
0x83: {  	[tilespmem:s8], [sflag:$0x3] =	stream.indirect.gather [spmem:s2], $0x20, s30, s5, $0xb8;
	[tilespmem:$0x10800] =	vst v63  }
0x84: {  	_ =	swait.ge [sflag:s9], $0x1000  }
0x85: {  	[sflag:s9] =	ssyncset.done $0x0  }
0x86: {  	s30 =	simm.s32 $0x1600;
	[sflag:s9] =	ssyncadd.s32 $0xFFFFF000  }
0x87: {  	[spmem:s1] =	stream.indirect.scatter.add.f32 [tilespmem:s31], [sflag:$0x5], $0x20, s30, s5, $0xb8;
	[tilespmem:$0x10800] =	vst v63  }
0x88: {  	_ =	swait.ge [sflag:s28], $0x1000  }
0x89: {  	[sflag:s28] =	ssyncset.done $0x0  }
0x8a: {  	s30 =	simm.s32 $0x380;
	[sflag:s28] =	ssyncadd.s32 $0xFFFFF000  }
0x8b: {  	[tilespmem:s11], [sflag:$0x4] =	stream.indirect.gather [spmem:s2], $0x20, s30, s5, $0xb8;
	[tilespmem:$0x10800] =	vst v63  }
0x8c: {  	_ =	swait.ge [sflag:s12], $0x1000  }
0x8d: {  	[sflag:s12] =	ssyncset.done $0x0  }
0x8e: {  	s30 =	simm.s32 $0x1680;
	[sflag:s12] =	ssyncadd.s32 $0xFFFFF000  }
0x8f: {  	[spmem:s1] =	stream.indirect.scatter.add.f32 [tilespmem:s6], [sflag:$0x6], $0x20, s30, s5, $0xb8;
	[tilespmem:$0x10800] =	vst v63  }
0x90: {  	_ =	swait.ge [sflag:s14], $0x1000  }
0x91: {  	[sflag:s14] =	ssyncset.done $0x0  }
0x92: {  	s30 =	simm.s32 $0x400;
	[sflag:s14] =	ssyncadd.s32 $0xFFFFF000  }
0x93: {  	[tilespmem:s31], [sflag:$0x1] =	stream.indirect.gather [spmem:s2], $0x20, s30, s5, $0xb8;
	[tilespmem:$0x10800] =	vst v63  }
0x94: {  	_ =	swait.ge [sflag:s16], $0x1000  }
0x95: {  	[sflag:s16] =	ssyncset.done $0x0  }
0x96: {  	s30 =	simm.s32 $0x1700;
	[sflag:s16] =	ssyncadd.s32 $0xFFFFF000  }
0x97: {  	[spmem:s1] =	stream.indirect.scatter.add.f32 [tilespmem:s8], [sflag:$0x7], $0x20, s30, s5, $0xb8;
	[tilespmem:$0x10800] =	vst v63  }
0x98: {  	_ =	swait.ge [sflag:s18], $0x1000  }
0x99: {  	[sflag:s18] =	ssyncset.done $0x0  }
0x9a: {  	s30 =	simm.s32 $0x480;
	[sflag:s18] =	ssyncadd.s32 $0xFFFFF000  }
0x9b: {  	[tilespmem:s6], [sflag:$0x2] =	stream.indirect.gather [spmem:s2], $0x20, s30, s5, $0xb8;
	[tilespmem:$0x10800] =	vst v63  }
0x9c: {  	_ =	swait.ge [sflag:s25], $0x1000  }
0x9d: {  	[sflag:s25] =	ssyncset.done $0x0  }
0x9e: {  	s26 =	simm.s32 $0x800;
	s29 =	simm.s32 $0x1780;
	[sflag:s25] =	ssyncadd.s32 $0xFFFFF000  }
.LBB2_4:
0x9f: {  	[spmem:s1] =	stream.indirect.scatter.add.f32 [tilespmem:s11], [sflag:$0x8], $0x20, s29, s5, $0xb8;
	[tilespmem:$0x10800] =	vst v63  }
0xa0: {  	s29 =	smov.u32 s26  }
0xa1: {  	p0 =	sne.s32 s26, $0x3800;
	s26 =	sadd.s32 $0x800, s26;
	_ =	swait.ge [sflag:s7], $0x1000  }
0xa2: {  	s29 =	sshra.s32 s29, $0x2;
	[sflag:s7] =	ssyncset.done $0x0  }
0xa3: {  	s30 =	sadd.s32 $0x300, s29;
	[sflag:s7] =	ssyncadd.s32 $0xFFFFF000  }
0xa4: {  	[tilespmem:s8], [sflag:$0x3] =	stream.indirect.gather [spmem:s2], $0x20, s30, s5, $0xb8;
	[tilespmem:$0x10800] =	vst v63  }
0xa5: {  	_ =	swait.ge [sflag:s9], $0x1000  }
0xa6: {  	[sflag:s9] =	ssyncset.done $0x0  }
0xa7: {  	s30 =	sadd.s32 $0x1600, s29;
	[sflag:s9] =	ssyncadd.s32 $0xFFFFF000  }
0xa8: {  	[spmem:s1] =	stream.indirect.scatter.add.f32 [tilespmem:s31], [sflag:$0x5], $0x20, s30, s5, $0xb8;
	[tilespmem:$0x10800] =	vst v63  }
0xa9: {  	_ =	swait.ge [sflag:s28], $0x1000  }
0xaa: {  	[sflag:s28] =	ssyncset.done $0x0  }
0xab: {  	s30 =	sadd.s32 $0x380, s29;
	[sflag:s28] =	ssyncadd.s32 $0xFFFFF000  }
0xac: {  	[tilespmem:s11], [sflag:$0x4] =	stream.indirect.gather [spmem:s2], $0x20, s30, s5, $0xb8;
	[tilespmem:$0x10800] =	vst v63  }
0xad: {  	_ =	swait.ge [sflag:s12], $0x1000  }
0xae: {  	[sflag:s12] =	ssyncset.done $0x0  }
0xaf: {  	s30 =	sadd.s32 $0x1680, s29;
	[sflag:s12] =	ssyncadd.s32 $0xFFFFF000  }
0xb0: {  	[spmem:s1] =	stream.indirect.scatter.add.f32 [tilespmem:s6], [sflag:$0x6], $0x20, s30, s5, $0xb8;
	[tilespmem:$0x10800] =	vst v63  }
0xb1: {  	_ =	swait.ge [sflag:s14], $0x1000  }
0xb2: {  	[sflag:s14] =	ssyncset.done $0x0  }
0xb3: {  	s30 =	sadd.s32 $0x400, s29;
	[sflag:s14] =	ssyncadd.s32 $0xFFFFF000  }
0xb4: {  	[tilespmem:s31], [sflag:$0x1] =	stream.indirect.gather [spmem:s2], $0x20, s30, s5, $0xb8;
	[tilespmem:$0x10800] =	vst v63  }
0xb5: {  	_ =	swait.ge [sflag:s16], $0x1000  }
0xb6: {  	[sflag:s16] =	ssyncset.done $0x0  }
0xb7: {  	s30 =	sadd.s32 $0x1700, s29;
	[sflag:s16] =	ssyncadd.s32 $0xFFFFF000  }
0xb8: {  	[spmem:s1] =	stream.indirect.scatter.add.f32 [tilespmem:s8], [sflag:$0x7], $0x20, s30, s5, $0xb8;
	[tilespmem:$0x10800] =	vst v63  }
0xb9: {  	_ =	swait.ge [sflag:s18], $0x1000  }
0xba: {  	[sflag:s18] =	ssyncset.done $0x0  }
.Ltmp1:
0xbb: {  	s30 =	sadd.s32 $0x480, s29;
	[sflag:s18] =	ssyncadd.s32 $0xFFFFF000;
	(pc) =	sbr.rel @p0 .LBB2_4-.Ltmp1, $4  }
0xbc: {  	[tilespmem:s6], [sflag:$0x2] =	stream.indirect.gather [spmem:s2], $0x20, s30, s5, $0xb8;
	[tilespmem:$0x10800] =	vst v63  }
0xbd: {  	_ =	swait.ge [sflag:s25], $0x1000  }
0xbe: {  	[sflag:s25] =	ssyncset.done $0x0  }
0xbf: {  	s29 =	sadd.s32 $0x1780, s29;
	[sflag:s25] =	ssyncadd.s32 $0xFFFFF000  }
0xc0: {  	[spmem:s1] =	stream.indirect.scatter.add.f32 [tilespmem:s11], [sflag:$0x8], $0x20, s29, s5, $0xb8;
	[tilespmem:$0x10800] =	vst v63  }
0xc1: {  	_ =	swait.ge [sflag:s7], $0x1000  }
0xc2: {  	[sflag:s7] =	ssyncset.done $0x0  }
0xc3: {  	s26 =	simm.s32 $0x1300;
	[sflag:s7] =	ssyncadd.s32 $0xFFFFF000  }
0xc4: {  	[tilespmem:s8], [sflag:$0x3] =	stream.indirect.gather [spmem:s2], $0x20, s26, s5, $0xb8;
	[tilespmem:$0x10800] =	vst v63  }
0xc5: {  	_ =	swait.ge [sflag:s9], $0x1000  }
0xc6: {  	[sflag:s9] =	ssyncset.done $0x0  }
0xc7: {  	s30 =	simm.s32 $0x2600;
	[sflag:s9] =	ssyncadd.s32 $0xFFFFF000  }
0xc8: {  	[spmem:s1] =	stream.indirect.scatter.add.f32 [tilespmem:s31], [sflag:$0x5], $0x20, s30, s5, $0xb8;
	[tilespmem:$0x10800] =	vst v63  }
0xc9: {  	_ =	swait.ge [sflag:s28], $0x1000  }
0xca: {  	[sflag:s28] =	ssyncset.done $0x0  }
0xcb: {  	[sflag:s28] =	ssyncadd.s32 $0xFFFFF000  }
0xcc: {  	[tilespmem:s11], [sflag:$0x4] =	stream.indirect.gather [spmem:s2], $0x20, s10, s5, $0xb8;
	[tilespmem:$0x10800] =	vst v63  }
0xcd: {  	_ =	swait.ge [sflag:s12], $0x1000  }
0xce: {  	[sflag:s12] =	ssyncset.done $0x0  }
0xcf: {  	[sflag:s12] =	ssyncadd.s32 $0xFFFFF000  }
0xd0: {  	[spmem:s1] =	stream.indirect.scatter.add.f32 [tilespmem:s6], [sflag:$0x6], $0x20, s13, s5, $0xb8;
	[tilespmem:$0x10800] =	vst v63  }
0xd1: {  	_ =	swait.ge [sflag:s16], $0x1000  }
0xd2: {  	[sflag:s16] =	ssyncset.done $0x0  }
0xd3: {  	[sflag:s16] =	ssyncadd.s32 $0xFFFFF000  }
0xd4: {  	[spmem:s1] =	stream.indirect.scatter.add.f32 [tilespmem:s8], [sflag:$0x7], $0x20, s15, s5, $0xb8;
	[tilespmem:$0x10800] =	vst v63  }
0xd5: {  	_ =	swait.ge [sflag:s25], $0x1000  }
0xd6: {  	[sflag:s25] =	ssyncset.done $0x0  }
0xd7: {  	[sflag:s25] =	ssyncadd.s32 $0xFFFFF000  }
0xd8: {  	[spmem:s1] =	stream.indirect.scatter.add.f32 [tilespmem:s11], [sflag:$0x8], $0x20, s17, s5, $0xb8;
	[tilespmem:$0x10800] =	vst v63  }
0xd9: {  	_ =	swait.ge [sflag:s14], $0x1000  }
0xda: {  	[sflag:s14] =	ssyncset.done $0x0  }
0xdb: {  	[sflag:s14] =	ssyncadd.s32 $0xFFFFF000  }
0xdc: {  	_ =	swait.ge [sflag:s18], $0x1000  }
0xdd: {  	[sflag:s18] =	ssyncset.done $0x0  }
0xde: {  	[sflag:s18] =	ssyncadd.s32 $0xFFFFF000  }
0xdf: {  	_ =	swait.ge [sflag:s7], $0x1000  }
0xe0: {  	[sflag:s7] =	ssyncset.done $0x0  }
0xe1: {  	[sflag:s7] =	ssyncadd.s32 $0xFFFFF000  }
0xe2: {  	_ =	swait.ge [sflag:s28], $0x1000  }
0xe3: {  	[sflag:s28] =	ssyncset.done $0x0  }
0xe4: {  	s30 =	simm.s32 $0x0;
	s29 =	rddreg [dreg:$0xb];
	[sflag:s28] =	ssyncadd.s32 $0xFFFFF000  }
0xe5: {  	[tilespmem:s30], [sflag:$0x9] =	stream.linear.gather [hbm4b:s29+s30], $0x1400, $0x38;
	[tilespmem:$0x10800] =	vst v63  }
0xe6: {  	_ =	swait.ge [sflag:s0], $0x1400  }
0xe7: {  	[sflag:s0] =	ssyncset.done $0x0  }
0xe8: {  	s29 =	rddreg [dreg:$0xc];
	[sflag:s0] =	ssyncadd.s32 $0xFFFFEC00  }
0xe9: {  	[tilespmem:s4], [sflag:$0x9] =	stream.linear.gather [hbm4b:s29+s30], $0x1400, $0x38;
	[tilespmem:$0x10800] =	vst v63  }
0xea: {  	_ =	swait.ge [sflag:s0], $0x1400  }
0xeb: {  	[sflag:s0] =	ssyncset.done $0x0  }
0xec: {  	[sflag:s0] =	ssyncadd.s32 $0xFFFFEC00  }
0xed: {  	[tilespmem:s31], [sflag:$0x1] =	stream.indirect.gather [spmem:s2], $0x20, s30, s5, $0xb8;
	[tilespmem:$0x10800] =	vst v63  }
0xee: {  	_ = 	snop  }
0xef: {  	[tilespmem:s6], [sflag:$0x2] =	stream.indirect.gather [spmem:s2], $0x20, s5, s5, $0xb8;
	[tilespmem:$0x10800] =	vst v63  }
0xf0: {  	s30 =	simm.s32 $0x100  }
0xf1: {  	[tilespmem:s8], [sflag:$0x3] =	stream.indirect.gather [spmem:s2], $0x20, s30, s5, $0xb8;
	[tilespmem:$0x10800] =	vst v63  }
0xf2: {  	_ =	swait.ge [sflag:s9], $0x1000  }
0xf3: {  	[sflag:s9] =	ssyncset.done $0x0  }
0xf4: {  	[sflag:s9] =	ssyncadd.s32 $0xFFFFF000  }
0xf5: {  	[spmem:s1] =	stream.indirect.scatter.add.f32 [tilespmem:s31], [sflag:$0x5], $0x20, s4, s5, $0xb8;
	[tilespmem:$0x10800] =	vst v63  }
0xf6: {  	s30 =	simm.s32 $0x180  }
0xf7: {  	[tilespmem:s11], [sflag:$0x4] =	stream.indirect.gather [spmem:s2], $0x20, s30, s5, $0xb8;
	[tilespmem:$0x10800] =	vst v63  }
0xf8: {  	_ =	swait.ge [sflag:s12], $0x1000  }
0xf9: {  	[sflag:s12] =	ssyncset.done $0x0  }
0xfa: {  	s30 =	simm.s32 $0x1480;
	[sflag:s12] =	ssyncadd.s32 $0xFFFFF000  }
0xfb: {  	[spmem:s1] =	stream.indirect.scatter.add.f32 [tilespmem:s6], [sflag:$0x6], $0x20, s30, s5, $0xb8;
	[tilespmem:$0x10800] =	vst v63  }
0xfc: {  	_ =	swait.ge [sflag:s14], $0x1000  }
0xfd: {  	[sflag:s14] =	ssyncset.done $0x0  }
0xfe: {  	s30 =	simm.s32 $0x200;
	[sflag:s14] =	ssyncadd.s32 $0xFFFFF000  }
0xff: {  	[tilespmem:s31], [sflag:$0x1] =	stream.indirect.gather [spmem:s2], $0x20, s30, s5, $0xb8;
	[tilespmem:$0x10800] =	vst v63  }
0x100: {  	_ =	swait.ge [sflag:s16], $0x1000  }
0x101: {  	[sflag:s16] =	ssyncset.done $0x0  }
0x102: {  	s30 =	simm.s32 $0x1500;
	[sflag:s16] =	ssyncadd.s32 $0xFFFFF000  }
0x103: {  	[spmem:s1] =	stream.indirect.scatter.add.f32 [tilespmem:s8], [sflag:$0x7], $0x20, s30, s5, $0xb8;
	[tilespmem:$0x10800] =	vst v63  }
0x104: {  	_ =	swait.ge [sflag:s18], $0x1000  }
0x105: {  	[sflag:s18] =	ssyncset.done $0x0  }
0x106: {  	s30 =	simm.s32 $0x280;
	[sflag:s18] =	ssyncadd.s32 $0xFFFFF000  }
0x107: {  	[tilespmem:s6], [sflag:$0x2] =	stream.indirect.gather [spmem:s2], $0x20, s30, s5, $0xb8;
	[tilespmem:$0x10800] =	vst v63  }
0x108: {  	_ =	swait.ge [sflag:s25], $0x1000  }
0x109: {  	[sflag:s25] =	ssyncset.done $0x0  }
0x10a: {  	s30 =	simm.s32 $0x1580;
	[sflag:s25] =	ssyncadd.s32 $0xFFFFF000  }
0x10b: {  	[spmem:s1] =	stream.indirect.scatter.add.f32 [tilespmem:s11], [sflag:$0x8], $0x20, s30, s5, $0xb8;
	[tilespmem:$0x10800] =	vst v63  }
0x10c: {  	_ =	swait.ge [sflag:s7], $0x1000  }
0x10d: {  	[sflag:s7] =	ssyncset.done $0x0  }
0x10e: {  	s30 =	simm.s32 $0x300;
	[sflag:s7] =	ssyncadd.s32 $0xFFFFF000  }
0x10f: {  	[tilespmem:s8], [sflag:$0x3] =	stream.indirect.gather [spmem:s2], $0x20, s30, s5, $0xb8;
	[tilespmem:$0x10800] =	vst v63  }
0x110: {  	_ =	swait.ge [sflag:s9], $0x1000  }
0x111: {  	[sflag:s9] =	ssyncset.done $0x0  }
0x112: {  	s30 =	simm.s32 $0x1600;
	[sflag:s9] =	ssyncadd.s32 $0xFFFFF000  }
0x113: {  	[spmem:s1] =	stream.indirect.scatter.add.f32 [tilespmem:s31], [sflag:$0x5], $0x20, s30, s5, $0xb8;
	[tilespmem:$0x10800] =	vst v63  }
0x114: {  	_ =	swait.ge [sflag:s28], $0x1000  }
0x115: {  	[sflag:s28] =	ssyncset.done $0x0  }
0x116: {  	s30 =	simm.s32 $0x380;
	[sflag:s28] =	ssyncadd.s32 $0xFFFFF000  }
0x117: {  	[tilespmem:s11], [sflag:$0x4] =	stream.indirect.gather [spmem:s2], $0x20, s30, s5, $0xb8;
	[tilespmem:$0x10800] =	vst v63  }
0x118: {  	_ =	swait.ge [sflag:s12], $0x1000  }
0x119: {  	[sflag:s12] =	ssyncset.done $0x0  }
0x11a: {  	s30 =	simm.s32 $0x1680;
	[sflag:s12] =	ssyncadd.s32 $0xFFFFF000  }
0x11b: {  	[spmem:s1] =	stream.indirect.scatter.add.f32 [tilespmem:s6], [sflag:$0x6], $0x20, s30, s5, $0xb8;
	[tilespmem:$0x10800] =	vst v63  }
0x11c: {  	_ =	swait.ge [sflag:s14], $0x1000  }
0x11d: {  	[sflag:s14] =	ssyncset.done $0x0  }
0x11e: {  	s30 =	simm.s32 $0x400;
	[sflag:s14] =	ssyncadd.s32 $0xFFFFF000  }
0x11f: {  	[tilespmem:s31], [sflag:$0x1] =	stream.indirect.gather [spmem:s2], $0x20, s30, s5, $0xb8;
	[tilespmem:$0x10800] =	vst v63  }
0x120: {  	_ =	swait.ge [sflag:s16], $0x1000  }
0x121: {  	[sflag:s16] =	ssyncset.done $0x0  }
0x122: {  	s30 =	simm.s32 $0x1700;
	[sflag:s16] =	ssyncadd.s32 $0xFFFFF000  }
0x123: {  	[spmem:s1] =	stream.indirect.scatter.add.f32 [tilespmem:s8], [sflag:$0x7], $0x20, s30, s5, $0xb8;
	[tilespmem:$0x10800] =	vst v63  }
0x124: {  	_ =	swait.ge [sflag:s18], $0x1000  }
0x125: {  	[sflag:s18] =	ssyncset.done $0x0  }
0x126: {  	s30 =	simm.s32 $0x480;
	[sflag:s18] =	ssyncadd.s32 $0xFFFFF000  }
0x127: {  	[tilespmem:s6], [sflag:$0x2] =	stream.indirect.gather [spmem:s2], $0x20, s30, s5, $0xb8;
	[tilespmem:$0x10800] =	vst v63  }
0x128: {  	_ =	swait.ge [sflag:s25], $0x1000  }
0x129: {  	[sflag:s25] =	ssyncset.done $0x0  }
0x12a: {  	s26 =	simm.s32 $0x800;
	s29 =	simm.s32 $0x1780;
	[sflag:s25] =	ssyncadd.s32 $0xFFFFF000  }
.LBB2_6:
0x12b: {  	[spmem:s1] =	stream.indirect.scatter.add.f32 [tilespmem:s11], [sflag:$0x8], $0x20, s29, s5, $0xb8;
	[tilespmem:$0x10800] =	vst v63  }
0x12c: {  	s29 =	smov.u32 s26  }
0x12d: {  	p0 =	sne.s32 s26, $0x3800;
	s26 =	sadd.s32 $0x800, s26;
	_ =	swait.ge [sflag:s7], $0x1000  }
0x12e: {  	s29 =	sshra.s32 s29, $0x2;
	[sflag:s7] =	ssyncset.done $0x0  }
0x12f: {  	s30 =	sadd.s32 $0x300, s29;
	[sflag:s7] =	ssyncadd.s32 $0xFFFFF000  }
0x130: {  	[tilespmem:s8], [sflag:$0x3] =	stream.indirect.gather [spmem:s2], $0x20, s30, s5, $0xb8;
	[tilespmem:$0x10800] =	vst v63  }
0x131: {  	_ =	swait.ge [sflag:s9], $0x1000  }
0x132: {  	[sflag:s9] =	ssyncset.done $0x0  }
0x133: {  	s30 =	sadd.s32 $0x1600, s29;
	[sflag:s9] =	ssyncadd.s32 $0xFFFFF000  }
0x134: {  	[spmem:s1] =	stream.indirect.scatter.add.f32 [tilespmem:s31], [sflag:$0x5], $0x20, s30, s5, $0xb8;
	[tilespmem:$0x10800] =	vst v63  }
0x135: {  	_ =	swait.ge [sflag:s28], $0x1000  }
0x136: {  	[sflag:s28] =	ssyncset.done $0x0  }
0x137: {  	s30 =	sadd.s32 $0x380, s29;
	[sflag:s28] =	ssyncadd.s32 $0xFFFFF000  }
0x138: {  	[tilespmem:s11], [sflag:$0x4] =	stream.indirect.gather [spmem:s2], $0x20, s30, s5, $0xb8;
	[tilespmem:$0x10800] =	vst v63  }
0x139: {  	_ =	swait.ge [sflag:s12], $0x1000  }
0x13a: {  	[sflag:s12] =	ssyncset.done $0x0  }
0x13b: {  	s30 =	sadd.s32 $0x1680, s29;
	[sflag:s12] =	ssyncadd.s32 $0xFFFFF000  }
0x13c: {  	[spmem:s1] =	stream.indirect.scatter.add.f32 [tilespmem:s6], [sflag:$0x6], $0x20, s30, s5, $0xb8;
	[tilespmem:$0x10800] =	vst v63  }
0x13d: {  	_ =	swait.ge [sflag:s14], $0x1000  }
0x13e: {  	[sflag:s14] =	ssyncset.done $0x0  }
0x13f: {  	s30 =	sadd.s32 $0x400, s29;
	[sflag:s14] =	ssyncadd.s32 $0xFFFFF000  }
0x140: {  	[tilespmem:s31], [sflag:$0x1] =	stream.indirect.gather [spmem:s2], $0x20, s30, s5, $0xb8;
	[tilespmem:$0x10800] =	vst v63  }
0x141: {  	_ =	swait.ge [sflag:s16], $0x1000  }
0x142: {  	[sflag:s16] =	ssyncset.done $0x0  }
0x143: {  	s30 =	sadd.s32 $0x1700, s29;
	[sflag:s16] =	ssyncadd.s32 $0xFFFFF000  }
0x144: {  	[spmem:s1] =	stream.indirect.scatter.add.f32 [tilespmem:s8], [sflag:$0x7], $0x20, s30, s5, $0xb8;
	[tilespmem:$0x10800] =	vst v63  }
0x145: {  	_ =	swait.ge [sflag:s18], $0x1000  }
0x146: {  	[sflag:s18] =	ssyncset.done $0x0  }
.Ltmp2:
0x147: {  	s30 =	sadd.s32 $0x480, s29;
	[sflag:s18] =	ssyncadd.s32 $0xFFFFF000;
	(pc) =	sbr.rel @p0 .LBB2_6-.Ltmp2, $4  }
0x148: {  	[tilespmem:s6], [sflag:$0x2] =	stream.indirect.gather [spmem:s2], $0x20, s30, s5, $0xb8;
	[tilespmem:$0x10800] =	vst v63  }
0x149: {  	_ =	swait.ge [sflag:s25], $0x1000  }
0x14a: {  	[sflag:s25] =	ssyncset.done $0x0  }
0x14b: {  	s29 =	sadd.s32 $0x1780, s29;
	[sflag:s25] =	ssyncadd.s32 $0xFFFFF000  }
0x14c: {  	[spmem:s1] =	stream.indirect.scatter.add.f32 [tilespmem:s11], [sflag:$0x8], $0x20, s29, s5, $0xb8;
	[tilespmem:$0x10800] =	vst v63  }
0x14d: {  	_ =	swait.ge [sflag:s7], $0x1000  }
0x14e: {  	[sflag:s7] =	ssyncset.done $0x0  }
0x14f: {  	s26 =	simm.s32 $0x1300;
	[sflag:s7] =	ssyncadd.s32 $0xFFFFF000  }
0x150: {  	[tilespmem:s8], [sflag:$0x3] =	stream.indirect.gather [spmem:s2], $0x20, s26, s5, $0xb8;
	[tilespmem:$0x10800] =	vst v63  }
0x151: {  	_ =	swait.ge [sflag:s9], $0x1000  }
0x152: {  	[sflag:s9] =	ssyncset.done $0x0  }
0x153: {  	s30 =	simm.s32 $0x2600;
	[sflag:s9] =	ssyncadd.s32 $0xFFFFF000  }
0x154: {  	[spmem:s1] =	stream.indirect.scatter.add.f32 [tilespmem:s31], [sflag:$0x5], $0x20, s30, s5, $0xb8;
	[tilespmem:$0x10800] =	vst v63  }
0x155: {  	_ =	swait.ge [sflag:s28], $0x1000  }
0x156: {  	[sflag:s28] =	ssyncset.done $0x0  }
0x157: {  	[sflag:s28] =	ssyncadd.s32 $0xFFFFF000  }
0x158: {  	[tilespmem:s11], [sflag:$0x4] =	stream.indirect.gather [spmem:s2], $0x20, s10, s5, $0xb8;
	[tilespmem:$0x10800] =	vst v63  }
0x159: {  	_ =	swait.ge [sflag:s12], $0x1000  }
0x15a: {  	[sflag:s12] =	ssyncset.done $0x0  }
0x15b: {  	[sflag:s12] =	ssyncadd.s32 $0xFFFFF000  }
0x15c: {  	[spmem:s1] =	stream.indirect.scatter.add.f32 [tilespmem:s6], [sflag:$0x6], $0x20, s13, s5, $0xb8;
	[tilespmem:$0x10800] =	vst v63  }
0x15d: {  	_ =	swait.ge [sflag:s16], $0x1000  }
0x15e: {  	[sflag:s16] =	ssyncset.done $0x0  }
0x15f: {  	[sflag:s16] =	ssyncadd.s32 $0xFFFFF000  }
0x160: {  	[spmem:s1] =	stream.indirect.scatter.add.f32 [tilespmem:s8], [sflag:$0x7], $0x20, s15, s5, $0xb8;
	[tilespmem:$0x10800] =	vst v63  }
0x161: {  	_ =	swait.ge [sflag:s25], $0x1000  }
0x162: {  	[sflag:s25] =	ssyncset.done $0x0  }
0x163: {  	[sflag:s25] =	ssyncadd.s32 $0xFFFFF000  }
0x164: {  	[spmem:s1] =	stream.indirect.scatter.add.f32 [tilespmem:s11], [sflag:$0x8], $0x20, s17, s5, $0xb8;
	[tilespmem:$0x10800] =	vst v63  }
0x165: {  	_ =	swait.ge [sflag:s14], $0x1000  }
0x166: {  	[sflag:s14] =	ssyncset.done $0x0  }
0x167: {  	[sflag:s14] =	ssyncadd.s32 $0xFFFFF000  }
0x168: {  	_ =	swait.ge [sflag:s18], $0x1000  }
0x169: {  	[sflag:s18] =	ssyncset.done $0x0  }
0x16a: {  	[sflag:s18] =	ssyncadd.s32 $0xFFFFF000  }
0x16b: {  	_ =	swait.ge [sflag:s7], $0x1000  }
0x16c: {  	[sflag:s7] =	ssyncset.done $0x0  }
0x16d: {  	[sflag:s7] =	ssyncadd.s32 $0xFFFFF000  }
0x16e: {  	_ =	swait.ge [sflag:s28], $0x1000  }
0x16f: {  	[sflag:s28] =	ssyncset.done $0x0  }
0x170: {  	[sflag:s28] =	ssyncadd.s32 $0xFFFFF000  }
0x171: {  	[bflag:$0x0] =	sbarrier.arrive $0xFFFF  }
0x172: {  	[tilespmem:s31], [sflag:$0x9] =	stream.linear.gather [spmem:s19], $0x1000, $0x38;
	[tilespmem:$0x10800] =	vst v63  }
0x173: {  	_ =	swait.ge [sflag:s0], $0x1000  }
0x174: {  	[sflag:s0] =	ssyncset.done $0x0  }
0x175: {  	s29 =	rddreg [dreg:$0xd];
	[sflag:s0] =	ssyncadd.s32 $0xFFFFF000  }
0x176: {  	[hbm4b:s29+s3] =	stream.linear.scatter [tilespmem:s31], [sflag:$0x9], $0x1000, $0x38;
	[tilespmem:$0x10800] =	vst v63  }
0x177: {  	_ =	swait.ge [sflag:s0], $0x1000  }
0x178: {  	[sflag:s0] =	ssyncset.done $0x0  }
0x179: {  	[sflag:s0] =	ssyncadd.s32 $0xFFFFF000  }
0x17a: {  	[tilespmem:s31], [sflag:$0x9] =	stream.linear.gather [spmem:s20], $0x1000, $0x38;
	[tilespmem:$0x10800] =	vst v63  }
0x17b: {  	_ =	swait.ge [sflag:s0], $0x1000  }
0x17c: {  	[sflag:s0] =	ssyncset.done $0x0  }
0x17d: {  	s30 =	rddreg [dreg:$0xe];
	[sflag:s0] =	ssyncadd.s32 $0xFFFFF000  }
0x17e: {  	[hbm4b:s30+s3] =	stream.linear.scatter [tilespmem:s31], [sflag:$0x9], $0x1000, $0x38;
	[tilespmem:$0x10800] =	vst v63  }
0x17f: {  	_ =	swait.ge [sflag:s0], $0x1000  }
0x180: {  	[sflag:s0] =	ssyncset.done $0x0  }
0x181: {  	[sflag:s0] =	ssyncadd.s32 $0xFFFFF000  }
0x182: {  	[tilespmem:s31], [sflag:$0x9] =	stream.linear.gather [spmem:s21], $0x1000, $0x38;
	[tilespmem:$0x10800] =	vst v63  }
0x183: {  	_ =	swait.ge [sflag:s0], $0x1000  }
0x184: {  	[sflag:s0] =	ssyncset.done $0x0  }
0x185: {  	s29 =	rddreg [dreg:$0xf];
	[sflag:s0] =	ssyncadd.s32 $0xFFFFF000  }
0x186: {  	[hbm4b:s29+s3] =	stream.linear.scatter [tilespmem:s31], [sflag:$0x9], $0x1000, $0x38;
	[tilespmem:$0x10800] =	vst v63  }
0x187: {  	_ =	swait.ge [sflag:s0], $0x1000  }
0x188: {  	[sflag:s0] =	ssyncset.done $0x0  }
0x189: {  	[sflag:s0] =	ssyncadd.s32 $0xFFFFF000  }
0x18a: {  	[tilespmem:s31], [sflag:$0x9] =	stream.linear.gather [spmem:s22], $0x1000, $0x38;
	[tilespmem:$0x10800] =	vst v63  }
0x18b: {  	_ =	swait.ge [sflag:s0], $0x1000  }
0x18c: {  	[sflag:s0] =	ssyncset.done $0x0  }
0x18d: {  	s30 =	rddreg [dreg:$0x10];
	[sflag:s0] =	ssyncadd.s32 $0xFFFFF000  }
0x18e: {  	[hbm4b:s30+s3] =	stream.linear.scatter [tilespmem:s31], [sflag:$0x9], $0x1000, $0x38;
	[tilespmem:$0x10800] =	vst v63  }
0x18f: {  	_ =	swait.ge [sflag:s0], $0x1000  }
0x190: {  	[sflag:s0] =	ssyncset.done $0x0  }
0x191: {  	[sflag:s0] =	ssyncadd.s32 $0xFFFFF000  }
0x192: {  	[tilespmem:s31], [sflag:$0x9] =	stream.linear.gather [spmem:s23], $0x1000, $0x38;
	[tilespmem:$0x10800] =	vst v63  }
0x193: {  	_ =	swait.ge [sflag:s0], $0x1000  }
0x194: {  	[sflag:s0] =	ssyncset.done $0x0  }
0x195: {  	s29 =	rddreg [dreg:$0x11];
	[sflag:s0] =	ssyncadd.s32 $0xFFFFF000  }
0x196: {  	[hbm4b:s29+s3] =	stream.linear.scatter [tilespmem:s31], [sflag:$0x9], $0x1000, $0x38;
	[tilespmem:$0x10800] =	vst v63  }
0x197: {  	_ =	swait.ge [sflag:s0], $0x1000  }
0x198: {  	s24 =	sadd.s32 $0x1, s24;
	s30 =	rddreg [dreg:$0x12]  }
0x199: {  	p0 =	sne.s32 s24, s30  }
.Ltmp3:
0x19a: {  	_ = 	snop;
	(pc) =	sbr.rel @p0 .LBB2_1-.Ltmp3, $3  }
0x19b: {  	_ =	sdelay $0x1  }
0x19c: {  	[sflag:s0] =	ssyncset.done $0x0  }
0x19d: {  	[sflag:s0] =	ssyncadd.s32 $0xFFFFF000  }
0x19e: {  	_ =	sfence.sel $0x180000  }
0x19f: {  	[bflag:$0x0] =	sbarrier.arrive $0xFFFF  }
0x1a0: {  	_ =	strace $0x9000004A  }
0x1a1: {  	s0 =	stileid.u32;
	[bflag:$0x2] =	sbarrier.arrive $0xFFFF  }
0x1a2: {  	p0 =	sne.s32 s0, $0x0;
	s0 =	rddreg [dreg:$0x3]  }
0x1a3: {  	s0 =	sadd.s32 @!p0 $0x100000, s0  }
0x1a4: {  	[sflag:s0] =	ssyncadd.tile.s32 @!p0 $0x1;
	_ =	shalt  }
.Lfunc_end2:
_tile_overlayer_lowered:
.L_overlay_start_2:
0x1a5: {  	(tag) =	ssettag $0x2  }
0x1a6: {  	s0 =	rddreg [dreg:$0x0];
	s2 =	stileid.u32  }
0x1a7: {  	s1 =	rddreg [dreg:$0x1];
	p0 =	sne.s32 s2, $0x0  }
0x1a8: {  	s3 =	rddreg [dreg:$0x2];
	[bflag:$0x3] =	sbarrier.arrive $0xFFFF;
	s2 =	simm.s32 @!p0 $0x1C09  }
0x1a9: {  	[timem:s3], [sflag:s2] =	dma.local @!p0 [hbm:s0], s1  }
0x1aa: {  	s0 =	simm.s32 @!p0 $0x9  }
0x1ab: {  	_ =	swait.ge @!p0 [sflag:s0], s1  }
0x1ac: {  	s1 =	ssub.s32 @!p0 $0x0, s1;
	[sflag:s0] =	ssyncset.done @!p0 $0x0  }
0x1ad: {  	[sflag:s0] =	ssyncadd.s32 @!p0 s1  }
0x1ae: {  	[bflag:$0x3] =	sbarrier.arrive $0xFFFF  }
0x1af: {  	_ =	shalt  }

// kernel: kernel.14.cloned.1.call-start
scs
__scs_entry_jumppad:
0x0: {  	(pc) =	sbr.rel $0x88, $3  }
0x1: {  	(tag) =	ssettag $0x0;
	lr =	simm.s32 $0x1  }
0x2: {  	[smem:$0x3F9A] =	sst lr;
	_ =	strace $0xD0000000  }
0x3: {  	_ = 	snop  }
0x4: {  	_ = 	snop  }
0x5: {  	_ = 	snop  }
0x6: {  	_ = 	snop  }
0x7: {  	_ = 	snop  }
__scs_overlays_trampoline_lowered:
0x8: {  	[smem:$0x3FA9] =	sst s0  }
0x9: {  	[smem:$0x3FAA] =	sst s1  }
0xa: {  	[smem:$0x3FAB] =	sst s2  }
0xb: {  	[smem:$0x3FAC] =	sst s3  }
0xc: {  	[smem:$0x3FAD] =	sst s4  }
0xd: {  	[smem:$0x3FAE] =	sst s5  }
0xe: {  	[smem:$0x3FAF] =	sst s6  }
0xf: {  	[smem:$0x3FB0] =	sst s7  }
0x10: {  	[smem:$0x3FB1] =	sst s8  }
0x11: {  	[smem:$0x3FB2] =	sst s9;
	s0 =	simm.s32 @!p0 $0x0  }
0x12: {  	s1 =	sld [smem:$0x3F98];
	s0 =	simm.s32 @p0 $0x1  }
0x13: {  	[smem:$0x3FB3] =	sst s0;
	s0 =	simm.s32 @!p1 $0x0  }
0x14: {  	s2 =	sld [smem:$0x3F97];
	s0 =	simm.s32 @p1 $0x1  }
0x15: {  	[smem:$0x3FB4] =	sst s0;
	s0 =	simm.s32 @!p2 $0x0  }
0x16: {  	s3 =	sld [smem:$0x3FDB];
	s0 =	simm.s32 @p2 $0x1  }
0x17: {  	s4 =	simm.s32 $0x1BF5;
	[smem:$0x3FB6] =	sst s0  }
0x18: {  	s0 =	sld [smem:$0x3F99];
	_ =	swait.ge [sflag:s4], $0x0  }
0x19: {  	s7 =	sld [smem:$0x3F9A]  }
0x1a: {  	s8 =	sadd.s32 $0xFFFFE003, lr  }
0x1b: {  	s9 =	sadd.s32 $0xFFFFFEF7, lr;
	s5 =	simm.s32 $0xFFFFFFFF;
	p2 =	slt.u32 s8, $0xFFFFF086  }
0x1c: {  	p1 =	slt.u32 s9, $0xF7A;
	s5 =	simm.s32 @!p2 $0x0  }
0x1d: {  	s5 =	simm.s32 @p1 $0x1;
	p0 =	seq.s32 s7, s2  }
0x1e: {  	s7 =	smul.u32 @!p0 $0xF7A, s2;
	p2 =	seq.s32 @!p0 s5, $0x0  }
0x1f: {  	s9 =	smul.u32 $0xF7A, s1;
	s8 =	simm.s32 @!p0 $0x1BF5;
	p2 =	por !p2, p0  }
0x20: {  	[sflag:s8] =	ssyncset.s32 @!p0 $0xFFFFF086;
	s6 =	sadd.s32 @!p0 s3, s7;
	s7 =	simm.s32 @!p0 $0x108  }
0x21: {  	s3 =	sadd.s32 s3, s9;
	s6 =	sadd.s32 @!p0 $0x88, s6;
	s7 =	simm.s32 @p2 $0x1082  }
0x22: {  	[simem:s7], [sflag:s8] =	dma.local @!p0 [hbm:s6], $0xF7A  }
0x23: {  	s9 =	sor.u32 $0xD0000000, s2;
	s6 =	simm.s32 $0x108;
	_ =	swait.ge @!p0 [sflag:s8], $0x0  }
0x24: {  	s3 =	sadd.s32 $0x88, s3;
	s6 =	simm.s32 @!p1 $0x1082;
	[sflag:s4] =	ssyncset.s32 $0xFFFFF086  }
0x25: {  	[simem:s6], [sflag:s4] =	dma.local [hbm:s3], $0xF7A  }
0x26: {  	[smem:$0x3F9A] =	sst s1;
	(tag) =	ssettag s2;
	_ =	strace s9  }
0x27: {  	s1 =	sld [smem:$0x3FAA]  }
0x28: {  	s2 =	sld [smem:$0x3FAB]  }
0x29: {  	s4 =	sld [smem:$0x3FAD]  }
0x2a: {  	p0 =	seq.s32 s5, $0x0;
	s5 =	sld [smem:$0x3FAE]  }
0x2b: {  	s6 =	sld [smem:$0x3FAF]  }
0x2c: {  	s7 =	sld [smem:$0x3FB0]  }
0x2d: {  	s3 =	simm.s32 $0x108;
	s8 =	sld [smem:$0x3FB1]  }
0x2e: {  	s3 =	simm.s32 @!p0 $0x1082;
	s9 =	sld [smem:$0x3FB2]  }
0x2f: {  	lr =	sadd.s32 s0, s3;
	s0 =	sld [smem:$0x3FA9]  }
0x30: {  	s3 =	sld [smem:$0x3FAC]  }
0x31: {  	[smem:$0x3FB5] =	sst s10  }
0x32: {  	s10 =	sld [smem:$0x3FB3];
	_ =	sdelay $0x3  }
0x33: {  	p0 =	seq.s32 s10, $0x1;
	s10 =	sld [smem:$0x3FB5];
	_ =	sdelay $0x3  }
0x34: {  	[smem:$0x3FB5] =	sst s10  }
0x35: {  	s10 =	sld [smem:$0x3FB4];
	_ =	sdelay $0x3  }
0x36: {  	p1 =	seq.s32 s10, $0x1;
	s10 =	sld [smem:$0x3FB5];
	_ =	sdelay $0x3  }
0x37: {  	[smem:$0x3FB5] =	sst s10  }
0x38: {  	s10 =	sld [smem:$0x3FB6]  }
0x39: {  	_ = 	snop;
	(pc) =	sbr.ind lr, $3  }
0x3a: {  	_ = 	snop  }
0x3b: {  	_ = 	snop  }
0x3c: {  	p2 =	seq.s32 s10, $0x1;
	s10 =	sld [smem:$0x3FB5]  }
0x3d: {  	_ =	shalt  }
0x3e: {  	_ =	shalt  }
0x3f: {  	_ =	shalt  }
0x40: {  	_ =	shalt  }
0x41: {  	_ =	shalt  }
0x42: {  	_ =	shalt  }
0x43: {  	_ =	shalt  }
0x44: {  	_ =	shalt  }
0x45: {  	_ =	shalt  }
0x46: {  	_ =	shalt  }
0x47: {  	_ =	shalt  }
0x48: {  	_ =	shalt  }
0x49: {  	_ =	shalt  }
0x4a: {  	_ =	shalt  }
0x4b: {  	_ =	shalt  }
0x4c: {  	_ =	shalt  }
0x4d: {  	_ =	shalt  }
0x4e: {  	_ =	shalt  }
0x4f: {  	_ =	shalt  }
0x50: {  	_ =	shalt  }
0x51: {  	_ =	shalt  }
0x52: {  	_ =	shalt  }
0x53: {  	_ =	shalt  }
0x54: {  	_ =	shalt  }
0x55: {  	_ =	shalt  }
0x56: {  	_ =	shalt  }
0x57: {  	_ =	shalt  }
0x58: {  	_ =	shalt  }
0x59: {  	_ =	shalt  }
0x5a: {  	_ =	shalt  }
0x5b: {  	_ =	shalt  }
0x5c: {  	_ =	shalt  }
0x5d: {  	_ =	shalt  }
0x5e: {  	_ =	shalt  }
0x5f: {  	_ =	shalt  }
0x60: {  	_ =	shalt  }
0x61: {  	_ =	shalt  }
0x62: {  	_ =	shalt  }
0x63: {  	_ =	shalt  }
0x64: {  	_ =	shalt  }
0x65: {  	_ =	shalt  }
0x66: {  	_ =	shalt  }
0x67: {  	_ =	shalt  }
0x68: {  	_ =	shalt  }
0x69: {  	_ =	shalt  }
0x6a: {  	_ =	shalt  }
0x6b: {  	_ =	shalt  }
0x6c: {  	_ =	shalt  }
0x6d: {  	_ =	shalt  }
0x6e: {  	_ =	shalt  }
0x6f: {  	_ =	shalt  }
0x70: {  	_ =	shalt  }
0x71: {  	_ =	shalt  }
0x72: {  	_ =	shalt  }
0x73: {  	_ =	shalt  }
0x74: {  	_ =	shalt  }
0x75: {  	_ =	shalt  }
0x76: {  	_ =	shalt  }
0x77: {  	_ =	shalt  }
0x78: {  	_ =	shalt  }
0x79: {  	_ =	shalt  }
0x7a: {  	_ =	shalt  }
0x7b: {  	_ =	shalt  }
0x7c: {  	_ =	shalt  }
0x7d: {  	_ =	shalt  }
0x7e: {  	_ =	shalt  }
0x7f: {  	_ =	shalt  }
0x80: {  	_ =	shalt  }
0x81: {  	_ =	shalt  }
0x82: {  	_ =	shalt  }
0x83: {  	_ =	shalt  }
0x84: {  	_ =	shalt  }
0x85: {  	_ =	shalt  }
0x86: {  	_ =	shalt  }
0x87: {  	_ =	shalt  }
.Lfunc_end0:
.L_simem_size_0:
called_computation.2_lowered:
.L_overlay_start_0:
0x88: {  	s2 =	sld [smem:$0x3FD9]  }
0x89: {  	s3 =	sld [smem:$0x3FFE];
	_ =	sdelay $0x1  }
0x8a: {  	s1 =	srdreg.scid  }
0x8b: {  	s0 =	sand.u32 $0x1, s1  }
0x8c: {  	s16 =	sshll.u32 s0, $0xA;
	s2 =	sadd.s32 s3, s2  }
0x8d: {  	s2 =	sadd.s32 s2, s16  }
0x8e: {  	[smem:$0x3FC1] =	sst s2  }
0x8f: {  	_ = 	snop  }
0x90: {  	(tm) =	ssettm $0x1  }
0x91: {  	s17 =	sld [smem:$0x3FFB];
	_ =	sdelay $0x3  }
0x92: {  	_ =	strace s17  }
0x93: {  	s2 =	sld [smem:$0x3FFC];
	_ =	sdelay $0x3  }
0x94: {  	_ =	strace s2  }
0x95: {  	s2 =	sld [smem:$0x3FFD];
	_ =	sdelay $0x3  }
0x96: {  	_ =	strace s2  }
0x97: {  	_ =	strace $0x8FFFFFFF  }
0x98: {  	s18 =	sld [smem:$0x3FDB];
	_ =	sdelay $0x1  }
0x99: {  	s19 =	simm.s32 $_scs_section_size  }
0x9a: {  	s4 =	simm.s32 $_size__tile_overlayer_lowered;
	s5 =	simm.s32 $_tile_overlayer_lowered  }
0x9b: {  	s22 =	simm.s32 $0x1BFF;
	s21 =	sshll.u32 s5, $0x1;
	s2 =	sadd.s32 s19, s18  }
0x9c: {  	s6 =	simm.s32 $0x0;
	s20 =	sshll.u32 s4, $0x1;
	s4 =	sadd.s32 s21, s2  }
0x9d: {  	[timem:s6], [sflag:s22] =	dma.local [hbm:s4], s20  }
0x9e: {  	_ =	swait.ge [sflag:s22], s20  }
0x9f: {  	s3 =	ssub.s32 $0x0, s20;
	[sflag:s22] =	ssyncset.done $0x0  }
0xa0: {  	[sflag:s22] =	ssyncadd.s32 s3;
	_ =	sdelay $0x1  }
0xa1: {  	s23 =	simm.s32 $0x1B8B  }
0xa2: {  	_ =	swait.ge [sflag:s23], $0x1  }
0xa3: {  	[sflag:s23] =	ssyncset.done $0x0  }
0xa4: {  	s25 =	simm.s32 $0x1B8E;
	s24 =	sld [smem:$0x3FFE];
	[sflag:s23] =	ssyncadd.s32 $0xFFFFFFFF  }
0xa5: {  	s26 =	simm.s32 $execute0_lowered;
	[smem:$0x3FD2] =	sst s25  }
0xa6: {  	s4 =	sshll.u32 s26, $0x1;
	_ =	strace $0x8000004C;
	[dreg:$0x1] =	wrdreg $0xFFFFFFFF  }
0xa7: {  	s28 =	simm.s32 $_size_execute0_lowered;
	s2 =	sadd.s32 s2, s4;
	[dreg:$0x0] =	wrdreg $0x0  }
0xa8: {  	s4 =	sshll.u32 s28, $0x1;
	[dreg:$0x2] =	wrdreg s2  }
0xa9: {  	[dreg:$0x3] =	wrdreg s4  }
0xaa: {  	[dreg:$0x4] =	wrdreg $0xC0  }
0xab: {  	_ =	task [dreg:s6], $0x5FFFF  }
0xac: {  	[dreg:$0x1] =	wrdreg $0xFFFFFFFF  }
0xad: {  	[dreg:$0x0] =	wrdreg $0x60  }
0xae: {  	[dreg:$0x2] =	wrdreg s24  }
0xaf: {  	[dreg:$0x3] =	wrdreg $0xA8000  }
0xb0: {  	[dreg:$0x4] =	wrdreg $0x148000  }
0xb1: {  	[dreg:$0x5] =	wrdreg $0x9  }
0xb2: {  	_ =	task.clear_ibuf [dreg:s6], $0x6FFFF;
	_ =	strace $0x9000004C  }
0xb3: {  	s29 =	simm.s32 $0x9;
	_ =	strace $0x8000004E  }
0xb4: {  	_ =	swait.ge [sflag:s29], $0x1  }
0xb5: {  	[sflag:s29] =	ssyncadd.s32 $0xFFFFFFFF  }
0xb6: {  	_ =	strace $0x9000004E  }
0xb7: {  	_ =	sfence  }
0xb8: {  	s30 =	sld [smem:$0x0];
	_ =	sdelay $0x2  }
0xb9: {  	s31 =	sshll.u32 s1, $0xD;
	s1 =	sshrl.u32 s1, $0x2  }
0xba: {  	s3 =	sand.u32 $0x4000, s31;
	s1 =	sadd.s32 s1, s30  }
0xbb: {  	s0 =	sor.u32 s3, s0;
	s1 =	sshll.u32 s1, $0x11  }
0xbc: {  	s0 =	sor.u32 s1, s0  }
0xbd: {  	s0 =	sadd.s32 $0x8F2B, s0  }
0xbe: {  	[sflag:s0] =	ssyncadd.remote.s32 $0x1  }
0xbf: {  	_ =	sfence.sel $0xFFFF  }
0xc0: {  	[dreg:$0x0] =	wrdreg $0xFFFFFFFF;
	(pc) =	sbr.abs _section_cstart, $3  }
0xc1: {  	[dreg:$0x1] =	wrdreg $0xFFFFFFFF  }
0xc2: {  	_ =	task.clear_ibuf [dreg:s6], $0x2FFFF;
	_ =	strace $0x9FFFFFFF  }
0xc3: {  	(tm) =	ssettm $0x7FFFFFFF  }
tec
execute0_lowered:
.L_overlay_start_1:
0x0: {  	(tag) =	ssettag $0x1  }
0x1: {  	s0 =	rddreg [dreg:$0x0]  }
0x2: {  	s1 =	rddreg [dreg:$0x1]  }
0x3: {  	s2 =	rddreg [dreg:$0x2];
	s3 =	simm.s32 $0x0;
	s4 =	srdreg.scid  }
0x4: {  	s11 =	stileid.u32;
	s31 =	simm.s32 $0x2800;
	s28 =	simm.s32 $0x8  }
0x5: {  	[smem:$0x7FF] =	sst s3;
	s5 =	sadd.s32 $0x11000, s0;
	s4 =	sand.u32 $0x1, s4  }
0x6: {  	s6 =	sadd.s32 $0x1800, s0;
	s8 =	sadd.s32 $0x1B800, s0;
	s10 =	smul.u32 $0xA000, s11  }
0x7: {  	s0 =	sadd.s32 $0x2F200, s0;
	_ =	strace $0x8000004D;
	s7 =	ssub.s32 $0x2, s4  }
0x8: {  	s15 =	sshll.u32 s4, $0x4;
	s4 =	smul.u32 $0xA0000, s4;
	s9 =	sshrl.u32 s7, $0x1  }
0x9: {  	s12 =	sadd.s32 $0x4000, s10;
	s13 =	sshrl.u32 s10, $0x3;
	s18 =	sadd.s32 $0x6000, s10  }
0xa: {  	s19 =	sadd.s32 s10, s1;
	s7 =	ssub.s32 s7, s9;
	s9 =	sor.u32 s11, s15  }
0xb: {  	s11 =	sadd.s32 $0x2000, s10;
	s15 =	sshrl.u32 s12, $0x3;
	s13 =	sadd.s32 s8, s13  }
0xc: {  	s24 =	sadd.s32 s10, s4;
	s14 =	sshrl.u32 s11, $0x3;
	s20 =	smul.u32 $0x500, s9  }
0xd: {  	[dreg:$0x4] =	wrdreg s13;
	s17 =	sadd.s32 s8, s15;
	s9 =	smul.u32 $0x2800, s9  }
0xe: {  	s25 =	sadd.s32 s4, s11;
	s26 =	sshrl.u32 s24, $0x3;
	s15 =	sadd.s32 s10, s2  }
0xf: {  	s7 =	smax.u32 s7, $0x1;
	s13 =	simm.s32 $0x2680;
	s16 =	sadd.s32 s8, s14  }
0x10: {  	[dreg:$0x6] =	wrdreg s17;
	s14 =	sadd.s32 $0x8000, s10;
	s29 =	sshrl.u32 s25, $0x3  }
0x11: {  	[dreg:$0x12] =	wrdreg s7;
	s7 =	simm.s32 $0x7;
	s10 =	simm.s32 $0x1380  }
0x12: {  	[dreg:$0x5] =	wrdreg s16;
	s16 =	sshrl.u32 s18, $0x3;
	s17 =	sshrl.u32 s14, $0x3  }
0x13: {  	s21 =	sadd.s32 s5, s20;
	s22 =	sadd.s32 s6, s20;
	s23 =	sshrl.u32 s9, $0x3  }
0x14: {  	s30 =	sadd.s32 s0, s29;
	s20 =	sadd.s32 s11, s1;
	[dreg:$0x9] =	wrdreg s21  }
0x15: {  	s24 =	sadd.s32 s14, s2;
	s16 =	sadd.s32 s8, s16;
	[dreg:$0xa] =	wrdreg s22  }
0x16: {  	s8 =	sadd.s32 s8, s17;
	[dreg:$0xe] =	wrdreg s30;
	s21 =	sadd.s32 s12, s1  }
0x17: {  	s17 =	sadd.s32 s12, s2;
	s22 =	sadd.s32 s18, s1;
	[dreg:$0x7] =	wrdreg s16  }
0x18: {  	s30 =	sshrl.u32 s24, $0x3;
	s24 =	simm.s32 $0x0;
	[dreg:$0x8] =	wrdreg s8  }
0x19: {  	s8 =	sadd.s32 $0x280, s23;
	s16 =	sadd.s32 s11, s2;
	s23 =	sadd.s32 s14, s1  }
0x1a: {  	[dreg:$0x17] =	wrdreg s30;
	s11 =	simm.s32 $0x8800;
	s5 =	sadd.s32 s5, s8  }
0x1b: {  	s6 =	sadd.s32 s6, s8;
	s8 =	sadd.s32 s4, s18;
	s18 =	sadd.s32 s18, s2  }
0x1c: {  	s25 =	sshrl.u32 s16, $0x3;
	s16 =	simm.s32 $0x3;
	[dreg:$0xb] =	wrdreg s5  }
0x1d: {  	[dreg:$0xc] =	wrdreg s6;
	s5 =	sadd.s32 s0, s26;
	s6 =	sadd.s32 s4, s12  }
0x1e: {  	s4 =	sadd.s32 s4, s14;
	[dreg:$0x14] =	wrdreg s25;
	s26 =	sshrl.u32 s17, $0x3  }
0x1f: {  	s29 =	sshrl.u32 s18, $0x3;
	s12 =	simm.s32 $0x2;
	s14 =	simm.s32 $0x5  }
0x20: {  	s18 =	simm.s32 $0x6;
	s25 =	simm.s32 $0x4;
	[dreg:$0xd] =	wrdreg s5  }
0x21: {  	s17 =	simm.s32 $0x2780;
	s5 =	sshrl.u32 s6, $0x3;
	[dreg:$0x15] =	wrdreg s26  }
0x22: {  	s6 =	sshrl.u32 s8, $0x3;
	[dreg:$0x16] =	wrdreg s29;
	s5 =	sadd.s32 s0, s5  }
0x23: {  	s4 =	sshrl.u32 s4, $0x3;
	s9 =	sadd.s32 s0, s6;
	[dreg:$0xf] =	wrdreg s5  }
0x24: {  	s8 =	simm.s32 $0x6800;
	s0 =	sadd.s32 s0, s4;
	[dreg:$0x10] =	wrdreg s9  }
0x25: {  	s4 =	simm.s32 $0x1400;
	s6 =	simm.s32 $0x4800;
	[dreg:$0x11] =	wrdreg s0  }
0x26: {  	s0 =	sshrl.u32 s15, $0x3;
	s5 =	simm.s32 $0x80;
	s9 =	simm.s32 $0x1  }
0x27: {  	v0 =	vimm.f32 $0.0e+00;
	s15 =	simm.s32 $0x2700;
	[dreg:$0x13] =	wrdreg s0;
	s0 =	simm.s32 $0x9  }
.LBB2_1:
0x28: {  	s29 =	simm.s32 $0x100;
	s26 =	simm.s32 $0x0  }
.LBB2_2:
0x29: {  	p0 =	sne.s32 s29, $0x7F00;
	[tilespmem:s26+$0x2830] =	vst v0;
	s30 =	smov.u32 s29;
	s29 =	sadd.s32 $0x100, s29  }
.Ltmp0:
0x2a: {  	[tilespmem:s26+$0x2820] =	vst v0;
	(pc) =	sbr.rel @p0 .LBB2_2-.Ltmp0, $3  }
0x2b: {  	[tilespmem:s26+$0x2800] =	vst v0  }
0x2c: {  	[tilespmem:s26+$0x2810] =	vst v0;
	_ =	sdelay $0x1  }
0x2d: {  	s26 =	sshra.s32 s30, $0x2  }
0x2e: {  	[tilespmem:s26+$0x2830] =	vst v0  }
0x2f: {  	[tilespmem:s26+$0x2820] =	vst v0  }
0x30: {  	[tilespmem:s26+$0x2800] =	vst v0  }
0x31: {  	[tilespmem:s26+$0x2810] =	vst v0  }
0x32: {  	[spmem:s19] =	stream.linear.scatter [tilespmem:s31], [sflag:$0x9], $0x2000, $0x38;
	[tilespmem:$0x1E800] =	vst v63  }
0x33: {  	s30 =	stileid.u32;
	_ =	swait.ge [sflag:s0], $0x2000  }
0x34: {  	s26 =	sshll.u32 s30, $0x6;
	[sflag:s0] =	ssyncset.done $0x0;
	s29 =	rddreg [dreg:$0x4]  }
0x35: {  	s26 =	sor.u32 $0x1C09, s26;
	s30 =	rddreg [dreg:$0x13];
	[sflag:s0] =	ssyncadd.s32 $0xFFFFE000  }
0x36: {  	[spmem:s30], [sflag:s26] =	dma.local [hbm:s29], $0x400  }
0x37: {  	_ =	swait.ge [sflag:s0], $0x400  }
0x38: {  	[sflag:s0] =	ssyncset.done $0x0  }
0x39: {  	[sflag:s0] =	ssyncadd.s32 $0xFFFFFC00  }
0x3a: {  	[spmem:s20] =	stream.linear.scatter [tilespmem:s31], [sflag:$0x9], $0x2000, $0x38;
	[tilespmem:$0x1E800] =	vst v63  }
0x3b: {  	_ =	swait.ge [sflag:s0], $0x2000  }
0x3c: {  	[sflag:s0] =	ssyncset.done $0x0;
	s29 =	rddreg [dreg:$0x5]  }
0x3d: {  	s30 =	rddreg [dreg:$0x14];
	[sflag:s0] =	ssyncadd.s32 $0xFFFFE000  }
0x3e: {  	[spmem:s30], [sflag:s26] =	dma.local [hbm:s29], $0x400  }
0x3f: {  	_ =	swait.ge [sflag:s0], $0x400  }
0x40: {  	[sflag:s0] =	ssyncset.done $0x0  }
0x41: {  	[sflag:s0] =	ssyncadd.s32 $0xFFFFFC00  }
0x42: {  	[spmem:s21] =	stream.linear.scatter [tilespmem:s31], [sflag:$0x9], $0x2000, $0x38;
	[tilespmem:$0x1E800] =	vst v63  }
0x43: {  	_ =	swait.ge [sflag:s0], $0x2000  }
0x44: {  	[sflag:s0] =	ssyncset.done $0x0;
	s29 =	rddreg [dreg:$0x6]  }
0x45: {  	s30 =	rddreg [dreg:$0x15];
	[sflag:s0] =	ssyncadd.s32 $0xFFFFE000  }
0x46: {  	[spmem:s30], [sflag:s26] =	dma.local [hbm:s29], $0x400  }
0x47: {  	_ =	swait.ge [sflag:s0], $0x400  }
0x48: {  	[sflag:s0] =	ssyncset.done $0x0  }
0x49: {  	[sflag:s0] =	ssyncadd.s32 $0xFFFFFC00  }
0x4a: {  	[spmem:s22] =	stream.linear.scatter [tilespmem:s31], [sflag:$0x9], $0x2000, $0x38;
	[tilespmem:$0x1E800] =	vst v63  }
0x4b: {  	_ =	swait.ge [sflag:s0], $0x2000  }
0x4c: {  	[sflag:s0] =	ssyncset.done $0x0;
	s29 =	rddreg [dreg:$0x7]  }
0x4d: {  	s30 =	rddreg [dreg:$0x16];
	[sflag:s0] =	ssyncadd.s32 $0xFFFFE000  }
0x4e: {  	[spmem:s30], [sflag:s26] =	dma.local [hbm:s29], $0x400  }
0x4f: {  	_ =	swait.ge [sflag:s0], $0x400  }
0x50: {  	[sflag:s0] =	ssyncset.done $0x0  }
0x51: {  	[sflag:s0] =	ssyncadd.s32 $0xFFFFFC00  }
0x52: {  	[spmem:s23] =	stream.linear.scatter [tilespmem:s31], [sflag:$0x9], $0x2000, $0x38;
	[tilespmem:$0x1E800] =	vst v63  }
0x53: {  	_ =	swait.ge [sflag:s0], $0x2000  }
0x54: {  	[sflag:s0] =	ssyncset.done $0x0;
	s29 =	rddreg [dreg:$0x8]  }
0x55: {  	s30 =	rddreg [dreg:$0x17];
	[sflag:s0] =	ssyncadd.s32 $0xFFFFE000  }
0x56: {  	[spmem:s30], [sflag:s26] =	dma.local [hbm:s29], $0x400  }
0x57: {  	_ =	swait.ge [sflag:s0], $0x400  }
0x58: {  	[sflag:s0] =	ssyncset.done $0x0  }
0x59: {  	[sflag:s0] =	ssyncadd.s32 $0xFFFFFC00  }
0x5a: {  	[bflag:$0x0] =	sbarrier.arrive $0xFFFF  }
0x5b: {  	s30 =	simm.s32 $0x0;
	s29 =	rddreg [dreg:$0x9]  }
0x5c: {  	[tilespmem:s30], [sflag:$0x9] =	stream.linear.gather [hbm4b:s29+s30], $0x1400, $0x38;
	[tilespmem:$0x1E800] =	vst v63  }
0x5d: {  	_ =	swait.ge [sflag:s0], $0x1400  }
0x5e: {  	[sflag:s0] =	ssyncset.done $0x0  }
0x5f: {  	s29 =	rddreg [dreg:$0xa];
	[sflag:s0] =	ssyncadd.s32 $0xFFFFEC00  }
0x60: {  	[tilespmem:s4], [sflag:$0x9] =	stream.linear.gather [hbm4b:s29+s30], $0x1400, $0x38;
	[tilespmem:$0x1E800] =	vst v63  }
0x61: {  	_ =	swait.ge [sflag:s0], $0x1400  }
0x62: {  	[sflag:s0] =	ssyncset.done $0x0  }
0x63: {  	[sflag:s0] =	ssyncadd.s32 $0xFFFFEC00  }
0x64: {  	[tilespmem:s31], [sflag:$0x1] =	stream.indirect.gather [spmem:s2], $0x40, s30, s5, $0xb8;
	[tilespmem:$0x1E800] =	vst v63  }
0x65: {  	_ = 	snop  }
0x66: {  	[tilespmem:s6], [sflag:$0x2] =	stream.indirect.gather [spmem:s2], $0x40, s5, s5, $0xb8;
	[tilespmem:$0x1E800] =	vst v63  }
0x67: {  	s30 =	simm.s32 $0x100  }
0x68: {  	[tilespmem:s8], [sflag:$0x3] =	stream.indirect.gather [spmem:s2], $0x40, s30, s5, $0xb8;
	[tilespmem:$0x1E800] =	vst v63  }
0x69: {  	_ =	swait.ge [sflag:s9], $0x2000  }
0x6a: {  	[sflag:s9] =	ssyncset.done $0x0  }
0x6b: {  	[sflag:s9] =	ssyncadd.s32 $0xFFFFE000  }
0x6c: {  	[spmem:s1] =	stream.indirect.scatter.add.f32 [tilespmem:s31], [sflag:$0x5], $0x40, s4, s5, $0xb8;
	[tilespmem:$0x1E800] =	vst v63  }
0x6d: {  	s30 =	simm.s32 $0x180  }
0x6e: {  	[tilespmem:s11], [sflag:$0x4] =	stream.indirect.gather [spmem:s2], $0x40, s30, s5, $0xb8;
	[tilespmem:$0x1E800] =	vst v63  }
0x6f: {  	_ =	swait.ge [sflag:s12], $0x2000  }
0x70: {  	[sflag:s12] =	ssyncset.done $0x0  }
0x71: {  	s30 =	simm.s32 $0x1480;
	[sflag:s12] =	ssyncadd.s32 $0xFFFFE000  }
0x72: {  	[spmem:s1] =	stream.indirect.scatter.add.f32 [tilespmem:s6], [sflag:$0x6], $0x40, s30, s5, $0xb8;
	[tilespmem:$0x1E800] =	vst v63  }
0x73: {  	_ =	swait.ge [sflag:s14], $0x2000  }
0x74: {  	[sflag:s14] =	ssyncset.done $0x0  }
0x75: {  	s30 =	simm.s32 $0x200;
	[sflag:s14] =	ssyncadd.s32 $0xFFFFE000  }
0x76: {  	[tilespmem:s31], [sflag:$0x1] =	stream.indirect.gather [spmem:s2], $0x40, s30, s5, $0xb8;
	[tilespmem:$0x1E800] =	vst v63  }
0x77: {  	_ =	swait.ge [sflag:s16], $0x2000  }
0x78: {  	[sflag:s16] =	ssyncset.done $0x0  }
0x79: {  	s30 =	simm.s32 $0x1500;
	[sflag:s16] =	ssyncadd.s32 $0xFFFFE000  }
0x7a: {  	[spmem:s1] =	stream.indirect.scatter.add.f32 [tilespmem:s8], [sflag:$0x7], $0x40, s30, s5, $0xb8;
	[tilespmem:$0x1E800] =	vst v63  }
0x7b: {  	_ =	swait.ge [sflag:s18], $0x2000  }
0x7c: {  	[sflag:s18] =	ssyncset.done $0x0  }
0x7d: {  	s30 =	simm.s32 $0x280;
	[sflag:s18] =	ssyncadd.s32 $0xFFFFE000  }
0x7e: {  	[tilespmem:s6], [sflag:$0x2] =	stream.indirect.gather [spmem:s2], $0x40, s30, s5, $0xb8;
	[tilespmem:$0x1E800] =	vst v63  }
0x7f: {  	_ =	swait.ge [sflag:s25], $0x2000  }
0x80: {  	[sflag:s25] =	ssyncset.done $0x0  }
0x81: {  	s30 =	simm.s32 $0x1580;
	[sflag:s25] =	ssyncadd.s32 $0xFFFFE000  }
0x82: {  	[spmem:s1] =	stream.indirect.scatter.add.f32 [tilespmem:s11], [sflag:$0x8], $0x40, s30, s5, $0xb8;
	[tilespmem:$0x1E800] =	vst v63  }
0x83: {  	_ =	swait.ge [sflag:s7], $0x2000  }
0x84: {  	[sflag:s7] =	ssyncset.done $0x0  }
0x85: {  	s30 =	simm.s32 $0x300;
	[sflag:s7] =	ssyncadd.s32 $0xFFFFE000  }
0x86: {  	[tilespmem:s8], [sflag:$0x3] =	stream.indirect.gather [spmem:s2], $0x40, s30, s5, $0xb8;
	[tilespmem:$0x1E800] =	vst v63  }
0x87: {  	_ =	swait.ge [sflag:s9], $0x2000  }
0x88: {  	[sflag:s9] =	ssyncset.done $0x0  }
0x89: {  	s30 =	simm.s32 $0x1600;
	[sflag:s9] =	ssyncadd.s32 $0xFFFFE000  }
0x8a: {  	[spmem:s1] =	stream.indirect.scatter.add.f32 [tilespmem:s31], [sflag:$0x5], $0x40, s30, s5, $0xb8;
	[tilespmem:$0x1E800] =	vst v63  }
0x8b: {  	_ =	swait.ge [sflag:s28], $0x2000  }
0x8c: {  	[sflag:s28] =	ssyncset.done $0x0  }
0x8d: {  	s30 =	simm.s32 $0x380;
	[sflag:s28] =	ssyncadd.s32 $0xFFFFE000  }
0x8e: {  	[tilespmem:s11], [sflag:$0x4] =	stream.indirect.gather [spmem:s2], $0x40, s30, s5, $0xb8;
	[tilespmem:$0x1E800] =	vst v63  }
0x8f: {  	_ =	swait.ge [sflag:s12], $0x2000  }
0x90: {  	[sflag:s12] =	ssyncset.done $0x0  }
0x91: {  	s30 =	simm.s32 $0x1680;
	[sflag:s12] =	ssyncadd.s32 $0xFFFFE000  }
0x92: {  	[spmem:s1] =	stream.indirect.scatter.add.f32 [tilespmem:s6], [sflag:$0x6], $0x40, s30, s5, $0xb8;
	[tilespmem:$0x1E800] =	vst v63  }
0x93: {  	_ =	swait.ge [sflag:s14], $0x2000  }
0x94: {  	[sflag:s14] =	ssyncset.done $0x0  }
0x95: {  	s30 =	simm.s32 $0x400;
	[sflag:s14] =	ssyncadd.s32 $0xFFFFE000  }
0x96: {  	[tilespmem:s31], [sflag:$0x1] =	stream.indirect.gather [spmem:s2], $0x40, s30, s5, $0xb8;
	[tilespmem:$0x1E800] =	vst v63  }
0x97: {  	_ =	swait.ge [sflag:s16], $0x2000  }
0x98: {  	[sflag:s16] =	ssyncset.done $0x0  }
0x99: {  	s30 =	simm.s32 $0x1700;
	[sflag:s16] =	ssyncadd.s32 $0xFFFFE000  }
0x9a: {  	[spmem:s1] =	stream.indirect.scatter.add.f32 [tilespmem:s8], [sflag:$0x7], $0x40, s30, s5, $0xb8;
	[tilespmem:$0x1E800] =	vst v63  }
0x9b: {  	_ =	swait.ge [sflag:s18], $0x2000  }
0x9c: {  	[sflag:s18] =	ssyncset.done $0x0  }
0x9d: {  	s30 =	simm.s32 $0x480;
	[sflag:s18] =	ssyncadd.s32 $0xFFFFE000  }
0x9e: {  	[tilespmem:s6], [sflag:$0x2] =	stream.indirect.gather [spmem:s2], $0x40, s30, s5, $0xb8;
	[tilespmem:$0x1E800] =	vst v63  }
0x9f: {  	_ =	swait.ge [sflag:s25], $0x2000  }
0xa0: {  	[sflag:s25] =	ssyncset.done $0x0  }
0xa1: {  	s26 =	simm.s32 $0x800;
	s29 =	simm.s32 $0x1780;
	[sflag:s25] =	ssyncadd.s32 $0xFFFFE000  }
.LBB2_4:
0xa2: {  	[spmem:s1] =	stream.indirect.scatter.add.f32 [tilespmem:s11], [sflag:$0x8], $0x40, s29, s5, $0xb8;
	[tilespmem:$0x1E800] =	vst v63  }
0xa3: {  	s29 =	smov.u32 s26  }
0xa4: {  	p0 =	sne.s32 s26, $0x3800;
	s26 =	sadd.s32 $0x800, s26;
	_ =	swait.ge [sflag:s7], $0x2000  }
0xa5: {  	s29 =	sshra.s32 s29, $0x2;
	[sflag:s7] =	ssyncset.done $0x0  }
0xa6: {  	s30 =	sadd.s32 $0x300, s29;
	[sflag:s7] =	ssyncadd.s32 $0xFFFFE000  }
0xa7: {  	[tilespmem:s8], [sflag:$0x3] =	stream.indirect.gather [spmem:s2], $0x40, s30, s5, $0xb8;
	[tilespmem:$0x1E800] =	vst v63  }
0xa8: {  	_ =	swait.ge [sflag:s9], $0x2000  }
0xa9: {  	[sflag:s9] =	ssyncset.done $0x0  }
0xaa: {  	s30 =	sadd.s32 $0x1600, s29;
	[sflag:s9] =	ssyncadd.s32 $0xFFFFE000  }
0xab: {  	[spmem:s1] =	stream.indirect.scatter.add.f32 [tilespmem:s31], [sflag:$0x5], $0x40, s30, s5, $0xb8;
	[tilespmem:$0x1E800] =	vst v63  }
0xac: {  	_ =	swait.ge [sflag:s28], $0x2000  }
0xad: {  	[sflag:s28] =	ssyncset.done $0x0  }
0xae: {  	s30 =	sadd.s32 $0x380, s29;
	[sflag:s28] =	ssyncadd.s32 $0xFFFFE000  }
0xaf: {  	[tilespmem:s11], [sflag:$0x4] =	stream.indirect.gather [spmem:s2], $0x40, s30, s5, $0xb8;
	[tilespmem:$0x1E800] =	vst v63  }
0xb0: {  	_ =	swait.ge [sflag:s12], $0x2000  }
0xb1: {  	[sflag:s12] =	ssyncset.done $0x0  }
0xb2: {  	s30 =	sadd.s32 $0x1680, s29;
	[sflag:s12] =	ssyncadd.s32 $0xFFFFE000  }
0xb3: {  	[spmem:s1] =	stream.indirect.scatter.add.f32 [tilespmem:s6], [sflag:$0x6], $0x40, s30, s5, $0xb8;
	[tilespmem:$0x1E800] =	vst v63  }
0xb4: {  	_ =	swait.ge [sflag:s14], $0x2000  }
0xb5: {  	[sflag:s14] =	ssyncset.done $0x0  }
0xb6: {  	s30 =	sadd.s32 $0x400, s29;
	[sflag:s14] =	ssyncadd.s32 $0xFFFFE000  }
0xb7: {  	[tilespmem:s31], [sflag:$0x1] =	stream.indirect.gather [spmem:s2], $0x40, s30, s5, $0xb8;
	[tilespmem:$0x1E800] =	vst v63  }
0xb8: {  	_ =	swait.ge [sflag:s16], $0x2000  }
0xb9: {  	[sflag:s16] =	ssyncset.done $0x0  }
0xba: {  	s30 =	sadd.s32 $0x1700, s29;
	[sflag:s16] =	ssyncadd.s32 $0xFFFFE000  }
0xbb: {  	[spmem:s1] =	stream.indirect.scatter.add.f32 [tilespmem:s8], [sflag:$0x7], $0x40, s30, s5, $0xb8;
	[tilespmem:$0x1E800] =	vst v63  }
0xbc: {  	_ =	swait.ge [sflag:s18], $0x2000  }
0xbd: {  	[sflag:s18] =	ssyncset.done $0x0  }
.Ltmp1:
0xbe: {  	s30 =	sadd.s32 $0x480, s29;
	[sflag:s18] =	ssyncadd.s32 $0xFFFFE000;
	(pc) =	sbr.rel @p0 .LBB2_4-.Ltmp1, $4  }
0xbf: {  	[tilespmem:s6], [sflag:$0x2] =	stream.indirect.gather [spmem:s2], $0x40, s30, s5, $0xb8;
	[tilespmem:$0x1E800] =	vst v63  }
0xc0: {  	_ =	swait.ge [sflag:s25], $0x2000  }
0xc1: {  	[sflag:s25] =	ssyncset.done $0x0  }
0xc2: {  	s29 =	sadd.s32 $0x1780, s29;
	[sflag:s25] =	ssyncadd.s32 $0xFFFFE000  }
0xc3: {  	[spmem:s1] =	stream.indirect.scatter.add.f32 [tilespmem:s11], [sflag:$0x8], $0x40, s29, s5, $0xb8;
	[tilespmem:$0x1E800] =	vst v63  }
0xc4: {  	_ =	swait.ge [sflag:s7], $0x2000  }
0xc5: {  	[sflag:s7] =	ssyncset.done $0x0  }
0xc6: {  	s26 =	simm.s32 $0x1300;
	[sflag:s7] =	ssyncadd.s32 $0xFFFFE000  }
0xc7: {  	[tilespmem:s8], [sflag:$0x3] =	stream.indirect.gather [spmem:s2], $0x40, s26, s5, $0xb8;
	[tilespmem:$0x1E800] =	vst v63  }
0xc8: {  	_ =	swait.ge [sflag:s9], $0x2000  }
0xc9: {  	[sflag:s9] =	ssyncset.done $0x0  }
0xca: {  	s30 =	simm.s32 $0x2600;
	[sflag:s9] =	ssyncadd.s32 $0xFFFFE000  }
0xcb: {  	[spmem:s1] =	stream.indirect.scatter.add.f32 [tilespmem:s31], [sflag:$0x5], $0x40, s30, s5, $0xb8;
	[tilespmem:$0x1E800] =	vst v63  }
0xcc: {  	_ =	swait.ge [sflag:s28], $0x2000  }
0xcd: {  	[sflag:s28] =	ssyncset.done $0x0  }
0xce: {  	[sflag:s28] =	ssyncadd.s32 $0xFFFFE000  }
0xcf: {  	[tilespmem:s11], [sflag:$0x4] =	stream.indirect.gather [spmem:s2], $0x40, s10, s5, $0xb8;
	[tilespmem:$0x1E800] =	vst v63  }
0xd0: {  	_ =	swait.ge [sflag:s12], $0x2000  }
0xd1: {  	[sflag:s12] =	ssyncset.done $0x0  }
0xd2: {  	[sflag:s12] =	ssyncadd.s32 $0xFFFFE000  }
0xd3: {  	[spmem:s1] =	stream.indirect.scatter.add.f32 [tilespmem:s6], [sflag:$0x6], $0x40, s13, s5, $0xb8;
	[tilespmem:$0x1E800] =	vst v63  }
0xd4: {  	_ =	swait.ge [sflag:s16], $0x2000  }
0xd5: {  	[sflag:s16] =	ssyncset.done $0x0  }
0xd6: {  	[sflag:s16] =	ssyncadd.s32 $0xFFFFE000  }
0xd7: {  	[spmem:s1] =	stream.indirect.scatter.add.f32 [tilespmem:s8], [sflag:$0x7], $0x40, s15, s5, $0xb8;
	[tilespmem:$0x1E800] =	vst v63  }
0xd8: {  	_ =	swait.ge [sflag:s25], $0x2000  }
0xd9: {  	[sflag:s25] =	ssyncset.done $0x0  }
0xda: {  	[sflag:s25] =	ssyncadd.s32 $0xFFFFE000  }
0xdb: {  	[spmem:s1] =	stream.indirect.scatter.add.f32 [tilespmem:s11], [sflag:$0x8], $0x40, s17, s5, $0xb8;
	[tilespmem:$0x1E800] =	vst v63  }
0xdc: {  	_ =	swait.ge [sflag:s14], $0x2000  }
0xdd: {  	[sflag:s14] =	ssyncset.done $0x0  }
0xde: {  	[sflag:s14] =	ssyncadd.s32 $0xFFFFE000  }
0xdf: {  	_ =	swait.ge [sflag:s18], $0x2000  }
0xe0: {  	[sflag:s18] =	ssyncset.done $0x0  }
0xe1: {  	[sflag:s18] =	ssyncadd.s32 $0xFFFFE000  }
0xe2: {  	_ =	swait.ge [sflag:s7], $0x2000  }
0xe3: {  	[sflag:s7] =	ssyncset.done $0x0  }
0xe4: {  	[sflag:s7] =	ssyncadd.s32 $0xFFFFE000  }
0xe5: {  	_ =	swait.ge [sflag:s28], $0x2000  }
0xe6: {  	[sflag:s28] =	ssyncset.done $0x0  }
0xe7: {  	s30 =	simm.s32 $0x0;
	s29 =	rddreg [dreg:$0xb];
	[sflag:s28] =	ssyncadd.s32 $0xFFFFE000  }
0xe8: {  	[tilespmem:s30], [sflag:$0x9] =	stream.linear.gather [hbm4b:s29+s30], $0x1400, $0x38;
	[tilespmem:$0x1E800] =	vst v63  }
0xe9: {  	_ =	swait.ge [sflag:s0], $0x1400  }
0xea: {  	[sflag:s0] =	ssyncset.done $0x0  }
0xeb: {  	s29 =	rddreg [dreg:$0xc];
	[sflag:s0] =	ssyncadd.s32 $0xFFFFEC00  }
0xec: {  	[tilespmem:s4], [sflag:$0x9] =	stream.linear.gather [hbm4b:s29+s30], $0x1400, $0x38;
	[tilespmem:$0x1E800] =	vst v63  }
0xed: {  	_ =	swait.ge [sflag:s0], $0x1400  }
0xee: {  	[sflag:s0] =	ssyncset.done $0x0  }
0xef: {  	[sflag:s0] =	ssyncadd.s32 $0xFFFFEC00  }
0xf0: {  	[tilespmem:s31], [sflag:$0x1] =	stream.indirect.gather [spmem:s2], $0x40, s30, s5, $0xb8;
	[tilespmem:$0x1E800] =	vst v63  }
0xf1: {  	_ = 	snop  }
0xf2: {  	[tilespmem:s6], [sflag:$0x2] =	stream.indirect.gather [spmem:s2], $0x40, s5, s5, $0xb8;
	[tilespmem:$0x1E800] =	vst v63  }
0xf3: {  	s30 =	simm.s32 $0x100  }
0xf4: {  	[tilespmem:s8], [sflag:$0x3] =	stream.indirect.gather [spmem:s2], $0x40, s30, s5, $0xb8;
	[tilespmem:$0x1E800] =	vst v63  }
0xf5: {  	_ =	swait.ge [sflag:s9], $0x2000  }
0xf6: {  	[sflag:s9] =	ssyncset.done $0x0  }
0xf7: {  	[sflag:s9] =	ssyncadd.s32 $0xFFFFE000  }
0xf8: {  	[spmem:s1] =	stream.indirect.scatter.add.f32 [tilespmem:s31], [sflag:$0x5], $0x40, s4, s5, $0xb8;
	[tilespmem:$0x1E800] =	vst v63  }
0xf9: {  	s30 =	simm.s32 $0x180  }
0xfa: {  	[tilespmem:s11], [sflag:$0x4] =	stream.indirect.gather [spmem:s2], $0x40, s30, s5, $0xb8;
	[tilespmem:$0x1E800] =	vst v63  }
0xfb: {  	_ =	swait.ge [sflag:s12], $0x2000  }
0xfc: {  	[sflag:s12] =	ssyncset.done $0x0  }
0xfd: {  	s30 =	simm.s32 $0x1480;
	[sflag:s12] =	ssyncadd.s32 $0xFFFFE000  }
0xfe: {  	[spmem:s1] =	stream.indirect.scatter.add.f32 [tilespmem:s6], [sflag:$0x6], $0x40, s30, s5, $0xb8;
	[tilespmem:$0x1E800] =	vst v63  }
0xff: {  	_ =	swait.ge [sflag:s14], $0x2000  }
0x100: {  	[sflag:s14] =	ssyncset.done $0x0  }
0x101: {  	s30 =	simm.s32 $0x200;
	[sflag:s14] =	ssyncadd.s32 $0xFFFFE000  }
0x102: {  	[tilespmem:s31], [sflag:$0x1] =	stream.indirect.gather [spmem:s2], $0x40, s30, s5, $0xb8;
	[tilespmem:$0x1E800] =	vst v63  }
0x103: {  	_ =	swait.ge [sflag:s16], $0x2000  }
0x104: {  	[sflag:s16] =	ssyncset.done $0x0  }
0x105: {  	s30 =	simm.s32 $0x1500;
	[sflag:s16] =	ssyncadd.s32 $0xFFFFE000  }
0x106: {  	[spmem:s1] =	stream.indirect.scatter.add.f32 [tilespmem:s8], [sflag:$0x7], $0x40, s30, s5, $0xb8;
	[tilespmem:$0x1E800] =	vst v63  }
0x107: {  	_ =	swait.ge [sflag:s18], $0x2000  }
0x108: {  	[sflag:s18] =	ssyncset.done $0x0  }
0x109: {  	s30 =	simm.s32 $0x280;
	[sflag:s18] =	ssyncadd.s32 $0xFFFFE000  }
0x10a: {  	[tilespmem:s6], [sflag:$0x2] =	stream.indirect.gather [spmem:s2], $0x40, s30, s5, $0xb8;
	[tilespmem:$0x1E800] =	vst v63  }
0x10b: {  	_ =	swait.ge [sflag:s25], $0x2000  }
0x10c: {  	[sflag:s25] =	ssyncset.done $0x0  }
0x10d: {  	s30 =	simm.s32 $0x1580;
	[sflag:s25] =	ssyncadd.s32 $0xFFFFE000  }
0x10e: {  	[spmem:s1] =	stream.indirect.scatter.add.f32 [tilespmem:s11], [sflag:$0x8], $0x40, s30, s5, $0xb8;
	[tilespmem:$0x1E800] =	vst v63  }
0x10f: {  	_ =	swait.ge [sflag:s7], $0x2000  }
0x110: {  	[sflag:s7] =	ssyncset.done $0x0  }
0x111: {  	s30 =	simm.s32 $0x300;
	[sflag:s7] =	ssyncadd.s32 $0xFFFFE000  }
0x112: {  	[tilespmem:s8], [sflag:$0x3] =	stream.indirect.gather [spmem:s2], $0x40, s30, s5, $0xb8;
	[tilespmem:$0x1E800] =	vst v63  }
0x113: {  	_ =	swait.ge [sflag:s9], $0x2000  }
0x114: {  	[sflag:s9] =	ssyncset.done $0x0  }
0x115: {  	s30 =	simm.s32 $0x1600;
	[sflag:s9] =	ssyncadd.s32 $0xFFFFE000  }
0x116: {  	[spmem:s1] =	stream.indirect.scatter.add.f32 [tilespmem:s31], [sflag:$0x5], $0x40, s30, s5, $0xb8;
	[tilespmem:$0x1E800] =	vst v63  }
0x117: {  	_ =	swait.ge [sflag:s28], $0x2000  }
0x118: {  	[sflag:s28] =	ssyncset.done $0x0  }
0x119: {  	s30 =	simm.s32 $0x380;
	[sflag:s28] =	ssyncadd.s32 $0xFFFFE000  }
0x11a: {  	[tilespmem:s11], [sflag:$0x4] =	stream.indirect.gather [spmem:s2], $0x40, s30, s5, $0xb8;
	[tilespmem:$0x1E800] =	vst v63  }
0x11b: {  	_ =	swait.ge [sflag:s12], $0x2000  }
0x11c: {  	[sflag:s12] =	ssyncset.done $0x0  }
0x11d: {  	s30 =	simm.s32 $0x1680;
	[sflag:s12] =	ssyncadd.s32 $0xFFFFE000  }
0x11e: {  	[spmem:s1] =	stream.indirect.scatter.add.f32 [tilespmem:s6], [sflag:$0x6], $0x40, s30, s5, $0xb8;
	[tilespmem:$0x1E800] =	vst v63  }
0x11f: {  	_ =	swait.ge [sflag:s14], $0x2000  }
0x120: {  	[sflag:s14] =	ssyncset.done $0x0  }
0x121: {  	s30 =	simm.s32 $0x400;
	[sflag:s14] =	ssyncadd.s32 $0xFFFFE000  }
0x122: {  	[tilespmem:s31], [sflag:$0x1] =	stream.indirect.gather [spmem:s2], $0x40, s30, s5, $0xb8;
	[tilespmem:$0x1E800] =	vst v63  }
0x123: {  	_ =	swait.ge [sflag:s16], $0x2000  }
0x124: {  	[sflag:s16] =	ssyncset.done $0x0  }
0x125: {  	s30 =	simm.s32 $0x1700;
	[sflag:s16] =	ssyncadd.s32 $0xFFFFE000  }
0x126: {  	[spmem:s1] =	stream.indirect.scatter.add.f32 [tilespmem:s8], [sflag:$0x7], $0x40, s30, s5, $0xb8;
	[tilespmem:$0x1E800] =	vst v63  }
0x127: {  	_ =	swait.ge [sflag:s18], $0x2000  }
0x128: {  	[sflag:s18] =	ssyncset.done $0x0  }
0x129: {  	s30 =	simm.s32 $0x480;
	[sflag:s18] =	ssyncadd.s32 $0xFFFFE000  }
0x12a: {  	[tilespmem:s6], [sflag:$0x2] =	stream.indirect.gather [spmem:s2], $0x40, s30, s5, $0xb8;
	[tilespmem:$0x1E800] =	vst v63  }
0x12b: {  	_ =	swait.ge [sflag:s25], $0x2000  }
0x12c: {  	[sflag:s25] =	ssyncset.done $0x0  }
0x12d: {  	s26 =	simm.s32 $0x800;
	s29 =	simm.s32 $0x1780;
	[sflag:s25] =	ssyncadd.s32 $0xFFFFE000  }
.LBB2_6:
0x12e: {  	[spmem:s1] =	stream.indirect.scatter.add.f32 [tilespmem:s11], [sflag:$0x8], $0x40, s29, s5, $0xb8;
	[tilespmem:$0x1E800] =	vst v63  }
0x12f: {  	s29 =	smov.u32 s26  }
0x130: {  	p0 =	sne.s32 s26, $0x3800;
	s26 =	sadd.s32 $0x800, s26;
	_ =	swait.ge [sflag:s7], $0x2000  }
0x131: {  	s29 =	sshra.s32 s29, $0x2;
	[sflag:s7] =	ssyncset.done $0x0  }
0x132: {  	s30 =	sadd.s32 $0x300, s29;
	[sflag:s7] =	ssyncadd.s32 $0xFFFFE000  }
0x133: {  	[tilespmem:s8], [sflag:$0x3] =	stream.indirect.gather [spmem:s2], $0x40, s30, s5, $0xb8;
	[tilespmem:$0x1E800] =	vst v63  }
0x134: {  	_ =	swait.ge [sflag:s9], $0x2000  }
0x135: {  	[sflag:s9] =	ssyncset.done $0x0  }
0x136: {  	s30 =	sadd.s32 $0x1600, s29;
	[sflag:s9] =	ssyncadd.s32 $0xFFFFE000  }
0x137: {  	[spmem:s1] =	stream.indirect.scatter.add.f32 [tilespmem:s31], [sflag:$0x5], $0x40, s30, s5, $0xb8;
	[tilespmem:$0x1E800] =	vst v63  }
0x138: {  	_ =	swait.ge [sflag:s28], $0x2000  }
0x139: {  	[sflag:s28] =	ssyncset.done $0x0  }
0x13a: {  	s30 =	sadd.s32 $0x380, s29;
	[sflag:s28] =	ssyncadd.s32 $0xFFFFE000  }
0x13b: {  	[tilespmem:s11], [sflag:$0x4] =	stream.indirect.gather [spmem:s2], $0x40, s30, s5, $0xb8;
	[tilespmem:$0x1E800] =	vst v63  }
0x13c: {  	_ =	swait.ge [sflag:s12], $0x2000  }
0x13d: {  	[sflag:s12] =	ssyncset.done $0x0  }
0x13e: {  	s30 =	sadd.s32 $0x1680, s29;
	[sflag:s12] =	ssyncadd.s32 $0xFFFFE000  }
0x13f: {  	[spmem:s1] =	stream.indirect.scatter.add.f32 [tilespmem:s6], [sflag:$0x6], $0x40, s30, s5, $0xb8;
	[tilespmem:$0x1E800] =	vst v63  }
0x140: {  	_ =	swait.ge [sflag:s14], $0x2000  }
0x141: {  	[sflag:s14] =	ssyncset.done $0x0  }
0x142: {  	s30 =	sadd.s32 $0x400, s29;
	[sflag:s14] =	ssyncadd.s32 $0xFFFFE000  }
0x143: {  	[tilespmem:s31], [sflag:$0x1] =	stream.indirect.gather [spmem:s2], $0x40, s30, s5, $0xb8;
	[tilespmem:$0x1E800] =	vst v63  }
0x144: {  	_ =	swait.ge [sflag:s16], $0x2000  }
0x145: {  	[sflag:s16] =	ssyncset.done $0x0  }
0x146: {  	s30 =	sadd.s32 $0x1700, s29;
	[sflag:s16] =	ssyncadd.s32 $0xFFFFE000  }
0x147: {  	[spmem:s1] =	stream.indirect.scatter.add.f32 [tilespmem:s8], [sflag:$0x7], $0x40, s30, s5, $0xb8;
	[tilespmem:$0x1E800] =	vst v63  }
0x148: {  	_ =	swait.ge [sflag:s18], $0x2000  }
0x149: {  	[sflag:s18] =	ssyncset.done $0x0  }
.Ltmp2:
0x14a: {  	s30 =	sadd.s32 $0x480, s29;
	[sflag:s18] =	ssyncadd.s32 $0xFFFFE000;
	(pc) =	sbr.rel @p0 .LBB2_6-.Ltmp2, $4  }
0x14b: {  	[tilespmem:s6], [sflag:$0x2] =	stream.indirect.gather [spmem:s2], $0x40, s30, s5, $0xb8;
	[tilespmem:$0x1E800] =	vst v63  }
0x14c: {  	_ =	swait.ge [sflag:s25], $0x2000  }
0x14d: {  	[sflag:s25] =	ssyncset.done $0x0  }
0x14e: {  	s29 =	sadd.s32 $0x1780, s29;
	[sflag:s25] =	ssyncadd.s32 $0xFFFFE000  }
0x14f: {  	[spmem:s1] =	stream.indirect.scatter.add.f32 [tilespmem:s11], [sflag:$0x8], $0x40, s29, s5, $0xb8;
	[tilespmem:$0x1E800] =	vst v63  }
0x150: {  	_ =	swait.ge [sflag:s7], $0x2000  }
0x151: {  	[sflag:s7] =	ssyncset.done $0x0  }
0x152: {  	s26 =	simm.s32 $0x1300;
	[sflag:s7] =	ssyncadd.s32 $0xFFFFE000  }
0x153: {  	[tilespmem:s8], [sflag:$0x3] =	stream.indirect.gather [spmem:s2], $0x40, s26, s5, $0xb8;
	[tilespmem:$0x1E800] =	vst v63  }
0x154: {  	_ =	swait.ge [sflag:s9], $0x2000  }
0x155: {  	[sflag:s9] =	ssyncset.done $0x0  }
0x156: {  	s30 =	simm.s32 $0x2600;
	[sflag:s9] =	ssyncadd.s32 $0xFFFFE000  }
0x157: {  	[spmem:s1] =	stream.indirect.scatter.add.f32 [tilespmem:s31], [sflag:$0x5], $0x40, s30, s5, $0xb8;
	[tilespmem:$0x1E800] =	vst v63  }
0x158: {  	_ =	swait.ge [sflag:s28], $0x2000  }
0x159: {  	[sflag:s28] =	ssyncset.done $0x0  }
0x15a: {  	[sflag:s28] =	ssyncadd.s32 $0xFFFFE000  }
0x15b: {  	[tilespmem:s11], [sflag:$0x4] =	stream.indirect.gather [spmem:s2], $0x40, s10, s5, $0xb8;
	[tilespmem:$0x1E800] =	vst v63  }
0x15c: {  	_ =	swait.ge [sflag:s12], $0x2000  }
0x15d: {  	[sflag:s12] =	ssyncset.done $0x0  }
0x15e: {  	[sflag:s12] =	ssyncadd.s32 $0xFFFFE000  }
0x15f: {  	[spmem:s1] =	stream.indirect.scatter.add.f32 [tilespmem:s6], [sflag:$0x6], $0x40, s13, s5, $0xb8;
	[tilespmem:$0x1E800] =	vst v63  }
0x160: {  	_ =	swait.ge [sflag:s16], $0x2000  }
0x161: {  	[sflag:s16] =	ssyncset.done $0x0  }
0x162: {  	[sflag:s16] =	ssyncadd.s32 $0xFFFFE000  }
0x163: {  	[spmem:s1] =	stream.indirect.scatter.add.f32 [tilespmem:s8], [sflag:$0x7], $0x40, s15, s5, $0xb8;
	[tilespmem:$0x1E800] =	vst v63  }
0x164: {  	_ =	swait.ge [sflag:s25], $0x2000  }
0x165: {  	[sflag:s25] =	ssyncset.done $0x0  }
0x166: {  	[sflag:s25] =	ssyncadd.s32 $0xFFFFE000  }
0x167: {  	[spmem:s1] =	stream.indirect.scatter.add.f32 [tilespmem:s11], [sflag:$0x8], $0x40, s17, s5, $0xb8;
	[tilespmem:$0x1E800] =	vst v63  }
0x168: {  	_ =	swait.ge [sflag:s14], $0x2000  }
0x169: {  	[sflag:s14] =	ssyncset.done $0x0  }
0x16a: {  	[sflag:s14] =	ssyncadd.s32 $0xFFFFE000  }
0x16b: {  	_ =	swait.ge [sflag:s18], $0x2000  }
0x16c: {  	[sflag:s18] =	ssyncset.done $0x0  }
0x16d: {  	[sflag:s18] =	ssyncadd.s32 $0xFFFFE000  }
0x16e: {  	_ =	swait.ge [sflag:s7], $0x2000  }
0x16f: {  	[sflag:s7] =	ssyncset.done $0x0  }
0x170: {  	[sflag:s7] =	ssyncadd.s32 $0xFFFFE000  }
0x171: {  	_ =	swait.ge [sflag:s28], $0x2000  }
0x172: {  	[sflag:s28] =	ssyncset.done $0x0  }
0x173: {  	[sflag:s28] =	ssyncadd.s32 $0xFFFFE000  }
0x174: {  	[bflag:$0x0] =	sbarrier.arrive $0xFFFF  }
0x175: {  	[tilespmem:s31], [sflag:$0x9] =	stream.linear.gather [spmem:s19], $0x2000, $0x38;
	[tilespmem:$0x1E800] =	vst v63  }
0x176: {  	_ =	swait.ge [sflag:s0], $0x2000  }
0x177: {  	[sflag:s0] =	ssyncset.done $0x0  }
0x178: {  	s29 =	rddreg [dreg:$0xd];
	[sflag:s0] =	ssyncadd.s32 $0xFFFFE000  }
0x179: {  	[hbm4b:s29+s3] =	stream.linear.scatter [tilespmem:s31], [sflag:$0x9], $0x2000, $0x38;
	[tilespmem:$0x1E800] =	vst v63  }
0x17a: {  	_ =	swait.ge [sflag:s0], $0x2000  }
0x17b: {  	[sflag:s0] =	ssyncset.done $0x0  }
0x17c: {  	[sflag:s0] =	ssyncadd.s32 $0xFFFFE000  }
0x17d: {  	[tilespmem:s31], [sflag:$0x9] =	stream.linear.gather [spmem:s20], $0x2000, $0x38;
	[tilespmem:$0x1E800] =	vst v63  }
0x17e: {  	_ =	swait.ge [sflag:s0], $0x2000  }
0x17f: {  	[sflag:s0] =	ssyncset.done $0x0  }
0x180: {  	s30 =	rddreg [dreg:$0xe];
	[sflag:s0] =	ssyncadd.s32 $0xFFFFE000  }
0x181: {  	[hbm4b:s30+s3] =	stream.linear.scatter [tilespmem:s31], [sflag:$0x9], $0x2000, $0x38;
	[tilespmem:$0x1E800] =	vst v63  }
0x182: {  	_ =	swait.ge [sflag:s0], $0x2000  }
0x183: {  	[sflag:s0] =	ssyncset.done $0x0  }
0x184: {  	[sflag:s0] =	ssyncadd.s32 $0xFFFFE000  }
0x185: {  	[tilespmem:s31], [sflag:$0x9] =	stream.linear.gather [spmem:s21], $0x2000, $0x38;
	[tilespmem:$0x1E800] =	vst v63  }
0x186: {  	_ =	swait.ge [sflag:s0], $0x2000  }
0x187: {  	[sflag:s0] =	ssyncset.done $0x0  }
0x188: {  	s29 =	rddreg [dreg:$0xf];
	[sflag:s0] =	ssyncadd.s32 $0xFFFFE000  }
0x189: {  	[hbm4b:s29+s3] =	stream.linear.scatter [tilespmem:s31], [sflag:$0x9], $0x2000, $0x38;
	[tilespmem:$0x1E800] =	vst v63  }
0x18a: {  	_ =	swait.ge [sflag:s0], $0x2000  }
0x18b: {  	[sflag:s0] =	ssyncset.done $0x0  }
0x18c: {  	[sflag:s0] =	ssyncadd.s32 $0xFFFFE000  }
0x18d: {  	[tilespmem:s31], [sflag:$0x9] =	stream.linear.gather [spmem:s22], $0x2000, $0x38;
	[tilespmem:$0x1E800] =	vst v63  }
0x18e: {  	_ =	swait.ge [sflag:s0], $0x2000  }
0x18f: {  	[sflag:s0] =	ssyncset.done $0x0  }
0x190: {  	s30 =	rddreg [dreg:$0x10];
	[sflag:s0] =	ssyncadd.s32 $0xFFFFE000  }
0x191: {  	[hbm4b:s30+s3] =	stream.linear.scatter [tilespmem:s31], [sflag:$0x9], $0x2000, $0x38;
	[tilespmem:$0x1E800] =	vst v63  }
0x192: {  	_ =	swait.ge [sflag:s0], $0x2000  }
0x193: {  	[sflag:s0] =	ssyncset.done $0x0  }
0x194: {  	[sflag:s0] =	ssyncadd.s32 $0xFFFFE000  }
0x195: {  	[tilespmem:s31], [sflag:$0x9] =	stream.linear.gather [spmem:s23], $0x2000, $0x38;
	[tilespmem:$0x1E800] =	vst v63  }
0x196: {  	_ =	swait.ge [sflag:s0], $0x2000  }
0x197: {  	[sflag:s0] =	ssyncset.done $0x0  }
0x198: {  	s29 =	rddreg [dreg:$0x11];
	[sflag:s0] =	ssyncadd.s32 $0xFFFFE000  }
0x199: {  	[hbm4b:s29+s3] =	stream.linear.scatter [tilespmem:s31], [sflag:$0x9], $0x2000, $0x38;
	[tilespmem:$0x1E800] =	vst v63  }
0x19a: {  	_ =	swait.ge [sflag:s0], $0x2000  }
0x19b: {  	s24 =	sadd.s32 $0x1, s24;
	s30 =	rddreg [dreg:$0x12]  }
0x19c: {  	p0 =	sne.s32 s24, s30  }
.Ltmp3:
0x19d: {  	_ = 	snop;
	(pc) =	sbr.rel @p0 .LBB2_1-.Ltmp3, $3  }
0x19e: {  	_ =	sdelay $0x1  }
0x19f: {  	[sflag:s0] =	ssyncset.done $0x0  }
0x1a0: {  	[sflag:s0] =	ssyncadd.s32 $0xFFFFE000  }
0x1a1: {  	_ =	sfence.sel $0x180000  }
0x1a2: {  	[bflag:$0x0] =	sbarrier.arrive $0xFFFF  }
0x1a3: {  	_ =	strace $0x9000004D  }
0x1a4: {  	s0 =	stileid.u32;
	[bflag:$0x2] =	sbarrier.arrive $0xFFFF  }
0x1a5: {  	p0 =	sne.s32 s0, $0x0;
	s0 =	rddreg [dreg:$0x3]  }
0x1a6: {  	s0 =	sadd.s32 @!p0 $0x100000, s0  }
0x1a7: {  	[sflag:s0] =	ssyncadd.tile.s32 @!p0 $0x1;
	_ =	shalt  }
.Lfunc_end2:
_tile_overlayer_lowered:
.L_overlay_start_2:
0x1a8: {  	(tag) =	ssettag $0x2  }
0x1a9: {  	s0 =	rddreg [dreg:$0x0];
	s2 =	stileid.u32  }
0x1aa: {  	s1 =	rddreg [dreg:$0x1];
	p0 =	sne.s32 s2, $0x0  }
0x1ab: {  	s3 =	rddreg [dreg:$0x2];
	[bflag:$0x3] =	sbarrier.arrive $0xFFFF;
	s2 =	simm.s32 @!p0 $0x1C09  }
0x1ac: {  	[timem:s3], [sflag:s2] =	dma.local @!p0 [hbm:s0], s1  }
0x1ad: {  	s0 =	simm.s32 @!p0 $0x9  }
0x1ae: {  	_ =	swait.ge @!p0 [sflag:s0], s1  }
0x1af: {  	s1 =	ssub.s32 @!p0 $0x0, s1;
	[sflag:s0] =	ssyncset.done @!p0 $0x0  }
0x1b0: {  	[sflag:s0] =	ssyncadd.s32 @!p0 s1  }
0x1b1: {  	[bflag:$0x3] =	sbarrier.arrive $0xFFFF  }
0x1b2: {  	_ =	shalt  }

// kernel: kernel.8.cloned.1.call-start
scs
__scs_entry_jumppad:
0x0: {  	(pc) =	sbr.rel $0x88, $3  }
0x1: {  	(tag) =	ssettag $0x0;
	lr =	simm.s32 $0x1  }
0x2: {  	[smem:$0x3F9A] =	sst lr;
	_ =	strace $0xD0000000  }
0x3: {  	_ = 	snop  }
0x4: {  	_ = 	snop  }
0x5: {  	_ = 	snop  }
0x6: {  	_ = 	snop  }
0x7: {  	_ = 	snop  }
__scs_overlays_trampoline_lowered:
0x8: {  	[smem:$0x3FA9] =	sst s0  }
0x9: {  	[smem:$0x3FAA] =	sst s1  }
0xa: {  	[smem:$0x3FAB] =	sst s2  }
0xb: {  	[smem:$0x3FAC] =	sst s3  }
0xc: {  	[smem:$0x3FAD] =	sst s4  }
0xd: {  	[smem:$0x3FAE] =	sst s5  }
0xe: {  	[smem:$0x3FAF] =	sst s6  }
0xf: {  	[smem:$0x3FB0] =	sst s7  }
0x10: {  	[smem:$0x3FB1] =	sst s8  }
0x11: {  	[smem:$0x3FB2] =	sst s9;
	s0 =	simm.s32 @!p0 $0x0  }
0x12: {  	s1 =	sld [smem:$0x3F98];
	s0 =	simm.s32 @p0 $0x1  }
0x13: {  	[smem:$0x3FB3] =	sst s0;
	s0 =	simm.s32 @!p1 $0x0  }
0x14: {  	s2 =	sld [smem:$0x3F97];
	s0 =	simm.s32 @p1 $0x1  }
0x15: {  	[smem:$0x3FB4] =	sst s0;
	s0 =	simm.s32 @!p2 $0x0  }
0x16: {  	s3 =	sld [smem:$0x3FDB];
	s0 =	simm.s32 @p2 $0x1  }
0x17: {  	s4 =	simm.s32 $0x1BF5;
	[smem:$0x3FB6] =	sst s0  }
0x18: {  	s0 =	sld [smem:$0x3F99];
	_ =	swait.ge [sflag:s4], $0x0  }
0x19: {  	s7 =	sld [smem:$0x3F9A]  }
0x1a: {  	s8 =	sadd.s32 $0xFFFFE003, lr  }
0x1b: {  	s9 =	sadd.s32 $0xFFFFFEF7, lr;
	s5 =	simm.s32 $0xFFFFFFFF;
	p2 =	slt.u32 s8, $0xFFFFF086  }
0x1c: {  	p1 =	slt.u32 s9, $0xF7A;
	s5 =	simm.s32 @!p2 $0x0  }
0x1d: {  	s5 =	simm.s32 @p1 $0x1;
	p0 =	seq.s32 s7, s2  }
0x1e: {  	s7 =	smul.u32 @!p0 $0xF7A, s2;
	p2 =	seq.s32 @!p0 s5, $0x0  }
0x1f: {  	s9 =	smul.u32 $0xF7A, s1;
	s8 =	simm.s32 @!p0 $0x1BF5;
	p2 =	por !p2, p0  }
0x20: {  	[sflag:s8] =	ssyncset.s32 @!p0 $0xFFFFF086;
	s6 =	sadd.s32 @!p0 s3, s7;
	s7 =	simm.s32 @!p0 $0x108  }
0x21: {  	s3 =	sadd.s32 s3, s9;
	s6 =	sadd.s32 @!p0 $0x88, s6;
	s7 =	simm.s32 @p2 $0x1082  }
0x22: {  	[simem:s7], [sflag:s8] =	dma.local @!p0 [hbm:s6], $0xF7A  }
0x23: {  	s9 =	sor.u32 $0xD0000000, s2;
	s6 =	simm.s32 $0x108;
	_ =	swait.ge @!p0 [sflag:s8], $0x0  }
0x24: {  	s3 =	sadd.s32 $0x88, s3;
	s6 =	simm.s32 @!p1 $0x1082;
	[sflag:s4] =	ssyncset.s32 $0xFFFFF086  }
0x25: {  	[simem:s6], [sflag:s4] =	dma.local [hbm:s3], $0xF7A  }
0x26: {  	[smem:$0x3F9A] =	sst s1;
	(tag) =	ssettag s2;
	_ =	strace s9  }
0x27: {  	s1 =	sld [smem:$0x3FAA]  }
0x28: {  	s2 =	sld [smem:$0x3FAB]  }
0x29: {  	s4 =	sld [smem:$0x3FAD]  }
0x2a: {  	p0 =	seq.s32 s5, $0x0;
	s5 =	sld [smem:$0x3FAE]  }
0x2b: {  	s6 =	sld [smem:$0x3FAF]  }
0x2c: {  	s7 =	sld [smem:$0x3FB0]  }
0x2d: {  	s3 =	simm.s32 $0x108;
	s8 =	sld [smem:$0x3FB1]  }
0x2e: {  	s3 =	simm.s32 @!p0 $0x1082;
	s9 =	sld [smem:$0x3FB2]  }
0x2f: {  	lr =	sadd.s32 s0, s3;
	s0 =	sld [smem:$0x3FA9]  }
0x30: {  	s3 =	sld [smem:$0x3FAC]  }
0x31: {  	[smem:$0x3FB5] =	sst s10  }
0x32: {  	s10 =	sld [smem:$0x3FB3];
	_ =	sdelay $0x3  }
0x33: {  	p0 =	seq.s32 s10, $0x1;
	s10 =	sld [smem:$0x3FB5];
	_ =	sdelay $0x3  }
0x34: {  	[smem:$0x3FB5] =	sst s10  }
0x35: {  	s10 =	sld [smem:$0x3FB4];
	_ =	sdelay $0x3  }
0x36: {  	p1 =	seq.s32 s10, $0x1;
	s10 =	sld [smem:$0x3FB5];
	_ =	sdelay $0x3  }
0x37: {  	[smem:$0x3FB5] =	sst s10  }
0x38: {  	s10 =	sld [smem:$0x3FB6]  }
0x39: {  	_ = 	snop;
	(pc) =	sbr.ind lr, $3  }
0x3a: {  	_ = 	snop  }
0x3b: {  	_ = 	snop  }
0x3c: {  	p2 =	seq.s32 s10, $0x1;
	s10 =	sld [smem:$0x3FB5]  }
0x3d: {  	_ =	shalt  }
0x3e: {  	_ =	shalt  }
0x3f: {  	_ =	shalt  }
0x40: {  	_ =	shalt  }
0x41: {  	_ =	shalt  }
0x42: {  	_ =	shalt  }
0x43: {  	_ =	shalt  }
0x44: {  	_ =	shalt  }
0x45: {  	_ =	shalt  }
0x46: {  	_ =	shalt  }
0x47: {  	_ =	shalt  }
0x48: {  	_ =	shalt  }
0x49: {  	_ =	shalt  }
0x4a: {  	_ =	shalt  }
0x4b: {  	_ =	shalt  }
0x4c: {  	_ =	shalt  }
0x4d: {  	_ =	shalt  }
0x4e: {  	_ =	shalt  }
0x4f: {  	_ =	shalt  }
0x50: {  	_ =	shalt  }
0x51: {  	_ =	shalt  }
0x52: {  	_ =	shalt  }
0x53: {  	_ =	shalt  }
0x54: {  	_ =	shalt  }
0x55: {  	_ =	shalt  }
0x56: {  	_ =	shalt  }
0x57: {  	_ =	shalt  }
0x58: {  	_ =	shalt  }
0x59: {  	_ =	shalt  }
0x5a: {  	_ =	shalt  }
0x5b: {  	_ =	shalt  }
0x5c: {  	_ =	shalt  }
0x5d: {  	_ =	shalt  }
0x5e: {  	_ =	shalt  }
0x5f: {  	_ =	shalt  }
0x60: {  	_ =	shalt  }
0x61: {  	_ =	shalt  }
0x62: {  	_ =	shalt  }
0x63: {  	_ =	shalt  }
0x64: {  	_ =	shalt  }
0x65: {  	_ =	shalt  }
0x66: {  	_ =	shalt  }
0x67: {  	_ =	shalt  }
0x68: {  	_ =	shalt  }
0x69: {  	_ =	shalt  }
0x6a: {  	_ =	shalt  }
0x6b: {  	_ =	shalt  }
0x6c: {  	_ =	shalt  }
0x6d: {  	_ =	shalt  }
0x6e: {  	_ =	shalt  }
0x6f: {  	_ =	shalt  }
0x70: {  	_ =	shalt  }
0x71: {  	_ =	shalt  }
0x72: {  	_ =	shalt  }
0x73: {  	_ =	shalt  }
0x74: {  	_ =	shalt  }
0x75: {  	_ =	shalt  }
0x76: {  	_ =	shalt  }
0x77: {  	_ =	shalt  }
0x78: {  	_ =	shalt  }
0x79: {  	_ =	shalt  }
0x7a: {  	_ =	shalt  }
0x7b: {  	_ =	shalt  }
0x7c: {  	_ =	shalt  }
0x7d: {  	_ =	shalt  }
0x7e: {  	_ =	shalt  }
0x7f: {  	_ =	shalt  }
0x80: {  	_ =	shalt  }
0x81: {  	_ =	shalt  }
0x82: {  	_ =	shalt  }
0x83: {  	_ =	shalt  }
0x84: {  	_ =	shalt  }
0x85: {  	_ =	shalt  }
0x86: {  	_ =	shalt  }
0x87: {  	_ =	shalt  }
.Lfunc_end0:
.L_simem_size_0:
called_computation_lowered:
.L_overlay_start_0:
0x88: {  	s2 =	sld [smem:$0x3FD9]  }
0x89: {  	s3 =	sld [smem:$0x3FFE];
	_ =	sdelay $0x1  }
0x8a: {  	s1 =	srdreg.scid  }
0x8b: {  	s0 =	sand.u32 $0x1, s1  }
0x8c: {  	s16 =	sshll.u32 s0, $0xA;
	s2 =	sadd.s32 s3, s2  }
0x8d: {  	s2 =	sadd.s32 s2, s16  }
0x8e: {  	[smem:$0x3FC1] =	sst s2  }
0x8f: {  	_ = 	snop  }
0x90: {  	(tm) =	ssettm $0x1  }
0x91: {  	s17 =	sld [smem:$0x3FFB];
	_ =	sdelay $0x3  }
0x92: {  	_ =	strace s17  }
0x93: {  	s2 =	sld [smem:$0x3FFC];
	_ =	sdelay $0x3  }
0x94: {  	_ =	strace s2  }
0x95: {  	s2 =	sld [smem:$0x3FFD];
	_ =	sdelay $0x3  }
0x96: {  	_ =	strace s2  }
0x97: {  	_ =	strace $0x8FFFFFFF  }
0x98: {  	s18 =	sld [smem:$0x3FDB];
	_ =	sdelay $0x1  }
0x99: {  	s19 =	simm.s32 $_scs_section_size  }
0x9a: {  	s4 =	simm.s32 $_size__tile_overlayer_lowered;
	s5 =	simm.s32 $_tile_overlayer_lowered  }
0x9b: {  	s22 =	simm.s32 $0x1BFF;
	s21 =	sshll.u32 s5, $0x1;
	s2 =	sadd.s32 s19, s18  }
0x9c: {  	s6 =	simm.s32 $0x0;
	s20 =	sshll.u32 s4, $0x1;
	s4 =	sadd.s32 s21, s2  }
0x9d: {  	[timem:s6], [sflag:s22] =	dma.local [hbm:s4], s20  }
0x9e: {  	_ =	swait.ge [sflag:s22], s20  }
0x9f: {  	s3 =	ssub.s32 $0x0, s20;
	[sflag:s22] =	ssyncset.done $0x0  }
0xa0: {  	[sflag:s22] =	ssyncadd.s32 s3;
	_ =	sdelay $0x1  }
0xa1: {  	s23 =	simm.s32 $0x1B8B  }
0xa2: {  	_ =	swait.ge [sflag:s23], $0x1  }
0xa3: {  	[sflag:s23] =	ssyncset.done $0x0  }
0xa4: {  	s25 =	simm.s32 $0x1B8E;
	s24 =	sld [smem:$0x3FFE];
	[sflag:s23] =	ssyncadd.s32 $0xFFFFFFFF  }
0xa5: {  	s26 =	simm.s32 $execute0_lowered;
	[smem:$0x3FD2] =	sst s25  }
0xa6: {  	s4 =	sshll.u32 s26, $0x1;
	_ =	strace $0x80000046;
	[dreg:$0x1] =	wrdreg $0xFFFFFFFF  }
0xa7: {  	s28 =	simm.s32 $_size_execute0_lowered;
	s2 =	sadd.s32 s2, s4;
	[dreg:$0x0] =	wrdreg $0x0  }
0xa8: {  	s4 =	sshll.u32 s28, $0x1;
	[dreg:$0x2] =	wrdreg s2  }
0xa9: {  	[dreg:$0x3] =	wrdreg s4  }
0xaa: {  	[dreg:$0x4] =	wrdreg $0xC0  }
0xab: {  	_ =	task [dreg:s6], $0x5FFFF  }
0xac: {  	[dreg:$0x1] =	wrdreg $0xFFFFFFFF  }
0xad: {  	[dreg:$0x0] =	wrdreg $0x60  }
0xae: {  	[dreg:$0x2] =	wrdreg s24  }
0xaf: {  	[dreg:$0x3] =	wrdreg $0x3C000  }
0xb0: {  	[dreg:$0x4] =	wrdreg $0x9  }
0xb1: {  	_ =	task.clear_ibuf [dreg:s6], $0x5FFFF;
	_ =	strace $0x90000046  }
0xb2: {  	s29 =	simm.s32 $0x9;
	_ =	strace $0x80000048  }
0xb3: {  	_ =	swait.ge [sflag:s29], $0x1  }
0xb4: {  	[sflag:s29] =	ssyncadd.s32 $0xFFFFFFFF  }
0xb5: {  	_ =	strace $0x90000048  }
0xb6: {  	_ =	sfence  }
0xb7: {  	s30 =	sld [smem:$0x0];
	_ =	sdelay $0x2  }
0xb8: {  	s31 =	sshll.u32 s1, $0xD;
	s1 =	sshrl.u32 s1, $0x2  }
0xb9: {  	s3 =	sand.u32 $0x4000, s31;
	s1 =	sadd.s32 s1, s30  }
0xba: {  	s0 =	sor.u32 s3, s0;
	s1 =	sshll.u32 s1, $0x11  }
0xbb: {  	s0 =	sor.u32 s1, s0  }
0xbc: {  	s0 =	sadd.s32 $0x8F2B, s0  }
0xbd: {  	[sflag:s0] =	ssyncadd.remote.s32 $0x1  }
0xbe: {  	_ =	sfence.sel $0xFFFF  }
0xbf: {  	[dreg:$0x0] =	wrdreg $0xFFFFFFFF;
	(pc) =	sbr.abs _section_cstart, $3  }
0xc0: {  	[dreg:$0x1] =	wrdreg $0xFFFFFFFF  }
0xc1: {  	_ =	task.clear_ibuf [dreg:s6], $0x2FFFF;
	_ =	strace $0x9FFFFFFF  }
0xc2: {  	(tm) =	ssettm $0x7FFFFFFF  }
0xc3: {  	_ =	shalt  }
tec
execute0_lowered:
.L_overlay_start_1:
0x0: {  	(tag) =	ssettag $0x1  }
0x1: {  	s1 =	srdreg.scid;
	s4 =	rddreg [dreg:$0x0]  }
0x2: {  	s0 =	stileid.u32;
	s2 =	rddreg [dreg:$0x1];
	s3 =	simm.s32 $0x0  }
0x3: {  	s10 =	simm.s32 $0x80;
	s5 =	sand.u32 $0x1, s1;
	s6 =	smul.u32 $0x1400, s0  }
0x4: {  	s1 =	rddreg [dreg:$0x2];
	s7 =	sshll.u32 s5, $0x4;
	s8 =	smul.u32 $0x14000, s5  }
0x5: {  	s11 =	simm.s32 $0x0;
	[smem:$0x7FF] =	sst s3;
	s7 =	sor.u32 s0, s7  }
0x6: {  	s5 =	ssub.s32 $0x2, s5;
	s7 =	smul.u32 $0x500, s7;
	s8 =	sadd.s32 s6, s8  }
0x7: {  	_ =	strace $0x80000047;
	s31 =	sshrl.u32 s5, $0x1;
	s8 =	sshrl.u32 s8, $0x3  }
0x8: {  	s9 =	ssub.s32 s5, s31;
	s7 =	sadd.s32 s7, s4;
	s8 =	sadd.s32 s8, s4  }
0x9: {  	s4 =	sadd.s32 s6, s2;
	s5 =	sadd.s32 $0x1800, s7;
	s6 =	sadd.s32 $0xC000, s8  }
0xa: {  	v0 =	vimm.f32 $0.0e+00;
	v1 =	vimm.f32 $1.000000000e+00;
	s7 =	smax.u32 s9, $0x1;
	s8 =	simm.s32 $0x2800;
	s9 =	simm.s32 $0x1  }
.LBB2_1:
0xb: {  	s12 =	simm.s32 $0x20;
	s13 =	simm.s32 $0x0  }
.LBB2_2:
0xc: {  	p0 =	sne.s32 s12, $0x4FE0;
	[tilespmem:s13+$0x2800] =	vst v0;
	s13 =	smov.u32 s12;
	s12 =	sadd.s32 $0x20, s12  }
.Ltmp0:
0xd: {  	(pc) =	sbr.rel @p0 .LBB2_2-.Ltmp0, $2  }
0xe: {  	_ =	sdelay $0x2  }
0xf: {  	s13 =	sshra.s32 s13, $0x2  }
0x10: {  	[tilespmem:s13+$0x2800] =	vst v0  }
0x11: {  	[spmem:s4] =	stream.linear.scatter [tilespmem:s8], [sflag:$0x1], $0x1400, $0x38;
	[tilespmem:$0x5000] =	vst v63  }
0x12: {  	_ =	swait.ge [sflag:s9], $0x1400  }
0x13: {  	[sflag:s9] =	ssyncset.done $0x0  }
0x14: {  	[sflag:s9] =	ssyncadd.s32 $0xFFFFEC00  }
0x15: {  	s12 =	simm.s32 $0x20;
	s13 =	simm.s32 $0x0;
	[bflag:$0x0] =	sbarrier.arrive $0xFFFF  }
.LBB2_4:
0x16: {  	p0 =	sne.s32 s12, $0xFE0;
	[tilespmem:s13+$0x2800] =	vst v1;
	s13 =	smov.u32 s12;
	s12 =	sadd.s32 $0x20, s12  }
.Ltmp1:
0x17: {  	(pc) =	sbr.rel @p0 .LBB2_4-.Ltmp1, $2  }
0x18: {  	_ =	sdelay $0x2  }
0x19: {  	s13 =	sshra.s32 s13, $0x2  }
0x1a: {  	[tilespmem:s13+$0x2800] =	vst v1;
	s12 =	simm.s32 $0x0  }
0x1b: {  	[tilespmem:s12], [sflag:$0x1] =	stream.linear.gather [hbm4b:s5+s12], $0x2800, $0x38;
	[tilespmem:$0x5000] =	vst v63  }
0x1c: {  	_ =	swait.ge [sflag:s9], $0x2800  }
0x1d: {  	[sflag:s9] =	ssyncset.done $0x0  }
0x1e: {  	s31 =	simm.s32 $0x0;
	[sflag:s9] =	ssyncadd.s32 $0xFFFFD800  }
0x1f: {  	[spmem:s2] =	stream.indirect.scatter.add.f32 [tilespmem:s8], [sflag:$0x1], $0x8, s31, s10, $0xb8;
	[tilespmem:$0x5000] =	vst v63  }
0x20: {  	_ =	swait.ge [sflag:s9], $0x400  }
0x21: {  	s12 =	simm.s32 $0x200;
	[sflag:s9] =	ssyncset.done $0x0  }
.LBB2_6:
0x22: {  	s13 =	sshra.s32 s12, $0x2;
	[sflag:s9] =	ssyncadd.s32 $0xFFFFFC00;
	p0 =	sne.s32 s12, $0x9E00  }
0x23: {  	[spmem:s2] =	stream.indirect.scatter.add.f32 [tilespmem:s8], [sflag:$0x1], $0x8, s13, s10, $0xb8;
	[tilespmem:$0x5000] =	vst v63  }
.Ltmp2:
0x24: {  	_ = 	snop;
	(pc) =	sbr.rel @p0 .LBB2_6-.Ltmp2, $4  }
0x25: {  	_ = 	snop  }
0x26: {  	s12 =	sadd.s32 $0x200, s12  }
0x27: {  	_ =	swait.ge [sflag:s9], $0x400  }
0x28: {  	[sflag:s9] =	ssyncset.done $0x0  }
0x29: {  	[sflag:s9] =	ssyncadd.s32 $0xFFFFFC00  }
0x2a: {  	[bflag:$0x0] =	sbarrier.arrive $0xFFFF  }
0x2b: {  	[tilespmem:s8], [sflag:$0x1] =	stream.linear.gather [spmem:s4], $0x1400, $0x38;
	[tilespmem:$0x5000] =	vst v63  }
0x2c: {  	s11 =	sadd.s32 $0x1, s11;
	_ =	swait.ge [sflag:s9], $0x1400  }
0x2d: {  	p0 =	sne.s32 s11, s7;
	[sflag:s9] =	ssyncset.done $0x0  }
.Ltmp3:
0x2e: {  	[sflag:s9] =	ssyncadd.s32 $0xFFFFEC00;
	(pc) =	sbr.rel @p0 .LBB2_1-.Ltmp3, $4  }
0x2f: {  	[hbm4b:s6+s3] =	stream.linear.scatter [tilespmem:s8], [sflag:$0x1], $0x1400, $0x38;
	[tilespmem:$0x5000] =	vst v63  }
0x30: {  	_ =	swait.ge [sflag:s9], $0x1400  }
0x31: {  	[sflag:s9] =	ssyncset.done $0x0  }
0x32: {  	[sflag:s9] =	ssyncadd.s32 $0xFFFFEC00  }
0x33: {  	_ =	sfence.sel $0x180000  }
0x34: {  	[bflag:$0x0] =	sbarrier.arrive $0xFFFF  }
0x35: {  	p0 =	sne.s32 s0, $0x0;
	_ =	strace $0x90000047  }
0x36: {  	s0 =	sadd.s32 @!p0 $0x100000, s1;
	[bflag:$0x2] =	sbarrier.arrive $0xFFFF  }
0x37: {  	[sflag:s0] =	ssyncadd.tile.s32 @!p0 $0x1;
	_ =	shalt  }
.Lfunc_end2:
_tile_overlayer_lowered:
.L_overlay_start_2:
0x38: {  	(tag) =	ssettag $0x2  }
0x39: {  	s0 =	rddreg [dreg:$0x0];
	s2 =	stileid.u32  }
0x3a: {  	s1 =	rddreg [dreg:$0x1];
	p0 =	sne.s32 s2, $0x0  }
0x3b: {  	s3 =	rddreg [dreg:$0x2];
	[bflag:$0x3] =	sbarrier.arrive $0xFFFF;
	s2 =	simm.s32 @!p0 $0x1C01  }
0x3c: {  	[timem:s3], [sflag:s2] =	dma.local @!p0 [hbm:s0], s1  }
0x3d: {  	s0 =	simm.s32 @!p0 $0x1  }
0x3e: {  	_ =	swait.ge @!p0 [sflag:s0], s1  }
0x3f: {  	s1 =	ssub.s32 @!p0 $0x0, s1;
	[sflag:s0] =	ssyncset.done @!p0 $0x0  }
0x40: {  	[sflag:s0] =	ssyncadd.s32 @!p0 s1  }
0x41: {  	[bflag:$0x3] =	sbarrier.arrive $0xFFFF  }
0x42: {  	_ =	shalt  }

</sc_bundles>
